<compile_context>
chip_gen: v7x
topology: tpu7x:2x2x1
jax: 0.10.2.dev20260603
libtpu: 0.0.44.dev20260713+nightly
codegen_flags: <defaults>
</compile_context>

<pallas_src>
import functools

import jax
import jax.numpy as jnp
from jax import lax
from jax.experimental import pallas as pl
from jax.experimental.pallas import tpu as pltpu
from jax.experimental.pallas import tpu_sc as plsc

_N_TOKENS = 32768
_D = 768
_E = 64
_TM = 4096

_NC, _NS, _L = 2, 16, 16
_NW = _NC * _NS
_U = 4


def _fused_body(x_ref, w_ref, b_ref, scores_ref, ts_ref, ti_ref):
    x = x_ref[...]
    w = w_ref[...]
    logits = lax.dot_general(
        w, x, (((1,), (1,)), ((), ())), preferred_element_type=jnp.float32
    )
    logits = logits + b_ref[...]
    m = jnp.max(logits, axis=0, keepdims=True)
    e = jnp.exp(logits - m)
    s = jnp.sum(e, axis=0, keepdims=True)
    scores = e * (1.0 / s)
    scores_ref[...] = scores

    iota = lax.broadcasted_iota(jnp.int32, scores.shape, 0)
    m1 = jnp.max(scores, axis=0, keepdims=True)
    i1 = jnp.min(jnp.where(scores == m1, iota, _E), axis=0, keepdims=True)
    masked = jnp.where(iota == i1, -jnp.inf, scores)
    m2 = jnp.max(masked, axis=0, keepdims=True)
    i2 = jnp.min(jnp.where(masked == m2, iota, _E), axis=0, keepdims=True)
    ts_ref[...] = jnp.concatenate([m1, m2], axis=0)
    ti_ref[...] = jnp.concatenate([i1, i2], axis=0)


def _fused_router(x, W, b):
    scores_t, ts_t, ti_t = pl.pallas_call(
        _fused_body,
        grid=(_N_TOKENS // _TM,),
        in_specs=[
            pl.BlockSpec((_TM, _D), lambda i: (i, 0)),
            pl.BlockSpec((_E, _D), lambda i: (0, 0)),
            pl.BlockSpec((_E, 1), lambda i: (0, 0)),
        ],
        out_specs=[
            pl.BlockSpec((_E, _TM), lambda i: (0, i)),
            pl.BlockSpec((2, _TM), lambda i: (0, i)),
            pl.BlockSpec((2, _TM), lambda i: (0, i)),
        ],
        out_shape=[
            jax.ShapeDtypeStruct((_E, _N_TOKENS), jnp.float32),
            jax.ShapeDtypeStruct((2, _N_TOKENS), jnp.float32),
            jax.ShapeDtypeStruct((2, _N_TOKENS), jnp.int32),
        ],
    )(x, W, b.reshape(_E, 1))
    return scores_t.T, ts_t.T, ti_t.T


def _make_sc_topk(T):
    tpw = T // _NW
    groups = tpw // _L
    mesh = plsc.VectorSubcoreMesh(
        core_axis_name="c", subcore_axis_name="s",
        num_cores=_NC, num_subcores=_NS,
    )

    @functools.partial(
        pl.kernel,
        out_type=[
            jax.ShapeDtypeStruct((T,), jnp.float32),
            jax.ShapeDtypeStruct((T,), jnp.float32),
            jax.ShapeDtypeStruct((T,), jnp.int32),
            jax.ShapeDtypeStruct((T,), jnp.int32),
        ],
        mesh=mesh,
        compiler_params=pltpu.CompilerParams(needs_layout_passes=False),
        scratch_types=[
            pltpu.VMEM((tpw * (_E + 1),), jnp.float32),
            pltpu.VMEM((tpw,), jnp.float32),
            pltpu.VMEM((tpw,), jnp.float32),
            pltpu.VMEM((tpw,), jnp.int32),
            pltpu.VMEM((tpw,), jnp.int32),
        ],
    )
    def sc_topk(scores_hbm, s1_hbm, s2_hbm, i1_hbm, i2_hbm,
                sc_v, s1_v, s2_v, i1_v, i2_v):
        wid = lax.axis_index("s") * _NC + lax.axis_index("c")
        base = wid * tpw
        pltpu.sync_copy(scores_hbm.at[pl.ds(base * _E, tpw * _E)],
                        sc_v.at[pl.ds(0, tpw * _E)])

        lane = lax.broadcasted_iota(jnp.int32, (_L,), 0)

        def respread(r_up, carry):
            r = tpw - 1 - r_up
            for c in (3, 2, 1, 0):
                v = sc_v[pl.ds(r * _E + c * _L, _L)]
                sc_v[pl.ds(r * (_E + 1) + c * _L, _L)] = v
            return carry

        lax.fori_loop(1, tpw, respread, 0, unroll=4)

        def group(g, carry):
            rows, m1s, i1s, m2s, i2s = [], [], [], [], []
            zero = jnp.zeros((_L,), jnp.int32)
            for j in range(_U):
                row = ((g * _U + j) * _L + lane) * (_E + 1)
                rows.append(row)
                m1s.append(plsc.load_gather(sc_v, [row]))
                i1s.append(zero)
                m2s.append(jnp.full((_L,), -jnp.inf, jnp.float32))
                i2s.append(zero)
            for e in range(1, _E):
                ev = jnp.full((_L,), e, jnp.int32)
                for j in range(_U):
                    v = plsc.load_gather(sc_v, [rows[j] + e])
                    gt1 = v > m1s[j]
                    gt2 = v > m2s[j]
                    i2s[j] = jnp.where(gt1, i1s[j],
                                       jnp.where(gt2, ev, i2s[j]))
                    m2s[j] = jnp.maximum(m2s[j], jnp.minimum(m1s[j], v))
                    i1s[j] = jnp.where(gt1, ev, i1s[j])
                    m1s[j] = jnp.maximum(m1s[j], v)
            for j in range(_U):
                off = (g * _U + j) * _L
                s1_v[pl.ds(off, _L)] = m1s[j]
                s2_v[pl.ds(off, _L)] = m2s[j]
                i1_v[pl.ds(off, _L)] = i1s[j]
                i2_v[pl.ds(off, _L)] = i2s[j]
            return carry

        lax.fori_loop(0, groups // _U, group, 0)

        pltpu.sync_copy(s1_v, s1_hbm.at[pl.ds(base, tpw)])
        pltpu.sync_copy(s2_v, s2_hbm.at[pl.ds(base, tpw)])
        pltpu.sync_copy(i1_v, i1_hbm.at[pl.ds(base, tpw)])
        pltpu.sync_copy(i2_v, i2_hbm.at[pl.ds(base, tpw)])

    return sc_topk


def _dense_body_t(x_ref, w_ref, b_ref, scores_ref):
    x = x_ref[...]
    w = w_ref[...]
    logits = lax.dot_general(
        w, x, (((1,), (1,)), ((), ())), preferred_element_type=jnp.float32
    )
    logits = logits + b_ref[...]
    m = jnp.max(logits, axis=0, keepdims=True)
    e = jnp.exp(logits - m)
    s = jnp.sum(e, axis=0, keepdims=True)
    scores_ref[...] = e * (1.0 / s)


def _dense_scores_t(x, W, b):
    scores_t = pl.pallas_call(
        _dense_body_t,
        grid=(_N_TOKENS // _TM,),
        in_specs=[
            pl.BlockSpec((_TM, _D), lambda i: (i, 0)),
            pl.BlockSpec((_E, _D), lambda i: (0, 0)),
            pl.BlockSpec((_E, 1), lambda i: (0, 0)),
        ],
        out_specs=pl.BlockSpec((_E, _TM), lambda i: (0, i)),
        out_shape=jax.ShapeDtypeStruct((_E, _N_TOKENS), jnp.float32),
    )(x, W, b.reshape(_E, 1))
    return scores_t.T


def kernel(x, W, b):
    scores = _dense_scores_t(x, W, b)
    s1, s2, i1, i2 = _make_sc_topk(_N_TOKENS)(scores.reshape(-1))
    ts = jnp.stack([s1, s2], axis=-1)
    ti = jnp.stack([i1, i2], axis=-1)
    return ts, ti, scores

# --- scband reference (transcript-rebuilt; emitter-appended) ---
"""Pipeline reference for scband-top-krouter-51883204935734 (READ-ONLY COPY).

The authoritative reference and input builder live on the scoring server;
editing this copy changes nothing except your own understanding.
"""

import jax, jax.numpy as jnp
import numpy as np

N_TOKENS = 32768
D_MODEL = 768
N_EXPERTS = 64
TOP_K = 2


def setup_inputs(seed: int = 0) -> dict:
    key = jax.random.key(seed)
    k1, k2, k3 = jax.random.split(key, 3)
    x = jax.random.normal(k1, (N_TOKENS, D_MODEL), dtype=jnp.float32)
    # nn.Linear(embed_dim, num_experts): weight [num_experts, embed_dim], bias [num_experts]
    W = jax.random.normal(k2, (N_EXPERTS, D_MODEL), dtype=jnp.float32) * (1.0 / np.sqrt(D_MODEL))
    b = jax.random.normal(k3, (N_EXPERTS,), dtype=jnp.float32) * 0.01
    return {"x": x, "W": W, "b": b}


def reference(x, W, b):
    # logits = self.linear(x)
    logits = x @ W.T + b
    # noisy_gating=False -> no noise added (deterministic reference)
    scores = jax.nn.softmax(logits, axis=-1)
    topk_scores, topk_indices = jax.lax.top_k(scores, TOP_K)
    return (topk_scores, topk_indices, scores)

if __name__ == "__main__":
    import jax
    _d = setup_inputs()
    print(jax.jit(kernel)(*tuple(_d.values())))

</pallas_src>

<mosaic_0001>
#map = affine_map<(d0, d1) -> (0)>
module attributes {stable_mosaic.version = 14 : i64} {
  func.func @sc_topk(%arg0: i32, %arg1: i32, %arg2: memref<2097152xf32, #tpu.memory_space<hbm>>, %arg3: memref<32768xf32, #tpu.memory_space<hbm>>, %arg4: memref<32768xf32, #tpu.memory_space<hbm>>, %arg5: memref<32768xi32, #tpu.memory_space<hbm>>, %arg6: memref<32768xi32, #tpu.memory_space<hbm>>, %arg7: memref<66560xf32, #tpu.memory_space<vmem>>, %arg8: memref<1024xf32, #tpu.memory_space<vmem>>, %arg9: memref<1024xf32, #tpu.memory_space<vmem>>, %arg10: memref<1024xi32, #tpu.memory_space<vmem>>, %arg11: memref<1024xi32, #tpu.memory_space<vmem>>) attributes {dimension_semantics = [#tpu.dimension_semantics<core_parallel>, #tpu.dimension_semantics<subcore_parallel>], iteration_bounds = array<i64: 2, 16>, scalar_prefetch = 0 : i64, scratch_operands = 5 : i64, tpu.core_type = #tpu.core_type<sc_vector_subcore>, window_params = [{transform_indices = #map}, {transform_indices = #map}, {transform_indices = #map}, {transform_indices = #map}, {transform_indices = #map}]} {
    %mul3A = arith.constant 2 : i32
    %mul3A_0 = arith.muli %arg1, %mul3A : i32
    %add3A = arith.addi %mul3A_0, %arg0 : i32
    %mul3A_1 = arith.constant 1024 : i32
    %mul3A_2 = arith.muli %add3A, %mul3A_1 : i32
    %mul3A_3 = arith.constant 64 : i32
    %mul3A_4 = arith.muli %mul3A_2, %mul3A_3 : i32
    "tpu.region"() ({
      %run_scoped3A = tpu.sem_alloc : memref<!tpu.dma_semaphore, #tpu.memory_space<semaphore_mem>>
      %dma_start3A = arith.constant 0 : i32
      %dma_start3A_169 = tpu.memref_slice %arg7[%dma_start3A] : memref<66560xf32, #tpu.memory_space<vmem>> -> memref<65536xf32, #tpu.memory_space<vmem>>
      %dma_start3A_170 = tpu.memref_slice %arg2[%mul3A_4] : memref<2097152xf32, #tpu.memory_space<hbm>> -> memref<65536xf32, #tpu.memory_space<hbm>>
      %dma_start3A_171 = arith.constant 0 : i32
      %dma_start3A_172 = tpu.memref_slice %arg7[%dma_start3A_171] : memref<66560xf32, #tpu.memory_space<vmem>> -> memref<65536xf32, #tpu.memory_space<vmem>>
      %dma_start3A_173 = tpu.memref_slice %arg2[%mul3A_4] : memref<2097152xf32, #tpu.memory_space<hbm>> -> memref<65536xf32, #tpu.memory_space<hbm>>
      tpu.enqueue_dma source(%dma_start3A_173 : memref<65536xf32, #tpu.memory_space<hbm>>) target(%dma_start3A_172 : memref<65536xf32, #tpu.memory_space<vmem>>) target_semaphore(%run_scoped3A : memref<!tpu.dma_semaphore, #tpu.memory_space<semaphore_mem>>)
      %dma_wait3A = arith.constant 0 : i32
      %dma_wait3A_174 = tpu.memref_slice %arg7[%dma_wait3A] : memref<66560xf32, #tpu.memory_space<vmem>> -> memref<65536xf32, #tpu.memory_space<vmem>>
      %dma_wait3A_175 = tpu.memref_slice %arg2[%mul3A_4] : memref<2097152xf32, #tpu.memory_space<hbm>> -> memref<65536xf32, #tpu.memory_space<hbm>>
      %dma_wait3A_176 = arith.constant 0 : i32
      %dma_wait3A_177 = tpu.memref_slice %arg7[%dma_wait3A_176] : memref<66560xf32, #tpu.memory_space<vmem>> -> memref<65536xf32, #tpu.memory_space<vmem>>
      %dma_wait3A_178 = tpu.memref_slice %arg2[%mul3A_4] : memref<2097152xf32, #tpu.memory_space<hbm>> -> memref<65536xf32, #tpu.memory_space<hbm>>
      tpu.wait_dma2 semaphore(%run_scoped3A : memref<!tpu.dma_semaphore, #tpu.memory_space<semaphore_mem>>) src(%dma_wait3A_178 : memref<65536xf32, #tpu.memory_space<hbm>>) dst(%dma_wait3A_177 : memref<65536xf32, #tpu.memory_space<vmem>>)
      tpu.yield
    }) : () -> ()
    %iota3A = tpu.iota {dimensions = array<i32: 0>} : vector<16xi32>
    %scan3A = arith.constant 0 : i32
    %scan3A_5 = arith.constant 1 : i32
    %scan3A_6 = arith.constant 1020 : i32
    %scan3A_7 = arith.addi %scan3A_5, %scan3A_6 : i32
    %scan3A_8 = arith.constant 4 : i32
    scf.for %scan3A_169 = %scan3A_5 to %scan3A_7 step %scan3A_8  : i32 {
      %sub3A_170 = arith.constant 1023 : i32
      %sub3A_171 = arith.subi %sub3A_170, %scan3A_169 : i32
      %mul3A_172 = arith.constant 64 : i32
      %mul3A_173 = arith.muli %sub3A_171, %mul3A_172 : i32
      %add3A_174 = arith.constant 48 : i32
      %add3A_175 = arith.addi %mul3A_173, %add3A_174 : i32
      %get3A_176 = arith.index_cast %add3A_175 : i32 to index
      %get3A_177 = tpu.vector_load %arg7[%get3A_176] {strides = array<i32>} : memref<66560xf32, #tpu.memory_space<vmem>>, vector<16xf32>,
      %mul3A_178 = arith.constant 65 : i32
      %mul3A_179 = arith.muli %sub3A_171, %mul3A_178 : i32
      %add3A_180 = arith.constant 48 : i32
      %add3A_181 = arith.addi %mul3A_179, %add3A_180 : i32
      %swap3A_182 = arith.index_cast %add3A_181 : i32 to index
      %swap3A_183 = tpu.vector_load %arg7[%swap3A_182] {strides = array<i32>} : memref<66560xf32, #tpu.memory_space<vmem>>, vector<16xf32>,
      tpu.vector_store %arg7[%swap3A_182], %get3A_177 {strides = array<i32>} : memref<66560xf32, #tpu.memory_space<vmem>>, vector<16xf32>,
      %mul3A_184 = arith.constant 64 : i32
      %mul3A_185 = arith.muli %sub3A_171, %mul3A_184 : i32
      %add3A_186 = arith.constant 32 : i32
      %add3A_187 = arith.addi %mul3A_185, %add3A_186 : i32
      %get3A_188 = arith.index_cast %add3A_187 : i32 to index
      %get3A_189 = tpu.vector_load %arg7[%get3A_188] {strides = array<i32>} : memref<66560xf32, #tpu.memory_space<vmem>>, vector<16xf32>,
      %mul3A_190 = arith.constant 65 : i32
      %mul3A_191 = arith.muli %sub3A_171, %mul3A_190 : i32
      %add3A_192 = arith.constant 32 : i32
      %add3A_193 = arith.addi %mul3A_191, %add3A_192 : i32
      %swap3A_194 = arith.index_cast %add3A_193 : i32 to index
      %swap3A_195 = tpu.vector_load %arg7[%swap3A_194] {strides = array<i32>} : memref<66560xf32, #tpu.memory_space<vmem>>, vector<16xf32>,
      tpu.vector_store %arg7[%swap3A_194], %get3A_189 {strides = array<i32>} : memref<66560xf32, #tpu.memory_space<vmem>>, vector<16xf32>,
      %mul3A_196 = arith.constant 64 : i32
      %mul3A_197 = arith.muli %sub3A_171, %mul3A_196 : i32
      %add3A_198 = arith.constant 16 : i32
      %add3A_199 = arith.addi %mul3A_197, %add3A_198 : i32
      %get3A_200 = arith.index_cast %add3A_199 : i32 to index
      %get3A_201 = tpu.vector_load %arg7[%get3A_200] {strides = array<i32>} : memref<66560xf32, #tpu.memory_space<vmem>>, vector<16xf32>,
      %mul3A_202 = arith.constant 65 : i32
      %mul3A_203 = arith.muli %sub3A_171, %mul3A_202 : i32
      %add3A_204 = arith.constant 16 : i32
      %add3A_205 = arith.addi %mul3A_203, %add3A_204 : i32
      %swap3A_206 = arith.index_cast %add3A_205 : i32 to index
      %swap3A_207 = tpu.vector_load %arg7[%swap3A_206] {strides = array<i32>} : memref<66560xf32, #tpu.memory_space<vmem>>, vector<16xf32>,
      tpu.vector_store %arg7[%swap3A_206], %get3A_201 {strides = array<i32>} : memref<66560xf32, #tpu.memory_space<vmem>>, vector<16xf32>,
      %mul3A_208 = arith.constant 64 : i32
      %mul3A_209 = arith.muli %sub3A_171, %mul3A_208 : i32
      %add3A_210 = arith.constant 0 : i32
      %add3A_211 = arith.addi %mul3A_209, %add3A_210 : i32
      %get3A_212 = arith.index_cast %add3A_211 : i32 to index
      %get3A_213 = tpu.vector_load %arg7[%get3A_212] {strides = array<i32>} : memref<66560xf32, #tpu.memory_space<vmem>>, vector<16xf32>,
      %mul3A_214 = arith.constant 65 : i32
      %mul3A_215 = arith.muli %sub3A_171, %mul3A_214 : i32
      %add3A_216 = arith.constant 0 : i32
      %add3A_217 = arith.addi %mul3A_215, %add3A_216 : i32
      %swap3A_218 = arith.index_cast %add3A_217 : i32 to index
      %swap3A_219 = tpu.vector_load %arg7[%swap3A_218] {strides = array<i32>} : memref<66560xf32, #tpu.memory_space<vmem>>, vector<16xf32>,
      tpu.vector_store %arg7[%swap3A_218], %get3A_213 {strides = array<i32>} : memref<66560xf32, #tpu.memory_space<vmem>>, vector<16xf32>,
      %scan3A_220 = arith.constant 1 : i32
      %scan3A_221 = arith.addi %scan3A_169, %scan3A_220 : i32
      %sub3A_222 = arith.constant 1023 : i32
      %sub3A_223 = arith.subi %sub3A_222, %scan3A_221 : i32
      %mul3A_224 = arith.constant 64 : i32
      %mul3A_225 = arith.muli %sub3A_223, %mul3A_224 : i32
      %add3A_226 = arith.constant 48 : i32
      %add3A_227 = arith.addi %mul3A_225, %add3A_226 : i32
      %get3A_228 = arith.index_cast %add3A_227 : i32 to index
      %get3A_229 = tpu.vector_load %arg7[%get3A_228] {strides = array<i32>} : memref<66560xf32, #tpu.memory_space<vmem>>, vector<16xf32>,
      %mul3A_230 = arith.constant 65 : i32
      %mul3A_231 = arith.muli %sub3A_223, %mul3A_230 : i32
      %add3A_232 = arith.constant 48 : i32
      %add3A_233 = arith.addi %mul3A_231, %add3A_232 : i32
      %swap3A_234 = arith.index_cast %add3A_233 : i32 to index
      %swap3A_235 = tpu.vector_load %arg7[%swap3A_234] {strides = array<i32>} : memref<66560xf32, #tpu.memory_space<vmem>>, vector<16xf32>,
      tpu.vector_store %arg7[%swap3A_234], %get3A_229 {strides = array<i32>} : memref<66560xf32, #tpu.memory_space<vmem>>, vector<16xf32>,
      %mul3A_236 = arith.constant 64 : i32
      %mul3A_237 = arith.muli %sub3A_223, %mul3A_236 : i32
      %add3A_238 = arith.constant 32 : i32
      %add3A_239 = arith.addi %mul3A_237, %add3A_238 : i32
      %get3A_240 = arith.index_cast %add3A_239 : i32 to index
      %get3A_241 = tpu.vector_load %arg7[%get3A_240] {strides = array<i32>} : memref<66560xf32, #tpu.memory_space<vmem>>, vector<16xf32>,
      %mul3A_242 = arith.constant 65 : i32
      %mul3A_243 = arith.muli %sub3A_223, %mul3A_242 : i32
      %add3A_244 = arith.constant 32 : i32
      %add3A_245 = arith.addi %mul3A_243, %add3A_244 : i32
      %swap3A_246 = arith.index_cast %add3A_245 : i32 to index
      %swap3A_247 = tpu.vector_load %arg7[%swap3A_246] {strides = array<i32>} : memref<66560xf32, #tpu.memory_space<vmem>>, vector<16xf32>,
      tpu.vector_store %arg7[%swap3A_246], %get3A_241 {strides = array<i32>} : memref<66560xf32, #tpu.memory_space<vmem>>, vector<16xf32>,
      %mul3A_248 = arith.constant 64 : i32
      %mul3A_249 = arith.muli %sub3A_223, %mul3A_248 : i32
      %add3A_250 = arith.constant 16 : i32
      %add3A_251 = arith.addi %mul3A_249, %add3A_250 : i32
      %get3A_252 = arith.index_cast %add3A_251 : i32 to index
      %get3A_253 = tpu.vector_load %arg7[%get3A_252] {strides = array<i32>} : memref<66560xf32, #tpu.memory_space<vmem>>, vector<16xf32>,
      %mul3A_254 = arith.constant 65 : i32
      %mul3A_255 = arith.muli %sub3A_223, %mul3A_254 : i32
      %add3A_256 = arith.constant 16 : i32
      %add3A_257 = arith.addi %mul3A_255, %add3A_256 : i32
      %swap3A_258 = arith.index_cast %add3A_257 : i32 to index
      %swap3A_259 = tpu.vector_load %arg7[%swap3A_258] {strides = array<i32>} : memref<66560xf32, #tpu.memory_space<vmem>>, vector<16xf32>,
      tpu.vector_store %arg7[%swap3A_258], %get3A_253 {strides = array<i32>} : memref<66560xf32, #tpu.memory_space<vmem>>, vector<16xf32>,
      %mul3A_260 = arith.constant 64 : i32
      %mul3A_261 = arith.muli %sub3A_223, %mul3A_260 : i32
      %add3A_262 = arith.constant 0 : i32
      %add3A_263 = arith.addi %mul3A_261, %add3A_262 : i32
      %get3A_264 = arith.index_cast %add3A_263 : i32 to index
      %get3A_265 = tpu.vector_load %arg7[%get3A_264] {strides = array<i32>} : memref<66560xf32, #tpu.memory_space<vmem>>, vector<16xf32>,
      %mul3A_266 = arith.constant 65 : i32
      %mul3A_267 = arith.muli %sub3A_223, %mul3A_266 : i32
      %add3A_268 = arith.constant 0 : i32
      %add3A_269 = arith.addi %mul3A_267, %add3A_268 : i32
      %swap3A_270 = arith.index_cast %add3A_269 : i32 to index
      %swap3A_271 = tpu.vector_load %arg7[%swap3A_270] {strides = array<i32>} : memref<66560xf32, #tpu.memory_space<vmem>>, vector<16xf32>,
      tpu.vector_store %arg7[%swap3A_270], %get3A_265 {strides = array<i32>} : memref<66560xf32, #tpu.memory_space<vmem>>, vector<16xf32>,
      %scan3A_272 = arith.constant 2 : i32
      %scan3A_273 = arith.addi %scan3A_169, %scan3A_272 : i32
      %sub3A_274 = arith.constant 1023 : i32
      %sub3A_275 = arith.subi %sub3A_274, %scan3A_273 : i32
      %mul3A_276 = arith.constant 64 : i32
      %mul3A_277 = arith.muli %sub3A_275, %mul3A_276 : i32
      %add3A_278 = arith.constant 48 : i32
      %add3A_279 = arith.addi %mul3A_277, %add3A_278 : i32
      %get3A_280 = arith.index_cast %add3A_279 : i32 to index
      %get3A_281 = tpu.vector_load %arg7[%get3A_280] {strides = array<i32>} : memref<66560xf32, #tpu.memory_space<vmem>>, vector<16xf32>,
      %mul3A_282 = arith.constant 65 : i32
      %mul3A_283 = arith.muli %sub3A_275, %mul3A_282 : i32
      %add3A_284 = arith.constant 48 : i32
      %add3A_285 = arith.addi %mul3A_283, %add3A_284 : i32
      %swap3A_286 = arith.index_cast %add3A_285 : i32 to index
      %swap3A_287 = tpu.vector_load %arg7[%swap3A_286] {strides = array<i32>} : memref<66560xf32, #tpu.memory_space<vmem>>, vector<16xf32>,
      tpu.vector_store %arg7[%swap3A_286], %get3A_281 {strides = array<i32>} : memref<66560xf32, #tpu.memory_space<vmem>>, vector<16xf32>,
      %mul3A_288 = arith.constant 64 : i32
      %mul3A_289 = arith.muli %sub3A_275, %mul3A_288 : i32
      %add3A_290 = arith.constant 32 : i32
      %add3A_291 = arith.addi %mul3A_289, %add3A_290 : i32
      %get3A_292 = arith.index_cast %add3A_291 : i32 to index
      %get3A_293 = tpu.vector_load %arg7[%get3A_292] {strides = array<i32>} : memref<66560xf32, #tpu.memory_space<vmem>>, vector<16xf32>,
      %mul3A_294 = arith.constant 65 : i32
      %mul3A_295 = arith.muli %sub3A_275, %mul3A_294 : i32
      %add3A_296 = arith.constant 32 : i32
      %add3A_297 = arith.addi %mul3A_295, %add3A_296 : i32
      %swap3A_298 = arith.index_cast %add3A_297 : i32 to index
      %swap3A_299 = tpu.vector_load %arg7[%swap3A_298] {strides = array<i32>} : memref<66560xf32, #tpu.memory_space<vmem>>, vector<16xf32>,
      tpu.vector_store %arg7[%swap3A_298], %get3A_293 {strides = array<i32>} : memref<66560xf32, #tpu.memory_space<vmem>>, vector<16xf32>,
      %mul3A_300 = arith.constant 64 : i32
      %mul3A_301 = arith.muli %sub3A_275, %mul3A_300 : i32
      %add3A_302 = arith.constant 16 : i32
      %add3A_303 = arith.addi %mul3A_301, %add3A_302 : i32
      %get3A_304 = arith.index_cast %add3A_303 : i32 to index
      %get3A_305 = tpu.vector_load %arg7[%get3A_304] {strides = array<i32>} : memref<66560xf32, #tpu.memory_space<vmem>>, vector<16xf32>,
      %mul3A_306 = arith.constant 65 : i32
      %mul3A_307 = arith.muli %sub3A_275, %mul3A_306 : i32
      %add3A_308 = arith.constant 16 : i32
      %add3A_309 = arith.addi %mul3A_307, %add3A_308 : i32
      %swap3A_310 = arith.index_cast %add3A_309 : i32 to index
      %swap3A_311 = tpu.vector_load %arg7[%swap3A_310] {strides = array<i32>} : memref<66560xf32, #tpu.memory_space<vmem>>, vector<16xf32>,
      tpu.vector_store %arg7[%swap3A_310], %get3A_305 {strides = array<i32>} : memref<66560xf32, #tpu.memory_space<vmem>>, vector<16xf32>,
      %mul3A_312 = arith.constant 64 : i32
      %mul3A_313 = arith.muli %sub3A_275, %mul3A_312 : i32
      %add3A_314 = arith.constant 0 : i32
      %add3A_315 = arith.addi %mul3A_313, %add3A_314 : i32
      %get3A_316 = arith.index_cast %add3A_315 : i32 to index
      %get3A_317 = tpu.vector_load %arg7[%get3A_316] {strides = array<i32>} : memref<66560xf32, #tpu.memory_space<vmem>>, vector<16xf32>,
      %mul3A_318 = arith.constant 65 : i32
      %mul3A_319 = arith.muli %sub3A_275, %mul3A_318 : i32
      %add3A_320 = arith.constant 0 : i32
      %add3A_321 = arith.addi %mul3A_319, %add3A_320 : i32
      %swap3A_322 = arith.index_cast %add3A_321 : i32 to index
      %swap3A_323 = tpu.vector_load %arg7[%swap3A_322] {strides = array<i32>} : memref<66560xf32, #tpu.memory_space<vmem>>, vector<16xf32>,
      tpu.vector_store %arg7[%swap3A_322], %get3A_317 {strides = array<i32>} : memref<66560xf32, #tpu.memory_space<vmem>>, vector<16xf32>,
      %scan3A_324 = arith.constant 3 : i32
      %scan3A_325 = arith.addi %scan3A_169, %scan3A_324 : i32
      %sub3A_326 = arith.constant 1023 : i32
      %sub3A_327 = arith.subi %sub3A_326, %scan3A_325 : i32
      %mul3A_328 = arith.constant 64 : i32
      %mul3A_329 = arith.muli %sub3A_327, %mul3A_328 : i32
      %add3A_330 = arith.constant 48 : i32
      %add3A_331 = arith.addi %mul3A_329, %add3A_330 : i32
      %get3A_332 = arith.index_cast %add3A_331 : i32 to index
      %get3A_333 = tpu.vector_load %arg7[%get3A_332] {strides = array<i32>} : memref<66560xf32, #tpu.memory_space<vmem>>, vector<16xf32>,
      %mul3A_334 = arith.constant 65 : i32
      %mul3A_335 = arith.muli %sub3A_327, %mul3A_334 : i32
      %add3A_336 = arith.constant 48 : i32
      %add3A_337 = arith.addi %mul3A_335, %add3A_336 : i32
      %swap3A_338 = arith.index_cast %add3A_337 : i32 to index
      %swap3A_339 = tpu.vector_load %arg7[%swap3A_338] {strides = array<i32>} : memref<66560xf32, #tpu.memory_space<vmem>>, vector<16xf32>,
      tpu.vector_store %arg7[%swap3A_338], %get3A_333 {strides = array<i32>} : memref<66560xf32, #tpu.memory_space<vmem>>, vector<16xf32>,
      %mul3A_340 = arith.constant 64 : i32
      %mul3A_341 = arith.muli %sub3A_327, %mul3A_340 : i32
      %add3A_342 = arith.constant 32 : i32
      %add3A_343 = arith.addi %mul3A_341, %add3A_342 : i32
      %get3A_344 = arith.index_cast %add3A_343 : i32 to index
      %get3A_345 = tpu.vector_load %arg7[%get3A_344] {strides = array<i32>} : memref<66560xf32, #tpu.memory_space<vmem>>, vector<16xf32>,
      %mul3A_346 = arith.constant 65 : i32
      %mul3A_347 = arith.muli %sub3A_327, %mul3A_346 : i32
      %add3A_348 = arith.constant 32 : i32
      %add3A_349 = arith.addi %mul3A_347, %add3A_348 : i32
      %swap3A_350 = arith.index_cast %add3A_349 : i32 to index
      %swap3A_351 = tpu.vector_load %arg7[%swap3A_350] {strides = array<i32>} : memref<66560xf32, #tpu.memory_space<vmem>>, vector<16xf32>,
      tpu.vector_store %arg7[%swap3A_350], %get3A_345 {strides = array<i32>} : memref<66560xf32, #tpu.memory_space<vmem>>, vector<16xf32>,
      %mul3A_352 = arith.constant 64 : i32
      %mul3A_353 = arith.muli %sub3A_327, %mul3A_352 : i32
      %add3A_354 = arith.constant 16 : i32
      %add3A_355 = arith.addi %mul3A_353, %add3A_354 : i32
      %get3A_356 = arith.index_cast %add3A_355 : i32 to index
      %get3A_357 = tpu.vector_load %arg7[%get3A_356] {strides = array<i32>} : memref<66560xf32, #tpu.memory_space<vmem>>, vector<16xf32>,
      %mul3A_358 = arith.constant 65 : i32
      %mul3A_359 = arith.muli %sub3A_327, %mul3A_358 : i32
      %add3A_360 = arith.constant 16 : i32
      %add3A_361 = arith.addi %mul3A_359, %add3A_360 : i32
      %swap3A_362 = arith.index_cast %add3A_361 : i32 to index
      %swap3A_363 = tpu.vector_load %arg7[%swap3A_362] {strides = array<i32>} : memref<66560xf32, #tpu.memory_space<vmem>>, vector<16xf32>,
      tpu.vector_store %arg7[%swap3A_362], %get3A_357 {strides = array<i32>} : memref<66560xf32, #tpu.memory_space<vmem>>, vector<16xf32>,
      %mul3A_364 = arith.constant 64 : i32
      %mul3A_365 = arith.muli %sub3A_327, %mul3A_364 : i32
      %add3A_366 = arith.constant 0 : i32
      %add3A_367 = arith.addi %mul3A_365, %add3A_366 : i32
      %get3A_368 = arith.index_cast %add3A_367 : i32 to index
      %get3A_369 = tpu.vector_load %arg7[%get3A_368] {strides = array<i32>} : memref<66560xf32, #tpu.memory_space<vmem>>, vector<16xf32>,
      %mul3A_370 = arith.constant 65 : i32
      %mul3A_371 = arith.muli %sub3A_327, %mul3A_370 : i32
      %add3A_372 = arith.constant 0 : i32
      %add3A_373 = arith.addi %mul3A_371, %add3A_372 : i32
      %swap3A_374 = arith.index_cast %add3A_373 : i32 to index
      %swap3A_375 = tpu.vector_load %arg7[%swap3A_374] {strides = array<i32>} : memref<66560xf32, #tpu.memory_space<vmem>>, vector<16xf32>,
      tpu.vector_store %arg7[%swap3A_374], %get3A_369 {strides = array<i32>} : memref<66560xf32, #tpu.memory_space<vmem>>, vector<16xf32>,
    }
    %scan3A_9 = arith.constant 1020 : i32
    %scan3A_10 = arith.addi %scan3A_5, %scan3A_9 : i32
    %sub3A = arith.constant 1023 : i32
    %sub3A_11 = arith.subi %sub3A, %scan3A_10 : i32
    %mul3A_12 = arith.constant 64 : i32
    %mul3A_13 = arith.muli %sub3A_11, %mul3A_12 : i32
    %add3A_14 = arith.constant 48 : i32
    %add3A_15 = arith.addi %mul3A_13, %add3A_14 : i32
    %get3A = arith.index_cast %add3A_15 : i32 to index
    %get3A_16 = tpu.vector_load %arg7[%get3A] {strides = array<i32>} : memref<66560xf32, #tpu.memory_space<vmem>>, vector<16xf32>,
    %mul3A_17 = arith.constant 65 : i32
    %mul3A_18 = arith.muli %sub3A_11, %mul3A_17 : i32
    %add3A_19 = arith.constant 48 : i32
    %add3A_20 = arith.addi %mul3A_18, %add3A_19 : i32
    %swap3A = arith.index_cast %add3A_20 : i32 to index
    %swap3A_21 = tpu.vector_load %arg7[%swap3A] {strides = array<i32>} : memref<66560xf32, #tpu.memory_space<vmem>>, vector<16xf32>,
    tpu.vector_store %arg7[%swap3A], %get3A_16 {strides = array<i32>} : memref<66560xf32, #tpu.memory_space<vmem>>, vector<16xf32>,
    %mul3A_22 = arith.constant 64 : i32
    %mul3A_23 = arith.muli %sub3A_11, %mul3A_22 : i32
    %add3A_24 = arith.constant 32 : i32
    %add3A_25 = arith.addi %mul3A_23, %add3A_24 : i32
    %get3A_26 = arith.index_cast %add3A_25 : i32 to index
    %get3A_27 = tpu.vector_load %arg7[%get3A_26] {strides = array<i32>} : memref<66560xf32, #tpu.memory_space<vmem>>, vector<16xf32>,
    %mul3A_28 = arith.constant 65 : i32
    %mul3A_29 = arith.muli %sub3A_11, %mul3A_28 : i32
    %add3A_30 = arith.constant 32 : i32
    %add3A_31 = arith.addi %mul3A_29, %add3A_30 : i32
    %swap3A_32 = arith.index_cast %add3A_31 : i32 to index
    %swap3A_33 = tpu.vector_load %arg7[%swap3A_32] {strides = array<i32>} : memref<66560xf32, #tpu.memory_space<vmem>>, vector<16xf32>,
    tpu.vector_store %arg7[%swap3A_32], %get3A_27 {strides = array<i32>} : memref<66560xf32, #tpu.memory_space<vmem>>, vector<16xf32>,
    %mul3A_34 = arith.constant 64 : i32
    %mul3A_35 = arith.muli %sub3A_11, %mul3A_34 : i32
    %add3A_36 = arith.constant 16 : i32
    %add3A_37 = arith.addi %mul3A_35, %add3A_36 : i32
    %get3A_38 = arith.index_cast %add3A_37 : i32 to index
    %get3A_39 = tpu.vector_load %arg7[%get3A_38] {strides = array<i32>} : memref<66560xf32, #tpu.memory_space<vmem>>, vector<16xf32>,
    %mul3A_40 = arith.constant 65 : i32
    %mul3A_41 = arith.muli %sub3A_11, %mul3A_40 : i32
    %add3A_42 = arith.constant 16 : i32
    %add3A_43 = arith.addi %mul3A_41, %add3A_42 : i32
    %swap3A_44 = arith.index_cast %add3A_43 : i32 to index
    %swap3A_45 = tpu.vector_load %arg7[%swap3A_44] {strides = array<i32>} : memref<66560xf32, #tpu.memory_space<vmem>>, vector<16xf32>,
    tpu.vector_store %arg7[%swap3A_44], %get3A_39 {strides = array<i32>} : memref<66560xf32, #tpu.memory_space<vmem>>, vector<16xf32>,
    %mul3A_46 = arith.constant 64 : i32
    %mul3A_47 = arith.muli %sub3A_11, %mul3A_46 : i32
    %add3A_48 = arith.constant 0 : i32
    %add3A_49 = arith.addi %mul3A_47, %add3A_48 : i32
    %get3A_50 = arith.index_cast %add3A_49 : i32 to index
    %get3A_51 = tpu.vector_load %arg7[%get3A_50] {strides = array<i32>} : memref<66560xf32, #tpu.memory_space<vmem>>, vector<16xf32>,
    %mul3A_52 = arith.constant 65 : i32
    %mul3A_53 = arith.muli %sub3A_11, %mul3A_52 : i32
    %add3A_54 = arith.constant 0 : i32
    %add3A_55 = arith.addi %mul3A_53, %add3A_54 : i32
    %swap3A_56 = arith.index_cast %add3A_55 : i32 to index
    %swap3A_57 = tpu.vector_load %arg7[%swap3A_56] {strides = array<i32>} : memref<66560xf32, #tpu.memory_space<vmem>>, vector<16xf32>,
    tpu.vector_store %arg7[%swap3A_56], %get3A_51 {strides = array<i32>} : memref<66560xf32, #tpu.memory_space<vmem>>, vector<16xf32>,
    %scan3A_58 = arith.constant 1021 : i32
    %scan3A_59 = arith.addi %scan3A_5, %scan3A_58 : i32
    %sub3A_60 = arith.constant 1023 : i32
    %sub3A_61 = arith.subi %sub3A_60, %scan3A_59 : i32
    %mul3A_62 = arith.constant 64 : i32
    %mul3A_63 = arith.muli %sub3A_61, %mul3A_62 : i32
    %add3A_64 = arith.constant 48 : i32
    %add3A_65 = arith.addi %mul3A_63, %add3A_64 : i32
    %get3A_66 = arith.index_cast %add3A_65 : i32 to index
    %get3A_67 = tpu.vector_load %arg7[%get3A_66] {strides = array<i32>} : memref<66560xf32, #tpu.memory_space<vmem>>, vector<16xf32>,
    %mul3A_68 = arith.constant 65 : i32
    %mul3A_69 = arith.muli %sub3A_61, %mul3A_68 : i32
    %add3A_70 = arith.constant 48 : i32
    %add3A_71 = arith.addi %mul3A_69, %add3A_70 : i32
    %swap3A_72 = arith.index_cast %add3A_71 : i32 to index
    %swap3A_73 = tpu.vector_load %arg7[%swap3A_72] {strides = array<i32>} : memref<66560xf32, #tpu.memory_space<vmem>>, vector<16xf32>,
    tpu.vector_store %arg7[%swap3A_72], %get3A_67 {strides = array<i32>} : memref<66560xf32, #tpu.memory_space<vmem>>, vector<16xf32>,
    %mul3A_74 = arith.constant 64 : i32
    %mul3A_75 = arith.muli %sub3A_61, %mul3A_74 : i32
    %add3A_76 = arith.constant 32 : i32
    %add3A_77 = arith.addi %mul3A_75, %add3A_76 : i32
    %get3A_78 = arith.index_cast %add3A_77 : i32 to index
    %get3A_79 = tpu.vector_load %arg7[%get3A_78] {strides = array<i32>} : memref<66560xf32, #tpu.memory_space<vmem>>, vector<16xf32>,
    %mul3A_80 = arith.constant 65 : i32
    %mul3A_81 = arith.muli %sub3A_61, %mul3A_80 : i32
    %add3A_82 = arith.constant 32 : i32
    %add3A_83 = arith.addi %mul3A_81, %add3A_82 : i32
    %swap3A_84 = arith.index_cast %add3A_83 : i32 to index
    %swap3A_85 = tpu.vector_load %arg7[%swap3A_84] {strides = array<i32>} : memref<66560xf32, #tpu.memory_space<vmem>>, vector<16xf32>,
    tpu.vector_store %arg7[%swap3A_84], %get3A_79 {strides = array<i32>} : memref<66560xf32, #tpu.memory_space<vmem>>, vector<16xf32>,
    %mul3A_86 = arith.constant 64 : i32
    %mul3A_87 = arith.muli %sub3A_61, %mul3A_86 : i32
    %add3A_88 = arith.constant 16 : i32
    %add3A_89 = arith.addi %mul3A_87, %add3A_88 : i32
    %get3A_90 = arith.index_cast %add3A_89 : i32 to index
    %get3A_91 = tpu.vector_load %arg7[%get3A_90] {strides = array<i32>} : memref<66560xf32, #tpu.memory_space<vmem>>, vector<16xf32>,
    %mul3A_92 = arith.constant 65 : i32
    %mul3A_93 = arith.muli %sub3A_61, %mul3A_92 : i32
    %add3A_94 = arith.constant 16 : i32
    %add3A_95 = arith.addi %mul3A_93, %add3A_94 : i32
    %swap3A_96 = arith.index_cast %add3A_95 : i32 to index
    %swap3A_97 = tpu.vector_load %arg7[%swap3A_96] {strides = array<i32>} : memref<66560xf32, #tpu.memory_space<vmem>>, vector<16xf32>,
    tpu.vector_store %arg7[%swap3A_96], %get3A_91 {strides = array<i32>} : memref<66560xf32, #tpu.memory_space<vmem>>, vector<16xf32>,
    %mul3A_98 = arith.constant 64 : i32
    %mul3A_99 = arith.muli %sub3A_61, %mul3A_98 : i32
    %add3A_100 = arith.constant 0 : i32
    %add3A_101 = arith.addi %mul3A_99, %add3A_100 : i32
    %get3A_102 = arith.index_cast %add3A_101 : i32 to index
    %get3A_103 = tpu.vector_load %arg7[%get3A_102] {strides = array<i32>} : memref<66560xf32, #tpu.memory_space<vmem>>, vector<16xf32>,
    %mul3A_104 = arith.constant 65 : i32
    %mul3A_105 = arith.muli %sub3A_61, %mul3A_104 : i32
    %add3A_106 = arith.constant 0 : i32
    %add3A_107 = arith.addi %mul3A_105, %add3A_106 : i32
    %swap3A_108 = arith.index_cast %add3A_107 : i32 to index
    %swap3A_109 = tpu.vector_load %arg7[%swap3A_108] {strides = array<i32>} : memref<66560xf32, #tpu.memory_space<vmem>>, vector<16xf32>,
    tpu.vector_store %arg7[%swap3A_108], %get3A_103 {strides = array<i32>} : memref<66560xf32, #tpu.memory_space<vmem>>, vector<16xf32>,
    %scan3A_110 = arith.constant 1022 : i32
    %scan3A_111 = arith.addi %scan3A_5, %scan3A_110 : i32
    %sub3A_112 = arith.constant 1023 : i32
    %sub3A_113 = arith.subi %sub3A_112, %scan3A_111 : i32
    %mul3A_114 = arith.constant 64 : i32
    %mul3A_115 = arith.muli %sub3A_113, %mul3A_114 : i32
    %add3A_116 = arith.constant 48 : i32
    %add3A_117 = arith.addi %mul3A_115, %add3A_116 : i32
    %get3A_118 = arith.index_cast %add3A_117 : i32 to index
    %get3A_119 = tpu.vector_load %arg7[%get3A_118] {strides = array<i32>} : memref<66560xf32, #tpu.memory_space<vmem>>, vector<16xf32>,
    %mul3A_120 = arith.constant 65 : i32
    %mul3A_121 = arith.muli %sub3A_113, %mul3A_120 : i32
    %add3A_122 = arith.constant 48 : i32
    %add3A_123 = arith.addi %mul3A_121, %add3A_122 : i32
    %swap3A_124 = arith.index_cast %add3A_123 : i32 to index
    %swap3A_125 = tpu.vector_load %arg7[%swap3A_124] {strides = array<i32>} : memref<66560xf32, #tpu.memory_space<vmem>>, vector<16xf32>,
    tpu.vector_store %arg7[%swap3A_124], %get3A_119 {strides = array<i32>} : memref<66560xf32, #tpu.memory_space<vmem>>, vector<16xf32>,
    %mul3A_126 = arith.constant 64 : i32
    %mul3A_127 = arith.muli %sub3A_113, %mul3A_126 : i32
    %add3A_128 = arith.constant 32 : i32
    %add3A_129 = arith.addi %mul3A_127, %add3A_128 : i32
    %get3A_130 = arith.index_cast %add3A_129 : i32 to index
    %get3A_131 = tpu.vector_load %arg7[%get3A_130] {strides = array<i32>} : memref<66560xf32, #tpu.memory_space<vmem>>, vector<16xf32>,
    %mul3A_132 = arith.constant 65 : i32
    %mul3A_133 = arith.muli %sub3A_113, %mul3A_132 : i32
    %add3A_134 = arith.constant 32 : i32
    %add3A_135 = arith.addi %mul3A_133, %add3A_134 : i32
    %swap3A_136 = arith.index_cast %add3A_135 : i32 to index
    %swap3A_137 = tpu.vector_load %arg7[%swap3A_136] {strides = array<i32>} : memref<66560xf32, #tpu.memory_space<vmem>>, vector<16xf32>,
    tpu.vector_store %arg7[%swap3A_136], %get3A_131 {strides = array<i32>} : memref<66560xf32, #tpu.memory_space<vmem>>, vector<16xf32>,
    %mul3A_138 = arith.constant 64 : i32
    %mul3A_139 = arith.muli %sub3A_113, %mul3A_138 : i32
    %add3A_140 = arith.constant 16 : i32
    %add3A_141 = arith.addi %mul3A_139, %add3A_140 : i32
    %get3A_142 = arith.index_cast %add3A_141 : i32 to index
    %get3A_143 = tpu.vector_load %arg7[%get3A_142] {strides = array<i32>} : memref<66560xf32, #tpu.memory_space<vmem>>, vector<16xf32>,
    %mul3A_144 = arith.constant 65 : i32
    %mul3A_145 = arith.muli %sub3A_113, %mul3A_144 : i32
    %add3A_146 = arith.constant 16 : i32
    %add3A_147 = arith.addi %mul3A_145, %add3A_146 : i32
    %swap3A_148 = arith.index_cast %add3A_147 : i32 to index
    %swap3A_149 = tpu.vector_load %arg7[%swap3A_148] {strides = array<i32>} : memref<66560xf32, #tpu.memory_space<vmem>>, vector<16xf32>,
    tpu.vector_store %arg7[%swap3A_148], %get3A_143 {strides = array<i32>} : memref<66560xf32, #tpu.memory_space<vmem>>, vector<16xf32>,
    %mul3A_150 = arith.constant 64 : i32
    %mul3A_151 = arith.muli %sub3A_113, %mul3A_150 : i32
    %add3A_152 = arith.constant 0 : i32
    %add3A_153 = arith.addi %mul3A_151, %add3A_152 : i32
    %get3A_154 = arith.index_cast %add3A_153 : i32 to index
    %get3A_155 = tpu.vector_load %arg7[%get3A_154] {strides = array<i32>} : memref<66560xf32, #tpu.memory_space<vmem>>, vector<16xf32>,
    %mul3A_156 = arith.constant 65 : i32
    %mul3A_157 = arith.muli %sub3A_113, %mul3A_156 : i32
    %add3A_158 = arith.constant 0 : i32
    %add3A_159 = arith.addi %mul3A_157, %add3A_158 : i32
    %swap3A_160 = arith.index_cast %add3A_159 : i32 to index
    %swap3A_161 = tpu.vector_load %arg7[%swap3A_160] {strides = array<i32>} : memref<66560xf32, #tpu.memory_space<vmem>>, vector<16xf32>,
    tpu.vector_store %arg7[%swap3A_160], %get3A_155 {strides = array<i32>} : memref<66560xf32, #tpu.memory_space<vmem>>, vector<16xf32>,
    %scan3A_162 = arith.constant 1023 : i32
    %scan3A_163 = arith.constant 0 : i32
    %scan3A_164 = arith.constant 0 : i32
    %scan3A_165 = arith.constant 16 : i32
    %scan3A_166 = arith.addi %scan3A_164, %scan3A_165 : i32
    %scan3A_167 = arith.constant 1 : i32
    scf.for %scan3A_169 = %scan3A_164 to %scan3A_166 step %scan3A_167  : i32 {
      %broadcast_in_dim3A = arith.constant 0 : i32
      %broadcast_in_dim3A_170 = vector.broadcast %broadcast_in_dim3A : i32 to vector<16xi32>
      %mul3A_171 = arith.constant 4 : i32
      %mul3A_172 = arith.muli %scan3A_169, %mul3A_171 : i32
      %add3A_173 = arith.constant 0 : i32
      %add3A_174 = arith.addi %mul3A_172, %add3A_173 : i32
      %mul3A_175 = arith.constant 16 : i32
      %mul3A_176 = arith.muli %add3A_174, %mul3A_175 : i32
      %add3A_177 = vector.broadcast %mul3A_176 : i32 to vector<16xi32>
      %add3A_178 = arith.addi %add3A_177, %iota3A : vector<16xi32>
      %mul3A_179 = arith.constant 65 : i32
      %mul3A_180 = vector.broadcast %mul3A_179 : i32 to vector<16xi32>
      %mul3A_181 = arith.muli %add3A_178, %mul3A_180 : vector<16xi32>
      %gather3A = tpu.vector_load_idx %arg7[%mul3A_181] : memref<66560xf32, #tpu.memory_space<vmem>>[vector<16xi32>], vector<16xf32>,
      %broadcast_in_dim3A_182 = arith.constant 0xFF800000 : f32
      %broadcast_in_dim3A_183 = vector.broadcast %broadcast_in_dim3A_182 : f32 to vector<16xf32>
      %mul3A_184 = arith.constant 4 : i32
      %mul3A_185 = arith.muli %scan3A_169, %mul3A_184 : i32
      %add3A_186 = arith.constant 1 : i32
      %add3A_187 = arith.addi %mul3A_185, %add3A_186 : i32
      %mul3A_188 = arith.constant 16 : i32
      %mul3A_189 = arith.muli %add3A_187, %mul3A_188 : i32
      %add3A_190 = vector.broadcast %mul3A_189 : i32 to vector<16xi32>
      %add3A_191 = arith.addi %add3A_190, %iota3A : vector<16xi32>
      %mul3A_192 = arith.constant 65 : i32
      %mul3A_193 = vector.broadcast %mul3A_192 : i32 to vector<16xi32>
      %mul3A_194 = arith.muli %add3A_191, %mul3A_193 : vector<16xi32>
      %gather3A_195 = tpu.vector_load_idx %arg7[%mul3A_194] : memref<66560xf32, #tpu.memory_space<vmem>>[vector<16xi32>], vector<16xf32>,
      %broadcast_in_dim3A_196 = arith.constant 0xFF800000 : f32
      %broadcast_in_dim3A_197 = vector.broadcast %broadcast_in_dim3A_196 : f32 to vector<16xf32>
      %mul3A_198 = arith.constant 4 : i32
      %mul3A_199 = arith.muli %scan3A_169, %mul3A_198 : i32
      %add3A_200 = arith.constant 2 : i32
      %add3A_201 = arith.addi %mul3A_199, %add3A_200 : i32
      %mul3A_202 = arith.constant 16 : i32
      %mul3A_203 = arith.muli %add3A_201, %mul3A_202 : i32
      %add3A_204 = vector.broadcast %mul3A_203 : i32 to vector<16xi32>
      %add3A_205 = arith.addi %add3A_204, %iota3A : vector<16xi32>
      %mul3A_206 = arith.constant 65 : i32
      %mul3A_207 = vector.broadcast %mul3A_206 : i32 to vector<16xi32>
      %mul3A_208 = arith.muli %add3A_205, %mul3A_207 : vector<16xi32>
      %gather3A_209 = tpu.vector_load_idx %arg7[%mul3A_208] : memref<66560xf32, #tpu.memory_space<vmem>>[vector<16xi32>], vector<16xf32>,
      %broadcast_in_dim3A_210 = arith.constant 0xFF800000 : f32
      %broadcast_in_dim3A_211 = vector.broadcast %broadcast_in_dim3A_210 : f32 to vector<16xf32>
      %mul3A_212 = arith.constant 4 : i32
      %mul3A_213 = arith.muli %scan3A_169, %mul3A_212 : i32
      %add3A_214 = arith.constant 3 : i32
      %add3A_215 = arith.addi %mul3A_213, %add3A_214 : i32
      %mul3A_216 = arith.constant 16 : i32
      %mul3A_217 = arith.muli %add3A_215, %mul3A_216 : i32
      %add3A_218 = vector.broadcast %mul3A_217 : i32 to vector<16xi32>
      %add3A_219 = arith.addi %add3A_218, %iota3A : vector<16xi32>
      %mul3A_220 = arith.constant 65 : i32
      %mul3A_221 = vector.broadcast %mul3A_220 : i32 to vector<16xi32>
      %mul3A_222 = arith.muli %add3A_219, %mul3A_221 : vector<16xi32>
      %gather3A_223 = tpu.vector_load_idx %arg7[%mul3A_222] : memref<66560xf32, #tpu.memory_space<vmem>>[vector<16xi32>], vector<16xf32>,
      %broadcast_in_dim3A_224 = arith.constant 0xFF800000 : f32
      %broadcast_in_dim3A_225 = vector.broadcast %broadcast_in_dim3A_224 : f32 to vector<16xf32>
      %broadcast_in_dim3A_226 = arith.constant 1 : i32
      %broadcast_in_dim3A_227 = vector.broadcast %broadcast_in_dim3A_226 : i32 to vector<16xi32>
      %add3A_228 = arith.constant 1 : i32
      %add3A_229 = vector.broadcast %add3A_228 : i32 to vector<16xi32>
      %add3A_230 = arith.addi %mul3A_181, %add3A_229 : vector<16xi32>
      %gather3A_231 = tpu.vector_load_idx %arg7[%add3A_230] : memref<66560xf32, #tpu.memory_space<vmem>>[vector<16xi32>], vector<16xf32>,
      %gt3A = arith.cmpf ogt, %gather3A_231, %gather3A : vector<16xf32>
      %gt3A_232 = arith.cmpf ogt, %gather3A_231, %broadcast_in_dim3A_183 : vector<16xf32>
      %select_n3A = arith.select %gt3A_232, %broadcast_in_dim3A_227, %broadcast_in_dim3A_170 : vector<16xi1>, vector<16xi32>
      %select_n3A_233 = arith.select %gt3A, %broadcast_in_dim3A_170, %select_n3A : vector<16xi1>, vector<16xi32>
      %min3A = arith.minimumf %gather3A, %gather3A_231 : vector<16xf32>
      %max3A = arith.maximumf %broadcast_in_dim3A_183, %min3A : vector<16xf32>
      %select_n3A_234 = arith.select %gt3A, %broadcast_in_dim3A_227, %broadcast_in_dim3A_170 : vector<16xi1>, vector<16xi32>
      %max3A_235 = arith.maximumf %gather3A, %gather3A_231 : vector<16xf32>
      %add3A_236 = arith.constant 1 : i32
      %add3A_237 = vector.broadcast %add3A_236 : i32 to vector<16xi32>
      %add3A_238 = arith.addi %mul3A_194, %add3A_237 : vector<16xi32>
      %gather3A_239 = tpu.vector_load_idx %arg7[%add3A_238] : memref<66560xf32, #tpu.memory_space<vmem>>[vector<16xi32>], vector<16xf32>,
      %gt3A_240 = arith.cmpf ogt, %gather3A_239, %gather3A_195 : vector<16xf32>
      %gt3A_241 = arith.cmpf ogt, %gather3A_239, %broadcast_in_dim3A_197 : vector<16xf32>
      %select_n3A_242 = arith.select %gt3A_241, %broadcast_in_dim3A_227, %broadcast_in_dim3A_170 : vector<16xi1>, vector<16xi32>
      %select_n3A_243 = arith.select %gt3A_240, %broadcast_in_dim3A_170, %select_n3A_242 : vector<16xi1>, vector<16xi32>
      %min3A_244 = arith.minimumf %gather3A_195, %gather3A_239 : vector<16xf32>
      %max3A_245 = arith.maximumf %broadcast_in_dim3A_197, %min3A_244 : vector<16xf32>
      %select_n3A_246 = arith.select %gt3A_240, %broadcast_in_dim3A_227, %broadcast_in_dim3A_170 : vector<16xi1>, vector<16xi32>
      %max3A_247 = arith.maximumf %gather3A_195, %gather3A_239 : vector<16xf32>
      %add3A_248 = arith.constant 1 : i32
      %add3A_249 = vector.broadcast %add3A_248 : i32 to vector<16xi32>
      %add3A_250 = arith.addi %mul3A_208, %add3A_249 : vector<16xi32>
      %gather3A_251 = tpu.vector_load_idx %arg7[%add3A_250] : memref<66560xf32, #tpu.memory_space<vmem>>[vector<16xi32>], vector<16xf32>,
      %gt3A_252 = arith.cmpf ogt, %gather3A_251, %gather3A_209 : vector<16xf32>
      %gt3A_253 = arith.cmpf ogt, %gather3A_251, %broadcast_in_dim3A_211 : vector<16xf32>
      %select_n3A_254 = arith.select %gt3A_253, %broadcast_in_dim3A_227, %broadcast_in_dim3A_170 : vector<16xi1>, vector<16xi32>
      %select_n3A_255 = arith.select %gt3A_252, %broadcast_in_dim3A_170, %select_n3A_254 : vector<16xi1>, vector<16xi32>
      %min3A_256 = arith.minimumf %gather3A_209, %gather3A_251 : vector<16xf32>
      %max3A_257 = arith.maximumf %broadcast_in_dim3A_211, %min3A_256 : vector<16xf32>
      %select_n3A_258 = arith.select %gt3A_252, %broadcast_in_dim3A_227, %broadcast_in_dim3A_170 : vector<16xi1>, vector<16xi32>
      %max3A_259 = arith.maximumf %gather3A_209, %gather3A_251 : vector<16xf32>
      %add3A_260 = arith.constant 1 : i32
      %add3A_261 = vector.broadcast %add3A_260 : i32 to vector<16xi32>
      %add3A_262 = arith.addi %mul3A_222, %add3A_261 : vector<16xi32>
      %gather3A_263 = tpu.vector_load_idx %arg7[%add3A_262] : memref<66560xf32, #tpu.memory_space<vmem>>[vector<16xi32>], vector<16xf32>,
      %gt3A_264 = arith.cmpf ogt, %gather3A_263, %gather3A_223 : vector<16xf32>
      %gt3A_265 = arith.cmpf ogt, %gather3A_263, %broadcast_in_dim3A_225 : vector<16xf32>
      %select_n3A_266 = arith.select %gt3A_265, %broadcast_in_dim3A_227, %broadcast_in_dim3A_170 : vector<16xi1>, vector<16xi32>
      %select_n3A_267 = arith.select %gt3A_264, %broadcast_in_dim3A_170, %select_n3A_266 : vector<16xi1>, vector<16xi32>
      %min3A_268 = arith.minimumf %gather3A_223, %gather3A_263 : vector<16xf32>
      %max3A_269 = arith.maximumf %broadcast_in_dim3A_225, %min3A_268 : vector<16xf32>
      %select_n3A_270 = arith.select %gt3A_264, %broadcast_in_dim3A_227, %broadcast_in_dim3A_170 : vector<16xi1>, vector<16xi32>
      %max3A_271 = arith.maximumf %gather3A_223, %gather3A_263 : vector<16xf32>
      %broadcast_in_dim3A_272 = arith.constant 2 : i32
      %broadcast_in_dim3A_273 = vector.broadcast %broadcast_in_dim3A_272 : i32 to vector<16xi32>
      %add3A_274 = arith.constant 2 : i32
      %add3A_275 = vector.broadcast %add3A_274 : i32 to vector<16xi32>
      %add3A_276 = arith.addi %mul3A_181, %add3A_275 : vector<16xi32>
      %gather3A_277 = tpu.vector_load_idx %arg7[%add3A_276] : memref<66560xf32, #tpu.memory_space<vmem>>[vector<16xi32>], vector<16xf32>,
      %gt3A_278 = arith.cmpf ogt, %gather3A_277, %max3A_235 : vector<16xf32>
      %gt3A_279 = arith.cmpf ogt, %gather3A_277, %max3A : vector<16xf32>
      %select_n3A_280 = arith.select %gt3A_279, %broadcast_in_dim3A_273, %select_n3A_233 : vector<16xi1>, vector<16xi32>
      %select_n3A_281 = arith.select %gt3A_278, %select_n3A_234, %select_n3A_280 : vector<16xi1>, vector<16xi32>
      %min3A_282 = arith.minimumf %max3A_235, %gather3A_277 : vector<16xf32>
      %max3A_283 = arith.maximumf %max3A, %min3A_282 : vector<16xf32>
      %select_n3A_284 = arith.select %gt3A_278, %broadcast_in_dim3A_273, %select_n3A_234 : vector<16xi1>, vector<16xi32>
      %max3A_285 = arith.maximumf %max3A_235, %gather3A_277 : vector<16xf32>
      %add3A_286 = arith.constant 2 : i32
      %add3A_287 = vector.broadcast %add3A_286 : i32 to vector<16xi32>
      %add3A_288 = arith.addi %mul3A_194, %add3A_287 : vector<16xi32>
      %gather3A_289 = tpu.vector_load_idx %arg7[%add3A_288] : memref<66560xf32, #tpu.memory_space<vmem>>[vector<16xi32>], vector<16xf32>,
      %gt3A_290 = arith.cmpf ogt, %gather3A_289, %max3A_247 : vector<16xf32>
      %gt3A_291 = arith.cmpf ogt, %gather3A_289, %max3A_245 : vector<16xf32>
      %select_n3A_292 = arith.select %gt3A_291, %broadcast_in_dim3A_273, %select_n3A_243 : vector<16xi1>, vector<16xi32>
      %select_n3A_293 = arith.select %gt3A_290, %select_n3A_246, %select_n3A_292 : vector<16xi1>, vector<16xi32>
      %min3A_294 = arith.minimumf %max3A_247, %gather3A_289 : vector<16xf32>
      %max3A_295 = arith.maximumf %max3A_245, %min3A_294 : vector<16xf32>
      %select_n3A_296 = arith.select %gt3A_290, %broadcast_in_dim3A_273, %select_n3A_246 : vector<16xi1>, vector<16xi32>
      %max3A_297 = arith.maximumf %max3A_247, %gather3A_289 : vector<16xf32>
      %add3A_298 = arith.constant 2 : i32
      %add3A_299 = vector.broadcast %add3A_298 : i32 to vector<16xi32>
      %add3A_300 = arith.addi %mul3A_208, %add3A_299 : vector<16xi32>
      %gather3A_301 = tpu.vector_load_idx %arg7[%add3A_300] : memref<66560xf32, #tpu.memory_space<vmem>>[vector<16xi32>], vector<16xf32>,
      %gt3A_302 = arith.cmpf ogt, %gather3A_301, %max3A_259 : vector<16xf32>
      %gt3A_303 = arith.cmpf ogt, %gather3A_301, %max3A_257 : vector<16xf32>
      %select_n3A_304 = arith.select %gt3A_303, %broadcast_in_dim3A_273, %select_n3A_255 : vector<16xi1>, vector<16xi32>
      %select_n3A_305 = arith.select %gt3A_302, %select_n3A_258, %select_n3A_304 : vector<16xi1>, vector<16xi32>
      %min3A_306 = arith.minimumf %max3A_259, %gather3A_301 : vector<16xf32>
      %max3A_307 = arith.maximumf %max3A_257, %min3A_306 : vector<16xf32>
      %select_n3A_308 = arith.select %gt3A_302, %broadcast_in_dim3A_273, %select_n3A_258 : vector<16xi1>, vector<16xi32>
      %max3A_309 = arith.maximumf %max3A_259, %gather3A_301 : vector<16xf32>
      %add3A_310 = arith.constant 2 : i32
      %add3A_311 = vector.broadcast %add3A_310 : i32 to vector<16xi32>
      %add3A_312 = arith.addi %mul3A_222, %add3A_311 : vector<16xi32>
      %gather3A_313 = tpu.vector_load_idx %arg7[%add3A_312] : memref<66560xf32, #tpu.memory_space<vmem>>[vector<16xi32>], vector<16xf32>,
      %gt3A_314 = arith.cmpf ogt, %gather3A_313, %max3A_271 : vector<16xf32>
      %gt3A_315 = arith.cmpf ogt, %gather3A_313, %max3A_269 : vector<16xf32>
      %select_n3A_316 = arith.select %gt3A_315, %broadcast_in_dim3A_273, %select_n3A_267 : vector<16xi1>, vector<16xi32>
      %select_n3A_317 = arith.select %gt3A_314, %select_n3A_270, %select_n3A_316 : vector<16xi1>, vector<16xi32>
      %min3A_318 = arith.minimumf %max3A_271, %gather3A_313 : vector<16xf32>
      %max3A_319 = arith.maximumf %max3A_269, %min3A_318 : vector<16xf32>
      %select_n3A_320 = arith.select %gt3A_314, %broadcast_in_dim3A_273, %select_n3A_270 : vector<16xi1>, vector<16xi32>
      %max3A_321 = arith.maximumf %max3A_271, %gather3A_313 : vector<16xf32>
      %broadcast_in_dim3A_322 = arith.constant 3 : i32
      %broadcast_in_dim3A_323 = vector.broadcast %broadcast_in_dim3A_322 : i32 to vector<16xi32>
      %add3A_324 = arith.constant 3 : i32
      %add3A_325 = vector.broadcast %add3A_324 : i32 to vector<16xi32>
      %add3A_326 = arith.addi %mul3A_181, %add3A_325 : vector<16xi32>
      %gather3A_327 = tpu.vector_load_idx %arg7[%add3A_326] : memref<66560xf32, #tpu.memory_space<vmem>>[vector<16xi32>], vector<16xf32>,
      %gt3A_328 = arith.cmpf ogt, %gather3A_327, %max3A_285 : vector<16xf32>
      %gt3A_329 = arith.cmpf ogt, %gather3A_327, %max3A_283 : vector<16xf32>
      %select_n3A_330 = arith.select %gt3A_329, %broadcast_in_dim3A_323, %select_n3A_281 : vector<16xi1>, vector<16xi32>
      %select_n3A_331 = arith.select %gt3A_328, %select_n3A_284, %select_n3A_330 : vector<16xi1>, vector<16xi32>
      %min3A_332 = arith.minimumf %max3A_285, %gather3A_327 : vector<16xf32>
      %max3A_333 = arith.maximumf %max3A_283, %min3A_332 : vector<16xf32>
      %select_n3A_334 = arith.select %gt3A_328, %broadcast_in_dim3A_323, %select_n3A_284 : vector<16xi1>, vector<16xi32>
      %max3A_335 = arith.maximumf %max3A_285, %gather3A_327 : vector<16xf32>
      %add3A_336 = arith.constant 3 : i32
      %add3A_337 = vector.broadcast %add3A_336 : i32 to vector<16xi32>
      %add3A_338 = arith.addi %mul3A_194, %add3A_337 : vector<16xi32>
      %gather3A_339 = tpu.vector_load_idx %arg7[%add3A_338] : memref<66560xf32, #tpu.memory_space<vmem>>[vector<16xi32>], vector<16xf32>,
      %gt3A_340 = arith.cmpf ogt, %gather3A_339, %max3A_297 : vector<16xf32>
      %gt3A_341 = arith.cmpf ogt, %gather3A_339, %max3A_295 : vector<16xf32>
      %select_n3A_342 = arith.select %gt3A_341, %broadcast_in_dim3A_323, %select_n3A_293 : vector<16xi1>, vector<16xi32>
      %select_n3A_343 = arith.select %gt3A_340, %select_n3A_296, %select_n3A_342 : vector<16xi1>, vector<16xi32>
      %min3A_344 = arith.minimumf %max3A_297, %gather3A_339 : vector<16xf32>
      %max3A_345 = arith.maximumf %max3A_295, %min3A_344 : vector<16xf32>
      %select_n3A_346 = arith.select %gt3A_340, %broadcast_in_dim3A_323, %select_n3A_296 : vector<16xi1>, vector<16xi32>
      %max3A_347 = arith.maximumf %max3A_297, %gather3A_339 : vector<16xf32>
      %add3A_348 = arith.constant 3 : i32
      %add3A_349 = vector.broadcast %add3A_348 : i32 to vector<16xi32>
      %add3A_350 = arith.addi %mul3A_208, %add3A_349 : vector<16xi32>
      %gather3A_351 = tpu.vector_load_idx %arg7[%add3A_350] : memref<66560xf32, #tpu.memory_space<vmem>>[vector<16xi32>], vector<16xf32>,
      %gt3A_352 = arith.cmpf ogt, %gather3A_351, %max3A_309 : vector<16xf32>
      %gt3A_353 = arith.cmpf ogt, %gather3A_351, %max3A_307 : vector<16xf32>
      %select_n3A_354 = arith.select %gt3A_353, %broadcast_in_dim3A_323, %select_n3A_305 : vector<16xi1>, vector<16xi32>
      %select_n3A_355 = arith.select %gt3A_352, %select_n3A_308, %select_n3A_354 : vector<16xi1>, vector<16xi32>
      %min3A_356 = arith.minimumf %max3A_309, %gather3A_351 : vector<16xf32>
      %max3A_357 = arith.maximumf %max3A_307, %min3A_356 : vector<16xf32>
      %select_n3A_358 = arith.select %gt3A_352, %broadcast_in_dim3A_323, %select_n3A_308 : vector<16xi1>, vector<16xi32>
      %max3A_359 = arith.maximumf %max3A_309, %gather3A_351 : vector<16xf32>
      %add3A_360 = arith.constant 3 : i32
      %add3A_361 = vector.broadcast %add3A_360 : i32 to vector<16xi32>
      %add3A_362 = arith.addi %mul3A_222, %add3A_361 : vector<16xi32>
      %gather3A_363 = tpu.vector_load_idx %arg7[%add3A_362] : memref<66560xf32, #tpu.memory_space<vmem>>[vector<16xi32>], vector<16xf32>,
      %gt3A_364 = arith.cmpf ogt, %gather3A_363, %max3A_321 : vector<16xf32>
      %gt3A_365 = arith.cmpf ogt, %gather3A_363, %max3A_319 : vector<16xf32>
      %select_n3A_366 = arith.select %gt3A_365, %broadcast_in_dim3A_323, %select_n3A_317 : vector<16xi1>, vector<16xi32>
      %select_n3A_367 = arith.select %gt3A_364, %select_n3A_320, %select_n3A_366 : vector<16xi1>, vector<16xi32>
      %min3A_368 = arith.minimumf %max3A_321, %gather3A_363 : vector<16xf32>
      %max3A_369 = arith.maximumf %max3A_319, %min3A_368 : vector<16xf32>
      %select_n3A_370 = arith.select %gt3A_364, %broadcast_in_dim3A_323, %select_n3A_320 : vector<16xi1>, vector<16xi32>
      %max3A_371 = arith.maximumf %max3A_321, %gather3A_363 : vector<16xf32>
      %broadcast_in_dim3A_372 = arith.constant 4 : i32
      %broadcast_in_dim3A_373 = vector.broadcast %broadcast_in_dim3A_372 : i32 to vector<16xi32>
      %add3A_374 = arith.constant 4 : i32
      %add3A_375 = vector.broadcast %add3A_374 : i32 to vector<16xi32>
      %add3A_376 = arith.addi %mul3A_181, %add3A_375 : vector<16xi32>
      %gather3A_377 = tpu.vector_load_idx %arg7[%add3A_376] : memref<66560xf32, #tpu.memory_space<vmem>>[vector<16xi32>], vector<16xf32>,
      %gt3A_378 = arith.cmpf ogt, %gather3A_377, %max3A_335 : vector<16xf32>
      %gt3A_379 = arith.cmpf ogt, %gather3A_377, %max3A_333 : vector<16xf32>
      %select_n3A_380 = arith.select %gt3A_379, %broadcast_in_dim3A_373, %select_n3A_331 : vector<16xi1>, vector<16xi32>
      %select_n3A_381 = arith.select %gt3A_378, %select_n3A_334, %select_n3A_380 : vector<16xi1>, vector<16xi32>
      %min3A_382 = arith.minimumf %max3A_335, %gather3A_377 : vector<16xf32>
      %max3A_383 = arith.maximumf %max3A_333, %min3A_382 : vector<16xf32>
      %select_n3A_384 = arith.select %gt3A_378, %broadcast_in_dim3A_373, %select_n3A_334 : vector<16xi1>, vector<16xi32>
      %max3A_385 = arith.maximumf %max3A_335, %gather3A_377 : vector<16xf32>
      %add3A_386 = arith.constant 4 : i32
      %add3A_387 = vector.broadcast %add3A_386 : i32 to vector<16xi32>
      %add3A_388 = arith.addi %mul3A_194, %add3A_387 : vector<16xi32>
      %gather3A_389 = tpu.vector_load_idx %arg7[%add3A_388] : memref<66560xf32, #tpu.memory_space<vmem>>[vector<16xi32>], vector<16xf32>,
      %gt3A_390 = arith.cmpf ogt, %gather3A_389, %max3A_347 : vector<16xf32>
      %gt3A_391 = arith.cmpf ogt, %gather3A_389, %max3A_345 : vector<16xf32>
      %select_n3A_392 = arith.select %gt3A_391, %broadcast_in_dim3A_373, %select_n3A_343 : vector<16xi1>, vector<16xi32>
      %select_n3A_393 = arith.select %gt3A_390, %select_n3A_346, %select_n3A_392 : vector<16xi1>, vector<16xi32>
      %min3A_394 = arith.minimumf %max3A_347, %gather3A_389 : vector<16xf32>
      %max3A_395 = arith.maximumf %max3A_345, %min3A_394 : vector<16xf32>
      %select_n3A_396 = arith.select %gt3A_390, %broadcast_in_dim3A_373, %select_n3A_346 : vector<16xi1>, vector<16xi32>
      %max3A_397 = arith.maximumf %max3A_347, %gather3A_389 : vector<16xf32>
      %add3A_398 = arith.constant 4 : i32
      %add3A_399 = vector.broadcast %add3A_398 : i32 to vector<16xi32>
      %add3A_400 = arith.addi %mul3A_208, %add3A_399 : vector<16xi32>
      %gather3A_401 = tpu.vector_load_idx %arg7[%add3A_400] : memref<66560xf32, #tpu.memory_space<vmem>>[vector<16xi32>], vector<16xf32>,
      %gt3A_402 = arith.cmpf ogt, %gather3A_401, %max3A_359 : vector<16xf32>
      %gt3A_403 = arith.cmpf ogt, %gather3A_401, %max3A_357 : vector<16xf32>
      %select_n3A_404 = arith.select %gt3A_403, %broadcast_in_dim3A_373, %select_n3A_355 : vector<16xi1>, vector<16xi32>
      %select_n3A_405 = arith.select %gt3A_402, %select_n3A_358, %select_n3A_404 : vector<16xi1>, vector<16xi32>
      %min3A_406 = arith.minimumf %max3A_359, %gather3A_401 : vector<16xf32>
      %max3A_407 = arith.maximumf %max3A_357, %min3A_406 : vector<16xf32>
      %select_n3A_408 = arith.select %gt3A_402, %broadcast_in_dim3A_373, %select_n3A_358 : vector<16xi1>, vector<16xi32>
      %max3A_409 = arith.maximumf %max3A_359, %gather3A_401 : vector<16xf32>
      %add3A_410 = arith.constant 4 : i32
      %add3A_411 = vector.broadcast %add3A_410 : i32 to vector<16xi32>
      %add3A_412 = arith.addi %mul3A_222, %add3A_411 : vector<16xi32>
      %gather3A_413 = tpu.vector_load_idx %arg7[%add3A_412] : memref<66560xf32, #tpu.memory_space<vmem>>[vector<16xi32>], vector<16xf32>,
      %gt3A_414 = arith.cmpf ogt, %gather3A_413, %max3A_371 : vector<16xf32>
      %gt3A_415 = arith.cmpf ogt, %gather3A_413, %max3A_369 : vector<16xf32>
      %select_n3A_416 = arith.select %gt3A_415, %broadcast_in_dim3A_373, %select_n3A_367 : vector<16xi1>, vector<16xi32>
      %select_n3A_417 = arith.select %gt3A_414, %select_n3A_370, %select_n3A_416 : vector<16xi1>, vector<16xi32>
      %min3A_418 = arith.minimumf %max3A_371, %gather3A_413 : vector<16xf32>
      %max3A_419 = arith.maximumf %max3A_369, %min3A_418 : vector<16xf32>
      %select_n3A_420 = arith.select %gt3A_414, %broadcast_in_dim3A_373, %select_n3A_370 : vector<16xi1>, vector<16xi32>
      %max3A_421 = arith.maximumf %max3A_371, %gather3A_413 : vector<16xf32>
      %broadcast_in_dim3A_422 = arith.constant 5 : i32
      %broadcast_in_dim3A_423 = vector.broadcast %broadcast_in_dim3A_422 : i32 to vector<16xi32>
      %add3A_424 = arith.constant 5 : i32
      %add3A_425 = vector.broadcast %add3A_424 : i32 to vector<16xi32>
      %add3A_426 = arith.addi %mul3A_181, %add3A_425 : vector<16xi32>
      %gather3A_427 = tpu.vector_load_idx %arg7[%add3A_426] : memref<66560xf32, #tpu.memory_space<vmem>>[vector<16xi32>], vector<16xf32>,
      %gt3A_428 = arith.cmpf ogt, %gather3A_427, %max3A_385 : vector<16xf32>
      %gt3A_429 = arith.cmpf ogt, %gather3A_427, %max3A_383 : vector<16xf32>
      %select_n3A_430 = arith.select %gt3A_429, %broadcast_in_dim3A_423, %select_n3A_381 : vector<16xi1>, vector<16xi32>
      %select_n3A_431 = arith.select %gt3A_428, %select_n3A_384, %select_n3A_430 : vector<16xi1>, vector<16xi32>
      %min3A_432 = arith.minimumf %max3A_385, %gather3A_427 : vector<16xf32>
      %max3A_433 = arith.maximumf %max3A_383, %min3A_432 : vector<16xf32>
      %select_n3A_434 = arith.select %gt3A_428, %broadcast_in_dim3A_423, %select_n3A_384 : vector<16xi1>, vector<16xi32>
      %max3A_435 = arith.maximumf %max3A_385, %gather3A_427 : vector<16xf32>
      %add3A_436 = arith.constant 5 : i32
      %add3A_437 = vector.broadcast %add3A_436 : i32 to vector<16xi32>
      %add3A_438 = arith.addi %mul3A_194, %add3A_437 : vector<16xi32>
      %gather3A_439 = tpu.vector_load_idx %arg7[%add3A_438] : memref<66560xf32, #tpu.memory_space<vmem>>[vector<16xi32>], vector<16xf32>,
      %gt3A_440 = arith.cmpf ogt, %gather3A_439, %max3A_397 : vector<16xf32>
      %gt3A_441 = arith.cmpf ogt, %gather3A_439, %max3A_395 : vector<16xf32>
      %select_n3A_442 = arith.select %gt3A_441, %broadcast_in_dim3A_423, %select_n3A_393 : vector<16xi1>, vector<16xi32>
      %select_n3A_443 = arith.select %gt3A_440, %select_n3A_396, %select_n3A_442 : vector<16xi1>, vector<16xi32>
      %min3A_444 = arith.minimumf %max3A_397, %gather3A_439 : vector<16xf32>
      %max3A_445 = arith.maximumf %max3A_395, %min3A_444 : vector<16xf32>
      %select_n3A_446 = arith.select %gt3A_440, %broadcast_in_dim3A_423, %select_n3A_396 : vector<16xi1>, vector<16xi32>
      %max3A_447 = arith.maximumf %max3A_397, %gather3A_439 : vector<16xf32>
      %add3A_448 = arith.constant 5 : i32
      %add3A_449 = vector.broadcast %add3A_448 : i32 to vector<16xi32>
      %add3A_450 = arith.addi %mul3A_208, %add3A_449 : vector<16xi32>
      %gather3A_451 = tpu.vector_load_idx %arg7[%add3A_450] : memref<66560xf32, #tpu.memory_space<vmem>>[vector<16xi32>], vector<16xf32>,
      %gt3A_452 = arith.cmpf ogt, %gather3A_451, %max3A_409 : vector<16xf32>
      %gt3A_453 = arith.cmpf ogt, %gather3A_451, %max3A_407 : vector<16xf32>
      %select_n3A_454 = arith.select %gt3A_453, %broadcast_in_dim3A_423, %select_n3A_405 : vector<16xi1>, vector<16xi32>
      %select_n3A_455 = arith.select %gt3A_452, %select_n3A_408, %select_n3A_454 : vector<16xi1>, vector<16xi32>
      %min3A_456 = arith.minimumf %max3A_409, %gather3A_451 : vector<16xf32>
      %max3A_457 = arith.maximumf %max3A_407, %min3A_456 : vector<16xf32>
      %select_n3A_458 = arith.select %gt3A_452, %broadcast_in_dim3A_423, %select_n3A_408 : vector<16xi1>, vector<16xi32>
      %max3A_459 = arith.maximumf %max3A_409, %gather3A_451 : vector<16xf32>
      %add3A_460 = arith.constant 5 : i32
      %add3A_461 = vector.broadcast %add3A_460 : i32 to vector<16xi32>
      %add3A_462 = arith.addi %mul3A_222, %add3A_461 : vector<16xi32>
      %gather3A_463 = tpu.vector_load_idx %arg7[%add3A_462] : memref<66560xf32, #tpu.memory_space<vmem>>[vector<16xi32>], vector<16xf32>,
      %gt3A_464 = arith.cmpf ogt, %gather3A_463, %max3A_421 : vector<16xf32>
      %gt3A_465 = arith.cmpf ogt, %gather3A_463, %max3A_419 : vector<16xf32>
      %select_n3A_466 = arith.select %gt3A_465, %broadcast_in_dim3A_423, %select_n3A_417 : vector<16xi1>, vector<16xi32>
      %select_n3A_467 = arith.select %gt3A_464, %select_n3A_420, %select_n3A_466 : vector<16xi1>, vector<16xi32>
      %min3A_468 = arith.minimumf %max3A_421, %gather3A_463 : vector<16xf32>
      %max3A_469 = arith.maximumf %max3A_419, %min3A_468 : vector<16xf32>
      %select_n3A_470 = arith.select %gt3A_464, %broadcast_in_dim3A_423, %select_n3A_420 : vector<16xi1>, vector<16xi32>
      %max3A_471 = arith.maximumf %max3A_421, %gather3A_463 : vector<16xf32>
      %broadcast_in_dim3A_472 = arith.constant 6 : i32
      %broadcast_in_dim3A_473 = vector.broadcast %broadcast_in_dim3A_472 : i32 to vector<16xi32>
      %add3A_474 = arith.constant 6 : i32
      %add3A_475 = vector.broadcast %add3A_474 : i32 to vector<16xi32>
      %add3A_476 = arith.addi %mul3A_181, %add3A_475 : vector<16xi32>
      %gather3A_477 = tpu.vector_load_idx %arg7[%add3A_476] : memref<66560xf32, #tpu.memory_space<vmem>>[vector<16xi32>], vector<16xf32>,
      %gt3A_478 = arith.cmpf ogt, %gather3A_477, %max3A_435 : vector<16xf32>
      %gt3A_479 = arith.cmpf ogt, %gather3A_477, %max3A_433 : vector<16xf32>
      %select_n3A_480 = arith.select %gt3A_479, %broadcast_in_dim3A_473, %select_n3A_431 : vector<16xi1>, vector<16xi32>
      %select_n3A_481 = arith.select %gt3A_478, %select_n3A_434, %select_n3A_480 : vector<16xi1>, vector<16xi32>
      %min3A_482 = arith.minimumf %max3A_435, %gather3A_477 : vector<16xf32>
      %max3A_483 = arith.maximumf %max3A_433, %min3A_482 : vector<16xf32>
      %select_n3A_484 = arith.select %gt3A_478, %broadcast_in_dim3A_473, %select_n3A_434 : vector<16xi1>, vector<16xi32>
      %max3A_485 = arith.maximumf %max3A_435, %gather3A_477 : vector<16xf32>
      %add3A_486 = arith.constant 6 : i32
      %add3A_487 = vector.broadcast %add3A_486 : i32 to vector<16xi32>
      %add3A_488 = arith.addi %mul3A_194, %add3A_487 : vector<16xi32>
      %gather3A_489 = tpu.vector_load_idx %arg7[%add3A_488] : memref<66560xf32, #tpu.memory_space<vmem>>[vector<16xi32>], vector<16xf32>,
      %gt3A_490 = arith.cmpf ogt, %gather3A_489, %max3A_447 : vector<16xf32>
      %gt3A_491 = arith.cmpf ogt, %gather3A_489, %max3A_445 : vector<16xf32>
      %select_n3A_492 = arith.select %gt3A_491, %broadcast_in_dim3A_473, %select_n3A_443 : vector<16xi1>, vector<16xi32>
      %select_n3A_493 = arith.select %gt3A_490, %select_n3A_446, %select_n3A_492 : vector<16xi1>, vector<16xi32>
      %min3A_494 = arith.minimumf %max3A_447, %gather3A_489 : vector<16xf32>
      %max3A_495 = arith.maximumf %max3A_445, %min3A_494 : vector<16xf32>
      %select_n3A_496 = arith.select %gt3A_490, %broadcast_in_dim3A_473, %select_n3A_446 : vector<16xi1>, vector<16xi32>
      %max3A_497 = arith.maximumf %max3A_447, %gather3A_489 : vector<16xf32>
      %add3A_498 = arith.constant 6 : i32
      %add3A_499 = vector.broadcast %add3A_498 : i32 to vector<16xi32>
      %add3A_500 = arith.addi %mul3A_208, %add3A_499 : vector<16xi32>
      %gather3A_501 = tpu.vector_load_idx %arg7[%add3A_500] : memref<66560xf32, #tpu.memory_space<vmem>>[vector<16xi32>], vector<16xf32>,
      %gt3A_502 = arith.cmpf ogt, %gather3A_501, %max3A_459 : vector<16xf32>
      %gt3A_503 = arith.cmpf ogt, %gather3A_501, %max3A_457 : vector<16xf32>
      %select_n3A_504 = arith.select %gt3A_503, %broadcast_in_dim3A_473, %select_n3A_455 : vector<16xi1>, vector<16xi32>
      %select_n3A_505 = arith.select %gt3A_502, %select_n3A_458, %select_n3A_504 : vector<16xi1>, vector<16xi32>
      %min3A_506 = arith.minimumf %max3A_459, %gather3A_501 : vector<16xf32>
      %max3A_507 = arith.maximumf %max3A_457, %min3A_506 : vector<16xf32>
      %select_n3A_508 = arith.select %gt3A_502, %broadcast_in_dim3A_473, %select_n3A_458 : vector<16xi1>, vector<16xi32>
      %max3A_509 = arith.maximumf %max3A_459, %gather3A_501 : vector<16xf32>
      %add3A_510 = arith.constant 6 : i32
      %add3A_511 = vector.broadcast %add3A_510 : i32 to vector<16xi32>
      %add3A_512 = arith.addi %mul3A_222, %add3A_511 : vector<16xi32>
      %gather3A_513 = tpu.vector_load_idx %arg7[%add3A_512] : memref<66560xf32, #tpu.memory_space<vmem>>[vector<16xi32>], vector<16xf32>,
      %gt3A_514 = arith.cmpf ogt, %gather3A_513, %max3A_471 : vector<16xf32>
      %gt3A_515 = arith.cmpf ogt, %gather3A_513, %max3A_469 : vector<16xf32>
      %select_n3A_516 = arith.select %gt3A_515, %broadcast_in_dim3A_473, %select_n3A_467 : vector<16xi1>, vector<16xi32>
      %select_n3A_517 = arith.select %gt3A_514, %select_n3A_470, %select_n3A_516 : vector<16xi1>, vector<16xi32>
      %min3A_518 = arith.minimumf %max3A_471, %gather3A_513 : vector<16xf32>
      %max3A_519 = arith.maximumf %max3A_469, %min3A_518 : vector<16xf32>
      %select_n3A_520 = arith.select %gt3A_514, %broadcast_in_dim3A_473, %select_n3A_470 : vector<16xi1>, vector<16xi32>
      %max3A_521 = arith.maximumf %max3A_471, %gather3A_513 : vector<16xf32>
      %broadcast_in_dim3A_522 = arith.constant 7 : i32
      %broadcast_in_dim3A_523 = vector.broadcast %broadcast_in_dim3A_522 : i32 to vector<16xi32>
      %add3A_524 = arith.constant 7 : i32
      %add3A_525 = vector.broadcast %add3A_524 : i32 to vector<16xi32>
      %add3A_526 = arith.addi %mul3A_181, %add3A_525 : vector<16xi32>
      %gather3A_527 = tpu.vector_load_idx %arg7[%add3A_526] : memref<66560xf32, #tpu.memory_space<vmem>>[vector<16xi32>], vector<16xf32>,
      %gt3A_528 = arith.cmpf ogt, %gather3A_527, %max3A_485 : vector<16xf32>
      %gt3A_529 = arith.cmpf ogt, %gather3A_527, %max3A_483 : vector<16xf32>
      %select_n3A_530 = arith.select %gt3A_529, %broadcast_in_dim3A_523, %select_n3A_481 : vector<16xi1>, vector<16xi32>
      %select_n3A_531 = arith.select %gt3A_528, %select_n3A_484, %select_n3A_530 : vector<16xi1>, vector<16xi32>
      %min3A_532 = arith.minimumf %max3A_485, %gather3A_527 : vector<16xf32>
      %max3A_533 = arith.maximumf %max3A_483, %min3A_532 : vector<16xf32>
      %select_n3A_534 = arith.select %gt3A_528, %broadcast_in_dim3A_523, %select_n3A_484 : vector<16xi1>, vector<16xi32>
      %max3A_535 = arith.maximumf %max3A_485, %gather3A_527 : vector<16xf32>
      %add3A_536 = arith.constant 7 : i32
      %add3A_537 = vector.broadcast %add3A_536 : i32 to vector<16xi32>
      %add3A_538 = arith.addi %mul3A_194, %add3A_537 : vector<16xi32>
      %gather3A_539 = tpu.vector_load_idx %arg7[%add3A_538] : memref<66560xf32, #tpu.memory_space<vmem>>[vector<16xi32>], vector<16xf32>,
      %gt3A_540 = arith.cmpf ogt, %gather3A_539, %max3A_497 : vector<16xf32>
      %gt3A_541 = arith.cmpf ogt, %gather3A_539, %max3A_495 : vector<16xf32>
      %select_n3A_542 = arith.select %gt3A_541, %broadcast_in_dim3A_523, %select_n3A_493 : vector<16xi1>, vector<16xi32>
      %select_n3A_543 = arith.select %gt3A_540, %select_n3A_496, %select_n3A_542 : vector<16xi1>, vector<16xi32>
      %min3A_544 = arith.minimumf %max3A_497, %gather3A_539 : vector<16xf32>
      %max3A_545 = arith.maximumf %max3A_495, %min3A_544 : vector<16xf32>
      %select_n3A_546 = arith.select %gt3A_540, %broadcast_in_dim3A_523, %select_n3A_496 : vector<16xi1>, vector<16xi32>
      %max3A_547 = arith.maximumf %max3A_497, %gather3A_539 : vector<16xf32>
      %add3A_548 = arith.constant 7 : i32
      %add3A_549 = vector.broadcast %add3A_548 : i32 to vector<16xi32>
      %add3A_550 = arith.addi %mul3A_208, %add3A_549 : vector<16xi32>
      %gather3A_551 = tpu.vector_load_idx %arg7[%add3A_550] : memref<66560xf32, #tpu.memory_space<vmem>>[vector<16xi32>], vector<16xf32>,
      %gt3A_552 = arith.cmpf ogt, %gather3A_551, %max3A_509 : vector<16xf32>
      %gt3A_553 = arith.cmpf ogt, %gather3A_551, %max3A_507 : vector<16xf32>
      %select_n3A_554 = arith.select %gt3A_553, %broadcast_in_dim3A_523, %select_n3A_505 : vector<16xi1>, vector<16xi32>
      %select_n3A_555 = arith.select %gt3A_552, %select_n3A_508, %select_n3A_554 : vector<16xi1>, vector<16xi32>
      %min3A_556 = arith.minimumf %max3A_509, %gather3A_551 : vector<16xf32>
      %max3A_557 = arith.maximumf %max3A_507, %min3A_556 : vector<16xf32>
      %select_n3A_558 = arith.select %gt3A_552, %broadcast_in_dim3A_523, %select_n3A_508 : vector<16xi1>, vector<16xi32>
      %max3A_559 = arith.maximumf %max3A_509, %gather3A_551 : vector<16xf32>
      %add3A_560 = arith.constant 7 : i32
      %add3A_561 = vector.broadcast %add3A_560 : i32 to vector<16xi32>
      %add3A_562 = arith.addi %mul3A_222, %add3A_561 : vector<16xi32>
      %gather3A_563 = tpu.vector_load_idx %arg7[%add3A_562] : memref<66560xf32, #tpu.memory_space<vmem>>[vector<16xi32>], vector<16xf32>,
      %gt3A_564 = arith.cmpf ogt, %gather3A_563, %max3A_521 : vector<16xf32>
      %gt3A_565 = arith.cmpf ogt, %gather3A_563, %max3A_519 : vector<16xf32>
      %select_n3A_566 = arith.select %gt3A_565, %broadcast_in_dim3A_523, %select_n3A_517 : vector<16xi1>, vector<16xi32>
      %select_n3A_567 = arith.select %gt3A_564, %select_n3A_520, %select_n3A_566 : vector<16xi1>, vector<16xi32>
      %min3A_568 = arith.minimumf %max3A_521, %gather3A_563 : vector<16xf32>
      %max3A_569 = arith.maximumf %max3A_519, %min3A_568 : vector<16xf32>
      %select_n3A_570 = arith.select %gt3A_564, %broadcast_in_dim3A_523, %select_n3A_520 : vector<16xi1>, vector<16xi32>
      %max3A_571 = arith.maximumf %max3A_521, %gather3A_563 : vector<16xf32>
      %broadcast_in_dim3A_572 = arith.constant 8 : i32
      %broadcast_in_dim3A_573 = vector.broadcast %broadcast_in_dim3A_572 : i32 to vector<16xi32>
      %add3A_574 = arith.constant 8 : i32
      %add3A_575 = vector.broadcast %add3A_574 : i32 to vector<16xi32>
      %add3A_576 = arith.addi %mul3A_181, %add3A_575 : vector<16xi32>
      %gather3A_577 = tpu.vector_load_idx %arg7[%add3A_576] : memref<66560xf32, #tpu.memory_space<vmem>>[vector<16xi32>], vector<16xf32>,
      %gt3A_578 = arith.cmpf ogt, %gather3A_577, %max3A_535 : vector<16xf32>
      %gt3A_579 = arith.cmpf ogt, %gather3A_577, %max3A_533 : vector<16xf32>
      %select_n3A_580 = arith.select %gt3A_579, %broadcast_in_dim3A_573, %select_n3A_531 : vector<16xi1>, vector<16xi32>
      %select_n3A_581 = arith.select %gt3A_578, %select_n3A_534, %select_n3A_580 : vector<16xi1>, vector<16xi32>
      %min3A_582 = arith.minimumf %max3A_535, %gather3A_577 : vector<16xf32>
      %max3A_583 = arith.maximumf %max3A_533, %min3A_582 : vector<16xf32>
      %select_n3A_584 = arith.select %gt3A_578, %broadcast_in_dim3A_573, %select_n3A_534 : vector<16xi1>, vector<16xi32>
      %max3A_585 = arith.maximumf %max3A_535, %gather3A_577 : vector<16xf32>
      %add3A_586 = arith.constant 8 : i32
      %add3A_587 = vector.broadcast %add3A_586 : i32 to vector<16xi32>
      %add3A_588 = arith.addi %mul3A_194, %add3A_587 : vector<16xi32>
      %gather3A_589 = tpu.vector_load_idx %arg7[%add3A_588] : memref<66560xf32, #tpu.memory_space<vmem>>[vector<16xi32>], vector<16xf32>,
      %gt3A_590 = arith.cmpf ogt, %gather3A_589, %max3A_547 : vector<16xf32>
      %gt3A_591 = arith.cmpf ogt, %gather3A_589, %max3A_545 : vector<16xf32>
      %select_n3A_592 = arith.select %gt3A_591, %broadcast_in_dim3A_573, %select_n3A_543 : vector<16xi1>, vector<16xi32>
      %select_n3A_593 = arith.select %gt3A_590, %select_n3A_546, %select_n3A_592 : vector<16xi1>, vector<16xi32>
      %min3A_594 = arith.minimumf %max3A_547, %gather3A_589 : vector<16xf32>
      %max3A_595 = arith.maximumf %max3A_545, %min3A_594 : vector<16xf32>
      %select_n3A_596 = arith.select %gt3A_590, %broadcast_in_dim3A_573, %select_n3A_546 : vector<16xi1>, vector<16xi32>
      %max3A_597 = arith.maximumf %max3A_547, %gather3A_589 : vector<16xf32>
      %add3A_598 = arith.constant 8 : i32
      %add3A_599 = vector.broadcast %add3A_598 : i32 to vector<16xi32>
      %add3A_600 = arith.addi %mul3A_208, %add3A_599 : vector<16xi32>
      %gather3A_601 = tpu.vector_load_idx %arg7[%add3A_600] : memref<66560xf32, #tpu.memory_space<vmem>>[vector<16xi32>], vector<16xf32>,
      %gt3A_602 = arith.cmpf ogt, %gather3A_601, %max3A_559 : vector<16xf32>
      %gt3A_603 = arith.cmpf ogt, %gather3A_601, %max3A_557 : vector<16xf32>
      %select_n3A_604 = arith.select %gt3A_603, %broadcast_in_dim3A_573, %select_n3A_555 : vector<16xi1>, vector<16xi32>
      %select_n3A_605 = arith.select %gt3A_602, %select_n3A_558, %select_n3A_604 : vector<16xi1>, vector<16xi32>
      %min3A_606 = arith.minimumf %max3A_559, %gather3A_601 : vector<16xf32>
      %max3A_607 = arith.maximumf %max3A_557, %min3A_606 : vector<16xf32>
      %select_n3A_608 = arith.select %gt3A_602, %broadcast_in_dim3A_573, %select_n3A_558 : vector<16xi1>, vector<16xi32>
      %max3A_609 = arith.maximumf %max3A_559, %gather3A_601 : vector<16xf32>
      %add3A_610 = arith.constant 8 : i32
      %add3A_611 = vector.broadcast %add3A_610 : i32 to vector<16xi32>
      %add3A_612 = arith.addi %mul3A_222, %add3A_611 : vector<16xi32>
      %gather3A_613 = tpu.vector_load_idx %arg7[%add3A_612] : memref<66560xf32, #tpu.memory_space<vmem>>[vector<16xi32>], vector<16xf32>,
      %gt3A_614 = arith.cmpf ogt, %gather3A_613, %max3A_571 : vector<16xf32>
      %gt3A_615 = arith.cmpf ogt, %gather3A_613, %max3A_569 : vector<16xf32>
      %select_n3A_616 = arith.select %gt3A_615, %broadcast_in_dim3A_573, %select_n3A_567 : vector<16xi1>, vector<16xi32>
      %select_n3A_617 = arith.select %gt3A_614, %select_n3A_570, %select_n3A_616 : vector<16xi1>, vector<16xi32>
      %min3A_618 = arith.minimumf %max3A_571, %gather3A_613 : vector<16xf32>
      %max3A_619 = arith.maximumf %max3A_569, %min3A_618 : vector<16xf32>
      %select_n3A_620 = arith.select %gt3A_614, %broadcast_in_dim3A_573, %select_n3A_570 : vector<16xi1>, vector<16xi32>
      %max3A_621 = arith.maximumf %max3A_571, %gather3A_613 : vector<16xf32>
      %broadcast_in_dim3A_622 = arith.constant 9 : i32
      %broadcast_in_dim3A_623 = vector.broadcast %broadcast_in_dim3A_622 : i32 to vector<16xi32>
      %add3A_624 = arith.constant 9 : i32
      %add3A_625 = vector.broadcast %add3A_624 : i32 to vector<16xi32>
      %add3A_626 = arith.addi %mul3A_181, %add3A_625 : vector<16xi32>
      %gather3A_627 = tpu.vector_load_idx %arg7[%add3A_626] : memref<66560xf32, #tpu.memory_space<vmem>>[vector<16xi32>], vector<16xf32>,
      %gt3A_628 = arith.cmpf ogt, %gather3A_627, %max3A_585 : vector<16xf32>
      %gt3A_629 = arith.cmpf ogt, %gather3A_627, %max3A_583 : vector<16xf32>
      %select_n3A_630 = arith.select %gt3A_629, %broadcast_in_dim3A_623, %select_n3A_581 : vector<16xi1>, vector<16xi32>
      %select_n3A_631 = arith.select %gt3A_628, %select_n3A_584, %select_n3A_630 : vector<16xi1>, vector<16xi32>
      %min3A_632 = arith.minimumf %max3A_585, %gather3A_627 : vector<16xf32>
      %max3A_633 = arith.maximumf %max3A_583, %min3A_632 : vector<16xf32>
      %select_n3A_634 = arith.select %gt3A_628, %broadcast_in_dim3A_623, %select_n3A_584 : vector<16xi1>, vector<16xi32>
      %max3A_635 = arith.maximumf %max3A_585, %gather3A_627 : vector<16xf32>
      %add3A_636 = arith.constant 9 : i32
      %add3A_637 = vector.broadcast %add3A_636 : i32 to vector<16xi32>
      %add3A_638 = arith.addi %mul3A_194, %add3A_637 : vector<16xi32>
      %gather3A_639 = tpu.vector_load_idx %arg7[%add3A_638] : memref<66560xf32, #tpu.memory_space<vmem>>[vector<16xi32>], vector<16xf32>,
      %gt3A_640 = arith.cmpf ogt, %gather3A_639, %max3A_597 : vector<16xf32>
      %gt3A_641 = arith.cmpf ogt, %gather3A_639, %max3A_595 : vector<16xf32>
      %select_n3A_642 = arith.select %gt3A_641, %broadcast_in_dim3A_623, %select_n3A_593 : vector<16xi1>, vector<16xi32>
      %select_n3A_643 = arith.select %gt3A_640, %select_n3A_596, %select_n3A_642 : vector<16xi1>, vector<16xi32>
      %min3A_644 = arith.minimumf %max3A_597, %gather3A_639 : vector<16xf32>
      %max3A_645 = arith.maximumf %max3A_595, %min3A_644 : vector<16xf32>
      %select_n3A_646 = arith.select %gt3A_640, %broadcast_in_dim3A_623, %select_n3A_596 : vector<16xi1>, vector<16xi32>
      %max3A_647 = arith.maximumf %max3A_597, %gather3A_639 : vector<16xf32>
      %add3A_648 = arith.constant 9 : i32
      %add3A_649 = vector.broadcast %add3A_648 : i32 to vector<16xi32>
      %add3A_650 = arith.addi %mul3A_208, %add3A_649 : vector<16xi32>
      %gather3A_651 = tpu.vector_load_idx %arg7[%add3A_650] : memref<66560xf32, #tpu.memory_space<vmem>>[vector<16xi32>], vector<16xf32>,
      %gt3A_652 = arith.cmpf ogt, %gather3A_651, %max3A_609 : vector<16xf32>
      %gt3A_653 = arith.cmpf ogt, %gather3A_651, %max3A_607 : vector<16xf32>
      %select_n3A_654 = arith.select %gt3A_653, %broadcast_in_dim3A_623, %select_n3A_605 : vector<16xi1>, vector<16xi32>
      %select_n3A_655 = arith.select %gt3A_652, %select_n3A_608, %select_n3A_654 : vector<16xi1>, vector<16xi32>
      %min3A_656 = arith.minimumf %max3A_609, %gather3A_651 : vector<16xf32>
      %max3A_657 = arith.maximumf %max3A_607, %min3A_656 : vector<16xf32>
      %select_n3A_658 = arith.select %gt3A_652, %broadcast_in_dim3A_623, %select_n3A_608 : vector<16xi1>, vector<16xi32>
      %max3A_659 = arith.maximumf %max3A_609, %gather3A_651 : vector<16xf32>
      %add3A_660 = arith.constant 9 : i32
      %add3A_661 = vector.broadcast %add3A_660 : i32 to vector<16xi32>
      %add3A_662 = arith.addi %mul3A_222, %add3A_661 : vector<16xi32>
      %gather3A_663 = tpu.vector_load_idx %arg7[%add3A_662] : memref<66560xf32, #tpu.memory_space<vmem>>[vector<16xi32>], vector<16xf32>,
      %gt3A_664 = arith.cmpf ogt, %gather3A_663, %max3A_621 : vector<16xf32>
      %gt3A_665 = arith.cmpf ogt, %gather3A_663, %max3A_619 : vector<16xf32>
      %select_n3A_666 = arith.select %gt3A_665, %broadcast_in_dim3A_623, %select_n3A_617 : vector<16xi1>, vector<16xi32>
      %select_n3A_667 = arith.select %gt3A_664, %select_n3A_620, %select_n3A_666 : vector<16xi1>, vector<16xi32>
      %min3A_668 = arith.minimumf %max3A_621, %gather3A_663 : vector<16xf32>
      %max3A_669 = arith.maximumf %max3A_619, %min3A_668 : vector<16xf32>
      %select_n3A_670 = arith.select %gt3A_664, %broadcast_in_dim3A_623, %select_n3A_620 : vector<16xi1>, vector<16xi32>
      %max3A_671 = arith.maximumf %max3A_621, %gather3A_663 : vector<16xf32>
      %broadcast_in_dim3A_672 = arith.constant 10 : i32
      %broadcast_in_dim3A_673 = vector.broadcast %broadcast_in_dim3A_672 : i32 to vector<16xi32>
      %add3A_674 = arith.constant 10 : i32
      %add3A_675 = vector.broadcast %add3A_674 : i32 to vector<16xi32>
      %add3A_676 = arith.addi %mul3A_181, %add3A_675 : vector<16xi32>
      %gather3A_677 = tpu.vector_load_idx %arg7[%add3A_676] : memref<66560xf32, #tpu.memory_space<vmem>>[vector<16xi32>], vector<16xf32>,
      %gt3A_678 = arith.cmpf ogt, %gather3A_677, %max3A_635 : vector<16xf32>
      %gt3A_679 = arith.cmpf ogt, %gather3A_677, %max3A_633 : vector<16xf32>
      %select_n3A_680 = arith.select %gt3A_679, %broadcast_in_dim3A_673, %select_n3A_631 : vector<16xi1>, vector<16xi32>
      %select_n3A_681 = arith.select %gt3A_678, %select_n3A_634, %select_n3A_680 : vector<16xi1>, vector<16xi32>
      %min3A_682 = arith.minimumf %max3A_635, %gather3A_677 : vector<16xf32>
      %max3A_683 = arith.maximumf %max3A_633, %min3A_682 : vector<16xf32>
      %select_n3A_684 = arith.select %gt3A_678, %broadcast_in_dim3A_673, %select_n3A_634 : vector<16xi1>, vector<16xi32>
      %max3A_685 = arith.maximumf %max3A_635, %gather3A_677 : vector<16xf32>
      %add3A_686 = arith.constant 10 : i32
      %add3A_687 = vector.broadcast %add3A_686 : i32 to vector<16xi32>
      %add3A_688 = arith.addi %mul3A_194, %add3A_687 : vector<16xi32>
      %gather3A_689 = tpu.vector_load_idx %arg7[%add3A_688] : memref<66560xf32, #tpu.memory_space<vmem>>[vector<16xi32>], vector<16xf32>,
      %gt3A_690 = arith.cmpf ogt, %gather3A_689, %max3A_647 : vector<16xf32>
      %gt3A_691 = arith.cmpf ogt, %gather3A_689, %max3A_645 : vector<16xf32>
      %select_n3A_692 = arith.select %gt3A_691, %broadcast_in_dim3A_673, %select_n3A_643 : vector<16xi1>, vector<16xi32>
      %select_n3A_693 = arith.select %gt3A_690, %select_n3A_646, %select_n3A_692 : vector<16xi1>, vector<16xi32>
      %min3A_694 = arith.minimumf %max3A_647, %gather3A_689 : vector<16xf32>
      %max3A_695 = arith.maximumf %max3A_645, %min3A_694 : vector<16xf32>
      %select_n3A_696 = arith.select %gt3A_690, %broadcast_in_dim3A_673, %select_n3A_646 : vector<16xi1>, vector<16xi32>
      %max3A_697 = arith.maximumf %max3A_647, %gather3A_689 : vector<16xf32>
      %add3A_698 = arith.constant 10 : i32
      %add3A_699 = vector.broadcast %add3A_698 : i32 to vector<16xi32>
      %add3A_700 = arith.addi %mul3A_208, %add3A_699 : vector<16xi32>
      %gather3A_701 = tpu.vector_load_idx %arg7[%add3A_700] : memref<66560xf32, #tpu.memory_space<vmem>>[vector<16xi32>], vector<16xf32>,
      %gt3A_702 = arith.cmpf ogt, %gather3A_701, %max3A_659 : vector<16xf32>
      %gt3A_703 = arith.cmpf ogt, %gather3A_701, %max3A_657 : vector<16xf32>
      %select_n3A_704 = arith.select %gt3A_703, %broadcast_in_dim3A_673, %select_n3A_655 : vector<16xi1>, vector<16xi32>
      %select_n3A_705 = arith.select %gt3A_702, %select_n3A_658, %select_n3A_704 : vector<16xi1>, vector<16xi32>
      %min3A_706 = arith.minimumf %max3A_659, %gather3A_701 : vector<16xf32>
      %max3A_707 = arith.maximumf %max3A_657, %min3A_706 : vector<16xf32>
      %select_n3A_708 = arith.select %gt3A_702, %broadcast_in_dim3A_673, %select_n3A_658 : vector<16xi1>, vector<16xi32>
      %max3A_709 = arith.maximumf %max3A_659, %gather3A_701 : vector<16xf32>
      %add3A_710 = arith.constant 10 : i32
      %add3A_711 = vector.broadcast %add3A_710 : i32 to vector<16xi32>
      %add3A_712 = arith.addi %mul3A_222, %add3A_711 : vector<16xi32>
      %gather3A_713 = tpu.vector_load_idx %arg7[%add3A_712] : memref<66560xf32, #tpu.memory_space<vmem>>[vector<16xi32>], vector<16xf32>,
      %gt3A_714 = arith.cmpf ogt, %gather3A_713, %max3A_671 : vector<16xf32>
      %gt3A_715 = arith.cmpf ogt, %gather3A_713, %max3A_669 : vector<16xf32>
      %select_n3A_716 = arith.select %gt3A_715, %broadcast_in_dim3A_673, %select_n3A_667 : vector<16xi1>, vector<16xi32>
      %select_n3A_717 = arith.select %gt3A_714, %select_n3A_670, %select_n3A_716 : vector<16xi1>, vector<16xi32>
      %min3A_718 = arith.minimumf %max3A_671, %gather3A_713 : vector<16xf32>
      %max3A_719 = arith.maximumf %max3A_669, %min3A_718 : vector<16xf32>
      %select_n3A_720 = arith.select %gt3A_714, %broadcast_in_dim3A_673, %select_n3A_670 : vector<16xi1>, vector<16xi32>
      %max3A_721 = arith.maximumf %max3A_671, %gather3A_713 : vector<16xf32>
      %broadcast_in_dim3A_722 = arith.constant 11 : i32
      %broadcast_in_dim3A_723 = vector.broadcast %broadcast_in_dim3A_722 : i32 to vector<16xi32>
      %add3A_724 = arith.constant 11 : i32
      %add3A_725 = vector.broadcast %add3A_724 : i32 to vector<16xi32>
      %add3A_726 = arith.addi %mul3A_181, %add3A_725 : vector<16xi32>
      %gather3A_727 = tpu.vector_load_idx %arg7[%add3A_726] : memref<66560xf32, #tpu.memory_space<vmem>>[vector<16xi32>], vector<16xf32>,
      %gt3A_728 = arith.cmpf ogt, %gather3A_727, %max3A_685 : vector<16xf32>
      %gt3A_729 = arith.cmpf ogt, %gather3A_727, %max3A_683 : vector<16xf32>
      %select_n3A_730 = arith.select %gt3A_729, %broadcast_in_dim3A_723, %select_n3A_681 : vector<16xi1>, vector<16xi32>
      %select_n3A_731 = arith.select %gt3A_728, %select_n3A_684, %select_n3A_730 : vector<16xi1>, vector<16xi32>
      %min3A_732 = arith.minimumf %max3A_685, %gather3A_727 : vector<16xf32>
      %max3A_733 = arith.maximumf %max3A_683, %min3A_732 : vector<16xf32>
      %select_n3A_734 = arith.select %gt3A_728, %broadcast_in_dim3A_723, %select_n3A_684 : vector<16xi1>, vector<16xi32>
      %max3A_735 = arith.maximumf %max3A_685, %gather3A_727 : vector<16xf32>
      %add3A_736 = arith.constant 11 : i32
      %add3A_737 = vector.broadcast %add3A_736 : i32 to vector<16xi32>
      %add3A_738 = arith.addi %mul3A_194, %add3A_737 : vector<16xi32>
      %gather3A_739 = tpu.vector_load_idx %arg7[%add3A_738] : memref<66560xf32, #tpu.memory_space<vmem>>[vector<16xi32>], vector<16xf32>,
      %gt3A_740 = arith.cmpf ogt, %gather3A_739, %max3A_697 : vector<16xf32>
      %gt3A_741 = arith.cmpf ogt, %gather3A_739, %max3A_695 : vector<16xf32>
      %select_n3A_742 = arith.select %gt3A_741, %broadcast_in_dim3A_723, %select_n3A_693 : vector<16xi1>, vector<16xi32>
      %select_n3A_743 = arith.select %gt3A_740, %select_n3A_696, %select_n3A_742 : vector<16xi1>, vector<16xi32>
      %min3A_744 = arith.minimumf %max3A_697, %gather3A_739 : vector<16xf32>
      %max3A_745 = arith.maximumf %max3A_695, %min3A_744 : vector<16xf32>
      %select_n3A_746 = arith.select %gt3A_740, %broadcast_in_dim3A_723, %select_n3A_696 : vector<16xi1>, vector<16xi32>
      %max3A_747 = arith.maximumf %max3A_697, %gather3A_739 : vector<16xf32>
      %add3A_748 = arith.constant 11 : i32
      %add3A_749 = vector.broadcast %add3A_748 : i32 to vector<16xi32>
      %add3A_750 = arith.addi %mul3A_208, %add3A_749 : vector<16xi32>
      %gather3A_751 = tpu.vector_load_idx %arg7[%add3A_750] : memref<66560xf32, #tpu.memory_space<vmem>>[vector<16xi32>], vector<16xf32>,
      %gt3A_752 = arith.cmpf ogt, %gather3A_751, %max3A_709 : vector<16xf32>
      %gt3A_753 = arith.cmpf ogt, %gather3A_751, %max3A_707 : vector<16xf32>
      %select_n3A_754 = arith.select %gt3A_753, %broadcast_in_dim3A_723, %select_n3A_705 : vector<16xi1>, vector<16xi32>
      %select_n3A_755 = arith.select %gt3A_752, %select_n3A_708, %select_n3A_754 : vector<16xi1>, vector<16xi32>
      %min3A_756 = arith.minimumf %max3A_709, %gather3A_751 : vector<16xf32>
      %max3A_757 = arith.maximumf %max3A_707, %min3A_756 : vector<16xf32>
      %select_n3A_758 = arith.select %gt3A_752, %broadcast_in_dim3A_723, %select_n3A_708 : vector<16xi1>, vector<16xi32>
      %max3A_759 = arith.maximumf %max3A_709, %gather3A_751 : vector<16xf32>
      %add3A_760 = arith.constant 11 : i32
      %add3A_761 = vector.broadcast %add3A_760 : i32 to vector<16xi32>
      %add3A_762 = arith.addi %mul3A_222, %add3A_761 : vector<16xi32>
      %gather3A_763 = tpu.vector_load_idx %arg7[%add3A_762] : memref<66560xf32, #tpu.memory_space<vmem>>[vector<16xi32>], vector<16xf32>,
      %gt3A_764 = arith.cmpf ogt, %gather3A_763, %max3A_721 : vector<16xf32>
      %gt3A_765 = arith.cmpf ogt, %gather3A_763, %max3A_719 : vector<16xf32>
      %select_n3A_766 = arith.select %gt3A_765, %broadcast_in_dim3A_723, %select_n3A_717 : vector<16xi1>, vector<16xi32>
      %select_n3A_767 = arith.select %gt3A_764, %select_n3A_720, %select_n3A_766 : vector<16xi1>, vector<16xi32>
      %min3A_768 = arith.minimumf %max3A_721, %gather3A_763 : vector<16xf32>
      %max3A_769 = arith.maximumf %max3A_719, %min3A_768 : vector<16xf32>
      %select_n3A_770 = arith.select %gt3A_764, %broadcast_in_dim3A_723, %select_n3A_720 : vector<16xi1>, vector<16xi32>
      %max3A_771 = arith.maximumf %max3A_721, %gather3A_763 : vector<16xf32>
      %broadcast_in_dim3A_772 = arith.constant 12 : i32
      %broadcast_in_dim3A_773 = vector.broadcast %broadcast_in_dim3A_772 : i32 to vector<16xi32>
      %add3A_774 = arith.constant 12 : i32
      %add3A_775 = vector.broadcast %add3A_774 : i32 to vector<16xi32>
      %add3A_776 = arith.addi %mul3A_181, %add3A_775 : vector<16xi32>
      %gather3A_777 = tpu.vector_load_idx %arg7[%add3A_776] : memref<66560xf32, #tpu.memory_space<vmem>>[vector<16xi32>], vector<16xf32>,
      %gt3A_778 = arith.cmpf ogt, %gather3A_777, %max3A_735 : vector<16xf32>
      %gt3A_779 = arith.cmpf ogt, %gather3A_777, %max3A_733 : vector<16xf32>
      %select_n3A_780 = arith.select %gt3A_779, %broadcast_in_dim3A_773, %select_n3A_731 : vector<16xi1>, vector<16xi32>
      %select_n3A_781 = arith.select %gt3A_778, %select_n3A_734, %select_n3A_780 : vector<16xi1>, vector<16xi32>
      %min3A_782 = arith.minimumf %max3A_735, %gather3A_777 : vector<16xf32>
      %max3A_783 = arith.maximumf %max3A_733, %min3A_782 : vector<16xf32>
      %select_n3A_784 = arith.select %gt3A_778, %broadcast_in_dim3A_773, %select_n3A_734 : vector<16xi1>, vector<16xi32>
      %max3A_785 = arith.maximumf %max3A_735, %gather3A_777 : vector<16xf32>
      %add3A_786 = arith.constant 12 : i32
      %add3A_787 = vector.broadcast %add3A_786 : i32 to vector<16xi32>
      %add3A_788 = arith.addi %mul3A_194, %add3A_787 : vector<16xi32>
      %gather3A_789 = tpu.vector_load_idx %arg7[%add3A_788] : memref<66560xf32, #tpu.memory_space<vmem>>[vector<16xi32>], vector<16xf32>,
      %gt3A_790 = arith.cmpf ogt, %gather3A_789, %max3A_747 : vector<16xf32>
      %gt3A_791 = arith.cmpf ogt, %gather3A_789, %max3A_745 : vector<16xf32>
      %select_n3A_792 = arith.select %gt3A_791, %broadcast_in_dim3A_773, %select_n3A_743 : vector<16xi1>, vector<16xi32>
      %select_n3A_793 = arith.select %gt3A_790, %select_n3A_746, %select_n3A_792 : vector<16xi1>, vector<16xi32>
      %min3A_794 = arith.minimumf %max3A_747, %gather3A_789 : vector<16xf32>
      %max3A_795 = arith.maximumf %max3A_745, %min3A_794 : vector<16xf32>
      %select_n3A_796 = arith.select %gt3A_790, %broadcast_in_dim3A_773, %select_n3A_746 : vector<16xi1>, vector<16xi32>
      %max3A_797 = arith.maximumf %max3A_747, %gather3A_789 : vector<16xf32>
      %add3A_798 = arith.constant 12 : i32
      %add3A_799 = vector.broadcast %add3A_798 : i32 to vector<16xi32>
      %add3A_800 = arith.addi %mul3A_208, %add3A_799 : vector<16xi32>
      %gather3A_801 = tpu.vector_load_idx %arg7[%add3A_800] : memref<66560xf32, #tpu.memory_space<vmem>>[vector<16xi32>], vector<16xf32>,
      %gt3A_802 = arith.cmpf ogt, %gather3A_801, %max3A_759 : vector<16xf32>
      %gt3A_803 = arith.cmpf ogt, %gather3A_801, %max3A_757 : vector<16xf32>
      %select_n3A_804 = arith.select %gt3A_803, %broadcast_in_dim3A_773, %select_n3A_755 : vector<16xi1>, vector<16xi32>
      %select_n3A_805 = arith.select %gt3A_802, %select_n3A_758, %select_n3A_804 : vector<16xi1>, vector<16xi32>
      %min3A_806 = arith.minimumf %max3A_759, %gather3A_801 : vector<16xf32>
      %max3A_807 = arith.maximumf %max3A_757, %min3A_806 : vector<16xf32>
      %select_n3A_808 = arith.select %gt3A_802, %broadcast_in_dim3A_773, %select_n3A_758 : vector<16xi1>, vector<16xi32>
      %max3A_809 = arith.maximumf %max3A_759, %gather3A_801 : vector<16xf32>
      %add3A_810 = arith.constant 12 : i32
      %add3A_811 = vector.broadcast %add3A_810 : i32 to vector<16xi32>
      %add3A_812 = arith.addi %mul3A_222, %add3A_811 : vector<16xi32>
      %gather3A_813 = tpu.vector_load_idx %arg7[%add3A_812] : memref<66560xf32, #tpu.memory_space<vmem>>[vector<16xi32>], vector<16xf32>,
      %gt3A_814 = arith.cmpf ogt, %gather3A_813, %max3A_771 : vector<16xf32>
      %gt3A_815 = arith.cmpf ogt, %gather3A_813, %max3A_769 : vector<16xf32>
      %select_n3A_816 = arith.select %gt3A_815, %broadcast_in_dim3A_773, %select_n3A_767 : vector<16xi1>, vector<16xi32>
      %select_n3A_817 = arith.select %gt3A_814, %select_n3A_770, %select_n3A_816 : vector<16xi1>, vector<16xi32>
      %min3A_818 = arith.minimumf %max3A_771, %gather3A_813 : vector<16xf32>
      %max3A_819 = arith.maximumf %max3A_769, %min3A_818 : vector<16xf32>
      %select_n3A_820 = arith.select %gt3A_814, %broadcast_in_dim3A_773, %select_n3A_770 : vector<16xi1>, vector<16xi32>
      %max3A_821 = arith.maximumf %max3A_771, %gather3A_813 : vector<16xf32>
      %broadcast_in_dim3A_822 = arith.constant 13 : i32
      %broadcast_in_dim3A_823 = vector.broadcast %broadcast_in_dim3A_822 : i32 to vector<16xi32>
      %add3A_824 = arith.constant 13 : i32
      %add3A_825 = vector.broadcast %add3A_824 : i32 to vector<16xi32>
      %add3A_826 = arith.addi %mul3A_181, %add3A_825 : vector<16xi32>
      %gather3A_827 = tpu.vector_load_idx %arg7[%add3A_826] : memref<66560xf32, #tpu.memory_space<vmem>>[vector<16xi32>], vector<16xf32>,
      %gt3A_828 = arith.cmpf ogt, %gather3A_827, %max3A_785 : vector<16xf32>
      %gt3A_829 = arith.cmpf ogt, %gather3A_827, %max3A_783 : vector<16xf32>
      %select_n3A_830 = arith.select %gt3A_829, %broadcast_in_dim3A_823, %select_n3A_781 : vector<16xi1>, vector<16xi32>
      %select_n3A_831 = arith.select %gt3A_828, %select_n3A_784, %select_n3A_830 : vector<16xi1>, vector<16xi32>
      %min3A_832 = arith.minimumf %max3A_785, %gather3A_827 : vector<16xf32>
      %max3A_833 = arith.maximumf %max3A_783, %min3A_832 : vector<16xf32>
      %select_n3A_834 = arith.select %gt3A_828, %broadcast_in_dim3A_823, %select_n3A_784 : vector<16xi1>, vector<16xi32>
      %max3A_835 = arith.maximumf %max3A_785, %gather3A_827 : vector<16xf32>
      %add3A_836 = arith.constant 13 : i32
      %add3A_837 = vector.broadcast %add3A_836 : i32 to vector<16xi32>
      %add3A_838 = arith.addi %mul3A_194, %add3A_837 : vector<16xi32>
      %gather3A_839 = tpu.vector_load_idx %arg7[%add3A_838] : memref<66560xf32, #tpu.memory_space<vmem>>[vector<16xi32>], vector<16xf32>,
      %gt3A_840 = arith.cmpf ogt, %gather3A_839, %max3A_797 : vector<16xf32>
      %gt3A_841 = arith.cmpf ogt, %gather3A_839, %max3A_795 : vector<16xf32>
      %select_n3A_842 = arith.select %gt3A_841, %broadcast_in_dim3A_823, %select_n3A_793 : vector<16xi1>, vector<16xi32>
      %select_n3A_843 = arith.select %gt3A_840, %select_n3A_796, %select_n3A_842 : vector<16xi1>, vector<16xi32>
      %min3A_844 = arith.minimumf %max3A_797, %gather3A_839 : vector<16xf32>
      %max3A_845 = arith.maximumf %max3A_795, %min3A_844 : vector<16xf32>
      %select_n3A_846 = arith.select %gt3A_840, %broadcast_in_dim3A_823, %select_n3A_796 : vector<16xi1>, vector<16xi32>
      %max3A_847 = arith.maximumf %max3A_797, %gather3A_839 : vector<16xf32>
      %add3A_848 = arith.constant 13 : i32
      %add3A_849 = vector.broadcast %add3A_848 : i32 to vector<16xi32>
      %add3A_850 = arith.addi %mul3A_208, %add3A_849 : vector<16xi32>
      %gather3A_851 = tpu.vector_load_idx %arg7[%add3A_850] : memref<66560xf32, #tpu.memory_space<vmem>>[vector<16xi32>], vector<16xf32>,
      %gt3A_852 = arith.cmpf ogt, %gather3A_851, %max3A_809 : vector<16xf32>
      %gt3A_853 = arith.cmpf ogt, %gather3A_851, %max3A_807 : vector<16xf32>
      %select_n3A_854 = arith.select %gt3A_853, %broadcast_in_dim3A_823, %select_n3A_805 : vector<16xi1>, vector<16xi32>
      %select_n3A_855 = arith.select %gt3A_852, %select_n3A_808, %select_n3A_854 : vector<16xi1>, vector<16xi32>
      %min3A_856 = arith.minimumf %max3A_809, %gather3A_851 : vector<16xf32>
      %max3A_857 = arith.maximumf %max3A_807, %min3A_856 : vector<16xf32>
      %select_n3A_858 = arith.select %gt3A_852, %broadcast_in_dim3A_823, %select_n3A_808 : vector<16xi1>, vector<16xi32>
      %max3A_859 = arith.maximumf %max3A_809, %gather3A_851 : vector<16xf32>
      %add3A_860 = arith.constant 13 : i32
      %add3A_861 = vector.broadcast %add3A_860 : i32 to vector<16xi32>
      %add3A_862 = arith.addi %mul3A_222, %add3A_861 : vector<16xi32>
      %gather3A_863 = tpu.vector_load_idx %arg7[%add3A_862] : memref<66560xf32, #tpu.memory_space<vmem>>[vector<16xi32>], vector<16xf32>,
      %gt3A_864 = arith.cmpf ogt, %gather3A_863, %max3A_821 : vector<16xf32>
      %gt3A_865 = arith.cmpf ogt, %gather3A_863, %max3A_819 : vector<16xf32>
      %select_n3A_866 = arith.select %gt3A_865, %broadcast_in_dim3A_823, %select_n3A_817 : vector<16xi1>, vector<16xi32>
      %select_n3A_867 = arith.select %gt3A_864, %select_n3A_820, %select_n3A_866 : vector<16xi1>, vector<16xi32>
      %min3A_868 = arith.minimumf %max3A_821, %gather3A_863 : vector<16xf32>
      %max3A_869 = arith.maximumf %max3A_819, %min3A_868 : vector<16xf32>
      %select_n3A_870 = arith.select %gt3A_864, %broadcast_in_dim3A_823, %select_n3A_820 : vector<16xi1>, vector<16xi32>
      %max3A_871 = arith.maximumf %max3A_821, %gather3A_863 : vector<16xf32>
      %broadcast_in_dim3A_872 = arith.constant 14 : i32
      %broadcast_in_dim3A_873 = vector.broadcast %broadcast_in_dim3A_872 : i32 to vector<16xi32>
      %add3A_874 = arith.constant 14 : i32
      %add3A_875 = vector.broadcast %add3A_874 : i32 to vector<16xi32>
      %add3A_876 = arith.addi %mul3A_181, %add3A_875 : vector<16xi32>
      %gather3A_877 = tpu.vector_load_idx %arg7[%add3A_876] : memref<66560xf32, #tpu.memory_space<vmem>>[vector<16xi32>], vector<16xf32>,
      %gt3A_878 = arith.cmpf ogt, %gather3A_877, %max3A_835 : vector<16xf32>
      %gt3A_879 = arith.cmpf ogt, %gather3A_877, %max3A_833 : vector<16xf32>
      %select_n3A_880 = arith.select %gt3A_879, %broadcast_in_dim3A_873, %select_n3A_831 : vector<16xi1>, vector<16xi32>
      %select_n3A_881 = arith.select %gt3A_878, %select_n3A_834, %select_n3A_880 : vector<16xi1>, vector<16xi32>
      %min3A_882 = arith.minimumf %max3A_835, %gather3A_877 : vector<16xf32>
      %max3A_883 = arith.maximumf %max3A_833, %min3A_882 : vector<16xf32>
      %select_n3A_884 = arith.select %gt3A_878, %broadcast_in_dim3A_873, %select_n3A_834 : vector<16xi1>, vector<16xi32>
      %max3A_885 = arith.maximumf %max3A_835, %gather3A_877 : vector<16xf32>
      %add3A_886 = arith.constant 14 : i32
      %add3A_887 = vector.broadcast %add3A_886 : i32 to vector<16xi32>
      %add3A_888 = arith.addi %mul3A_194, %add3A_887 : vector<16xi32>
      %gather3A_889 = tpu.vector_load_idx %arg7[%add3A_888] : memref<66560xf32, #tpu.memory_space<vmem>>[vector<16xi32>], vector<16xf32>,
      %gt3A_890 = arith.cmpf ogt, %gather3A_889, %max3A_847 : vector<16xf32>
      %gt3A_891 = arith.cmpf ogt, %gather3A_889, %max3A_845 : vector<16xf32>
      %select_n3A_892 = arith.select %gt3A_891, %broadcast_in_dim3A_873, %select_n3A_843 : vector<16xi1>, vector<16xi32>
      %select_n3A_893 = arith.select %gt3A_890, %select_n3A_846, %select_n3A_892 : vector<16xi1>, vector<16xi32>
      %min3A_894 = arith.minimumf %max3A_847, %gather3A_889 : vector<16xf32>
      %max3A_895 = arith.maximumf %max3A_845, %min3A_894 : vector<16xf32>
      %select_n3A_896 = arith.select %gt3A_890, %broadcast_in_dim3A_873, %select_n3A_846 : vector<16xi1>, vector<16xi32>
      %max3A_897 = arith.maximumf %max3A_847, %gather3A_889 : vector<16xf32>
      %add3A_898 = arith.constant 14 : i32
      %add3A_899 = vector.broadcast %add3A_898 : i32 to vector<16xi32>
      %add3A_900 = arith.addi %mul3A_208, %add3A_899 : vector<16xi32>
      %gather3A_901 = tpu.vector_load_idx %arg7[%add3A_900] : memref<66560xf32, #tpu.memory_space<vmem>>[vector<16xi32>], vector<16xf32>,
      %gt3A_902 = arith.cmpf ogt, %gather3A_901, %max3A_859 : vector<16xf32>
      %gt3A_903 = arith.cmpf ogt, %gather3A_901, %max3A_857 : vector<16xf32>
      %select_n3A_904 = arith.select %gt3A_903, %broadcast_in_dim3A_873, %select_n3A_855 : vector<16xi1>, vector<16xi32>
      %select_n3A_905 = arith.select %gt3A_902, %select_n3A_858, %select_n3A_904 : vector<16xi1>, vector<16xi32>
      %min3A_906 = arith.minimumf %max3A_859, %gather3A_901 : vector<16xf32>
      %max3A_907 = arith.maximumf %max3A_857, %min3A_906 : vector<16xf32>
      %select_n3A_908 = arith.select %gt3A_902, %broadcast_in_dim3A_873, %select_n3A_858 : vector<16xi1>, vector<16xi32>
      %max3A_909 = arith.maximumf %max3A_859, %gather3A_901 : vector<16xf32>
      %add3A_910 = arith.constant 14 : i32
      %add3A_911 = vector.broadcast %add3A_910 : i32 to vector<16xi32>
      %add3A_912 = arith.addi %mul3A_222, %add3A_911 : vector<16xi32>
      %gather3A_913 = tpu.vector_load_idx %arg7[%add3A_912] : memref<66560xf32, #tpu.memory_space<vmem>>[vector<16xi32>], vector<16xf32>,
      %gt3A_914 = arith.cmpf ogt, %gather3A_913, %max3A_871 : vector<16xf32>
      %gt3A_915 = arith.cmpf ogt, %gather3A_913, %max3A_869 : vector<16xf32>
      %select_n3A_916 = arith.select %gt3A_915, %broadcast_in_dim3A_873, %select_n3A_867 : vector<16xi1>, vector<16xi32>
      %select_n3A_917 = arith.select %gt3A_914, %select_n3A_870, %select_n3A_916 : vector<16xi1>, vector<16xi32>
      %min3A_918 = arith.minimumf %max3A_871, %gather3A_913 : vector<16xf32>
      %max3A_919 = arith.maximumf %max3A_869, %min3A_918 : vector<16xf32>
      %select_n3A_920 = arith.select %gt3A_914, %broadcast_in_dim3A_873, %select_n3A_870 : vector<16xi1>, vector<16xi32>
      %max3A_921 = arith.maximumf %max3A_871, %gather3A_913 : vector<16xf32>
      %broadcast_in_dim3A_922 = arith.constant 15 : i32
      %broadcast_in_dim3A_923 = vector.broadcast %broadcast_in_dim3A_922 : i32 to vector<16xi32>
      %add3A_924 = arith.constant 15 : i32
      %add3A_925 = vector.broadcast %add3A_924 : i32 to vector<16xi32>
      %add3A_926 = arith.addi %mul3A_181, %add3A_925 : vector<16xi32>
      %gather3A_927 = tpu.vector_load_idx %arg7[%add3A_926] : memref<66560xf32, #tpu.memory_space<vmem>>[vector<16xi32>], vector<16xf32>,
      %gt3A_928 = arith.cmpf ogt, %gather3A_927, %max3A_885 : vector<16xf32>
      %gt3A_929 = arith.cmpf ogt, %gather3A_927, %max3A_883 : vector<16xf32>
      %select_n3A_930 = arith.select %gt3A_929, %broadcast_in_dim3A_923, %select_n3A_881 : vector<16xi1>, vector<16xi32>
      %select_n3A_931 = arith.select %gt3A_928, %select_n3A_884, %select_n3A_930 : vector<16xi1>, vector<16xi32>
      %min3A_932 = arith.minimumf %max3A_885, %gather3A_927 : vector<16xf32>
      %max3A_933 = arith.maximumf %max3A_883, %min3A_932 : vector<16xf32>
      %select_n3A_934 = arith.select %gt3A_928, %broadcast_in_dim3A_923, %select_n3A_884 : vector<16xi1>, vector<16xi32>
      %max3A_935 = arith.maximumf %max3A_885, %gather3A_927 : vector<16xf32>
      %add3A_936 = arith.constant 15 : i32
      %add3A_937 = vector.broadcast %add3A_936 : i32 to vector<16xi32>
      %add3A_938 = arith.addi %mul3A_194, %add3A_937 : vector<16xi32>
      %gather3A_939 = tpu.vector_load_idx %arg7[%add3A_938] : memref<66560xf32, #tpu.memory_space<vmem>>[vector<16xi32>], vector<16xf32>,
      %gt3A_940 = arith.cmpf ogt, %gather3A_939, %max3A_897 : vector<16xf32>
      %gt3A_941 = arith.cmpf ogt, %gather3A_939, %max3A_895 : vector<16xf32>
      %select_n3A_942 = arith.select %gt3A_941, %broadcast_in_dim3A_923, %select_n3A_893 : vector<16xi1>, vector<16xi32>
      %select_n3A_943 = arith.select %gt3A_940, %select_n3A_896, %select_n3A_942 : vector<16xi1>, vector<16xi32>
      %min3A_944 = arith.minimumf %max3A_897, %gather3A_939 : vector<16xf32>
      %max3A_945 = arith.maximumf %max3A_895, %min3A_944 : vector<16xf32>
      %select_n3A_946 = arith.select %gt3A_940, %broadcast_in_dim3A_923, %select_n3A_896 : vector<16xi1>, vector<16xi32>
      %max3A_947 = arith.maximumf %max3A_897, %gather3A_939 : vector<16xf32>
      %add3A_948 = arith.constant 15 : i32
      %add3A_949 = vector.broadcast %add3A_948 : i32 to vector<16xi32>
      %add3A_950 = arith.addi %mul3A_208, %add3A_949 : vector<16xi32>
      %gather3A_951 = tpu.vector_load_idx %arg7[%add3A_950] : memref<66560xf32, #tpu.memory_space<vmem>>[vector<16xi32>], vector<16xf32>,
      %gt3A_952 = arith.cmpf ogt, %gather3A_951, %max3A_909 : vector<16xf32>
      %gt3A_953 = arith.cmpf ogt, %gather3A_951, %max3A_907 : vector<16xf32>
      %select_n3A_954 = arith.select %gt3A_953, %broadcast_in_dim3A_923, %select_n3A_905 : vector<16xi1>, vector<16xi32>
      %select_n3A_955 = arith.select %gt3A_952, %select_n3A_908, %select_n3A_954 : vector<16xi1>, vector<16xi32>
      %min3A_956 = arith.minimumf %max3A_909, %gather3A_951 : vector<16xf32>
      %max3A_957 = arith.maximumf %max3A_907, %min3A_956 : vector<16xf32>
      %select_n3A_958 = arith.select %gt3A_952, %broadcast_in_dim3A_923, %select_n3A_908 : vector<16xi1>, vector<16xi32>
      %max3A_959 = arith.maximumf %max3A_909, %gather3A_951 : vector<16xf32>
      %add3A_960 = arith.constant 15 : i32
      %add3A_961 = vector.broadcast %add3A_960 : i32 to vector<16xi32>
      %add3A_962 = arith.addi %mul3A_222, %add3A_961 : vector<16xi32>
      %gather3A_963 = tpu.vector_load_idx %arg7[%add3A_962] : memref<66560xf32, #tpu.memory_space<vmem>>[vector<16xi32>], vector<16xf32>,
      %gt3A_964 = arith.cmpf ogt, %gather3A_963, %max3A_921 : vector<16xf32>
      %gt3A_965 = arith.cmpf ogt, %gather3A_963, %max3A_919 : vector<16xf32>
      %select_n3A_966 = arith.select %gt3A_965, %broadcast_in_dim3A_923, %select_n3A_917 : vector<16xi1>, vector<16xi32>
      %select_n3A_967 = arith.select %gt3A_964, %select_n3A_920, %select_n3A_966 : vector<16xi1>, vector<16xi32>
      %min3A_968 = arith.minimumf %max3A_921, %gather3A_963 : vector<16xf32>
      %max3A_969 = arith.maximumf %max3A_919, %min3A_968 : vector<16xf32>
      %select_n3A_970 = arith.select %gt3A_964, %broadcast_in_dim3A_923, %select_n3A_920 : vector<16xi1>, vector<16xi32>
      %max3A_971 = arith.maximumf %max3A_921, %gather3A_963 : vector<16xf32>
      %broadcast_in_dim3A_972 = arith.constant 16 : i32
      %broadcast_in_dim3A_973 = vector.broadcast %broadcast_in_dim3A_972 : i32 to vector<16xi32>
      %add3A_974 = arith.constant 16 : i32
      %add3A_975 = vector.broadcast %add3A_974 : i32 to vector<16xi32>
      %add3A_976 = arith.addi %mul3A_181, %add3A_975 : vector<16xi32>
      %gather3A_977 = tpu.vector_load_idx %arg7[%add3A_976] : memref<66560xf32, #tpu.memory_space<vmem>>[vector<16xi32>], vector<16xf32>,
      %gt3A_978 = arith.cmpf ogt, %gather3A_977, %max3A_935 : vector<16xf32>
      %gt3A_979 = arith.cmpf ogt, %gather3A_977, %max3A_933 : vector<16xf32>
      %select_n3A_980 = arith.select %gt3A_979, %broadcast_in_dim3A_973, %select_n3A_931 : vector<16xi1>, vector<16xi32>
      %select_n3A_981 = arith.select %gt3A_978, %select_n3A_934, %select_n3A_980 : vector<16xi1>, vector<16xi32>
      %min3A_982 = arith.minimumf %max3A_935, %gather3A_977 : vector<16xf32>
      %max3A_983 = arith.maximumf %max3A_933, %min3A_982 : vector<16xf32>
      %select_n3A_984 = arith.select %gt3A_978, %broadcast_in_dim3A_973, %select_n3A_934 : vector<16xi1>, vector<16xi32>
      %max3A_985 = arith.maximumf %max3A_935, %gather3A_977 : vector<16xf32>
      %add3A_986 = arith.constant 16 : i32
      %add3A_987 = vector.broadcast %add3A_986 : i32 to vector<16xi32>
      %add3A_988 = arith.addi %mul3A_194, %add3A_987 : vector<16xi32>
      %gather3A_989 = tpu.vector_load_idx %arg7[%add3A_988] : memref<66560xf32, #tpu.memory_space<vmem>>[vector<16xi32>], vector<16xf32>,
      %gt3A_990 = arith.cmpf ogt, %gather3A_989, %max3A_947 : vector<16xf32>
      %gt3A_991 = arith.cmpf ogt, %gather3A_989, %max3A_945 : vector<16xf32>
      %select_n3A_992 = arith.select %gt3A_991, %broadcast_in_dim3A_973, %select_n3A_943 : vector<16xi1>, vector<16xi32>
      %select_n3A_993 = arith.select %gt3A_990, %select_n3A_946, %select_n3A_992 : vector<16xi1>, vector<16xi32>
      %min3A_994 = arith.minimumf %max3A_947, %gather3A_989 : vector<16xf32>
      %max3A_995 = arith.maximumf %max3A_945, %min3A_994 : vector<16xf32>
      %select_n3A_996 = arith.select %gt3A_990, %broadcast_in_dim3A_973, %select_n3A_946 : vector<16xi1>, vector<16xi32>
      %max3A_997 = arith.maximumf %max3A_947, %gather3A_989 : vector<16xf32>
      %add3A_998 = arith.constant 16 : i32
      %add3A_999 = vector.broadcast %add3A_998 : i32 to vector<16xi32>
      %add3A_1000 = arith.addi %mul3A_208, %add3A_999 : vector<16xi32>
      %gather3A_1001 = tpu.vector_load_idx %arg7[%add3A_1000] : memref<66560xf32, #tpu.memory_space<vmem>>[vector<16xi32>], vector<16xf32>,
      %gt3A_1002 = arith.cmpf ogt, %gather3A_1001, %max3A_959 : vector<16xf32>
      %gt3A_1003 = arith.cmpf ogt, %gather3A_1001, %max3A_957 : vector<16xf32>
      %select_n3A_1004 = arith.select %gt3A_1003, %broadcast_in_dim3A_973, %select_n3A_955 : vector<16xi1>, vector<16xi32>
      %select_n3A_1005 = arith.select %gt3A_1002, %select_n3A_958, %select_n3A_1004 : vector<16xi1>, vector<16xi32>
      %min3A_1006 = arith.minimumf %max3A_959, %gather3A_1001 : vector<16xf32>
      %max3A_1007 = arith.maximumf %max3A_957, %min3A_1006 : vector<16xf32>
      %select_n3A_1008 = arith.select %gt3A_1002, %broadcast_in_dim3A_973, %select_n3A_958 : vector<16xi1>, vector<16xi32>
      %max3A_1009 = arith.maximumf %max3A_959, %gather3A_1001 : vector<16xf32>
      %add3A_1010 = arith.constant 16 : i32
      %add3A_1011 = vector.broadcast %add3A_1010 : i32 to vector<16xi32>
      %add3A_1012 = arith.addi %mul3A_222, %add3A_1011 : vector<16xi32>
      %gather3A_1013 = tpu.vector_load_idx %arg7[%add3A_1012] : memref<66560xf32, #tpu.memory_space<vmem>>[vector<16xi32>], vector<16xf32>,
      %gt3A_1014 = arith.cmpf ogt, %gather3A_1013, %max3A_971 : vector<16xf32>
      %gt3A_1015 = arith.cmpf ogt, %gather3A_1013, %max3A_969 : vector<16xf32>
      %select_n3A_1016 = arith.select %gt3A_1015, %broadcast_in_dim3A_973, %select_n3A_967 : vector<16xi1>, vector<16xi32>
      %select_n3A_1017 = arith.select %gt3A_1014, %select_n3A_970, %select_n3A_1016 : vector<16xi1>, vector<16xi32>
      %min3A_1018 = arith.minimumf %max3A_971, %gather3A_1013 : vector<16xf32>
      %max3A_1019 = arith.maximumf %max3A_969, %min3A_1018 : vector<16xf32>
      %select_n3A_1020 = arith.select %gt3A_1014, %broadcast_in_dim3A_973, %select_n3A_970 : vector<16xi1>, vector<16xi32>
      %max3A_1021 = arith.maximumf %max3A_971, %gather3A_1013 : vector<16xf32>
      %broadcast_in_dim3A_1022 = arith.constant 17 : i32
      %broadcast_in_dim3A_1023 = vector.broadcast %broadcast_in_dim3A_1022 : i32 to vector<16xi32>
      %add3A_1024 = arith.constant 17 : i32
      %add3A_1025 = vector.broadcast %add3A_1024 : i32 to vector<16xi32>
      %add3A_1026 = arith.addi %mul3A_181, %add3A_1025 : vector<16xi32>
      %gather3A_1027 = tpu.vector_load_idx %arg7[%add3A_1026] : memref<66560xf32, #tpu.memory_space<vmem>>[vector<16xi32>], vector<16xf32>,
      %gt3A_1028 = arith.cmpf ogt, %gather3A_1027, %max3A_985 : vector<16xf32>
      %gt3A_1029 = arith.cmpf ogt, %gather3A_1027, %max3A_983 : vector<16xf32>
      %select_n3A_1030 = arith.select %gt3A_1029, %broadcast_in_dim3A_1023, %select_n3A_981 : vector<16xi1>, vector<16xi32>
      %select_n3A_1031 = arith.select %gt3A_1028, %select_n3A_984, %select_n3A_1030 : vector<16xi1>, vector<16xi32>
      %min3A_1032 = arith.minimumf %max3A_985, %gather3A_1027 : vector<16xf32>
      %max3A_1033 = arith.maximumf %max3A_983, %min3A_1032 : vector<16xf32>
      %select_n3A_1034 = arith.select %gt3A_1028, %broadcast_in_dim3A_1023, %select_n3A_984 : vector<16xi1>, vector<16xi32>
      %max3A_1035 = arith.maximumf %max3A_985, %gather3A_1027 : vector<16xf32>
      %add3A_1036 = arith.constant 17 : i32
      %add3A_1037 = vector.broadcast %add3A_1036 : i32 to vector<16xi32>
      %add3A_1038 = arith.addi %mul3A_194, %add3A_1037 : vector<16xi32>
      %gather3A_1039 = tpu.vector_load_idx %arg7[%add3A_1038] : memref<66560xf32, #tpu.memory_space<vmem>>[vector<16xi32>], vector<16xf32>,
      %gt3A_1040 = arith.cmpf ogt, %gather3A_1039, %max3A_997 : vector<16xf32>
      %gt3A_1041 = arith.cmpf ogt, %gather3A_1039, %max3A_995 : vector<16xf32>
      %select_n3A_1042 = arith.select %gt3A_1041, %broadcast_in_dim3A_1023, %select_n3A_993 : vector<16xi1>, vector<16xi32>
      %select_n3A_1043 = arith.select %gt3A_1040, %select_n3A_996, %select_n3A_1042 : vector<16xi1>, vector<16xi32>
      %min3A_1044 = arith.minimumf %max3A_997, %gather3A_1039 : vector<16xf32>
      %max3A_1045 = arith.maximumf %max3A_995, %min3A_1044 : vector<16xf32>
      %select_n3A_1046 = arith.select %gt3A_1040, %broadcast_in_dim3A_1023, %select_n3A_996 : vector<16xi1>, vector<16xi32>
      %max3A_1047 = arith.maximumf %max3A_997, %gather3A_1039 : vector<16xf32>
      %add3A_1048 = arith.constant 17 : i32
      %add3A_1049 = vector.broadcast %add3A_1048 : i32 to vector<16xi32>
      %add3A_1050 = arith.addi %mul3A_208, %add3A_1049 : vector<16xi32>
      %gather3A_1051 = tpu.vector_load_idx %arg7[%add3A_1050] : memref<66560xf32, #tpu.memory_space<vmem>>[vector<16xi32>], vector<16xf32>,
      %gt3A_1052 = arith.cmpf ogt, %gather3A_1051, %max3A_1009 : vector<16xf32>
      %gt3A_1053 = arith.cmpf ogt, %gather3A_1051, %max3A_1007 : vector<16xf32>
      %select_n3A_1054 = arith.select %gt3A_1053, %broadcast_in_dim3A_1023, %select_n3A_1005 : vector<16xi1>, vector<16xi32>
      %select_n3A_1055 = arith.select %gt3A_1052, %select_n3A_1008, %select_n3A_1054 : vector<16xi1>, vector<16xi32>
      %min3A_1056 = arith.minimumf %max3A_1009, %gather3A_1051 : vector<16xf32>
      %max3A_1057 = arith.maximumf %max3A_1007, %min3A_1056 : vector<16xf32>
      %select_n3A_1058 = arith.select %gt3A_1052, %broadcast_in_dim3A_1023, %select_n3A_1008 : vector<16xi1>, vector<16xi32>
      %max3A_1059 = arith.maximumf %max3A_1009, %gather3A_1051 : vector<16xf32>
      %add3A_1060 = arith.constant 17 : i32
      %add3A_1061 = vector.broadcast %add3A_1060 : i32 to vector<16xi32>
      %add3A_1062 = arith.addi %mul3A_222, %add3A_1061 : vector<16xi32>
      %gather3A_1063 = tpu.vector_load_idx %arg7[%add3A_1062] : memref<66560xf32, #tpu.memory_space<vmem>>[vector<16xi32>], vector<16xf32>,
      %gt3A_1064 = arith.cmpf ogt, %gather3A_1063, %max3A_1021 : vector<16xf32>
      %gt3A_1065 = arith.cmpf ogt, %gather3A_1063, %max3A_1019 : vector<16xf32>
      %select_n3A_1066 = arith.select %gt3A_1065, %broadcast_in_dim3A_1023, %select_n3A_1017 : vector<16xi1>, vector<16xi32>
      %select_n3A_1067 = arith.select %gt3A_1064, %select_n3A_1020, %select_n3A_1066 : vector<16xi1>, vector<16xi32>
      %min3A_1068 = arith.minimumf %max3A_1021, %gather3A_1063 : vector<16xf32>
      %max3A_1069 = arith.maximumf %max3A_1019, %min3A_1068 : vector<16xf32>
      %select_n3A_1070 = arith.select %gt3A_1064, %broadcast_in_dim3A_1023, %select_n3A_1020 : vector<16xi1>, vector<16xi32>
      %max3A_1071 = arith.maximumf %max3A_1021, %gather3A_1063 : vector<16xf32>
      %broadcast_in_dim3A_1072 = arith.constant 18 : i32
      %broadcast_in_dim3A_1073 = vector.broadcast %broadcast_in_dim3A_1072 : i32 to vector<16xi32>
      %add3A_1074 = arith.constant 18 : i32
      %add3A_1075 = vector.broadcast %add3A_1074 : i32 to vector<16xi32>
      %add3A_1076 = arith.addi %mul3A_181, %add3A_1075 : vector<16xi32>
      %gather3A_1077 = tpu.vector_load_idx %arg7[%add3A_1076] : memref<66560xf32, #tpu.memory_space<vmem>>[vector<16xi32>], vector<16xf32>,
      %gt3A_1078 = arith.cmpf ogt, %gather3A_1077, %max3A_1035 : vector<16xf32>
      %gt3A_1079 = arith.cmpf ogt, %gather3A_1077, %max3A_1033 : vector<16xf32>
      %select_n3A_1080 = arith.select %gt3A_1079, %broadcast_in_dim3A_1073, %select_n3A_1031 : vector<16xi1>, vector<16xi32>
      %select_n3A_1081 = arith.select %gt3A_1078, %select_n3A_1034, %select_n3A_1080 : vector<16xi1>, vector<16xi32>
      %min3A_1082 = arith.minimumf %max3A_1035, %gather3A_1077 : vector<16xf32>
      %max3A_1083 = arith.maximumf %max3A_1033, %min3A_1082 : vector<16xf32>
      %select_n3A_1084 = arith.select %gt3A_1078, %broadcast_in_dim3A_1073, %select_n3A_1034 : vector<16xi1>, vector<16xi32>
      %max3A_1085 = arith.maximumf %max3A_1035, %gather3A_1077 : vector<16xf32>
      %add3A_1086 = arith.constant 18 : i32
      %add3A_1087 = vector.broadcast %add3A_1086 : i32 to vector<16xi32>
      %add3A_1088 = arith.addi %mul3A_194, %add3A_1087 : vector<16xi32>
      %gather3A_1089 = tpu.vector_load_idx %arg7[%add3A_1088] : memref<66560xf32, #tpu.memory_space<vmem>>[vector<16xi32>], vector<16xf32>,
      %gt3A_1090 = arith.cmpf ogt, %gather3A_1089, %max3A_1047 : vector<16xf32>
      %gt3A_1091 = arith.cmpf ogt, %gather3A_1089, %max3A_1045 : vector<16xf32>
      %select_n3A_1092 = arith.select %gt3A_1091, %broadcast_in_dim3A_1073, %select_n3A_1043 : vector<16xi1>, vector<16xi32>
      %select_n3A_1093 = arith.select %gt3A_1090, %select_n3A_1046, %select_n3A_1092 : vector<16xi1>, vector<16xi32>
      %min3A_1094 = arith.minimumf %max3A_1047, %gather3A_1089 : vector<16xf32>
      %max3A_1095 = arith.maximumf %max3A_1045, %min3A_1094 : vector<16xf32>
      %select_n3A_1096 = arith.select %gt3A_1090, %broadcast_in_dim3A_1073, %select_n3A_1046 : vector<16xi1>, vector<16xi32>
      %max3A_1097 = arith.maximumf %max3A_1047, %gather3A_1089 : vector<16xf32>
      %add3A_1098 = arith.constant 18 : i32
      %add3A_1099 = vector.broadcast %add3A_1098 : i32 to vector<16xi32>
      %add3A_1100 = arith.addi %mul3A_208, %add3A_1099 : vector<16xi32>
      %gather3A_1101 = tpu.vector_load_idx %arg7[%add3A_1100] : memref<66560xf32, #tpu.memory_space<vmem>>[vector<16xi32>], vector<16xf32>,
      %gt3A_1102 = arith.cmpf ogt, %gather3A_1101, %max3A_1059 : vector<16xf32>
      %gt3A_1103 = arith.cmpf ogt, %gather3A_1101, %max3A_1057 : vector<16xf32>
      %select_n3A_1104 = arith.select %gt3A_1103, %broadcast_in_dim3A_1073, %select_n3A_1055 : vector<16xi1>, vector<16xi32>
      %select_n3A_1105 = arith.select %gt3A_1102, %select_n3A_1058, %select_n3A_1104 : vector<16xi1>, vector<16xi32>
      %min3A_1106 = arith.minimumf %max3A_1059, %gather3A_1101 : vector<16xf32>
      %max3A_1107 = arith.maximumf %max3A_1057, %min3A_1106 : vector<16xf32>
      %select_n3A_1108 = arith.select %gt3A_1102, %broadcast_in_dim3A_1073, %select_n3A_1058 : vector<16xi1>, vector<16xi32>
      %max3A_1109 = arith.maximumf %max3A_1059, %gather3A_1101 : vector<16xf32>
      %add3A_1110 = arith.constant 18 : i32
      %add3A_1111 = vector.broadcast %add3A_1110 : i32 to vector<16xi32>
      %add3A_1112 = arith.addi %mul3A_222, %add3A_1111 : vector<16xi32>
      %gather3A_1113 = tpu.vector_load_idx %arg7[%add3A_1112] : memref<66560xf32, #tpu.memory_space<vmem>>[vector<16xi32>], vector<16xf32>,
      %gt3A_1114 = arith.cmpf ogt, %gather3A_1113, %max3A_1071 : vector<16xf32>
      %gt3A_1115 = arith.cmpf ogt, %gather3A_1113, %max3A_1069 : vector<16xf32>
      %select_n3A_1116 = arith.select %gt3A_1115, %broadcast_in_dim3A_1073, %select_n3A_1067 : vector<16xi1>, vector<16xi32>
      %select_n3A_1117 = arith.select %gt3A_1114, %select_n3A_1070, %select_n3A_1116 : vector<16xi1>, vector<16xi32>
      %min3A_1118 = arith.minimumf %max3A_1071, %gather3A_1113 : vector<16xf32>
      %max3A_1119 = arith.maximumf %max3A_1069, %min3A_1118 : vector<16xf32>
      %select_n3A_1120 = arith.select %gt3A_1114, %broadcast_in_dim3A_1073, %select_n3A_1070 : vector<16xi1>, vector<16xi32>
      %max3A_1121 = arith.maximumf %max3A_1071, %gather3A_1113 : vector<16xf32>
      %broadcast_in_dim3A_1122 = arith.constant 19 : i32
      %broadcast_in_dim3A_1123 = vector.broadcast %broadcast_in_dim3A_1122 : i32 to vector<16xi32>
      %add3A_1124 = arith.constant 19 : i32
      %add3A_1125 = vector.broadcast %add3A_1124 : i32 to vector<16xi32>
      %add3A_1126 = arith.addi %mul3A_181, %add3A_1125 : vector<16xi32>
      %gather3A_1127 = tpu.vector_load_idx %arg7[%add3A_1126] : memref<66560xf32, #tpu.memory_space<vmem>>[vector<16xi32>], vector<16xf32>,
      %gt3A_1128 = arith.cmpf ogt, %gather3A_1127, %max3A_1085 : vector<16xf32>
      %gt3A_1129 = arith.cmpf ogt, %gather3A_1127, %max3A_1083 : vector<16xf32>
      %select_n3A_1130 = arith.select %gt3A_1129, %broadcast_in_dim3A_1123, %select_n3A_1081 : vector<16xi1>, vector<16xi32>
      %select_n3A_1131 = arith.select %gt3A_1128, %select_n3A_1084, %select_n3A_1130 : vector<16xi1>, vector<16xi32>
      %min3A_1132 = arith.minimumf %max3A_1085, %gather3A_1127 : vector<16xf32>
      %max3A_1133 = arith.maximumf %max3A_1083, %min3A_1132 : vector<16xf32>
      %select_n3A_1134 = arith.select %gt3A_1128, %broadcast_in_dim3A_1123, %select_n3A_1084 : vector<16xi1>, vector<16xi32>
      %max3A_1135 = arith.maximumf %max3A_1085, %gather3A_1127 : vector<16xf32>
      %add3A_1136 = arith.constant 19 : i32
      %add3A_1137 = vector.broadcast %add3A_1136 : i32 to vector<16xi32>
      %add3A_1138 = arith.addi %mul3A_194, %add3A_1137 : vector<16xi32>
      %gather3A_1139 = tpu.vector_load_idx %arg7[%add3A_1138] : memref<66560xf32, #tpu.memory_space<vmem>>[vector<16xi32>], vector<16xf32>,
      %gt3A_1140 = arith.cmpf ogt, %gather3A_1139, %max3A_1097 : vector<16xf32>
      %gt3A_1141 = arith.cmpf ogt, %gather3A_1139, %max3A_1095 : vector<16xf32>
      %select_n3A_1142 = arith.select %gt3A_1141, %broadcast_in_dim3A_1123, %select_n3A_1093 : vector<16xi1>, vector<16xi32>
      %select_n3A_1143 = arith.select %gt3A_1140, %select_n3A_1096, %select_n3A_1142 : vector<16xi1>, vector<16xi32>
      %min3A_1144 = arith.minimumf %max3A_1097, %gather3A_1139 : vector<16xf32>
      %max3A_1145 = arith.maximumf %max3A_1095, %min3A_1144 : vector<16xf32>
      %select_n3A_1146 = arith.select %gt3A_1140, %broadcast_in_dim3A_1123, %select_n3A_1096 : vector<16xi1>, vector<16xi32>
      %max3A_1147 = arith.maximumf %max3A_1097, %gather3A_1139 : vector<16xf32>
      %add3A_1148 = arith.constant 19 : i32
      %add3A_1149 = vector.broadcast %add3A_1148 : i32 to vector<16xi32>
      %add3A_1150 = arith.addi %mul3A_208, %add3A_1149 : vector<16xi32>
      %gather3A_1151 = tpu.vector_load_idx %arg7[%add3A_1150] : memref<66560xf32, #tpu.memory_space<vmem>>[vector<16xi32>], vector<16xf32>,
      %gt3A_1152 = arith.cmpf ogt, %gather3A_1151, %max3A_1109 : vector<16xf32>
      %gt3A_1153 = arith.cmpf ogt, %gather3A_1151, %max3A_1107 : vector<16xf32>
      %select_n3A_1154 = arith.select %gt3A_1153, %broadcast_in_dim3A_1123, %select_n3A_1105 : vector<16xi1>, vector<16xi32>
      %select_n3A_1155 = arith.select %gt3A_1152, %select_n3A_1108, %select_n3A_1154 : vector<16xi1>, vector<16xi32>
      %min3A_1156 = arith.minimumf %max3A_1109, %gather3A_1151 : vector<16xf32>
      %max3A_1157 = arith.maximumf %max3A_1107, %min3A_1156 : vector<16xf32>
      %select_n3A_1158 = arith.select %gt3A_1152, %broadcast_in_dim3A_1123, %select_n3A_1108 : vector<16xi1>, vector<16xi32>
      %max3A_1159 = arith.maximumf %max3A_1109, %gather3A_1151 : vector<16xf32>
      %add3A_1160 = arith.constant 19 : i32
      %add3A_1161 = vector.broadcast %add3A_1160 : i32 to vector<16xi32>
      %add3A_1162 = arith.addi %mul3A_222, %add3A_1161 : vector<16xi32>
      %gather3A_1163 = tpu.vector_load_idx %arg7[%add3A_1162] : memref<66560xf32, #tpu.memory_space<vmem>>[vector<16xi32>], vector<16xf32>,
      %gt3A_1164 = arith.cmpf ogt, %gather3A_1163, %max3A_1121 : vector<16xf32>
      %gt3A_1165 = arith.cmpf ogt, %gather3A_1163, %max3A_1119 : vector<16xf32>
      %select_n3A_1166 = arith.select %gt3A_1165, %broadcast_in_dim3A_1123, %select_n3A_1117 : vector<16xi1>, vector<16xi32>
      %select_n3A_1167 = arith.select %gt3A_1164, %select_n3A_1120, %select_n3A_1166 : vector<16xi1>, vector<16xi32>
      %min3A_1168 = arith.minimumf %max3A_1121, %gather3A_1163 : vector<16xf32>
      %max3A_1169 = arith.maximumf %max3A_1119, %min3A_1168 : vector<16xf32>
      %select_n3A_1170 = arith.select %gt3A_1164, %broadcast_in_dim3A_1123, %select_n3A_1120 : vector<16xi1>, vector<16xi32>
      %max3A_1171 = arith.maximumf %max3A_1121, %gather3A_1163 : vector<16xf32>
      %broadcast_in_dim3A_1172 = arith.constant 20 : i32
      %broadcast_in_dim3A_1173 = vector.broadcast %broadcast_in_dim3A_1172 : i32 to vector<16xi32>
      %add3A_1174 = arith.constant 20 : i32
      %add3A_1175 = vector.broadcast %add3A_1174 : i32 to vector<16xi32>
      %add3A_1176 = arith.addi %mul3A_181, %add3A_1175 : vector<16xi32>
      %gather3A_1177 = tpu.vector_load_idx %arg7[%add3A_1176] : memref<66560xf32, #tpu.memory_space<vmem>>[vector<16xi32>], vector<16xf32>,
      %gt3A_1178 = arith.cmpf ogt, %gather3A_1177, %max3A_1135 : vector<16xf32>
      %gt3A_1179 = arith.cmpf ogt, %gather3A_1177, %max3A_1133 : vector<16xf32>
      %select_n3A_1180 = arith.select %gt3A_1179, %broadcast_in_dim3A_1173, %select_n3A_1131 : vector<16xi1>, vector<16xi32>
      %select_n3A_1181 = arith.select %gt3A_1178, %select_n3A_1134, %select_n3A_1180 : vector<16xi1>, vector<16xi32>
      %min3A_1182 = arith.minimumf %max3A_1135, %gather3A_1177 : vector<16xf32>
      %max3A_1183 = arith.maximumf %max3A_1133, %min3A_1182 : vector<16xf32>
      %select_n3A_1184 = arith.select %gt3A_1178, %broadcast_in_dim3A_1173, %select_n3A_1134 : vector<16xi1>, vector<16xi32>
      %max3A_1185 = arith.maximumf %max3A_1135, %gather3A_1177 : vector<16xf32>
      %add3A_1186 = arith.constant 20 : i32
      %add3A_1187 = vector.broadcast %add3A_1186 : i32 to vector<16xi32>
      %add3A_1188 = arith.addi %mul3A_194, %add3A_1187 : vector<16xi32>
      %gather3A_1189 = tpu.vector_load_idx %arg7[%add3A_1188] : memref<66560xf32, #tpu.memory_space<vmem>>[vector<16xi32>], vector<16xf32>,
      %gt3A_1190 = arith.cmpf ogt, %gather3A_1189, %max3A_1147 : vector<16xf32>
      %gt3A_1191 = arith.cmpf ogt, %gather3A_1189, %max3A_1145 : vector<16xf32>
      %select_n3A_1192 = arith.select %gt3A_1191, %broadcast_in_dim3A_1173, %select_n3A_1143 : vector<16xi1>, vector<16xi32>
      %select_n3A_1193 = arith.select %gt3A_1190, %select_n3A_1146, %select_n3A_1192 : vector<16xi1>, vector<16xi32>
      %min3A_1194 = arith.minimumf %max3A_1147, %gather3A_1189 : vector<16xf32>
      %max3A_1195 = arith.maximumf %max3A_1145, %min3A_1194 : vector<16xf32>
      %select_n3A_1196 = arith.select %gt3A_1190, %broadcast_in_dim3A_1173, %select_n3A_1146 : vector<16xi1>, vector<16xi32>
      %max3A_1197 = arith.maximumf %max3A_1147, %gather3A_1189 : vector<16xf32>
      %add3A_1198 = arith.constant 20 : i32
      %add3A_1199 = vector.broadcast %add3A_1198 : i32 to vector<16xi32>
      %add3A_1200 = arith.addi %mul3A_208, %add3A_1199 : vector<16xi32>
      %gather3A_1201 = tpu.vector_load_idx %arg7[%add3A_1200] : memref<66560xf32, #tpu.memory_space<vmem>>[vector<16xi32>], vector<16xf32>,
      %gt3A_1202 = arith.cmpf ogt, %gather3A_1201, %max3A_1159 : vector<16xf32>
      %gt3A_1203 = arith.cmpf ogt, %gather3A_1201, %max3A_1157 : vector<16xf32>
      %select_n3A_1204 = arith.select %gt3A_1203, %broadcast_in_dim3A_1173, %select_n3A_1155 : vector<16xi1>, vector<16xi32>
      %select_n3A_1205 = arith.select %gt3A_1202, %select_n3A_1158, %select_n3A_1204 : vector<16xi1>, vector<16xi32>
      %min3A_1206 = arith.minimumf %max3A_1159, %gather3A_1201 : vector<16xf32>
      %max3A_1207 = arith.maximumf %max3A_1157, %min3A_1206 : vector<16xf32>
      %select_n3A_1208 = arith.select %gt3A_1202, %broadcast_in_dim3A_1173, %select_n3A_1158 : vector<16xi1>, vector<16xi32>
      %max3A_1209 = arith.maximumf %max3A_1159, %gather3A_1201 : vector<16xf32>
      %add3A_1210 = arith.constant 20 : i32
      %add3A_1211 = vector.broadcast %add3A_1210 : i32 to vector<16xi32>
      %add3A_1212 = arith.addi %mul3A_222, %add3A_1211 : vector<16xi32>
      %gather3A_1213 = tpu.vector_load_idx %arg7[%add3A_1212] : memref<66560xf32, #tpu.memory_space<vmem>>[vector<16xi32>], vector<16xf32>,
      %gt3A_1214 = arith.cmpf ogt, %gather3A_1213, %max3A_1171 : vector<16xf32>
      %gt3A_1215 = arith.cmpf ogt, %gather3A_1213, %max3A_1169 : vector<16xf32>
      %select_n3A_1216 = arith.select %gt3A_1215, %broadcast_in_dim3A_1173, %select_n3A_1167 : vector<16xi1>, vector<16xi32>
      %select_n3A_1217 = arith.select %gt3A_1214, %select_n3A_1170, %select_n3A_1216 : vector<16xi1>, vector<16xi32>
      %min3A_1218 = arith.minimumf %max3A_1171, %gather3A_1213 : vector<16xf32>
      %max3A_1219 = arith.maximumf %max3A_1169, %min3A_1218 : vector<16xf32>
      %select_n3A_1220 = arith.select %gt3A_1214, %broadcast_in_dim3A_1173, %select_n3A_1170 : vector<16xi1>, vector<16xi32>
      %max3A_1221 = arith.maximumf %max3A_1171, %gather3A_1213 : vector<16xf32>
      %broadcast_in_dim3A_1222 = arith.constant 21 : i32
      %broadcast_in_dim3A_1223 = vector.broadcast %broadcast_in_dim3A_1222 : i32 to vector<16xi32>
      %add3A_1224 = arith.constant 21 : i32
      %add3A_1225 = vector.broadcast %add3A_1224 : i32 to vector<16xi32>
      %add3A_1226 = arith.addi %mul3A_181, %add3A_1225 : vector<16xi32>
      %gather3A_1227 = tpu.vector_load_idx %arg7[%add3A_1226] : memref<66560xf32, #tpu.memory_space<vmem>>[vector<16xi32>], vector<16xf32>,
      %gt3A_1228 = arith.cmpf ogt, %gather3A_1227, %max3A_1185 : vector<16xf32>
      %gt3A_1229 = arith.cmpf ogt, %gather3A_1227, %max3A_1183 : vector<16xf32>
      %select_n3A_1230 = arith.select %gt3A_1229, %broadcast_in_dim3A_1223, %select_n3A_1181 : vector<16xi1>, vector<16xi32>
      %select_n3A_1231 = arith.select %gt3A_1228, %select_n3A_1184, %select_n3A_1230 : vector<16xi1>, vector<16xi32>
      %min3A_1232 = arith.minimumf %max3A_1185, %gather3A_1227 : vector<16xf32>
      %max3A_1233 = arith.maximumf %max3A_1183, %min3A_1232 : vector<16xf32>
      %select_n3A_1234 = arith.select %gt3A_1228, %broadcast_in_dim3A_1223, %select_n3A_1184 : vector<16xi1>, vector<16xi32>
      %max3A_1235 = arith.maximumf %max3A_1185, %gather3A_1227 : vector<16xf32>
      %add3A_1236 = arith.constant 21 : i32
      %add3A_1237 = vector.broadcast %add3A_1236 : i32 to vector<16xi32>
      %add3A_1238 = arith.addi %mul3A_194, %add3A_1237 : vector<16xi32>
      %gather3A_1239 = tpu.vector_load_idx %arg7[%add3A_1238] : memref<66560xf32, #tpu.memory_space<vmem>>[vector<16xi32>], vector<16xf32>,
      %gt3A_1240 = arith.cmpf ogt, %gather3A_1239, %max3A_1197 : vector<16xf32>
      %gt3A_1241 = arith.cmpf ogt, %gather3A_1239, %max3A_1195 : vector<16xf32>
      %select_n3A_1242 = arith.select %gt3A_1241, %broadcast_in_dim3A_1223, %select_n3A_1193 : vector<16xi1>, vector<16xi32>
      %select_n3A_1243 = arith.select %gt3A_1240, %select_n3A_1196, %select_n3A_1242 : vector<16xi1>, vector<16xi32>
      %min3A_1244 = arith.minimumf %max3A_1197, %gather3A_1239 : vector<16xf32>
      %max3A_1245 = arith.maximumf %max3A_1195, %min3A_1244 : vector<16xf32>
      %select_n3A_1246 = arith.select %gt3A_1240, %broadcast_in_dim3A_1223, %select_n3A_1196 : vector<16xi1>, vector<16xi32>
      %max3A_1247 = arith.maximumf %max3A_1197, %gather3A_1239 : vector<16xf32>
      %add3A_1248 = arith.constant 21 : i32
      %add3A_1249 = vector.broadcast %add3A_1248 : i32 to vector<16xi32>
      %add3A_1250 = arith.addi %mul3A_208, %add3A_1249 : vector<16xi32>
      %gather3A_1251 = tpu.vector_load_idx %arg7[%add3A_1250] : memref<66560xf32, #tpu.memory_space<vmem>>[vector<16xi32>], vector<16xf32>,
      %gt3A_1252 = arith.cmpf ogt, %gather3A_1251, %max3A_1209 : vector<16xf32>
      %gt3A_1253 = arith.cmpf ogt, %gather3A_1251, %max3A_1207 : vector<16xf32>
      %select_n3A_1254 = arith.select %gt3A_1253, %broadcast_in_dim3A_1223, %select_n3A_1205 : vector<16xi1>, vector<16xi32>
      %select_n3A_1255 = arith.select %gt3A_1252, %select_n3A_1208, %select_n3A_1254 : vector<16xi1>, vector<16xi32>
      %min3A_1256 = arith.minimumf %max3A_1209, %gather3A_1251 : vector<16xf32>
      %max3A_1257 = arith.maximumf %max3A_1207, %min3A_1256 : vector<16xf32>
      %select_n3A_1258 = arith.select %gt3A_1252, %broadcast_in_dim3A_1223, %select_n3A_1208 : vector<16xi1>, vector<16xi32>
      %max3A_1259 = arith.maximumf %max3A_1209, %gather3A_1251 : vector<16xf32>
      %add3A_1260 = arith.constant 21 : i32
      %add3A_1261 = vector.broadcast %add3A_1260 : i32 to vector<16xi32>
      %add3A_1262 = arith.addi %mul3A_222, %add3A_1261 : vector<16xi32>
      %gather3A_1263 = tpu.vector_load_idx %arg7[%add3A_1262] : memref<66560xf32, #tpu.memory_space<vmem>>[vector<16xi32>], vector<16xf32>,
      %gt3A_1264 = arith.cmpf ogt, %gather3A_1263, %max3A_1221 : vector<16xf32>
      %gt3A_1265 = arith.cmpf ogt, %gather3A_1263, %max3A_1219 : vector<16xf32>
      %select_n3A_1266 = arith.select %gt3A_1265, %broadcast_in_dim3A_1223, %select_n3A_1217 : vector<16xi1>, vector<16xi32>
      %select_n3A_1267 = arith.select %gt3A_1264, %select_n3A_1220, %select_n3A_1266 : vector<16xi1>, vector<16xi32>
      %min3A_1268 = arith.minimumf %max3A_1221, %gather3A_1263 : vector<16xf32>
      %max3A_1269 = arith.maximumf %max3A_1219, %min3A_1268 : vector<16xf32>
      %select_n3A_1270 = arith.select %gt3A_1264, %broadcast_in_dim3A_1223, %select_n3A_1220 : vector<16xi1>, vector<16xi32>
      %max3A_1271 = arith.maximumf %max3A_1221, %gather3A_1263 : vector<16xf32>
      %broadcast_in_dim3A_1272 = arith.constant 22 : i32
      %broadcast_in_dim3A_1273 = vector.broadcast %broadcast_in_dim3A_1272 : i32 to vector<16xi32>
      %add3A_1274 = arith.constant 22 : i32
      %add3A_1275 = vector.broadcast %add3A_1274 : i32 to vector<16xi32>
      %add3A_1276 = arith.addi %mul3A_181, %add3A_1275 : vector<16xi32>
      %gather3A_1277 = tpu.vector_load_idx %arg7[%add3A_1276] : memref<66560xf32, #tpu.memory_space<vmem>>[vector<16xi32>], vector<16xf32>,
      %gt3A_1278 = arith.cmpf ogt, %gather3A_1277, %max3A_1235 : vector<16xf32>
      %gt3A_1279 = arith.cmpf ogt, %gather3A_1277, %max3A_1233 : vector<16xf32>
      %select_n3A_1280 = arith.select %gt3A_1279, %broadcast_in_dim3A_1273, %select_n3A_1231 : vector<16xi1>, vector<16xi32>
      %select_n3A_1281 = arith.select %gt3A_1278, %select_n3A_1234, %select_n3A_1280 : vector<16xi1>, vector<16xi32>
      %min3A_1282 = arith.minimumf %max3A_1235, %gather3A_1277 : vector<16xf32>
      %max3A_1283 = arith.maximumf %max3A_1233, %min3A_1282 : vector<16xf32>
      %select_n3A_1284 = arith.select %gt3A_1278, %broadcast_in_dim3A_1273, %select_n3A_1234 : vector<16xi1>, vector<16xi32>
      %max3A_1285 = arith.maximumf %max3A_1235, %gather3A_1277 : vector<16xf32>
      %add3A_1286 = arith.constant 22 : i32
      %add3A_1287 = vector.broadcast %add3A_1286 : i32 to vector<16xi32>
      %add3A_1288 = arith.addi %mul3A_194, %add3A_1287 : vector<16xi32>
      %gather3A_1289 = tpu.vector_load_idx %arg7[%add3A_1288] : memref<66560xf32, #tpu.memory_space<vmem>>[vector<16xi32>], vector<16xf32>,
      %gt3A_1290 = arith.cmpf ogt, %gather3A_1289, %max3A_1247 : vector<16xf32>
      %gt3A_1291 = arith.cmpf ogt, %gather3A_1289, %max3A_1245 : vector<16xf32>
      %select_n3A_1292 = arith.select %gt3A_1291, %broadcast_in_dim3A_1273, %select_n3A_1243 : vector<16xi1>, vector<16xi32>
      %select_n3A_1293 = arith.select %gt3A_1290, %select_n3A_1246, %select_n3A_1292 : vector<16xi1>, vector<16xi32>
      %min3A_1294 = arith.minimumf %max3A_1247, %gather3A_1289 : vector<16xf32>
      %max3A_1295 = arith.maximumf %max3A_1245, %min3A_1294 : vector<16xf32>
      %select_n3A_1296 = arith.select %gt3A_1290, %broadcast_in_dim3A_1273, %select_n3A_1246 : vector<16xi1>, vector<16xi32>
      %max3A_1297 = arith.maximumf %max3A_1247, %gather3A_1289 : vector<16xf32>
      %add3A_1298 = arith.constant 22 : i32
      %add3A_1299 = vector.broadcast %add3A_1298 : i32 to vector<16xi32>
      %add3A_1300 = arith.addi %mul3A_208, %add3A_1299 : vector<16xi32>
      %gather3A_1301 = tpu.vector_load_idx %arg7[%add3A_1300] : memref<66560xf32, #tpu.memory_space<vmem>>[vector<16xi32>], vector<16xf32>,
      %gt3A_1302 = arith.cmpf ogt, %gather3A_1301, %max3A_1259 : vector<16xf32>
      %gt3A_1303 = arith.cmpf ogt, %gather3A_1301, %max3A_1257 : vector<16xf32>
      %select_n3A_1304 = arith.select %gt3A_1303, %broadcast_in_dim3A_1273, %select_n3A_1255 : vector<16xi1>, vector<16xi32>
      %select_n3A_1305 = arith.select %gt3A_1302, %select_n3A_1258, %select_n3A_1304 : vector<16xi1>, vector<16xi32>
      %min3A_1306 = arith.minimumf %max3A_1259, %gather3A_1301 : vector<16xf32>
      %max3A_1307 = arith.maximumf %max3A_1257, %min3A_1306 : vector<16xf32>
      %select_n3A_1308 = arith.select %gt3A_1302, %broadcast_in_dim3A_1273, %select_n3A_1258 : vector<16xi1>, vector<16xi32>
      %max3A_1309 = arith.maximumf %max3A_1259, %gather3A_1301 : vector<16xf32>
      %add3A_1310 = arith.constant 22 : i32
      %add3A_1311 = vector.broadcast %add3A_1310 : i32 to vector<16xi32>
      %add3A_1312 = arith.addi %mul3A_222, %add3A_1311 : vector<16xi32>
      %gather3A_1313 = tpu.vector_load_idx %arg7[%add3A_1312] : memref<66560xf32, #tpu.memory_space<vmem>>[vector<16xi32>], vector<16xf32>,
      %gt3A_1314 = arith.cmpf ogt, %gather3A_1313, %max3A_1271 : vector<16xf32>
      %gt3A_1315 = arith.cmpf ogt, %gather3A_1313, %max3A_1269 : vector<16xf32>
      %select_n3A_1316 = arith.select %gt3A_1315, %broadcast_in_dim3A_1273, %select_n3A_1267 : vector<16xi1>, vector<16xi32>
      %select_n3A_1317 = arith.select %gt3A_1314, %select_n3A_1270, %select_n3A_1316 : vector<16xi1>, vector<16xi32>
      %min3A_1318 = arith.minimumf %max3A_1271, %gather3A_1313 : vector<16xf32>
      %max3A_1319 = arith.maximumf %max3A_1269, %min3A_1318 : vector<16xf32>
      %select_n3A_1320 = arith.select %gt3A_1314, %broadcast_in_dim3A_1273, %select_n3A_1270 : vector<16xi1>, vector<16xi32>
      %max3A_1321 = arith.maximumf %max3A_1271, %gather3A_1313 : vector<16xf32>
      %broadcast_in_dim3A_1322 = arith.constant 23 : i32
      %broadcast_in_dim3A_1323 = vector.broadcast %broadcast_in_dim3A_1322 : i32 to vector<16xi32>
      %add3A_1324 = arith.constant 23 : i32
      %add3A_1325 = vector.broadcast %add3A_1324 : i32 to vector<16xi32>
      %add3A_1326 = arith.addi %mul3A_181, %add3A_1325 : vector<16xi32>
      %gather3A_1327 = tpu.vector_load_idx %arg7[%add3A_1326] : memref<66560xf32, #tpu.memory_space<vmem>>[vector<16xi32>], vector<16xf32>,
      %gt3A_1328 = arith.cmpf ogt, %gather3A_1327, %max3A_1285 : vector<16xf32>
      %gt3A_1329 = arith.cmpf ogt, %gather3A_1327, %max3A_1283 : vector<16xf32>
      %select_n3A_1330 = arith.select %gt3A_1329, %broadcast_in_dim3A_1323, %select_n3A_1281 : vector<16xi1>, vector<16xi32>
      %select_n3A_1331 = arith.select %gt3A_1328, %select_n3A_1284, %select_n3A_1330 : vector<16xi1>, vector<16xi32>
      %min3A_1332 = arith.minimumf %max3A_1285, %gather3A_1327 : vector<16xf32>
      %max3A_1333 = arith.maximumf %max3A_1283, %min3A_1332 : vector<16xf32>
      %select_n3A_1334 = arith.select %gt3A_1328, %broadcast_in_dim3A_1323, %select_n3A_1284 : vector<16xi1>, vector<16xi32>
      %max3A_1335 = arith.maximumf %max3A_1285, %gather3A_1327 : vector<16xf32>
      %add3A_1336 = arith.constant 23 : i32
      %add3A_1337 = vector.broadcast %add3A_1336 : i32 to vector<16xi32>
      %add3A_1338 = arith.addi %mul3A_194, %add3A_1337 : vector<16xi32>
      %gather3A_1339 = tpu.vector_load_idx %arg7[%add3A_1338] : memref<66560xf32, #tpu.memory_space<vmem>>[vector<16xi32>], vector<16xf32>,
      %gt3A_1340 = arith.cmpf ogt, %gather3A_1339, %max3A_1297 : vector<16xf32>
      %gt3A_1341 = arith.cmpf ogt, %gather3A_1339, %max3A_1295 : vector<16xf32>
      %select_n3A_1342 = arith.select %gt3A_1341, %broadcast_in_dim3A_1323, %select_n3A_1293 : vector<16xi1>, vector<16xi32>
      %select_n3A_1343 = arith.select %gt3A_1340, %select_n3A_1296, %select_n3A_1342 : vector<16xi1>, vector<16xi32>
      %min3A_1344 = arith.minimumf %max3A_1297, %gather3A_1339 : vector<16xf32>
      %max3A_1345 = arith.maximumf %max3A_1295, %min3A_1344 : vector<16xf32>
      %select_n3A_1346 = arith.select %gt3A_1340, %broadcast_in_dim3A_1323, %select_n3A_1296 : vector<16xi1>, vector<16xi32>
      %max3A_1347 = arith.maximumf %max3A_1297, %gather3A_1339 : vector<16xf32>
      %add3A_1348 = arith.constant 23 : i32
      %add3A_1349 = vector.broadcast %add3A_1348 : i32 to vector<16xi32>
      %add3A_1350 = arith.addi %mul3A_208, %add3A_1349 : vector<16xi32>
      %gather3A_1351 = tpu.vector_load_idx %arg7[%add3A_1350] : memref<66560xf32, #tpu.memory_space<vmem>>[vector<16xi32>], vector<16xf32>,
      %gt3A_1352 = arith.cmpf ogt, %gather3A_1351, %max3A_1309 : vector<16xf32>
      %gt3A_1353 = arith.cmpf ogt, %gather3A_1351, %max3A_1307 : vector<16xf32>
      %select_n3A_1354 = arith.select %gt3A_1353, %broadcast_in_dim3A_1323, %select_n3A_1305 : vector<16xi1>, vector<16xi32>
      %select_n3A_1355 = arith.select %gt3A_1352, %select_n3A_1308, %select_n3A_1354 : vector<16xi1>, vector<16xi32>
      %min3A_1356 = arith.minimumf %max3A_1309, %gather3A_1351 : vector<16xf32>
      %max3A_1357 = arith.maximumf %max3A_1307, %min3A_1356 : vector<16xf32>
      %select_n3A_1358 = arith.select %gt3A_1352, %broadcast_in_dim3A_1323, %select_n3A_1308 : vector<16xi1>, vector<16xi32>
      %max3A_1359 = arith.maximumf %max3A_1309, %gather3A_1351 : vector<16xf32>
      %add3A_1360 = arith.constant 23 : i32
      %add3A_1361 = vector.broadcast %add3A_1360 : i32 to vector<16xi32>
      %add3A_1362 = arith.addi %mul3A_222, %add3A_1361 : vector<16xi32>
      %gather3A_1363 = tpu.vector_load_idx %arg7[%add3A_1362] : memref<66560xf32, #tpu.memory_space<vmem>>[vector<16xi32>], vector<16xf32>,
      %gt3A_1364 = arith.cmpf ogt, %gather3A_1363, %max3A_1321 : vector<16xf32>
      %gt3A_1365 = arith.cmpf ogt, %gather3A_1363, %max3A_1319 : vector<16xf32>
      %select_n3A_1366 = arith.select %gt3A_1365, %broadcast_in_dim3A_1323, %select_n3A_1317 : vector<16xi1>, vector<16xi32>
      %select_n3A_1367 = arith.select %gt3A_1364, %select_n3A_1320, %select_n3A_1366 : vector<16xi1>, vector<16xi32>
      %min3A_1368 = arith.minimumf %max3A_1321, %gather3A_1363 : vector<16xf32>
      %max3A_1369 = arith.maximumf %max3A_1319, %min3A_1368 : vector<16xf32>
      %select_n3A_1370 = arith.select %gt3A_1364, %broadcast_in_dim3A_1323, %select_n3A_1320 : vector<16xi1>, vector<16xi32>
      %max3A_1371 = arith.maximumf %max3A_1321, %gather3A_1363 : vector<16xf32>
      %broadcast_in_dim3A_1372 = arith.constant 24 : i32
      %broadcast_in_dim3A_1373 = vector.broadcast %broadcast_in_dim3A_1372 : i32 to vector<16xi32>
      %add3A_1374 = arith.constant 24 : i32
      %add3A_1375 = vector.broadcast %add3A_1374 : i32 to vector<16xi32>
      %add3A_1376 = arith.addi %mul3A_181, %add3A_1375 : vector<16xi32>
      %gather3A_1377 = tpu.vector_load_idx %arg7[%add3A_1376] : memref<66560xf32, #tpu.memory_space<vmem>>[vector<16xi32>], vector<16xf32>,
      %gt3A_1378 = arith.cmpf ogt, %gather3A_1377, %max3A_1335 : vector<16xf32>
      %gt3A_1379 = arith.cmpf ogt, %gather3A_1377, %max3A_1333 : vector<16xf32>
      %select_n3A_1380 = arith.select %gt3A_1379, %broadcast_in_dim3A_1373, %select_n3A_1331 : vector<16xi1>, vector<16xi32>
      %select_n3A_1381 = arith.select %gt3A_1378, %select_n3A_1334, %select_n3A_1380 : vector<16xi1>, vector<16xi32>
      %min3A_1382 = arith.minimumf %max3A_1335, %gather3A_1377 : vector<16xf32>
      %max3A_1383 = arith.maximumf %max3A_1333, %min3A_1382 : vector<16xf32>
      %select_n3A_1384 = arith.select %gt3A_1378, %broadcast_in_dim3A_1373, %select_n3A_1334 : vector<16xi1>, vector<16xi32>
      %max3A_1385 = arith.maximumf %max3A_1335, %gather3A_1377 : vector<16xf32>
      %add3A_1386 = arith.constant 24 : i32
      %add3A_1387 = vector.broadcast %add3A_1386 : i32 to vector<16xi32>
      %add3A_1388 = arith.addi %mul3A_194, %add3A_1387 : vector<16xi32>
      %gather3A_1389 = tpu.vector_load_idx %arg7[%add3A_1388] : memref<66560xf32, #tpu.memory_space<vmem>>[vector<16xi32>], vector<16xf32>,
      %gt3A_1390 = arith.cmpf ogt, %gather3A_1389, %max3A_1347 : vector<16xf32>
      %gt3A_1391 = arith.cmpf ogt, %gather3A_1389, %max3A_1345 : vector<16xf32>
      %select_n3A_1392 = arith.select %gt3A_1391, %broadcast_in_dim3A_1373, %select_n3A_1343 : vector<16xi1>, vector<16xi32>
      %select_n3A_1393 = arith.select %gt3A_1390, %select_n3A_1346, %select_n3A_1392 : vector<16xi1>, vector<16xi32>
      %min3A_1394 = arith.minimumf %max3A_1347, %gather3A_1389 : vector<16xf32>
      %max3A_1395 = arith.maximumf %max3A_1345, %min3A_1394 : vector<16xf32>
      %select_n3A_1396 = arith.select %gt3A_1390, %broadcast_in_dim3A_1373, %select_n3A_1346 : vector<16xi1>, vector<16xi32>
      %max3A_1397 = arith.maximumf %max3A_1347, %gather3A_1389 : vector<16xf32>
      %add3A_1398 = arith.constant 24 : i32
      %add3A_1399 = vector.broadcast %add3A_1398 : i32 to vector<16xi32>
      %add3A_1400 = arith.addi %mul3A_208, %add3A_1399 : vector<16xi32>
      %gather3A_1401 = tpu.vector_load_idx %arg7[%add3A_1400] : memref<66560xf32, #tpu.memory_space<vmem>>[vector<16xi32>], vector<16xf32>,
      %gt3A_1402 = arith.cmpf ogt, %gather3A_1401, %max3A_1359 : vector<16xf32>
      %gt3A_1403 = arith.cmpf ogt, %gather3A_1401, %max3A_1357 : vector<16xf32>
      %select_n3A_1404 = arith.select %gt3A_1403, %broadcast_in_dim3A_1373, %select_n3A_1355 : vector<16xi1>, vector<16xi32>
      %select_n3A_1405 = arith.select %gt3A_1402, %select_n3A_1358, %select_n3A_1404 : vector<16xi1>, vector<16xi32>
      %min3A_1406 = arith.minimumf %max3A_1359, %gather3A_1401 : vector<16xf32>
      %max3A_1407 = arith.maximumf %max3A_1357, %min3A_1406 : vector<16xf32>
      %select_n3A_1408 = arith.select %gt3A_1402, %broadcast_in_dim3A_1373, %select_n3A_1358 : vector<16xi1>, vector<16xi32>
      %max3A_1409 = arith.maximumf %max3A_1359, %gather3A_1401 : vector<16xf32>
      %add3A_1410 = arith.constant 24 : i32
      %add3A_1411 = vector.broadcast %add3A_1410 : i32 to vector<16xi32>
      %add3A_1412 = arith.addi %mul3A_222, %add3A_1411 : vector<16xi32>
      %gather3A_1413 = tpu.vector_load_idx %arg7[%add3A_1412] : memref<66560xf32, #tpu.memory_space<vmem>>[vector<16xi32>], vector<16xf32>,
      %gt3A_1414 = arith.cmpf ogt, %gather3A_1413, %max3A_1371 : vector<16xf32>
      %gt3A_1415 = arith.cmpf ogt, %gather3A_1413, %max3A_1369 : vector<16xf32>
      %select_n3A_1416 = arith.select %gt3A_1415, %broadcast_in_dim3A_1373, %select_n3A_1367 : vector<16xi1>, vector<16xi32>
      %select_n3A_1417 = arith.select %gt3A_1414, %select_n3A_1370, %select_n3A_1416 : vector<16xi1>, vector<16xi32>
      %min3A_1418 = arith.minimumf %max3A_1371, %gather3A_1413 : vector<16xf32>
      %max3A_1419 = arith.maximumf %max3A_1369, %min3A_1418 : vector<16xf32>
      %select_n3A_1420 = arith.select %gt3A_1414, %broadcast_in_dim3A_1373, %select_n3A_1370 : vector<16xi1>, vector<16xi32>
      %max3A_1421 = arith.maximumf %max3A_1371, %gather3A_1413 : vector<16xf32>
      %broadcast_in_dim3A_1422 = arith.constant 25 : i32
      %broadcast_in_dim3A_1423 = vector.broadcast %broadcast_in_dim3A_1422 : i32 to vector<16xi32>
      %add3A_1424 = arith.constant 25 : i32
      %add3A_1425 = vector.broadcast %add3A_1424 : i32 to vector<16xi32>
      %add3A_1426 = arith.addi %mul3A_181, %add3A_1425 : vector<16xi32>
      %gather3A_1427 = tpu.vector_load_idx %arg7[%add3A_1426] : memref<66560xf32, #tpu.memory_space<vmem>>[vector<16xi32>], vector<16xf32>,
      %gt3A_1428 = arith.cmpf ogt, %gather3A_1427, %max3A_1385 : vector<16xf32>
      %gt3A_1429 = arith.cmpf ogt, %gather3A_1427, %max3A_1383 : vector<16xf32>
      %select_n3A_1430 = arith.select %gt3A_1429, %broadcast_in_dim3A_1423, %select_n3A_1381 : vector<16xi1>, vector<16xi32>
      %select_n3A_1431 = arith.select %gt3A_1428, %select_n3A_1384, %select_n3A_1430 : vector<16xi1>, vector<16xi32>
      %min3A_1432 = arith.minimumf %max3A_1385, %gather3A_1427 : vector<16xf32>
      %max3A_1433 = arith.maximumf %max3A_1383, %min3A_1432 : vector<16xf32>
      %select_n3A_1434 = arith.select %gt3A_1428, %broadcast_in_dim3A_1423, %select_n3A_1384 : vector<16xi1>, vector<16xi32>
      %max3A_1435 = arith.maximumf %max3A_1385, %gather3A_1427 : vector<16xf32>
      %add3A_1436 = arith.constant 25 : i32
      %add3A_1437 = vector.broadcast %add3A_1436 : i32 to vector<16xi32>
      %add3A_1438 = arith.addi %mul3A_194, %add3A_1437 : vector<16xi32>
      %gather3A_1439 = tpu.vector_load_idx %arg7[%add3A_1438] : memref<66560xf32, #tpu.memory_space<vmem>>[vector<16xi32>], vector<16xf32>,
      %gt3A_1440 = arith.cmpf ogt, %gather3A_1439, %max3A_1397 : vector<16xf32>
      %gt3A_1441 = arith.cmpf ogt, %gather3A_1439, %max3A_1395 : vector<16xf32>
      %select_n3A_1442 = arith.select %gt3A_1441, %broadcast_in_dim3A_1423, %select_n3A_1393 : vector<16xi1>, vector<16xi32>
      %select_n3A_1443 = arith.select %gt3A_1440, %select_n3A_1396, %select_n3A_1442 : vector<16xi1>, vector<16xi32>
      %min3A_1444 = arith.minimumf %max3A_1397, %gather3A_1439 : vector<16xf32>
      %max3A_1445 = arith.maximumf %max3A_1395, %min3A_1444 : vector<16xf32>
      %select_n3A_1446 = arith.select %gt3A_1440, %broadcast_in_dim3A_1423, %select_n3A_1396 : vector<16xi1>, vector<16xi32>
      %max3A_1447 = arith.maximumf %max3A_1397, %gather3A_1439 : vector<16xf32>
      %add3A_1448 = arith.constant 25 : i32
      %add3A_1449 = vector.broadcast %add3A_1448 : i32 to vector<16xi32>
      %add3A_1450 = arith.addi %mul3A_208, %add3A_1449 : vector<16xi32>
      %gather3A_1451 = tpu.vector_load_idx %arg7[%add3A_1450] : memref<66560xf32, #tpu.memory_space<vmem>>[vector<16xi32>], vector<16xf32>,
      %gt3A_1452 = arith.cmpf ogt, %gather3A_1451, %max3A_1409 : vector<16xf32>
      %gt3A_1453 = arith.cmpf ogt, %gather3A_1451, %max3A_1407 : vector<16xf32>
      %select_n3A_1454 = arith.select %gt3A_1453, %broadcast_in_dim3A_1423, %select_n3A_1405 : vector<16xi1>, vector<16xi32>
      %select_n3A_1455 = arith.select %gt3A_1452, %select_n3A_1408, %select_n3A_1454 : vector<16xi1>, vector<16xi32>
      %min3A_1456 = arith.minimumf %max3A_1409, %gather3A_1451 : vector<16xf32>
      %max3A_1457 = arith.maximumf %max3A_1407, %min3A_1456 : vector<16xf32>
      %select_n3A_1458 = arith.select %gt3A_1452, %broadcast_in_dim3A_1423, %select_n3A_1408 : vector<16xi1>, vector<16xi32>
      %max3A_1459 = arith.maximumf %max3A_1409, %gather3A_1451 : vector<16xf32>
      %add3A_1460 = arith.constant 25 : i32
      %add3A_1461 = vector.broadcast %add3A_1460 : i32 to vector<16xi32>
      %add3A_1462 = arith.addi %mul3A_222, %add3A_1461 : vector<16xi32>
      %gather3A_1463 = tpu.vector_load_idx %arg7[%add3A_1462] : memref<66560xf32, #tpu.memory_space<vmem>>[vector<16xi32>], vector<16xf32>,
      %gt3A_1464 = arith.cmpf ogt, %gather3A_1463, %max3A_1421 : vector<16xf32>
      %gt3A_1465 = arith.cmpf ogt, %gather3A_1463, %max3A_1419 : vector<16xf32>
      %select_n3A_1466 = arith.select %gt3A_1465, %broadcast_in_dim3A_1423, %select_n3A_1417 : vector<16xi1>, vector<16xi32>
      %select_n3A_1467 = arith.select %gt3A_1464, %select_n3A_1420, %select_n3A_1466 : vector<16xi1>, vector<16xi32>
      %min3A_1468 = arith.minimumf %max3A_1421, %gather3A_1463 : vector<16xf32>
      %max3A_1469 = arith.maximumf %max3A_1419, %min3A_1468 : vector<16xf32>
      %select_n3A_1470 = arith.select %gt3A_1464, %broadcast_in_dim3A_1423, %select_n3A_1420 : vector<16xi1>, vector<16xi32>
      %max3A_1471 = arith.maximumf %max3A_1421, %gather3A_1463 : vector<16xf32>
      %broadcast_in_dim3A_1472 = arith.constant 26 : i32
      %broadcast_in_dim3A_1473 = vector.broadcast %broadcast_in_dim3A_1472 : i32 to vector<16xi32>
      %add3A_1474 = arith.constant 26 : i32
      %add3A_1475 = vector.broadcast %add3A_1474 : i32 to vector<16xi32>
      %add3A_1476 = arith.addi %mul3A_181, %add3A_1475 : vector<16xi32>
      %gather3A_1477 = tpu.vector_load_idx %arg7[%add3A_1476] : memref<66560xf32, #tpu.memory_space<vmem>>[vector<16xi32>], vector<16xf32>,
      %gt3A_1478 = arith.cmpf ogt, %gather3A_1477, %max3A_1435 : vector<16xf32>
      %gt3A_1479 = arith.cmpf ogt, %gather3A_1477, %max3A_1433 : vector<16xf32>
      %select_n3A_1480 = arith.select %gt3A_1479, %broadcast_in_dim3A_1473, %select_n3A_1431 : vector<16xi1>, vector<16xi32>
      %select_n3A_1481 = arith.select %gt3A_1478, %select_n3A_1434, %select_n3A_1480 : vector<16xi1>, vector<16xi32>
      %min3A_1482 = arith.minimumf %max3A_1435, %gather3A_1477 : vector<16xf32>
      %max3A_1483 = arith.maximumf %max3A_1433, %min3A_1482 : vector<16xf32>
      %select_n3A_1484 = arith.select %gt3A_1478, %broadcast_in_dim3A_1473, %select_n3A_1434 : vector<16xi1>, vector<16xi32>
      %max3A_1485 = arith.maximumf %max3A_1435, %gather3A_1477 : vector<16xf32>
      %add3A_1486 = arith.constant 26 : i32
      %add3A_1487 = vector.broadcast %add3A_1486 : i32 to vector<16xi32>
      %add3A_1488 = arith.addi %mul3A_194, %add3A_1487 : vector<16xi32>
      %gather3A_1489 = tpu.vector_load_idx %arg7[%add3A_1488] : memref<66560xf32, #tpu.memory_space<vmem>>[vector<16xi32>], vector<16xf32>,
      %gt3A_1490 = arith.cmpf ogt, %gather3A_1489, %max3A_1447 : vector<16xf32>
      %gt3A_1491 = arith.cmpf ogt, %gather3A_1489, %max3A_1445 : vector<16xf32>
      %select_n3A_1492 = arith.select %gt3A_1491, %broadcast_in_dim3A_1473, %select_n3A_1443 : vector<16xi1>, vector<16xi32>
      %select_n3A_1493 = arith.select %gt3A_1490, %select_n3A_1446, %select_n3A_1492 : vector<16xi1>, vector<16xi32>
      %min3A_1494 = arith.minimumf %max3A_1447, %gather3A_1489 : vector<16xf32>
      %max3A_1495 = arith.maximumf %max3A_1445, %min3A_1494 : vector<16xf32>
      %select_n3A_1496 = arith.select %gt3A_1490, %broadcast_in_dim3A_1473, %select_n3A_1446 : vector<16xi1>, vector<16xi32>
      %max3A_1497 = arith.maximumf %max3A_1447, %gather3A_1489 : vector<16xf32>
      %add3A_1498 = arith.constant 26 : i32
      %add3A_1499 = vector.broadcast %add3A_1498 : i32 to vector<16xi32>
      %add3A_1500 = arith.addi %mul3A_208, %add3A_1499 : vector<16xi32>
      %gather3A_1501 = tpu.vector_load_idx %arg7[%add3A_1500] : memref<66560xf32, #tpu.memory_space<vmem>>[vector<16xi32>], vector<16xf32>,
      %gt3A_1502 = arith.cmpf ogt, %gather3A_1501, %max3A_1459 : vector<16xf32>
      %gt3A_1503 = arith.cmpf ogt, %gather3A_1501, %max3A_1457 : vector<16xf32>
      %select_n3A_1504 = arith.select %gt3A_1503, %broadcast_in_dim3A_1473, %select_n3A_1455 : vector<16xi1>, vector<16xi32>
      %select_n3A_1505 = arith.select %gt3A_1502, %select_n3A_1458, %select_n3A_1504 : vector<16xi1>, vector<16xi32>
      %min3A_1506 = arith.minimumf %max3A_1459, %gather3A_1501 : vector<16xf32>
      %max3A_1507 = arith.maximumf %max3A_1457, %min3A_1506 : vector<16xf32>
      %select_n3A_1508 = arith.select %gt3A_1502, %broadcast_in_dim3A_1473, %select_n3A_1458 : vector<16xi1>, vector<16xi32>
      %max3A_1509 = arith.maximumf %max3A_1459, %gather3A_1501 : vector<16xf32>
      %add3A_1510 = arith.constant 26 : i32
      %add3A_1511 = vector.broadcast %add3A_1510 : i32 to vector<16xi32>
      %add3A_1512 = arith.addi %mul3A_222, %add3A_1511 : vector<16xi32>
      %gather3A_1513 = tpu.vector_load_idx %arg7[%add3A_1512] : memref<66560xf32, #tpu.memory_space<vmem>>[vector<16xi32>], vector<16xf32>,
      %gt3A_1514 = arith.cmpf ogt, %gather3A_1513, %max3A_1471 : vector<16xf32>
      %gt3A_1515 = arith.cmpf ogt, %gather3A_1513, %max3A_1469 : vector<16xf32>
      %select_n3A_1516 = arith.select %gt3A_1515, %broadcast_in_dim3A_1473, %select_n3A_1467 : vector<16xi1>, vector<16xi32>
      %select_n3A_1517 = arith.select %gt3A_1514, %select_n3A_1470, %select_n3A_1516 : vector<16xi1>, vector<16xi32>
      %min3A_1518 = arith.minimumf %max3A_1471, %gather3A_1513 : vector<16xf32>
      %max3A_1519 = arith.maximumf %max3A_1469, %min3A_1518 : vector<16xf32>
      %select_n3A_1520 = arith.select %gt3A_1514, %broadcast_in_dim3A_1473, %select_n3A_1470 : vector<16xi1>, vector<16xi32>
      %max3A_1521 = arith.maximumf %max3A_1471, %gather3A_1513 : vector<16xf32>
      %broadcast_in_dim3A_1522 = arith.constant 27 : i32
      %broadcast_in_dim3A_1523 = vector.broadcast %broadcast_in_dim3A_1522 : i32 to vector<16xi32>
      %add3A_1524 = arith.constant 27 : i32
      %add3A_1525 = vector.broadcast %add3A_1524 : i32 to vector<16xi32>
      %add3A_1526 = arith.addi %mul3A_181, %add3A_1525 : vector<16xi32>
      %gather3A_1527 = tpu.vector_load_idx %arg7[%add3A_1526] : memref<66560xf32, #tpu.memory_space<vmem>>[vector<16xi32>], vector<16xf32>,
      %gt3A_1528 = arith.cmpf ogt, %gather3A_1527, %max3A_1485 : vector<16xf32>
      %gt3A_1529 = arith.cmpf ogt, %gather3A_1527, %max3A_1483 : vector<16xf32>
      %select_n3A_1530 = arith.select %gt3A_1529, %broadcast_in_dim3A_1523, %select_n3A_1481 : vector<16xi1>, vector<16xi32>
      %select_n3A_1531 = arith.select %gt3A_1528, %select_n3A_1484, %select_n3A_1530 : vector<16xi1>, vector<16xi32>
      %min3A_1532 = arith.minimumf %max3A_1485, %gather3A_1527 : vector<16xf32>
      %max3A_1533 = arith.maximumf %max3A_1483, %min3A_1532 : vector<16xf32>
      %select_n3A_1534 = arith.select %gt3A_1528, %broadcast_in_dim3A_1523, %select_n3A_1484 : vector<16xi1>, vector<16xi32>
      %max3A_1535 = arith.maximumf %max3A_1485, %gather3A_1527 : vector<16xf32>
      %add3A_1536 = arith.constant 27 : i32
      %add3A_1537 = vector.broadcast %add3A_1536 : i32 to vector<16xi32>
      %add3A_1538 = arith.addi %mul3A_194, %add3A_1537 : vector<16xi32>
      %gather3A_1539 = tpu.vector_load_idx %arg7[%add3A_1538] : memref<66560xf32, #tpu.memory_space<vmem>>[vector<16xi32>], vector<16xf32>,
      %gt3A_1540 = arith.cmpf ogt, %gather3A_1539, %max3A_1497 : vector<16xf32>
      %gt3A_1541 = arith.cmpf ogt, %gather3A_1539, %max3A_1495 : vector<16xf32>
      %select_n3A_1542 = arith.select %gt3A_1541, %broadcast_in_dim3A_1523, %select_n3A_1493 : vector<16xi1>, vector<16xi32>
      %select_n3A_1543 = arith.select %gt3A_1540, %select_n3A_1496, %select_n3A_1542 : vector<16xi1>, vector<16xi32>
      %min3A_1544 = arith.minimumf %max3A_1497, %gather3A_1539 : vector<16xf32>
      %max3A_1545 = arith.maximumf %max3A_1495, %min3A_1544 : vector<16xf32>
      %select_n3A_1546 = arith.select %gt3A_1540, %broadcast_in_dim3A_1523, %select_n3A_1496 : vector<16xi1>, vector<16xi32>
      %max3A_1547 = arith.maximumf %max3A_1497, %gather3A_1539 : vector<16xf32>
      %add3A_1548 = arith.constant 27 : i32
      %add3A_1549 = vector.broadcast %add3A_1548 : i32 to vector<16xi32>
      %add3A_1550 = arith.addi %mul3A_208, %add3A_1549 : vector<16xi32>
      %gather3A_1551 = tpu.vector_load_idx %arg7[%add3A_1550] : memref<66560xf32, #tpu.memory_space<vmem>>[vector<16xi32>], vector<16xf32>,
      %gt3A_1552 = arith.cmpf ogt, %gather3A_1551, %max3A_1509 : vector<16xf32>
      %gt3A_1553 = arith.cmpf ogt, %gather3A_1551, %max3A_1507 : vector<16xf32>
      %select_n3A_1554 = arith.select %gt3A_1553, %broadcast_in_dim3A_1523, %select_n3A_1505 : vector<16xi1>, vector<16xi32>
      %select_n3A_1555 = arith.select %gt3A_1552, %select_n3A_1508, %select_n3A_1554 : vector<16xi1>, vector<16xi32>
      %min3A_1556 = arith.minimumf %max3A_1509, %gather3A_1551 : vector<16xf32>
      %max3A_1557 = arith.maximumf %max3A_1507, %min3A_1556 : vector<16xf32>
      %select_n3A_1558 = arith.select %gt3A_1552, %broadcast_in_dim3A_1523, %select_n3A_1508 : vector<16xi1>, vector<16xi32>
      %max3A_1559 = arith.maximumf %max3A_1509, %gather3A_1551 : vector<16xf32>
      %add3A_1560 = arith.constant 27 : i32
      %add3A_1561 = vector.broadcast %add3A_1560 : i32 to vector<16xi32>
      %add3A_1562 = arith.addi %mul3A_222, %add3A_1561 : vector<16xi32>
      %gather3A_1563 = tpu.vector_load_idx %arg7[%add3A_1562] : memref<66560xf32, #tpu.memory_space<vmem>>[vector<16xi32>], vector<16xf32>,
      %gt3A_1564 = arith.cmpf ogt, %gather3A_1563, %max3A_1521 : vector<16xf32>
      %gt3A_1565 = arith.cmpf ogt, %gather3A_1563, %max3A_1519 : vector<16xf32>
      %select_n3A_1566 = arith.select %gt3A_1565, %broadcast_in_dim3A_1523, %select_n3A_1517 : vector<16xi1>, vector<16xi32>
      %select_n3A_1567 = arith.select %gt3A_1564, %select_n3A_1520, %select_n3A_1566 : vector<16xi1>, vector<16xi32>
      %min3A_1568 = arith.minimumf %max3A_1521, %gather3A_1563 : vector<16xf32>
      %max3A_1569 = arith.maximumf %max3A_1519, %min3A_1568 : vector<16xf32>
      %select_n3A_1570 = arith.select %gt3A_1564, %broadcast_in_dim3A_1523, %select_n3A_1520 : vector<16xi1>, vector<16xi32>
      %max3A_1571 = arith.maximumf %max3A_1521, %gather3A_1563 : vector<16xf32>
      %broadcast_in_dim3A_1572 = arith.constant 28 : i32
      %broadcast_in_dim3A_1573 = vector.broadcast %broadcast_in_dim3A_1572 : i32 to vector<16xi32>
      %add3A_1574 = arith.constant 28 : i32
      %add3A_1575 = vector.broadcast %add3A_1574 : i32 to vector<16xi32>
      %add3A_1576 = arith.addi %mul3A_181, %add3A_1575 : vector<16xi32>
      %gather3A_1577 = tpu.vector_load_idx %arg7[%add3A_1576] : memref<66560xf32, #tpu.memory_space<vmem>>[vector<16xi32>], vector<16xf32>,
      %gt3A_1578 = arith.cmpf ogt, %gather3A_1577, %max3A_1535 : vector<16xf32>
      %gt3A_1579 = arith.cmpf ogt, %gather3A_1577, %max3A_1533 : vector<16xf32>
      %select_n3A_1580 = arith.select %gt3A_1579, %broadcast_in_dim3A_1573, %select_n3A_1531 : vector<16xi1>, vector<16xi32>
      %select_n3A_1581 = arith.select %gt3A_1578, %select_n3A_1534, %select_n3A_1580 : vector<16xi1>, vector<16xi32>
      %min3A_1582 = arith.minimumf %max3A_1535, %gather3A_1577 : vector<16xf32>
      %max3A_1583 = arith.maximumf %max3A_1533, %min3A_1582 : vector<16xf32>
      %select_n3A_1584 = arith.select %gt3A_1578, %broadcast_in_dim3A_1573, %select_n3A_1534 : vector<16xi1>, vector<16xi32>
      %max3A_1585 = arith.maximumf %max3A_1535, %gather3A_1577 : vector<16xf32>
      %add3A_1586 = arith.constant 28 : i32
      %add3A_1587 = vector.broadcast %add3A_1586 : i32 to vector<16xi32>
      %add3A_1588 = arith.addi %mul3A_194, %add3A_1587 : vector<16xi32>
      %gather3A_1589 = tpu.vector_load_idx %arg7[%add3A_1588] : memref<66560xf32, #tpu.memory_space<vmem>>[vector<16xi32>], vector<16xf32>,
      %gt3A_1590 = arith.cmpf ogt, %gather3A_1589, %max3A_1547 : vector<16xf32>
      %gt3A_1591 = arith.cmpf ogt, %gather3A_1589, %max3A_1545 : vector<16xf32>
      %select_n3A_1592 = arith.select %gt3A_1591, %broadcast_in_dim3A_1573, %select_n3A_1543 : vector<16xi1>, vector<16xi32>
      %select_n3A_1593 = arith.select %gt3A_1590, %select_n3A_1546, %select_n3A_1592 : vector<16xi1>, vector<16xi32>
      %min3A_1594 = arith.minimumf %max3A_1547, %gather3A_1589 : vector<16xf32>
      %max3A_1595 = arith.maximumf %max3A_1545, %min3A_1594 : vector<16xf32>
      %select_n3A_1596 = arith.select %gt3A_1590, %broadcast_in_dim3A_1573, %select_n3A_1546 : vector<16xi1>, vector<16xi32>
      %max3A_1597 = arith.maximumf %max3A_1547, %gather3A_1589 : vector<16xf32>
      %add3A_1598 = arith.constant 28 : i32
      %add3A_1599 = vector.broadcast %add3A_1598 : i32 to vector<16xi32>
      %add3A_1600 = arith.addi %mul3A_208, %add3A_1599 : vector<16xi32>
      %gather3A_1601 = tpu.vector_load_idx %arg7[%add3A_1600] : memref<66560xf32, #tpu.memory_space<vmem>>[vector<16xi32>], vector<16xf32>,
      %gt3A_1602 = arith.cmpf ogt, %gather3A_1601, %max3A_1559 : vector<16xf32>
      %gt3A_1603 = arith.cmpf ogt, %gather3A_1601, %max3A_1557 : vector<16xf32>
      %select_n3A_1604 = arith.select %gt3A_1603, %broadcast_in_dim3A_1573, %select_n3A_1555 : vector<16xi1>, vector<16xi32>
      %select_n3A_1605 = arith.select %gt3A_1602, %select_n3A_1558, %select_n3A_1604 : vector<16xi1>, vector<16xi32>
      %min3A_1606 = arith.minimumf %max3A_1559, %gather3A_1601 : vector<16xf32>
      %max3A_1607 = arith.maximumf %max3A_1557, %min3A_1606 : vector<16xf32>
      %select_n3A_1608 = arith.select %gt3A_1602, %broadcast_in_dim3A_1573, %select_n3A_1558 : vector<16xi1>, vector<16xi32>
      %max3A_1609 = arith.maximumf %max3A_1559, %gather3A_1601 : vector<16xf32>
      %add3A_1610 = arith.constant 28 : i32
      %add3A_1611 = vector.broadcast %add3A_1610 : i32 to vector<16xi32>
      %add3A_1612 = arith.addi %mul3A_222, %add3A_1611 : vector<16xi32>
      %gather3A_1613 = tpu.vector_load_idx %arg7[%add3A_1612] : memref<66560xf32, #tpu.memory_space<vmem>>[vector<16xi32>], vector<16xf32>,
      %gt3A_1614 = arith.cmpf ogt, %gather3A_1613, %max3A_1571 : vector<16xf32>
      %gt3A_1615 = arith.cmpf ogt, %gather3A_1613, %max3A_1569 : vector<16xf32>
      %select_n3A_1616 = arith.select %gt3A_1615, %broadcast_in_dim3A_1573, %select_n3A_1567 : vector<16xi1>, vector<16xi32>
      %select_n3A_1617 = arith.select %gt3A_1614, %select_n3A_1570, %select_n3A_1616 : vector<16xi1>, vector<16xi32>
      %min3A_1618 = arith.minimumf %max3A_1571, %gather3A_1613 : vector<16xf32>
      %max3A_1619 = arith.maximumf %max3A_1569, %min3A_1618 : vector<16xf32>
      %select_n3A_1620 = arith.select %gt3A_1614, %broadcast_in_dim3A_1573, %select_n3A_1570 : vector<16xi1>, vector<16xi32>
      %max3A_1621 = arith.maximumf %max3A_1571, %gather3A_1613 : vector<16xf32>
      %broadcast_in_dim3A_1622 = arith.constant 29 : i32
      %broadcast_in_dim3A_1623 = vector.broadcast %broadcast_in_dim3A_1622 : i32 to vector<16xi32>
      %add3A_1624 = arith.constant 29 : i32
      %add3A_1625 = vector.broadcast %add3A_1624 : i32 to vector<16xi32>
      %add3A_1626 = arith.addi %mul3A_181, %add3A_1625 : vector<16xi32>
      %gather3A_1627 = tpu.vector_load_idx %arg7[%add3A_1626] : memref<66560xf32, #tpu.memory_space<vmem>>[vector<16xi32>], vector<16xf32>,
      %gt3A_1628 = arith.cmpf ogt, %gather3A_1627, %max3A_1585 : vector<16xf32>
      %gt3A_1629 = arith.cmpf ogt, %gather3A_1627, %max3A_1583 : vector<16xf32>
      %select_n3A_1630 = arith.select %gt3A_1629, %broadcast_in_dim3A_1623, %select_n3A_1581 : vector<16xi1>, vector<16xi32>
      %select_n3A_1631 = arith.select %gt3A_1628, %select_n3A_1584, %select_n3A_1630 : vector<16xi1>, vector<16xi32>
      %min3A_1632 = arith.minimumf %max3A_1585, %gather3A_1627 : vector<16xf32>
      %max3A_1633 = arith.maximumf %max3A_1583, %min3A_1632 : vector<16xf32>
      %select_n3A_1634 = arith.select %gt3A_1628, %broadcast_in_dim3A_1623, %select_n3A_1584 : vector<16xi1>, vector<16xi32>
      %max3A_1635 = arith.maximumf %max3A_1585, %gather3A_1627 : vector<16xf32>
      %add3A_1636 = arith.constant 29 : i32
      %add3A_1637 = vector.broadcast %add3A_1636 : i32 to vector<16xi32>
      %add3A_1638 = arith.addi %mul3A_194, %add3A_1637 : vector<16xi32>
      %gather3A_1639 = tpu.vector_load_idx %arg7[%add3A_1638] : memref<66560xf32, #tpu.memory_space<vmem>>[vector<16xi32>], vector<16xf32>,
      %gt3A_1640 = arith.cmpf ogt, %gather3A_1639, %max3A_1597 : vector<16xf32>
      %gt3A_1641 = arith.cmpf ogt, %gather3A_1639, %max3A_1595 : vector<16xf32>
      %select_n3A_1642 = arith.select %gt3A_1641, %broadcast_in_dim3A_1623, %select_n3A_1593 : vector<16xi1>, vector<16xi32>
      %select_n3A_1643 = arith.select %gt3A_1640, %select_n3A_1596, %select_n3A_1642 : vector<16xi1>, vector<16xi32>
      %min3A_1644 = arith.minimumf %max3A_1597, %gather3A_1639 : vector<16xf32>
      %max3A_1645 = arith.maximumf %max3A_1595, %min3A_1644 : vector<16xf32>
      %select_n3A_1646 = arith.select %gt3A_1640, %broadcast_in_dim3A_1623, %select_n3A_1596 : vector<16xi1>, vector<16xi32>
      %max3A_1647 = arith.maximumf %max3A_1597, %gather3A_1639 : vector<16xf32>
      %add3A_1648 = arith.constant 29 : i32
      %add3A_1649 = vector.broadcast %add3A_1648 : i32 to vector<16xi32>
      %add3A_1650 = arith.addi %mul3A_208, %add3A_1649 : vector<16xi32>
      %gather3A_1651 = tpu.vector_load_idx %arg7[%add3A_1650] : memref<66560xf32, #tpu.memory_space<vmem>>[vector<16xi32>], vector<16xf32>,
      %gt3A_1652 = arith.cmpf ogt, %gather3A_1651, %max3A_1609 : vector<16xf32>
      %gt3A_1653 = arith.cmpf ogt, %gather3A_1651, %max3A_1607 : vector<16xf32>
      %select_n3A_1654 = arith.select %gt3A_1653, %broadcast_in_dim3A_1623, %select_n3A_1605 : vector<16xi1>, vector<16xi32>
      %select_n3A_1655 = arith.select %gt3A_1652, %select_n3A_1608, %select_n3A_1654 : vector<16xi1>, vector<16xi32>
      %min3A_1656 = arith.minimumf %max3A_1609, %gather3A_1651 : vector<16xf32>
      %max3A_1657 = arith.maximumf %max3A_1607, %min3A_1656 : vector<16xf32>
      %select_n3A_1658 = arith.select %gt3A_1652, %broadcast_in_dim3A_1623, %select_n3A_1608 : vector<16xi1>, vector<16xi32>
      %max3A_1659 = arith.maximumf %max3A_1609, %gather3A_1651 : vector<16xf32>
      %add3A_1660 = arith.constant 29 : i32
      %add3A_1661 = vector.broadcast %add3A_1660 : i32 to vector<16xi32>
      %add3A_1662 = arith.addi %mul3A_222, %add3A_1661 : vector<16xi32>
      %gather3A_1663 = tpu.vector_load_idx %arg7[%add3A_1662] : memref<66560xf32, #tpu.memory_space<vmem>>[vector<16xi32>], vector<16xf32>,
      %gt3A_1664 = arith.cmpf ogt, %gather3A_1663, %max3A_1621 : vector<16xf32>
      %gt3A_1665 = arith.cmpf ogt, %gather3A_1663, %max3A_1619 : vector<16xf32>
      %select_n3A_1666 = arith.select %gt3A_1665, %broadcast_in_dim3A_1623, %select_n3A_1617 : vector<16xi1>, vector<16xi32>
      %select_n3A_1667 = arith.select %gt3A_1664, %select_n3A_1620, %select_n3A_1666 : vector<16xi1>, vector<16xi32>
      %min3A_1668 = arith.minimumf %max3A_1621, %gather3A_1663 : vector<16xf32>
      %max3A_1669 = arith.maximumf %max3A_1619, %min3A_1668 : vector<16xf32>
      %select_n3A_1670 = arith.select %gt3A_1664, %broadcast_in_dim3A_1623, %select_n3A_1620 : vector<16xi1>, vector<16xi32>
      %max3A_1671 = arith.maximumf %max3A_1621, %gather3A_1663 : vector<16xf32>
      %broadcast_in_dim3A_1672 = arith.constant 30 : i32
      %broadcast_in_dim3A_1673 = vector.broadcast %broadcast_in_dim3A_1672 : i32 to vector<16xi32>
      %add3A_1674 = arith.constant 30 : i32
      %add3A_1675 = vector.broadcast %add3A_1674 : i32 to vector<16xi32>
      %add3A_1676 = arith.addi %mul3A_181, %add3A_1675 : vector<16xi32>
      %gather3A_1677 = tpu.vector_load_idx %arg7[%add3A_1676] : memref<66560xf32, #tpu.memory_space<vmem>>[vector<16xi32>], vector<16xf32>,
      %gt3A_1678 = arith.cmpf ogt, %gather3A_1677, %max3A_1635 : vector<16xf32>
      %gt3A_1679 = arith.cmpf ogt, %gather3A_1677, %max3A_1633 : vector<16xf32>
      %select_n3A_1680 = arith.select %gt3A_1679, %broadcast_in_dim3A_1673, %select_n3A_1631 : vector<16xi1>, vector<16xi32>
      %select_n3A_1681 = arith.select %gt3A_1678, %select_n3A_1634, %select_n3A_1680 : vector<16xi1>, vector<16xi32>
      %min3A_1682 = arith.minimumf %max3A_1635, %gather3A_1677 : vector<16xf32>
      %max3A_1683 = arith.maximumf %max3A_1633, %min3A_1682 : vector<16xf32>
      %select_n3A_1684 = arith.select %gt3A_1678, %broadcast_in_dim3A_1673, %select_n3A_1634 : vector<16xi1>, vector<16xi32>
      %max3A_1685 = arith.maximumf %max3A_1635, %gather3A_1677 : vector<16xf32>
      %add3A_1686 = arith.constant 30 : i32
      %add3A_1687 = vector.broadcast %add3A_1686 : i32 to vector<16xi32>
      %add3A_1688 = arith.addi %mul3A_194, %add3A_1687 : vector<16xi32>
      %gather3A_1689 = tpu.vector_load_idx %arg7[%add3A_1688] : memref<66560xf32, #tpu.memory_space<vmem>>[vector<16xi32>], vector<16xf32>,
      %gt3A_1690 = arith.cmpf ogt, %gather3A_1689, %max3A_1647 : vector<16xf32>
      %gt3A_1691 = arith.cmpf ogt, %gather3A_1689, %max3A_1645 : vector<16xf32>
      %select_n3A_1692 = arith.select %gt3A_1691, %broadcast_in_dim3A_1673, %select_n3A_1643 : vector<16xi1>, vector<16xi32>
      %select_n3A_1693 = arith.select %gt3A_1690, %select_n3A_1646, %select_n3A_1692 : vector<16xi1>, vector<16xi32>
      %min3A_1694 = arith.minimumf %max3A_1647, %gather3A_1689 : vector<16xf32>
      %max3A_1695 = arith.maximumf %max3A_1645, %min3A_1694 : vector<16xf32>
      %select_n3A_1696 = arith.select %gt3A_1690, %broadcast_in_dim3A_1673, %select_n3A_1646 : vector<16xi1>, vector<16xi32>
      %max3A_1697 = arith.maximumf %max3A_1647, %gather3A_1689 : vector<16xf32>
      %add3A_1698 = arith.constant 30 : i32
      %add3A_1699 = vector.broadcast %add3A_1698 : i32 to vector<16xi32>
      %add3A_1700 = arith.addi %mul3A_208, %add3A_1699 : vector<16xi32>
      %gather3A_1701 = tpu.vector_load_idx %arg7[%add3A_1700] : memref<66560xf32, #tpu.memory_space<vmem>>[vector<16xi32>], vector<16xf32>,
      %gt3A_1702 = arith.cmpf ogt, %gather3A_1701, %max3A_1659 : vector<16xf32>
      %gt3A_1703 = arith.cmpf ogt, %gather3A_1701, %max3A_1657 : vector<16xf32>
      %select_n3A_1704 = arith.select %gt3A_1703, %broadcast_in_dim3A_1673, %select_n3A_1655 : vector<16xi1>, vector<16xi32>
      %select_n3A_1705 = arith.select %gt3A_1702, %select_n3A_1658, %select_n3A_1704 : vector<16xi1>, vector<16xi32>
      %min3A_1706 = arith.minimumf %max3A_1659, %gather3A_1701 : vector<16xf32>
      %max3A_1707 = arith.maximumf %max3A_1657, %min3A_1706 : vector<16xf32>
      %select_n3A_1708 = arith.select %gt3A_1702, %broadcast_in_dim3A_1673, %select_n3A_1658 : vector<16xi1>, vector<16xi32>
      %max3A_1709 = arith.maximumf %max3A_1659, %gather3A_1701 : vector<16xf32>
      %add3A_1710 = arith.constant 30 : i32
      %add3A_1711 = vector.broadcast %add3A_1710 : i32 to vector<16xi32>
      %add3A_1712 = arith.addi %mul3A_222, %add3A_1711 : vector<16xi32>
      %gather3A_1713 = tpu.vector_load_idx %arg7[%add3A_1712] : memref<66560xf32, #tpu.memory_space<vmem>>[vector<16xi32>], vector<16xf32>,
      %gt3A_1714 = arith.cmpf ogt, %gather3A_1713, %max3A_1671 : vector<16xf32>
      %gt3A_1715 = arith.cmpf ogt, %gather3A_1713, %max3A_1669 : vector<16xf32>
      %select_n3A_1716 = arith.select %gt3A_1715, %broadcast_in_dim3A_1673, %select_n3A_1667 : vector<16xi1>, vector<16xi32>
      %select_n3A_1717 = arith.select %gt3A_1714, %select_n3A_1670, %select_n3A_1716 : vector<16xi1>, vector<16xi32>
      %min3A_1718 = arith.minimumf %max3A_1671, %gather3A_1713 : vector<16xf32>
      %max3A_1719 = arith.maximumf %max3A_1669, %min3A_1718 : vector<16xf32>
      %select_n3A_1720 = arith.select %gt3A_1714, %broadcast_in_dim3A_1673, %select_n3A_1670 : vector<16xi1>, vector<16xi32>
      %max3A_1721 = arith.maximumf %max3A_1671, %gather3A_1713 : vector<16xf32>
      %broadcast_in_dim3A_1722 = arith.constant 31 : i32
      %broadcast_in_dim3A_1723 = vector.broadcast %broadcast_in_dim3A_1722 : i32 to vector<16xi32>
      %add3A_1724 = arith.constant 31 : i32
      %add3A_1725 = vector.broadcast %add3A_1724 : i32 to vector<16xi32>
      %add3A_1726 = arith.addi %mul3A_181, %add3A_1725 : vector<16xi32>
      %gather3A_1727 = tpu.vector_load_idx %arg7[%add3A_1726] : memref<66560xf32, #tpu.memory_space<vmem>>[vector<16xi32>], vector<16xf32>,
      %gt3A_1728 = arith.cmpf ogt, %gather3A_1727, %max3A_1685 : vector<16xf32>
      %gt3A_1729 = arith.cmpf ogt, %gather3A_1727, %max3A_1683 : vector<16xf32>
      %select_n3A_1730 = arith.select %gt3A_1729, %broadcast_in_dim3A_1723, %select_n3A_1681 : vector<16xi1>, vector<16xi32>
      %select_n3A_1731 = arith.select %gt3A_1728, %select_n3A_1684, %select_n3A_1730 : vector<16xi1>, vector<16xi32>
      %min3A_1732 = arith.minimumf %max3A_1685, %gather3A_1727 : vector<16xf32>
      %max3A_1733 = arith.maximumf %max3A_1683, %min3A_1732 : vector<16xf32>
      %select_n3A_1734 = arith.select %gt3A_1728, %broadcast_in_dim3A_1723, %select_n3A_1684 : vector<16xi1>, vector<16xi32>
      %max3A_1735 = arith.maximumf %max3A_1685, %gather3A_1727 : vector<16xf32>
      %add3A_1736 = arith.constant 31 : i32
      %add3A_1737 = vector.broadcast %add3A_1736 : i32 to vector<16xi32>
      %add3A_1738 = arith.addi %mul3A_194, %add3A_1737 : vector<16xi32>
      %gather3A_1739 = tpu.vector_load_idx %arg7[%add3A_1738] : memref<66560xf32, #tpu.memory_space<vmem>>[vector<16xi32>], vector<16xf32>,
      %gt3A_1740 = arith.cmpf ogt, %gather3A_1739, %max3A_1697 : vector<16xf32>
      %gt3A_1741 = arith.cmpf ogt, %gather3A_1739, %max3A_1695 : vector<16xf32>
      %select_n3A_1742 = arith.select %gt3A_1741, %broadcast_in_dim3A_1723, %select_n3A_1693 : vector<16xi1>, vector<16xi32>
      %select_n3A_1743 = arith.select %gt3A_1740, %select_n3A_1696, %select_n3A_1742 : vector<16xi1>, vector<16xi32>
      %min3A_1744 = arith.minimumf %max3A_1697, %gather3A_1739 : vector<16xf32>
      %max3A_1745 = arith.maximumf %max3A_1695, %min3A_1744 : vector<16xf32>
      %select_n3A_1746 = arith.select %gt3A_1740, %broadcast_in_dim3A_1723, %select_n3A_1696 : vector<16xi1>, vector<16xi32>
      %max3A_1747 = arith.maximumf %max3A_1697, %gather3A_1739 : vector<16xf32>
      %add3A_1748 = arith.constant 31 : i32
      %add3A_1749 = vector.broadcast %add3A_1748 : i32 to vector<16xi32>
      %add3A_1750 = arith.addi %mul3A_208, %add3A_1749 : vector<16xi32>
      %gather3A_1751 = tpu.vector_load_idx %arg7[%add3A_1750] : memref<66560xf32, #tpu.memory_space<vmem>>[vector<16xi32>], vector<16xf32>,
      %gt3A_1752 = arith.cmpf ogt, %gather3A_1751, %max3A_1709 : vector<16xf32>
      %gt3A_1753 = arith.cmpf ogt, %gather3A_1751, %max3A_1707 : vector<16xf32>
      %select_n3A_1754 = arith.select %gt3A_1753, %broadcast_in_dim3A_1723, %select_n3A_1705 : vector<16xi1>, vector<16xi32>
      %select_n3A_1755 = arith.select %gt3A_1752, %select_n3A_1708, %select_n3A_1754 : vector<16xi1>, vector<16xi32>
      %min3A_1756 = arith.minimumf %max3A_1709, %gather3A_1751 : vector<16xf32>
      %max3A_1757 = arith.maximumf %max3A_1707, %min3A_1756 : vector<16xf32>
      %select_n3A_1758 = arith.select %gt3A_1752, %broadcast_in_dim3A_1723, %select_n3A_1708 : vector<16xi1>, vector<16xi32>
      %max3A_1759 = arith.maximumf %max3A_1709, %gather3A_1751 : vector<16xf32>
      %add3A_1760 = arith.constant 31 : i32
      %add3A_1761 = vector.broadcast %add3A_1760 : i32 to vector<16xi32>
      %add3A_1762 = arith.addi %mul3A_222, %add3A_1761 : vector<16xi32>
      %gather3A_1763 = tpu.vector_load_idx %arg7[%add3A_1762] : memref<66560xf32, #tpu.memory_space<vmem>>[vector<16xi32>], vector<16xf32>,
      %gt3A_1764 = arith.cmpf ogt, %gather3A_1763, %max3A_1721 : vector<16xf32>
      %gt3A_1765 = arith.cmpf ogt, %gather3A_1763, %max3A_1719 : vector<16xf32>
      %select_n3A_1766 = arith.select %gt3A_1765, %broadcast_in_dim3A_1723, %select_n3A_1717 : vector<16xi1>, vector<16xi32>
      %select_n3A_1767 = arith.select %gt3A_1764, %select_n3A_1720, %select_n3A_1766 : vector<16xi1>, vector<16xi32>
      %min3A_1768 = arith.minimumf %max3A_1721, %gather3A_1763 : vector<16xf32>
      %max3A_1769 = arith.maximumf %max3A_1719, %min3A_1768 : vector<16xf32>
      %select_n3A_1770 = arith.select %gt3A_1764, %broadcast_in_dim3A_1723, %select_n3A_1720 : vector<16xi1>, vector<16xi32>
      %max3A_1771 = arith.maximumf %max3A_1721, %gather3A_1763 : vector<16xf32>
      %broadcast_in_dim3A_1772 = arith.constant 32 : i32
      %broadcast_in_dim3A_1773 = vector.broadcast %broadcast_in_dim3A_1772 : i32 to vector<16xi32>
      %add3A_1774 = arith.constant 32 : i32
      %add3A_1775 = vector.broadcast %add3A_1774 : i32 to vector<16xi32>
      %add3A_1776 = arith.addi %mul3A_181, %add3A_1775 : vector<16xi32>
      %gather3A_1777 = tpu.vector_load_idx %arg7[%add3A_1776] : memref<66560xf32, #tpu.memory_space<vmem>>[vector<16xi32>], vector<16xf32>,
      %gt3A_1778 = arith.cmpf ogt, %gather3A_1777, %max3A_1735 : vector<16xf32>
      %gt3A_1779 = arith.cmpf ogt, %gather3A_1777, %max3A_1733 : vector<16xf32>
      %select_n3A_1780 = arith.select %gt3A_1779, %broadcast_in_dim3A_1773, %select_n3A_1731 : vector<16xi1>, vector<16xi32>
      %select_n3A_1781 = arith.select %gt3A_1778, %select_n3A_1734, %select_n3A_1780 : vector<16xi1>, vector<16xi32>
      %min3A_1782 = arith.minimumf %max3A_1735, %gather3A_1777 : vector<16xf32>
      %max3A_1783 = arith.maximumf %max3A_1733, %min3A_1782 : vector<16xf32>
      %select_n3A_1784 = arith.select %gt3A_1778, %broadcast_in_dim3A_1773, %select_n3A_1734 : vector<16xi1>, vector<16xi32>
      %max3A_1785 = arith.maximumf %max3A_1735, %gather3A_1777 : vector<16xf32>
      %add3A_1786 = arith.constant 32 : i32
      %add3A_1787 = vector.broadcast %add3A_1786 : i32 to vector<16xi32>
      %add3A_1788 = arith.addi %mul3A_194, %add3A_1787 : vector<16xi32>
      %gather3A_1789 = tpu.vector_load_idx %arg7[%add3A_1788] : memref<66560xf32, #tpu.memory_space<vmem>>[vector<16xi32>], vector<16xf32>,
      %gt3A_1790 = arith.cmpf ogt, %gather3A_1789, %max3A_1747 : vector<16xf32>
      %gt3A_1791 = arith.cmpf ogt, %gather3A_1789, %max3A_1745 : vector<16xf32>
      %select_n3A_1792 = arith.select %gt3A_1791, %broadcast_in_dim3A_1773, %select_n3A_1743 : vector<16xi1>, vector<16xi32>
      %select_n3A_1793 = arith.select %gt3A_1790, %select_n3A_1746, %select_n3A_1792 : vector<16xi1>, vector<16xi32>
      %min3A_1794 = arith.minimumf %max3A_1747, %gather3A_1789 : vector<16xf32>
      %max3A_1795 = arith.maximumf %max3A_1745, %min3A_1794 : vector<16xf32>
      %select_n3A_1796 = arith.select %gt3A_1790, %broadcast_in_dim3A_1773, %select_n3A_1746 : vector<16xi1>, vector<16xi32>
      %max3A_1797 = arith.maximumf %max3A_1747, %gather3A_1789 : vector<16xf32>
      %add3A_1798 = arith.constant 32 : i32
      %add3A_1799 = vector.broadcast %add3A_1798 : i32 to vector<16xi32>
      %add3A_1800 = arith.addi %mul3A_208, %add3A_1799 : vector<16xi32>
      %gather3A_1801 = tpu.vector_load_idx %arg7[%add3A_1800] : memref<66560xf32, #tpu.memory_space<vmem>>[vector<16xi32>], vector<16xf32>,
      %gt3A_1802 = arith.cmpf ogt, %gather3A_1801, %max3A_1759 : vector<16xf32>
      %gt3A_1803 = arith.cmpf ogt, %gather3A_1801, %max3A_1757 : vector<16xf32>
      %select_n3A_1804 = arith.select %gt3A_1803, %broadcast_in_dim3A_1773, %select_n3A_1755 : vector<16xi1>, vector<16xi32>
      %select_n3A_1805 = arith.select %gt3A_1802, %select_n3A_1758, %select_n3A_1804 : vector<16xi1>, vector<16xi32>
      %min3A_1806 = arith.minimumf %max3A_1759, %gather3A_1801 : vector<16xf32>
      %max3A_1807 = arith.maximumf %max3A_1757, %min3A_1806 : vector<16xf32>
      %select_n3A_1808 = arith.select %gt3A_1802, %broadcast_in_dim3A_1773, %select_n3A_1758 : vector<16xi1>, vector<16xi32>
      %max3A_1809 = arith.maximumf %max3A_1759, %gather3A_1801 : vector<16xf32>
      %add3A_1810 = arith.constant 32 : i32
      %add3A_1811 = vector.broadcast %add3A_1810 : i32 to vector<16xi32>
      %add3A_1812 = arith.addi %mul3A_222, %add3A_1811 : vector<16xi32>
      %gather3A_1813 = tpu.vector_load_idx %arg7[%add3A_1812] : memref<66560xf32, #tpu.memory_space<vmem>>[vector<16xi32>], vector<16xf32>,
      %gt3A_1814 = arith.cmpf ogt, %gather3A_1813, %max3A_1771 : vector<16xf32>
      %gt3A_1815 = arith.cmpf ogt, %gather3A_1813, %max3A_1769 : vector<16xf32>
      %select_n3A_1816 = arith.select %gt3A_1815, %broadcast_in_dim3A_1773, %select_n3A_1767 : vector<16xi1>, vector<16xi32>
      %select_n3A_1817 = arith.select %gt3A_1814, %select_n3A_1770, %select_n3A_1816 : vector<16xi1>, vector<16xi32>
      %min3A_1818 = arith.minimumf %max3A_1771, %gather3A_1813 : vector<16xf32>
      %max3A_1819 = arith.maximumf %max3A_1769, %min3A_1818 : vector<16xf32>
      %select_n3A_1820 = arith.select %gt3A_1814, %broadcast_in_dim3A_1773, %select_n3A_1770 : vector<16xi1>, vector<16xi32>
      %max3A_1821 = arith.maximumf %max3A_1771, %gather3A_1813 : vector<16xf32>
      %broadcast_in_dim3A_1822 = arith.constant 33 : i32
      %broadcast_in_dim3A_1823 = vector.broadcast %broadcast_in_dim3A_1822 : i32 to vector<16xi32>
      %add3A_1824 = arith.constant 33 : i32
      %add3A_1825 = vector.broadcast %add3A_1824 : i32 to vector<16xi32>
      %add3A_1826 = arith.addi %mul3A_181, %add3A_1825 : vector<16xi32>
      %gather3A_1827 = tpu.vector_load_idx %arg7[%add3A_1826] : memref<66560xf32, #tpu.memory_space<vmem>>[vector<16xi32>], vector<16xf32>,
      %gt3A_1828 = arith.cmpf ogt, %gather3A_1827, %max3A_1785 : vector<16xf32>
      %gt3A_1829 = arith.cmpf ogt, %gather3A_1827, %max3A_1783 : vector<16xf32>
      %select_n3A_1830 = arith.select %gt3A_1829, %broadcast_in_dim3A_1823, %select_n3A_1781 : vector<16xi1>, vector<16xi32>
      %select_n3A_1831 = arith.select %gt3A_1828, %select_n3A_1784, %select_n3A_1830 : vector<16xi1>, vector<16xi32>
      %min3A_1832 = arith.minimumf %max3A_1785, %gather3A_1827 : vector<16xf32>
      %max3A_1833 = arith.maximumf %max3A_1783, %min3A_1832 : vector<16xf32>
      %select_n3A_1834 = arith.select %gt3A_1828, %broadcast_in_dim3A_1823, %select_n3A_1784 : vector<16xi1>, vector<16xi32>
      %max3A_1835 = arith.maximumf %max3A_1785, %gather3A_1827 : vector<16xf32>
      %add3A_1836 = arith.constant 33 : i32
      %add3A_1837 = vector.broadcast %add3A_1836 : i32 to vector<16xi32>
      %add3A_1838 = arith.addi %mul3A_194, %add3A_1837 : vector<16xi32>
      %gather3A_1839 = tpu.vector_load_idx %arg7[%add3A_1838] : memref<66560xf32, #tpu.memory_space<vmem>>[vector<16xi32>], vector<16xf32>,
      %gt3A_1840 = arith.cmpf ogt, %gather3A_1839, %max3A_1797 : vector<16xf32>
      %gt3A_1841 = arith.cmpf ogt, %gather3A_1839, %max3A_1795 : vector<16xf32>
      %select_n3A_1842 = arith.select %gt3A_1841, %broadcast_in_dim3A_1823, %select_n3A_1793 : vector<16xi1>, vector<16xi32>
      %select_n3A_1843 = arith.select %gt3A_1840, %select_n3A_1796, %select_n3A_1842 : vector<16xi1>, vector<16xi32>
      %min3A_1844 = arith.minimumf %max3A_1797, %gather3A_1839 : vector<16xf32>
      %max3A_1845 = arith.maximumf %max3A_1795, %min3A_1844 : vector<16xf32>
      %select_n3A_1846 = arith.select %gt3A_1840, %broadcast_in_dim3A_1823, %select_n3A_1796 : vector<16xi1>, vector<16xi32>
      %max3A_1847 = arith.maximumf %max3A_1797, %gather3A_1839 : vector<16xf32>
      %add3A_1848 = arith.constant 33 : i32
      %add3A_1849 = vector.broadcast %add3A_1848 : i32 to vector<16xi32>
      %add3A_1850 = arith.addi %mul3A_208, %add3A_1849 : vector<16xi32>
      %gather3A_1851 = tpu.vector_load_idx %arg7[%add3A_1850] : memref<66560xf32, #tpu.memory_space<vmem>>[vector<16xi32>], vector<16xf32>,
      %gt3A_1852 = arith.cmpf ogt, %gather3A_1851, %max3A_1809 : vector<16xf32>
      %gt3A_1853 = arith.cmpf ogt, %gather3A_1851, %max3A_1807 : vector<16xf32>
      %select_n3A_1854 = arith.select %gt3A_1853, %broadcast_in_dim3A_1823, %select_n3A_1805 : vector<16xi1>, vector<16xi32>
      %select_n3A_1855 = arith.select %gt3A_1852, %select_n3A_1808, %select_n3A_1854 : vector<16xi1>, vector<16xi32>
      %min3A_1856 = arith.minimumf %max3A_1809, %gather3A_1851 : vector<16xf32>
      %max3A_1857 = arith.maximumf %max3A_1807, %min3A_1856 : vector<16xf32>
      %select_n3A_1858 = arith.select %gt3A_1852, %broadcast_in_dim3A_1823, %select_n3A_1808 : vector<16xi1>, vector<16xi32>
      %max3A_1859 = arith.maximumf %max3A_1809, %gather3A_1851 : vector<16xf32>
      %add3A_1860 = arith.constant 33 : i32
      %add3A_1861 = vector.broadcast %add3A_1860 : i32 to vector<16xi32>
      %add3A_1862 = arith.addi %mul3A_222, %add3A_1861 : vector<16xi32>
      %gather3A_1863 = tpu.vector_load_idx %arg7[%add3A_1862] : memref<66560xf32, #tpu.memory_space<vmem>>[vector<16xi32>], vector<16xf32>,
      %gt3A_1864 = arith.cmpf ogt, %gather3A_1863, %max3A_1821 : vector<16xf32>
      %gt3A_1865 = arith.cmpf ogt, %gather3A_1863, %max3A_1819 : vector<16xf32>
      %select_n3A_1866 = arith.select %gt3A_1865, %broadcast_in_dim3A_1823, %select_n3A_1817 : vector<16xi1>, vector<16xi32>
      %select_n3A_1867 = arith.select %gt3A_1864, %select_n3A_1820, %select_n3A_1866 : vector<16xi1>, vector<16xi32>
      %min3A_1868 = arith.minimumf %max3A_1821, %gather3A_1863 : vector<16xf32>
      %max3A_1869 = arith.maximumf %max3A_1819, %min3A_1868 : vector<16xf32>
      %select_n3A_1870 = arith.select %gt3A_1864, %broadcast_in_dim3A_1823, %select_n3A_1820 : vector<16xi1>, vector<16xi32>
      %max3A_1871 = arith.maximumf %max3A_1821, %gather3A_1863 : vector<16xf32>
      %broadcast_in_dim3A_1872 = arith.constant 34 : i32
      %broadcast_in_dim3A_1873 = vector.broadcast %broadcast_in_dim3A_1872 : i32 to vector<16xi32>
      %add3A_1874 = arith.constant 34 : i32
      %add3A_1875 = vector.broadcast %add3A_1874 : i32 to vector<16xi32>
      %add3A_1876 = arith.addi %mul3A_181, %add3A_1875 : vector<16xi32>
      %gather3A_1877 = tpu.vector_load_idx %arg7[%add3A_1876] : memref<66560xf32, #tpu.memory_space<vmem>>[vector<16xi32>], vector<16xf32>,
      %gt3A_1878 = arith.cmpf ogt, %gather3A_1877, %max3A_1835 : vector<16xf32>
      %gt3A_1879 = arith.cmpf ogt, %gather3A_1877, %max3A_1833 : vector<16xf32>
      %select_n3A_1880 = arith.select %gt3A_1879, %broadcast_in_dim3A_1873, %select_n3A_1831 : vector<16xi1>, vector<16xi32>
      %select_n3A_1881 = arith.select %gt3A_1878, %select_n3A_1834, %select_n3A_1880 : vector<16xi1>, vector<16xi32>
      %min3A_1882 = arith.minimumf %max3A_1835, %gather3A_1877 : vector<16xf32>
      %max3A_1883 = arith.maximumf %max3A_1833, %min3A_1882 : vector<16xf32>
      %select_n3A_1884 = arith.select %gt3A_1878, %broadcast_in_dim3A_1873, %select_n3A_1834 : vector<16xi1>, vector<16xi32>
      %max3A_1885 = arith.maximumf %max3A_1835, %gather3A_1877 : vector<16xf32>
      %add3A_1886 = arith.constant 34 : i32
      %add3A_1887 = vector.broadcast %add3A_1886 : i32 to vector<16xi32>
      %add3A_1888 = arith.addi %mul3A_194, %add3A_1887 : vector<16xi32>
      %gather3A_1889 = tpu.vector_load_idx %arg7[%add3A_1888] : memref<66560xf32, #tpu.memory_space<vmem>>[vector<16xi32>], vector<16xf32>,
      %gt3A_1890 = arith.cmpf ogt, %gather3A_1889, %max3A_1847 : vector<16xf32>
      %gt3A_1891 = arith.cmpf ogt, %gather3A_1889, %max3A_1845 : vector<16xf32>
      %select_n3A_1892 = arith.select %gt3A_1891, %broadcast_in_dim3A_1873, %select_n3A_1843 : vector<16xi1>, vector<16xi32>
      %select_n3A_1893 = arith.select %gt3A_1890, %select_n3A_1846, %select_n3A_1892 : vector<16xi1>, vector<16xi32>
      %min3A_1894 = arith.minimumf %max3A_1847, %gather3A_1889 : vector<16xf32>
      %max3A_1895 = arith.maximumf %max3A_1845, %min3A_1894 : vector<16xf32>
      %select_n3A_1896 = arith.select %gt3A_1890, %broadcast_in_dim3A_1873, %select_n3A_1846 : vector<16xi1>, vector<16xi32>
      %max3A_1897 = arith.maximumf %max3A_1847, %gather3A_1889 : vector<16xf32>
      %add3A_1898 = arith.constant 34 : i32
      %add3A_1899 = vector.broadcast %add3A_1898 : i32 to vector<16xi32>
      %add3A_1900 = arith.addi %mul3A_208, %add3A_1899 : vector<16xi32>
      %gather3A_1901 = tpu.vector_load_idx %arg7[%add3A_1900] : memref<66560xf32, #tpu.memory_space<vmem>>[vector<16xi32>], vector<16xf32>,
      %gt3A_1902 = arith.cmpf ogt, %gather3A_1901, %max3A_1859 : vector<16xf32>
      %gt3A_1903 = arith.cmpf ogt, %gather3A_1901, %max3A_1857 : vector<16xf32>
      %select_n3A_1904 = arith.select %gt3A_1903, %broadcast_in_dim3A_1873, %select_n3A_1855 : vector<16xi1>, vector<16xi32>
      %select_n3A_1905 = arith.select %gt3A_1902, %select_n3A_1858, %select_n3A_1904 : vector<16xi1>, vector<16xi32>
      %min3A_1906 = arith.minimumf %max3A_1859, %gather3A_1901 : vector<16xf32>
      %max3A_1907 = arith.maximumf %max3A_1857, %min3A_1906 : vector<16xf32>
      %select_n3A_1908 = arith.select %gt3A_1902, %broadcast_in_dim3A_1873, %select_n3A_1858 : vector<16xi1>, vector<16xi32>
      %max3A_1909 = arith.maximumf %max3A_1859, %gather3A_1901 : vector<16xf32>
      %add3A_1910 = arith.constant 34 : i32
      %add3A_1911 = vector.broadcast %add3A_1910 : i32 to vector<16xi32>
      %add3A_1912 = arith.addi %mul3A_222, %add3A_1911 : vector<16xi32>
      %gather3A_1913 = tpu.vector_load_idx %arg7[%add3A_1912] : memref<66560xf32, #tpu.memory_space<vmem>>[vector<16xi32>], vector<16xf32>,
      %gt3A_1914 = arith.cmpf ogt, %gather3A_1913, %max3A_1871 : vector<16xf32>
      %gt3A_1915 = arith.cmpf ogt, %gather3A_1913, %max3A_1869 : vector<16xf32>
      %select_n3A_1916 = arith.select %gt3A_1915, %broadcast_in_dim3A_1873, %select_n3A_1867 : vector<16xi1>, vector<16xi32>
      %select_n3A_1917 = arith.select %gt3A_1914, %select_n3A_1870, %select_n3A_1916 : vector<16xi1>, vector<16xi32>
      %min3A_1918 = arith.minimumf %max3A_1871, %gather3A_1913 : vector<16xf32>
      %max3A_1919 = arith.maximumf %max3A_1869, %min3A_1918 : vector<16xf32>
      %select_n3A_1920 = arith.select %gt3A_1914, %broadcast_in_dim3A_1873, %select_n3A_1870 : vector<16xi1>, vector<16xi32>
      %max3A_1921 = arith.maximumf %max3A_1871, %gather3A_1913 : vector<16xf32>
      %broadcast_in_dim3A_1922 = arith.constant 35 : i32
      %broadcast_in_dim3A_1923 = vector.broadcast %broadcast_in_dim3A_1922 : i32 to vector<16xi32>
      %add3A_1924 = arith.constant 35 : i32
      %add3A_1925 = vector.broadcast %add3A_1924 : i32 to vector<16xi32>
      %add3A_1926 = arith.addi %mul3A_181, %add3A_1925 : vector<16xi32>
      %gather3A_1927 = tpu.vector_load_idx %arg7[%add3A_1926] : memref<66560xf32, #tpu.memory_space<vmem>>[vector<16xi32>], vector<16xf32>,
      %gt3A_1928 = arith.cmpf ogt, %gather3A_1927, %max3A_1885 : vector<16xf32>
      %gt3A_1929 = arith.cmpf ogt, %gather3A_1927, %max3A_1883 : vector<16xf32>
      %select_n3A_1930 = arith.select %gt3A_1929, %broadcast_in_dim3A_1923, %select_n3A_1881 : vector<16xi1>, vector<16xi32>
      %select_n3A_1931 = arith.select %gt3A_1928, %select_n3A_1884, %select_n3A_1930 : vector<16xi1>, vector<16xi32>
      %min3A_1932 = arith.minimumf %max3A_1885, %gather3A_1927 : vector<16xf32>
      %max3A_1933 = arith.maximumf %max3A_1883, %min3A_1932 : vector<16xf32>
      %select_n3A_1934 = arith.select %gt3A_1928, %broadcast_in_dim3A_1923, %select_n3A_1884 : vector<16xi1>, vector<16xi32>
      %max3A_1935 = arith.maximumf %max3A_1885, %gather3A_1927 : vector<16xf32>
      %add3A_1936 = arith.constant 35 : i32
      %add3A_1937 = vector.broadcast %add3A_1936 : i32 to vector<16xi32>
      %add3A_1938 = arith.addi %mul3A_194, %add3A_1937 : vector<16xi32>
      %gather3A_1939 = tpu.vector_load_idx %arg7[%add3A_1938] : memref<66560xf32, #tpu.memory_space<vmem>>[vector<16xi32>], vector<16xf32>,
      %gt3A_1940 = arith.cmpf ogt, %gather3A_1939, %max3A_1897 : vector<16xf32>
      %gt3A_1941 = arith.cmpf ogt, %gather3A_1939, %max3A_1895 : vector<16xf32>
      %select_n3A_1942 = arith.select %gt3A_1941, %broadcast_in_dim3A_1923, %select_n3A_1893 : vector<16xi1>, vector<16xi32>
      %select_n3A_1943 = arith.select %gt3A_1940, %select_n3A_1896, %select_n3A_1942 : vector<16xi1>, vector<16xi32>
      %min3A_1944 = arith.minimumf %max3A_1897, %gather3A_1939 : vector<16xf32>
      %max3A_1945 = arith.maximumf %max3A_1895, %min3A_1944 : vector<16xf32>
      %select_n3A_1946 = arith.select %gt3A_1940, %broadcast_in_dim3A_1923, %select_n3A_1896 : vector<16xi1>, vector<16xi32>
      %max3A_1947 = arith.maximumf %max3A_1897, %gather3A_1939 : vector<16xf32>
      %add3A_1948 = arith.constant 35 : i32
      %add3A_1949 = vector.broadcast %add3A_1948 : i32 to vector<16xi32>
      %add3A_1950 = arith.addi %mul3A_208, %add3A_1949 : vector<16xi32>
      %gather3A_1951 = tpu.vector_load_idx %arg7[%add3A_1950] : memref<66560xf32, #tpu.memory_space<vmem>>[vector<16xi32>], vector<16xf32>,
      %gt3A_1952 = arith.cmpf ogt, %gather3A_1951, %max3A_1909 : vector<16xf32>
      %gt3A_1953 = arith.cmpf ogt, %gather3A_1951, %max3A_1907 : vector<16xf32>
      %select_n3A_1954 = arith.select %gt3A_1953, %broadcast_in_dim3A_1923, %select_n3A_1905 : vector<16xi1>, vector<16xi32>
      %select_n3A_1955 = arith.select %gt3A_1952, %select_n3A_1908, %select_n3A_1954 : vector<16xi1>, vector<16xi32>
      %min3A_1956 = arith.minimumf %max3A_1909, %gather3A_1951 : vector<16xf32>
      %max3A_1957 = arith.maximumf %max3A_1907, %min3A_1956 : vector<16xf32>
      %select_n3A_1958 = arith.select %gt3A_1952, %broadcast_in_dim3A_1923, %select_n3A_1908 : vector<16xi1>, vector<16xi32>
      %max3A_1959 = arith.maximumf %max3A_1909, %gather3A_1951 : vector<16xf32>
      %add3A_1960 = arith.constant 35 : i32
      %add3A_1961 = vector.broadcast %add3A_1960 : i32 to vector<16xi32>
      %add3A_1962 = arith.addi %mul3A_222, %add3A_1961 : vector<16xi32>
      %gather3A_1963 = tpu.vector_load_idx %arg7[%add3A_1962] : memref<66560xf32, #tpu.memory_space<vmem>>[vector<16xi32>], vector<16xf32>,
      %gt3A_1964 = arith.cmpf ogt, %gather3A_1963, %max3A_1921 : vector<16xf32>
      %gt3A_1965 = arith.cmpf ogt, %gather3A_1963, %max3A_1919 : vector<16xf32>
      %select_n3A_1966 = arith.select %gt3A_1965, %broadcast_in_dim3A_1923, %select_n3A_1917 : vector<16xi1>, vector<16xi32>
      %select_n3A_1967 = arith.select %gt3A_1964, %select_n3A_1920, %select_n3A_1966 : vector<16xi1>, vector<16xi32>
      %min3A_1968 = arith.minimumf %max3A_1921, %gather3A_1963 : vector<16xf32>
      %max3A_1969 = arith.maximumf %max3A_1919, %min3A_1968 : vector<16xf32>
      %select_n3A_1970 = arith.select %gt3A_1964, %broadcast_in_dim3A_1923, %select_n3A_1920 : vector<16xi1>, vector<16xi32>
      %max3A_1971 = arith.maximumf %max3A_1921, %gather3A_1963 : vector<16xf32>
      %broadcast_in_dim3A_1972 = arith.constant 36 : i32
      %broadcast_in_dim3A_1973 = vector.broadcast %broadcast_in_dim3A_1972 : i32 to vector<16xi32>
      %add3A_1974 = arith.constant 36 : i32
      %add3A_1975 = vector.broadcast %add3A_1974 : i32 to vector<16xi32>
      %add3A_1976 = arith.addi %mul3A_181, %add3A_1975 : vector<16xi32>
      %gather3A_1977 = tpu.vector_load_idx %arg7[%add3A_1976] : memref<66560xf32, #tpu.memory_space<vmem>>[vector<16xi32>], vector<16xf32>,
      %gt3A_1978 = arith.cmpf ogt, %gather3A_1977, %max3A_1935 : vector<16xf32>
      %gt3A_1979 = arith.cmpf ogt, %gather3A_1977, %max3A_1933 : vector<16xf32>
      %select_n3A_1980 = arith.select %gt3A_1979, %broadcast_in_dim3A_1973, %select_n3A_1931 : vector<16xi1>, vector<16xi32>
      %select_n3A_1981 = arith.select %gt3A_1978, %select_n3A_1934, %select_n3A_1980 : vector<16xi1>, vector<16xi32>
      %min3A_1982 = arith.minimumf %max3A_1935, %gather3A_1977 : vector<16xf32>
      %max3A_1983 = arith.maximumf %max3A_1933, %min3A_1982 : vector<16xf32>
      %select_n3A_1984 = arith.select %gt3A_1978, %broadcast_in_dim3A_1973, %select_n3A_1934 : vector<16xi1>, vector<16xi32>
      %max3A_1985 = arith.maximumf %max3A_1935, %gather3A_1977 : vector<16xf32>
      %add3A_1986 = arith.constant 36 : i32
      %add3A_1987 = vector.broadcast %add3A_1986 : i32 to vector<16xi32>
      %add3A_1988 = arith.addi %mul3A_194, %add3A_1987 : vector<16xi32>
      %gather3A_1989 = tpu.vector_load_idx %arg7[%add3A_1988] : memref<66560xf32, #tpu.memory_space<vmem>>[vector<16xi32>], vector<16xf32>,
      %gt3A_1990 = arith.cmpf ogt, %gather3A_1989, %max3A_1947 : vector<16xf32>
      %gt3A_1991 = arith.cmpf ogt, %gather3A_1989, %max3A_1945 : vector<16xf32>
      %select_n3A_1992 = arith.select %gt3A_1991, %broadcast_in_dim3A_1973, %select_n3A_1943 : vector<16xi1>, vector<16xi32>
      %select_n3A_1993 = arith.select %gt3A_1990, %select_n3A_1946, %select_n3A_1992 : vector<16xi1>, vector<16xi32>
      %min3A_1994 = arith.minimumf %max3A_1947, %gather3A_1989 : vector<16xf32>
      %max3A_1995 = arith.maximumf %max3A_1945, %min3A_1994 : vector<16xf32>
      %select_n3A_1996 = arith.select %gt3A_1990, %broadcast_in_dim3A_1973, %select_n3A_1946 : vector<16xi1>, vector<16xi32>
      %max3A_1997 = arith.maximumf %max3A_1947, %gather3A_1989 : vector<16xf32>
      %add3A_1998 = arith.constant 36 : i32
      %add3A_1999 = vector.broadcast %add3A_1998 : i32 to vector<16xi32>
      %add3A_2000 = arith.addi %mul3A_208, %add3A_1999 : vector<16xi32>
      %gather3A_2001 = tpu.vector_load_idx %arg7[%add3A_2000] : memref<66560xf32, #tpu.memory_space<vmem>>[vector<16xi32>], vector<16xf32>,
      %gt3A_2002 = arith.cmpf ogt, %gather3A_2001, %max3A_1959 : vector<16xf32>
      %gt3A_2003 = arith.cmpf ogt, %gather3A_2001, %max3A_1957 : vector<16xf32>
      %select_n3A_2004 = arith.select %gt3A_2003, %broadcast_in_dim3A_1973, %select_n3A_1955 : vector<16xi1>, vector<16xi32>
      %select_n3A_2005 = arith.select %gt3A_2002, %select_n3A_1958, %select_n3A_2004 : vector<16xi1>, vector<16xi32>
      %min3A_2006 = arith.minimumf %max3A_1959, %gather3A_2001 : vector<16xf32>
      %max3A_2007 = arith.maximumf %max3A_1957, %min3A_2006 : vector<16xf32>
      %select_n3A_2008 = arith.select %gt3A_2002, %broadcast_in_dim3A_1973, %select_n3A_1958 : vector<16xi1>, vector<16xi32>
      %max3A_2009 = arith.maximumf %max3A_1959, %gather3A_2001 : vector<16xf32>
      %add3A_2010 = arith.constant 36 : i32
      %add3A_2011 = vector.broadcast %add3A_2010 : i32 to vector<16xi32>
      %add3A_2012 = arith.addi %mul3A_222, %add3A_2011 : vector<16xi32>
      %gather3A_2013 = tpu.vector_load_idx %arg7[%add3A_2012] : memref<66560xf32, #tpu.memory_space<vmem>>[vector<16xi32>], vector<16xf32>,
      %gt3A_2014 = arith.cmpf ogt, %gather3A_2013, %max3A_1971 : vector<16xf32>
      %gt3A_2015 = arith.cmpf ogt, %gather3A_2013, %max3A_1969 : vector<16xf32>
      %select_n3A_2016 = arith.select %gt3A_2015, %broadcast_in_dim3A_1973, %select_n3A_1967 : vector<16xi1>, vector<16xi32>
      %select_n3A_2017 = arith.select %gt3A_2014, %select_n3A_1970, %select_n3A_2016 : vector<16xi1>, vector<16xi32>
      %min3A_2018 = arith.minimumf %max3A_1971, %gather3A_2013 : vector<16xf32>
      %max3A_2019 = arith.maximumf %max3A_1969, %min3A_2018 : vector<16xf32>
      %select_n3A_2020 = arith.select %gt3A_2014, %broadcast_in_dim3A_1973, %select_n3A_1970 : vector<16xi1>, vector<16xi32>
      %max3A_2021 = arith.maximumf %max3A_1971, %gather3A_2013 : vector<16xf32>
      %broadcast_in_dim3A_2022 = arith.constant 37 : i32
      %broadcast_in_dim3A_2023 = vector.broadcast %broadcast_in_dim3A_2022 : i32 to vector<16xi32>
      %add3A_2024 = arith.constant 37 : i32
      %add3A_2025 = vector.broadcast %add3A_2024 : i32 to vector<16xi32>
      %add3A_2026 = arith.addi %mul3A_181, %add3A_2025 : vector<16xi32>
      %gather3A_2027 = tpu.vector_load_idx %arg7[%add3A_2026] : memref<66560xf32, #tpu.memory_space<vmem>>[vector<16xi32>], vector<16xf32>,
      %gt3A_2028 = arith.cmpf ogt, %gather3A_2027, %max3A_1985 : vector<16xf32>
      %gt3A_2029 = arith.cmpf ogt, %gather3A_2027, %max3A_1983 : vector<16xf32>
      %select_n3A_2030 = arith.select %gt3A_2029, %broadcast_in_dim3A_2023, %select_n3A_1981 : vector<16xi1>, vector<16xi32>
      %select_n3A_2031 = arith.select %gt3A_2028, %select_n3A_1984, %select_n3A_2030 : vector<16xi1>, vector<16xi32>
      %min3A_2032 = arith.minimumf %max3A_1985, %gather3A_2027 : vector<16xf32>
      %max3A_2033 = arith.maximumf %max3A_1983, %min3A_2032 : vector<16xf32>
      %select_n3A_2034 = arith.select %gt3A_2028, %broadcast_in_dim3A_2023, %select_n3A_1984 : vector<16xi1>, vector<16xi32>
      %max3A_2035 = arith.maximumf %max3A_1985, %gather3A_2027 : vector<16xf32>
      %add3A_2036 = arith.constant 37 : i32
      %add3A_2037 = vector.broadcast %add3A_2036 : i32 to vector<16xi32>
      %add3A_2038 = arith.addi %mul3A_194, %add3A_2037 : vector<16xi32>
      %gather3A_2039 = tpu.vector_load_idx %arg7[%add3A_2038] : memref<66560xf32, #tpu.memory_space<vmem>>[vector<16xi32>], vector<16xf32>,
      %gt3A_2040 = arith.cmpf ogt, %gather3A_2039, %max3A_1997 : vector<16xf32>
      %gt3A_2041 = arith.cmpf ogt, %gather3A_2039, %max3A_1995 : vector<16xf32>
      %select_n3A_2042 = arith.select %gt3A_2041, %broadcast_in_dim3A_2023, %select_n3A_1993 : vector<16xi1>, vector<16xi32>
      %select_n3A_2043 = arith.select %gt3A_2040, %select_n3A_1996, %select_n3A_2042 : vector<16xi1>, vector<16xi32>
      %min3A_2044 = arith.minimumf %max3A_1997, %gather3A_2039 : vector<16xf32>
      %max3A_2045 = arith.maximumf %max3A_1995, %min3A_2044 : vector<16xf32>
      %select_n3A_2046 = arith.select %gt3A_2040, %broadcast_in_dim3A_2023, %select_n3A_1996 : vector<16xi1>, vector<16xi32>
      %max3A_2047 = arith.maximumf %max3A_1997, %gather3A_2039 : vector<16xf32>
      %add3A_2048 = arith.constant 37 : i32
      %add3A_2049 = vector.broadcast %add3A_2048 : i32 to vector<16xi32>
      %add3A_2050 = arith.addi %mul3A_208, %add3A_2049 : vector<16xi32>
      %gather3A_2051 = tpu.vector_load_idx %arg7[%add3A_2050] : memref<66560xf32, #tpu.memory_space<vmem>>[vector<16xi32>], vector<16xf32>,
      %gt3A_2052 = arith.cmpf ogt, %gather3A_2051, %max3A_2009 : vector<16xf32>
      %gt3A_2053 = arith.cmpf ogt, %gather3A_2051, %max3A_2007 : vector<16xf32>
      %select_n3A_2054 = arith.select %gt3A_2053, %broadcast_in_dim3A_2023, %select_n3A_2005 : vector<16xi1>, vector<16xi32>
      %select_n3A_2055 = arith.select %gt3A_2052, %select_n3A_2008, %select_n3A_2054 : vector<16xi1>, vector<16xi32>
      %min3A_2056 = arith.minimumf %max3A_2009, %gather3A_2051 : vector<16xf32>
      %max3A_2057 = arith.maximumf %max3A_2007, %min3A_2056 : vector<16xf32>
      %select_n3A_2058 = arith.select %gt3A_2052, %broadcast_in_dim3A_2023, %select_n3A_2008 : vector<16xi1>, vector<16xi32>
      %max3A_2059 = arith.maximumf %max3A_2009, %gather3A_2051 : vector<16xf32>
      %add3A_2060 = arith.constant 37 : i32
      %add3A_2061 = vector.broadcast %add3A_2060 : i32 to vector<16xi32>
      %add3A_2062 = arith.addi %mul3A_222, %add3A_2061 : vector<16xi32>
      %gather3A_2063 = tpu.vector_load_idx %arg7[%add3A_2062] : memref<66560xf32, #tpu.memory_space<vmem>>[vector<16xi32>], vector<16xf32>,
      %gt3A_2064 = arith.cmpf ogt, %gather3A_2063, %max3A_2021 : vector<16xf32>
      %gt3A_2065 = arith.cmpf ogt, %gather3A_2063, %max3A_2019 : vector<16xf32>
      %select_n3A_2066 = arith.select %gt3A_2065, %broadcast_in_dim3A_2023, %select_n3A_2017 : vector<16xi1>, vector<16xi32>
      %select_n3A_2067 = arith.select %gt3A_2064, %select_n3A_2020, %select_n3A_2066 : vector<16xi1>, vector<16xi32>
      %min3A_2068 = arith.minimumf %max3A_2021, %gather3A_2063 : vector<16xf32>
      %max3A_2069 = arith.maximumf %max3A_2019, %min3A_2068 : vector<16xf32>
      %select_n3A_2070 = arith.select %gt3A_2064, %broadcast_in_dim3A_2023, %select_n3A_2020 : vector<16xi1>, vector<16xi32>
      %max3A_2071 = arith.maximumf %max3A_2021, %gather3A_2063 : vector<16xf32>
      %broadcast_in_dim3A_2072 = arith.constant 38 : i32
      %broadcast_in_dim3A_2073 = vector.broadcast %broadcast_in_dim3A_2072 : i32 to vector<16xi32>
      %add3A_2074 = arith.constant 38 : i32
      %add3A_2075 = vector.broadcast %add3A_2074 : i32 to vector<16xi32>
      %add3A_2076 = arith.addi %mul3A_181, %add3A_2075 : vector<16xi32>
      %gather3A_2077 = tpu.vector_load_idx %arg7[%add3A_2076] : memref<66560xf32, #tpu.memory_space<vmem>>[vector<16xi32>], vector<16xf32>,
      %gt3A_2078 = arith.cmpf ogt, %gather3A_2077, %max3A_2035 : vector<16xf32>
      %gt3A_2079 = arith.cmpf ogt, %gather3A_2077, %max3A_2033 : vector<16xf32>
      %select_n3A_2080 = arith.select %gt3A_2079, %broadcast_in_dim3A_2073, %select_n3A_2031 : vector<16xi1>, vector<16xi32>
      %select_n3A_2081 = arith.select %gt3A_2078, %select_n3A_2034, %select_n3A_2080 : vector<16xi1>, vector<16xi32>
      %min3A_2082 = arith.minimumf %max3A_2035, %gather3A_2077 : vector<16xf32>
      %max3A_2083 = arith.maximumf %max3A_2033, %min3A_2082 : vector<16xf32>
      %select_n3A_2084 = arith.select %gt3A_2078, %broadcast_in_dim3A_2073, %select_n3A_2034 : vector<16xi1>, vector<16xi32>
      %max3A_2085 = arith.maximumf %max3A_2035, %gather3A_2077 : vector<16xf32>
      %add3A_2086 = arith.constant 38 : i32
      %add3A_2087 = vector.broadcast %add3A_2086 : i32 to vector<16xi32>
      %add3A_2088 = arith.addi %mul3A_194, %add3A_2087 : vector<16xi32>
      %gather3A_2089 = tpu.vector_load_idx %arg7[%add3A_2088] : memref<66560xf32, #tpu.memory_space<vmem>>[vector<16xi32>], vector<16xf32>,
      %gt3A_2090 = arith.cmpf ogt, %gather3A_2089, %max3A_2047 : vector<16xf32>
      %gt3A_2091 = arith.cmpf ogt, %gather3A_2089, %max3A_2045 : vector<16xf32>
      %select_n3A_2092 = arith.select %gt3A_2091, %broadcast_in_dim3A_2073, %select_n3A_2043 : vector<16xi1>, vector<16xi32>
      %select_n3A_2093 = arith.select %gt3A_2090, %select_n3A_2046, %select_n3A_2092 : vector<16xi1>, vector<16xi32>
      %min3A_2094 = arith.minimumf %max3A_2047, %gather3A_2089 : vector<16xf32>
      %max3A_2095 = arith.maximumf %max3A_2045, %min3A_2094 : vector<16xf32>
      %select_n3A_2096 = arith.select %gt3A_2090, %broadcast_in_dim3A_2073, %select_n3A_2046 : vector<16xi1>, vector<16xi32>
      %max3A_2097 = arith.maximumf %max3A_2047, %gather3A_2089 : vector<16xf32>
      %add3A_2098 = arith.constant 38 : i32
      %add3A_2099 = vector.broadcast %add3A_2098 : i32 to vector<16xi32>
      %add3A_2100 = arith.addi %mul3A_208, %add3A_2099 : vector<16xi32>
      %gather3A_2101 = tpu.vector_load_idx %arg7[%add3A_2100] : memref<66560xf32, #tpu.memory_space<vmem>>[vector<16xi32>], vector<16xf32>,
      %gt3A_2102 = arith.cmpf ogt, %gather3A_2101, %max3A_2059 : vector<16xf32>
      %gt3A_2103 = arith.cmpf ogt, %gather3A_2101, %max3A_2057 : vector<16xf32>
      %select_n3A_2104 = arith.select %gt3A_2103, %broadcast_in_dim3A_2073, %select_n3A_2055 : vector<16xi1>, vector<16xi32>
      %select_n3A_2105 = arith.select %gt3A_2102, %select_n3A_2058, %select_n3A_2104 : vector<16xi1>, vector<16xi32>
      %min3A_2106 = arith.minimumf %max3A_2059, %gather3A_2101 : vector<16xf32>
      %max3A_2107 = arith.maximumf %max3A_2057, %min3A_2106 : vector<16xf32>
      %select_n3A_2108 = arith.select %gt3A_2102, %broadcast_in_dim3A_2073, %select_n3A_2058 : vector<16xi1>, vector<16xi32>
      %max3A_2109 = arith.maximumf %max3A_2059, %gather3A_2101 : vector<16xf32>
      %add3A_2110 = arith.constant 38 : i32
      %add3A_2111 = vector.broadcast %add3A_2110 : i32 to vector<16xi32>
      %add3A_2112 = arith.addi %mul3A_222, %add3A_2111 : vector<16xi32>
      %gather3A_2113 = tpu.vector_load_idx %arg7[%add3A_2112] : memref<66560xf32, #tpu.memory_space<vmem>>[vector<16xi32>], vector<16xf32>,
      %gt3A_2114 = arith.cmpf ogt, %gather3A_2113, %max3A_2071 : vector<16xf32>
      %gt3A_2115 = arith.cmpf ogt, %gather3A_2113, %max3A_2069 : vector<16xf32>
      %select_n3A_2116 = arith.select %gt3A_2115, %broadcast_in_dim3A_2073, %select_n3A_2067 : vector<16xi1>, vector<16xi32>
      %select_n3A_2117 = arith.select %gt3A_2114, %select_n3A_2070, %select_n3A_2116 : vector<16xi1>, vector<16xi32>
      %min3A_2118 = arith.minimumf %max3A_2071, %gather3A_2113 : vector<16xf32>
      %max3A_2119 = arith.maximumf %max3A_2069, %min3A_2118 : vector<16xf32>
      %select_n3A_2120 = arith.select %gt3A_2114, %broadcast_in_dim3A_2073, %select_n3A_2070 : vector<16xi1>, vector<16xi32>
      %max3A_2121 = arith.maximumf %max3A_2071, %gather3A_2113 : vector<16xf32>
      %broadcast_in_dim3A_2122 = arith.constant 39 : i32
      %broadcast_in_dim3A_2123 = vector.broadcast %broadcast_in_dim3A_2122 : i32 to vector<16xi32>
      %add3A_2124 = arith.constant 39 : i32
      %add3A_2125 = vector.broadcast %add3A_2124 : i32 to vector<16xi32>
      %add3A_2126 = arith.addi %mul3A_181, %add3A_2125 : vector<16xi32>
      %gather3A_2127 = tpu.vector_load_idx %arg7[%add3A_2126] : memref<66560xf32, #tpu.memory_space<vmem>>[vector<16xi32>], vector<16xf32>,
      %gt3A_2128 = arith.cmpf ogt, %gather3A_2127, %max3A_2085 : vector<16xf32>
      %gt3A_2129 = arith.cmpf ogt, %gather3A_2127, %max3A_2083 : vector<16xf32>
      %select_n3A_2130 = arith.select %gt3A_2129, %broadcast_in_dim3A_2123, %select_n3A_2081 : vector<16xi1>, vector<16xi32>
      %select_n3A_2131 = arith.select %gt3A_2128, %select_n3A_2084, %select_n3A_2130 : vector<16xi1>, vector<16xi32>
      %min3A_2132 = arith.minimumf %max3A_2085, %gather3A_2127 : vector<16xf32>
      %max3A_2133 = arith.maximumf %max3A_2083, %min3A_2132 : vector<16xf32>
      %select_n3A_2134 = arith.select %gt3A_2128, %broadcast_in_dim3A_2123, %select_n3A_2084 : vector<16xi1>, vector<16xi32>
      %max3A_2135 = arith.maximumf %max3A_2085, %gather3A_2127 : vector<16xf32>
      %add3A_2136 = arith.constant 39 : i32
      %add3A_2137 = vector.broadcast %add3A_2136 : i32 to vector<16xi32>
      %add3A_2138 = arith.addi %mul3A_194, %add3A_2137 : vector<16xi32>
      %gather3A_2139 = tpu.vector_load_idx %arg7[%add3A_2138] : memref<66560xf32, #tpu.memory_space<vmem>>[vector<16xi32>], vector<16xf32>,
      %gt3A_2140 = arith.cmpf ogt, %gather3A_2139, %max3A_2097 : vector<16xf32>
      %gt3A_2141 = arith.cmpf ogt, %gather3A_2139, %max3A_2095 : vector<16xf32>
      %select_n3A_2142 = arith.select %gt3A_2141, %broadcast_in_dim3A_2123, %select_n3A_2093 : vector<16xi1>, vector<16xi32>
      %select_n3A_2143 = arith.select %gt3A_2140, %select_n3A_2096, %select_n3A_2142 : vector<16xi1>, vector<16xi32>
      %min3A_2144 = arith.minimumf %max3A_2097, %gather3A_2139 : vector<16xf32>
      %max3A_2145 = arith.maximumf %max3A_2095, %min3A_2144 : vector<16xf32>
      %select_n3A_2146 = arith.select %gt3A_2140, %broadcast_in_dim3A_2123, %select_n3A_2096 : vector<16xi1>, vector<16xi32>
      %max3A_2147 = arith.maximumf %max3A_2097, %gather3A_2139 : vector<16xf32>
      %add3A_2148 = arith.constant 39 : i32
      %add3A_2149 = vector.broadcast %add3A_2148 : i32 to vector<16xi32>
      %add3A_2150 = arith.addi %mul3A_208, %add3A_2149 : vector<16xi32>
      %gather3A_2151 = tpu.vector_load_idx %arg7[%add3A_2150] : memref<66560xf32, #tpu.memory_space<vmem>>[vector<16xi32>], vector<16xf32>,
      %gt3A_2152 = arith.cmpf ogt, %gather3A_2151, %max3A_2109 : vector<16xf32>
      %gt3A_2153 = arith.cmpf ogt, %gather3A_2151, %max3A_2107 : vector<16xf32>
      %select_n3A_2154 = arith.select %gt3A_2153, %broadcast_in_dim3A_2123, %select_n3A_2105 : vector<16xi1>, vector<16xi32>
      %select_n3A_2155 = arith.select %gt3A_2152, %select_n3A_2108, %select_n3A_2154 : vector<16xi1>, vector<16xi32>
      %min3A_2156 = arith.minimumf %max3A_2109, %gather3A_2151 : vector<16xf32>
      %max3A_2157 = arith.maximumf %max3A_2107, %min3A_2156 : vector<16xf32>
      %select_n3A_2158 = arith.select %gt3A_2152, %broadcast_in_dim3A_2123, %select_n3A_2108 : vector<16xi1>, vector<16xi32>
      %max3A_2159 = arith.maximumf %max3A_2109, %gather3A_2151 : vector<16xf32>
      %add3A_2160 = arith.constant 39 : i32
      %add3A_2161 = vector.broadcast %add3A_2160 : i32 to vector<16xi32>
      %add3A_2162 = arith.addi %mul3A_222, %add3A_2161 : vector<16xi32>
      %gather3A_2163 = tpu.vector_load_idx %arg7[%add3A_2162] : memref<66560xf32, #tpu.memory_space<vmem>>[vector<16xi32>], vector<16xf32>,
      %gt3A_2164 = arith.cmpf ogt, %gather3A_2163, %max3A_2121 : vector<16xf32>
      %gt3A_2165 = arith.cmpf ogt, %gather3A_2163, %max3A_2119 : vector<16xf32>
      %select_n3A_2166 = arith.select %gt3A_2165, %broadcast_in_dim3A_2123, %select_n3A_2117 : vector<16xi1>, vector<16xi32>
      %select_n3A_2167 = arith.select %gt3A_2164, %select_n3A_2120, %select_n3A_2166 : vector<16xi1>, vector<16xi32>
      %min3A_2168 = arith.minimumf %max3A_2121, %gather3A_2163 : vector<16xf32>
      %max3A_2169 = arith.maximumf %max3A_2119, %min3A_2168 : vector<16xf32>
      %select_n3A_2170 = arith.select %gt3A_2164, %broadcast_in_dim3A_2123, %select_n3A_2120 : vector<16xi1>, vector<16xi32>
      %max3A_2171 = arith.maximumf %max3A_2121, %gather3A_2163 : vector<16xf32>
      %broadcast_in_dim3A_2172 = arith.constant 40 : i32
      %broadcast_in_dim3A_2173 = vector.broadcast %broadcast_in_dim3A_2172 : i32 to vector<16xi32>
      %add3A_2174 = arith.constant 40 : i32
      %add3A_2175 = vector.broadcast %add3A_2174 : i32 to vector<16xi32>
      %add3A_2176 = arith.addi %mul3A_181, %add3A_2175 : vector<16xi32>
      %gather3A_2177 = tpu.vector_load_idx %arg7[%add3A_2176] : memref<66560xf32, #tpu.memory_space<vmem>>[vector<16xi32>], vector<16xf32>,
      %gt3A_2178 = arith.cmpf ogt, %gather3A_2177, %max3A_2135 : vector<16xf32>
      %gt3A_2179 = arith.cmpf ogt, %gather3A_2177, %max3A_2133 : vector<16xf32>
      %select_n3A_2180 = arith.select %gt3A_2179, %broadcast_in_dim3A_2173, %select_n3A_2131 : vector<16xi1>, vector<16xi32>
      %select_n3A_2181 = arith.select %gt3A_2178, %select_n3A_2134, %select_n3A_2180 : vector<16xi1>, vector<16xi32>
      %min3A_2182 = arith.minimumf %max3A_2135, %gather3A_2177 : vector<16xf32>
      %max3A_2183 = arith.maximumf %max3A_2133, %min3A_2182 : vector<16xf32>
      %select_n3A_2184 = arith.select %gt3A_2178, %broadcast_in_dim3A_2173, %select_n3A_2134 : vector<16xi1>, vector<16xi32>
      %max3A_2185 = arith.maximumf %max3A_2135, %gather3A_2177 : vector<16xf32>
      %add3A_2186 = arith.constant 40 : i32
      %add3A_2187 = vector.broadcast %add3A_2186 : i32 to vector<16xi32>
      %add3A_2188 = arith.addi %mul3A_194, %add3A_2187 : vector<16xi32>
      %gather3A_2189 = tpu.vector_load_idx %arg7[%add3A_2188] : memref<66560xf32, #tpu.memory_space<vmem>>[vector<16xi32>], vector<16xf32>,
      %gt3A_2190 = arith.cmpf ogt, %gather3A_2189, %max3A_2147 : vector<16xf32>
      %gt3A_2191 = arith.cmpf ogt, %gather3A_2189, %max3A_2145 : vector<16xf32>
      %select_n3A_2192 = arith.select %gt3A_2191, %broadcast_in_dim3A_2173, %select_n3A_2143 : vector<16xi1>, vector<16xi32>
      %select_n3A_2193 = arith.select %gt3A_2190, %select_n3A_2146, %select_n3A_2192 : vector<16xi1>, vector<16xi32>
      %min3A_2194 = arith.minimumf %max3A_2147, %gather3A_2189 : vector<16xf32>
      %max3A_2195 = arith.maximumf %max3A_2145, %min3A_2194 : vector<16xf32>
      %select_n3A_2196 = arith.select %gt3A_2190, %broadcast_in_dim3A_2173, %select_n3A_2146 : vector<16xi1>, vector<16xi32>
      %max3A_2197 = arith.maximumf %max3A_2147, %gather3A_2189 : vector<16xf32>
      %add3A_2198 = arith.constant 40 : i32
      %add3A_2199 = vector.broadcast %add3A_2198 : i32 to vector<16xi32>
      %add3A_2200 = arith.addi %mul3A_208, %add3A_2199 : vector<16xi32>
      %gather3A_2201 = tpu.vector_load_idx %arg7[%add3A_2200] : memref<66560xf32, #tpu.memory_space<vmem>>[vector<16xi32>], vector<16xf32>,
      %gt3A_2202 = arith.cmpf ogt, %gather3A_2201, %max3A_2159 : vector<16xf32>
      %gt3A_2203 = arith.cmpf ogt, %gather3A_2201, %max3A_2157 : vector<16xf32>
      %select_n3A_2204 = arith.select %gt3A_2203, %broadcast_in_dim3A_2173, %select_n3A_2155 : vector<16xi1>, vector<16xi32>
      %select_n3A_2205 = arith.select %gt3A_2202, %select_n3A_2158, %select_n3A_2204 : vector<16xi1>, vector<16xi32>
      %min3A_2206 = arith.minimumf %max3A_2159, %gather3A_2201 : vector<16xf32>
      %max3A_2207 = arith.maximumf %max3A_2157, %min3A_2206 : vector<16xf32>
      %select_n3A_2208 = arith.select %gt3A_2202, %broadcast_in_dim3A_2173, %select_n3A_2158 : vector<16xi1>, vector<16xi32>
      %max3A_2209 = arith.maximumf %max3A_2159, %gather3A_2201 : vector<16xf32>
      %add3A_2210 = arith.constant 40 : i32
      %add3A_2211 = vector.broadcast %add3A_2210 : i32 to vector<16xi32>
      %add3A_2212 = arith.addi %mul3A_222, %add3A_2211 : vector<16xi32>
      %gather3A_2213 = tpu.vector_load_idx %arg7[%add3A_2212] : memref<66560xf32, #tpu.memory_space<vmem>>[vector<16xi32>], vector<16xf32>,
      %gt3A_2214 = arith.cmpf ogt, %gather3A_2213, %max3A_2171 : vector<16xf32>
      %gt3A_2215 = arith.cmpf ogt, %gather3A_2213, %max3A_2169 : vector<16xf32>
      %select_n3A_2216 = arith.select %gt3A_2215, %broadcast_in_dim3A_2173, %select_n3A_2167 : vector<16xi1>, vector<16xi32>
      %select_n3A_2217 = arith.select %gt3A_2214, %select_n3A_2170, %select_n3A_2216 : vector<16xi1>, vector<16xi32>
      %min3A_2218 = arith.minimumf %max3A_2171, %gather3A_2213 : vector<16xf32>
      %max3A_2219 = arith.maximumf %max3A_2169, %min3A_2218 : vector<16xf32>
      %select_n3A_2220 = arith.select %gt3A_2214, %broadcast_in_dim3A_2173, %select_n3A_2170 : vector<16xi1>, vector<16xi32>
      %max3A_2221 = arith.maximumf %max3A_2171, %gather3A_2213 : vector<16xf32>
      %broadcast_in_dim3A_2222 = arith.constant 41 : i32
      %broadcast_in_dim3A_2223 = vector.broadcast %broadcast_in_dim3A_2222 : i32 to vector<16xi32>
      %add3A_2224 = arith.constant 41 : i32
      %add3A_2225 = vector.broadcast %add3A_2224 : i32 to vector<16xi32>
      %add3A_2226 = arith.addi %mul3A_181, %add3A_2225 : vector<16xi32>
      %gather3A_2227 = tpu.vector_load_idx %arg7[%add3A_2226] : memref<66560xf32, #tpu.memory_space<vmem>>[vector<16xi32>], vector<16xf32>,
      %gt3A_2228 = arith.cmpf ogt, %gather3A_2227, %max3A_2185 : vector<16xf32>
      %gt3A_2229 = arith.cmpf ogt, %gather3A_2227, %max3A_2183 : vector<16xf32>
      %select_n3A_2230 = arith.select %gt3A_2229, %broadcast_in_dim3A_2223, %select_n3A_2181 : vector<16xi1>, vector<16xi32>
      %select_n3A_2231 = arith.select %gt3A_2228, %select_n3A_2184, %select_n3A_2230 : vector<16xi1>, vector<16xi32>
      %min3A_2232 = arith.minimumf %max3A_2185, %gather3A_2227 : vector<16xf32>
      %max3A_2233 = arith.maximumf %max3A_2183, %min3A_2232 : vector<16xf32>
      %select_n3A_2234 = arith.select %gt3A_2228, %broadcast_in_dim3A_2223, %select_n3A_2184 : vector<16xi1>, vector<16xi32>
      %max3A_2235 = arith.maximumf %max3A_2185, %gather3A_2227 : vector<16xf32>
      %add3A_2236 = arith.constant 41 : i32
      %add3A_2237 = vector.broadcast %add3A_2236 : i32 to vector<16xi32>
      %add3A_2238 = arith.addi %mul3A_194, %add3A_2237 : vector<16xi32>
      %gather3A_2239 = tpu.vector_load_idx %arg7[%add3A_2238] : memref<66560xf32, #tpu.memory_space<vmem>>[vector<16xi32>], vector<16xf32>,
      %gt3A_2240 = arith.cmpf ogt, %gather3A_2239, %max3A_2197 : vector<16xf32>
      %gt3A_2241 = arith.cmpf ogt, %gather3A_2239, %max3A_2195 : vector<16xf32>
      %select_n3A_2242 = arith.select %gt3A_2241, %broadcast_in_dim3A_2223, %select_n3A_2193 : vector<16xi1>, vector<16xi32>
      %select_n3A_2243 = arith.select %gt3A_2240, %select_n3A_2196, %select_n3A_2242 : vector<16xi1>, vector<16xi32>
      %min3A_2244 = arith.minimumf %max3A_2197, %gather3A_2239 : vector<16xf32>
      %max3A_2245 = arith.maximumf %max3A_2195, %min3A_2244 : vector<16xf32>
      %select_n3A_2246 = arith.select %gt3A_2240, %broadcast_in_dim3A_2223, %select_n3A_2196 : vector<16xi1>, vector<16xi32>
      %max3A_2247 = arith.maximumf %max3A_2197, %gather3A_2239 : vector<16xf32>
      %add3A_2248 = arith.constant 41 : i32
      %add3A_2249 = vector.broadcast %add3A_2248 : i32 to vector<16xi32>
      %add3A_2250 = arith.addi %mul3A_208, %add3A_2249 : vector<16xi32>
      %gather3A_2251 = tpu.vector_load_idx %arg7[%add3A_2250] : memref<66560xf32, #tpu.memory_space<vmem>>[vector<16xi32>], vector<16xf32>,
      %gt3A_2252 = arith.cmpf ogt, %gather3A_2251, %max3A_2209 : vector<16xf32>
      %gt3A_2253 = arith.cmpf ogt, %gather3A_2251, %max3A_2207 : vector<16xf32>
      %select_n3A_2254 = arith.select %gt3A_2253, %broadcast_in_dim3A_2223, %select_n3A_2205 : vector<16xi1>, vector<16xi32>
      %select_n3A_2255 = arith.select %gt3A_2252, %select_n3A_2208, %select_n3A_2254 : vector<16xi1>, vector<16xi32>
      %min3A_2256 = arith.minimumf %max3A_2209, %gather3A_2251 : vector<16xf32>
      %max3A_2257 = arith.maximumf %max3A_2207, %min3A_2256 : vector<16xf32>
      %select_n3A_2258 = arith.select %gt3A_2252, %broadcast_in_dim3A_2223, %select_n3A_2208 : vector<16xi1>, vector<16xi32>
      %max3A_2259 = arith.maximumf %max3A_2209, %gather3A_2251 : vector<16xf32>
      %add3A_2260 = arith.constant 41 : i32
      %add3A_2261 = vector.broadcast %add3A_2260 : i32 to vector<16xi32>
      %add3A_2262 = arith.addi %mul3A_222, %add3A_2261 : vector<16xi32>
      %gather3A_2263 = tpu.vector_load_idx %arg7[%add3A_2262] : memref<66560xf32, #tpu.memory_space<vmem>>[vector<16xi32>], vector<16xf32>,
      %gt3A_2264 = arith.cmpf ogt, %gather3A_2263, %max3A_2221 : vector<16xf32>
      %gt3A_2265 = arith.cmpf ogt, %gather3A_2263, %max3A_2219 : vector<16xf32>
      %select_n3A_2266 = arith.select %gt3A_2265, %broadcast_in_dim3A_2223, %select_n3A_2217 : vector<16xi1>, vector<16xi32>
      %select_n3A_2267 = arith.select %gt3A_2264, %select_n3A_2220, %select_n3A_2266 : vector<16xi1>, vector<16xi32>
      %min3A_2268 = arith.minimumf %max3A_2221, %gather3A_2263 : vector<16xf32>
      %max3A_2269 = arith.maximumf %max3A_2219, %min3A_2268 : vector<16xf32>
      %select_n3A_2270 = arith.select %gt3A_2264, %broadcast_in_dim3A_2223, %select_n3A_2220 : vector<16xi1>, vector<16xi32>
      %max3A_2271 = arith.maximumf %max3A_2221, %gather3A_2263 : vector<16xf32>
      %broadcast_in_dim3A_2272 = arith.constant 42 : i32
      %broadcast_in_dim3A_2273 = vector.broadcast %broadcast_in_dim3A_2272 : i32 to vector<16xi32>
      %add3A_2274 = arith.constant 42 : i32
      %add3A_2275 = vector.broadcast %add3A_2274 : i32 to vector<16xi32>
      %add3A_2276 = arith.addi %mul3A_181, %add3A_2275 : vector<16xi32>
      %gather3A_2277 = tpu.vector_load_idx %arg7[%add3A_2276] : memref<66560xf32, #tpu.memory_space<vmem>>[vector<16xi32>], vector<16xf32>,
      %gt3A_2278 = arith.cmpf ogt, %gather3A_2277, %max3A_2235 : vector<16xf32>
      %gt3A_2279 = arith.cmpf ogt, %gather3A_2277, %max3A_2233 : vector<16xf32>
      %select_n3A_2280 = arith.select %gt3A_2279, %broadcast_in_dim3A_2273, %select_n3A_2231 : vector<16xi1>, vector<16xi32>
      %select_n3A_2281 = arith.select %gt3A_2278, %select_n3A_2234, %select_n3A_2280 : vector<16xi1>, vector<16xi32>
      %min3A_2282 = arith.minimumf %max3A_2235, %gather3A_2277 : vector<16xf32>
      %max3A_2283 = arith.maximumf %max3A_2233, %min3A_2282 : vector<16xf32>
      %select_n3A_2284 = arith.select %gt3A_2278, %broadcast_in_dim3A_2273, %select_n3A_2234 : vector<16xi1>, vector<16xi32>
      %max3A_2285 = arith.maximumf %max3A_2235, %gather3A_2277 : vector<16xf32>
      %add3A_2286 = arith.constant 42 : i32
      %add3A_2287 = vector.broadcast %add3A_2286 : i32 to vector<16xi32>
      %add3A_2288 = arith.addi %mul3A_194, %add3A_2287 : vector<16xi32>
      %gather3A_2289 = tpu.vector_load_idx %arg7[%add3A_2288] : memref<66560xf32, #tpu.memory_space<vmem>>[vector<16xi32>], vector<16xf32>,
      %gt3A_2290 = arith.cmpf ogt, %gather3A_2289, %max3A_2247 : vector<16xf32>
      %gt3A_2291 = arith.cmpf ogt, %gather3A_2289, %max3A_2245 : vector<16xf32>
      %select_n3A_2292 = arith.select %gt3A_2291, %broadcast_in_dim3A_2273, %select_n3A_2243 : vector<16xi1>, vector<16xi32>
      %select_n3A_2293 = arith.select %gt3A_2290, %select_n3A_2246, %select_n3A_2292 : vector<16xi1>, vector<16xi32>
      %min3A_2294 = arith.minimumf %max3A_2247, %gather3A_2289 : vector<16xf32>
      %max3A_2295 = arith.maximumf %max3A_2245, %min3A_2294 : vector<16xf32>
      %select_n3A_2296 = arith.select %gt3A_2290, %broadcast_in_dim3A_2273, %select_n3A_2246 : vector<16xi1>, vector<16xi32>
      %max3A_2297 = arith.maximumf %max3A_2247, %gather3A_2289 : vector<16xf32>
      %add3A_2298 = arith.constant 42 : i32
      %add3A_2299 = vector.broadcast %add3A_2298 : i32 to vector<16xi32>
      %add3A_2300 = arith.addi %mul3A_208, %add3A_2299 : vector<16xi32>
      %gather3A_2301 = tpu.vector_load_idx %arg7[%add3A_2300] : memref<66560xf32, #tpu.memory_space<vmem>>[vector<16xi32>], vector<16xf32>,
      %gt3A_2302 = arith.cmpf ogt, %gather3A_2301, %max3A_2259 : vector<16xf32>
      %gt3A_2303 = arith.cmpf ogt, %gather3A_2301, %max3A_2257 : vector<16xf32>
      %select_n3A_2304 = arith.select %gt3A_2303, %broadcast_in_dim3A_2273, %select_n3A_2255 : vector<16xi1>, vector<16xi32>
      %select_n3A_2305 = arith.select %gt3A_2302, %select_n3A_2258, %select_n3A_2304 : vector<16xi1>, vector<16xi32>
      %min3A_2306 = arith.minimumf %max3A_2259, %gather3A_2301 : vector<16xf32>
      %max3A_2307 = arith.maximumf %max3A_2257, %min3A_2306 : vector<16xf32>
      %select_n3A_2308 = arith.select %gt3A_2302, %broadcast_in_dim3A_2273, %select_n3A_2258 : vector<16xi1>, vector<16xi32>
      %max3A_2309 = arith.maximumf %max3A_2259, %gather3A_2301 : vector<16xf32>
      %add3A_2310 = arith.constant 42 : i32
      %add3A_2311 = vector.broadcast %add3A_2310 : i32 to vector<16xi32>
      %add3A_2312 = arith.addi %mul3A_222, %add3A_2311 : vector<16xi32>
      %gather3A_2313 = tpu.vector_load_idx %arg7[%add3A_2312] : memref<66560xf32, #tpu.memory_space<vmem>>[vector<16xi32>], vector<16xf32>,
      %gt3A_2314 = arith.cmpf ogt, %gather3A_2313, %max3A_2271 : vector<16xf32>
      %gt3A_2315 = arith.cmpf ogt, %gather3A_2313, %max3A_2269 : vector<16xf32>
      %select_n3A_2316 = arith.select %gt3A_2315, %broadcast_in_dim3A_2273, %select_n3A_2267 : vector<16xi1>, vector<16xi32>
      %select_n3A_2317 = arith.select %gt3A_2314, %select_n3A_2270, %select_n3A_2316 : vector<16xi1>, vector<16xi32>
      %min3A_2318 = arith.minimumf %max3A_2271, %gather3A_2313 : vector<16xf32>
      %max3A_2319 = arith.maximumf %max3A_2269, %min3A_2318 : vector<16xf32>
      %select_n3A_2320 = arith.select %gt3A_2314, %broadcast_in_dim3A_2273, %select_n3A_2270 : vector<16xi1>, vector<16xi32>
      %max3A_2321 = arith.maximumf %max3A_2271, %gather3A_2313 : vector<16xf32>
      %broadcast_in_dim3A_2322 = arith.constant 43 : i32
      %broadcast_in_dim3A_2323 = vector.broadcast %broadcast_in_dim3A_2322 : i32 to vector<16xi32>
      %add3A_2324 = arith.constant 43 : i32
      %add3A_2325 = vector.broadcast %add3A_2324 : i32 to vector<16xi32>
      %add3A_2326 = arith.addi %mul3A_181, %add3A_2325 : vector<16xi32>
      %gather3A_2327 = tpu.vector_load_idx %arg7[%add3A_2326] : memref<66560xf32, #tpu.memory_space<vmem>>[vector<16xi32>], vector<16xf32>,
      %gt3A_2328 = arith.cmpf ogt, %gather3A_2327, %max3A_2285 : vector<16xf32>
      %gt3A_2329 = arith.cmpf ogt, %gather3A_2327, %max3A_2283 : vector<16xf32>
      %select_n3A_2330 = arith.select %gt3A_2329, %broadcast_in_dim3A_2323, %select_n3A_2281 : vector<16xi1>, vector<16xi32>
      %select_n3A_2331 = arith.select %gt3A_2328, %select_n3A_2284, %select_n3A_2330 : vector<16xi1>, vector<16xi32>
      %min3A_2332 = arith.minimumf %max3A_2285, %gather3A_2327 : vector<16xf32>
      %max3A_2333 = arith.maximumf %max3A_2283, %min3A_2332 : vector<16xf32>
      %select_n3A_2334 = arith.select %gt3A_2328, %broadcast_in_dim3A_2323, %select_n3A_2284 : vector<16xi1>, vector<16xi32>
      %max3A_2335 = arith.maximumf %max3A_2285, %gather3A_2327 : vector<16xf32>
      %add3A_2336 = arith.constant 43 : i32
      %add3A_2337 = vector.broadcast %add3A_2336 : i32 to vector<16xi32>
      %add3A_2338 = arith.addi %mul3A_194, %add3A_2337 : vector<16xi32>
      %gather3A_2339 = tpu.vector_load_idx %arg7[%add3A_2338] : memref<66560xf32, #tpu.memory_space<vmem>>[vector<16xi32>], vector<16xf32>,
      %gt3A_2340 = arith.cmpf ogt, %gather3A_2339, %max3A_2297 : vector<16xf32>
      %gt3A_2341 = arith.cmpf ogt, %gather3A_2339, %max3A_2295 : vector<16xf32>
      %select_n3A_2342 = arith.select %gt3A_2341, %broadcast_in_dim3A_2323, %select_n3A_2293 : vector<16xi1>, vector<16xi32>
      %select_n3A_2343 = arith.select %gt3A_2340, %select_n3A_2296, %select_n3A_2342 : vector<16xi1>, vector<16xi32>
      %min3A_2344 = arith.minimumf %max3A_2297, %gather3A_2339 : vector<16xf32>
      %max3A_2345 = arith.maximumf %max3A_2295, %min3A_2344 : vector<16xf32>
      %select_n3A_2346 = arith.select %gt3A_2340, %broadcast_in_dim3A_2323, %select_n3A_2296 : vector<16xi1>, vector<16xi32>
      %max3A_2347 = arith.maximumf %max3A_2297, %gather3A_2339 : vector<16xf32>
      %add3A_2348 = arith.constant 43 : i32
      %add3A_2349 = vector.broadcast %add3A_2348 : i32 to vector<16xi32>
      %add3A_2350 = arith.addi %mul3A_208, %add3A_2349 : vector<16xi32>
      %gather3A_2351 = tpu.vector_load_idx %arg7[%add3A_2350] : memref<66560xf32, #tpu.memory_space<vmem>>[vector<16xi32>], vector<16xf32>,
      %gt3A_2352 = arith.cmpf ogt, %gather3A_2351, %max3A_2309 : vector<16xf32>
      %gt3A_2353 = arith.cmpf ogt, %gather3A_2351, %max3A_2307 : vector<16xf32>
      %select_n3A_2354 = arith.select %gt3A_2353, %broadcast_in_dim3A_2323, %select_n3A_2305 : vector<16xi1>, vector<16xi32>
      %select_n3A_2355 = arith.select %gt3A_2352, %select_n3A_2308, %select_n3A_2354 : vector<16xi1>, vector<16xi32>
      %min3A_2356 = arith.minimumf %max3A_2309, %gather3A_2351 : vector<16xf32>
      %max3A_2357 = arith.maximumf %max3A_2307, %min3A_2356 : vector<16xf32>
      %select_n3A_2358 = arith.select %gt3A_2352, %broadcast_in_dim3A_2323, %select_n3A_2308 : vector<16xi1>, vector<16xi32>
      %max3A_2359 = arith.maximumf %max3A_2309, %gather3A_2351 : vector<16xf32>
      %add3A_2360 = arith.constant 43 : i32
      %add3A_2361 = vector.broadcast %add3A_2360 : i32 to vector<16xi32>
      %add3A_2362 = arith.addi %mul3A_222, %add3A_2361 : vector<16xi32>
      %gather3A_2363 = tpu.vector_load_idx %arg7[%add3A_2362] : memref<66560xf32, #tpu.memory_space<vmem>>[vector<16xi32>], vector<16xf32>,
      %gt3A_2364 = arith.cmpf ogt, %gather3A_2363, %max3A_2321 : vector<16xf32>
      %gt3A_2365 = arith.cmpf ogt, %gather3A_2363, %max3A_2319 : vector<16xf32>
      %select_n3A_2366 = arith.select %gt3A_2365, %broadcast_in_dim3A_2323, %select_n3A_2317 : vector<16xi1>, vector<16xi32>
      %select_n3A_2367 = arith.select %gt3A_2364, %select_n3A_2320, %select_n3A_2366 : vector<16xi1>, vector<16xi32>
      %min3A_2368 = arith.minimumf %max3A_2321, %gather3A_2363 : vector<16xf32>
      %max3A_2369 = arith.maximumf %max3A_2319, %min3A_2368 : vector<16xf32>
      %select_n3A_2370 = arith.select %gt3A_2364, %broadcast_in_dim3A_2323, %select_n3A_2320 : vector<16xi1>, vector<16xi32>
      %max3A_2371 = arith.maximumf %max3A_2321, %gather3A_2363 : vector<16xf32>
      %broadcast_in_dim3A_2372 = arith.constant 44 : i32
      %broadcast_in_dim3A_2373 = vector.broadcast %broadcast_in_dim3A_2372 : i32 to vector<16xi32>
      %add3A_2374 = arith.constant 44 : i32
      %add3A_2375 = vector.broadcast %add3A_2374 : i32 to vector<16xi32>
      %add3A_2376 = arith.addi %mul3A_181, %add3A_2375 : vector<16xi32>
      %gather3A_2377 = tpu.vector_load_idx %arg7[%add3A_2376] : memref<66560xf32, #tpu.memory_space<vmem>>[vector<16xi32>], vector<16xf32>,
      %gt3A_2378 = arith.cmpf ogt, %gather3A_2377, %max3A_2335 : vector<16xf32>
      %gt3A_2379 = arith.cmpf ogt, %gather3A_2377, %max3A_2333 : vector<16xf32>
      %select_n3A_2380 = arith.select %gt3A_2379, %broadcast_in_dim3A_2373, %select_n3A_2331 : vector<16xi1>, vector<16xi32>
      %select_n3A_2381 = arith.select %gt3A_2378, %select_n3A_2334, %select_n3A_2380 : vector<16xi1>, vector<16xi32>
      %min3A_2382 = arith.minimumf %max3A_2335, %gather3A_2377 : vector<16xf32>
      %max3A_2383 = arith.maximumf %max3A_2333, %min3A_2382 : vector<16xf32>
      %select_n3A_2384 = arith.select %gt3A_2378, %broadcast_in_dim3A_2373, %select_n3A_2334 : vector<16xi1>, vector<16xi32>
      %max3A_2385 = arith.maximumf %max3A_2335, %gather3A_2377 : vector<16xf32>
      %add3A_2386 = arith.constant 44 : i32
      %add3A_2387 = vector.broadcast %add3A_2386 : i32 to vector<16xi32>
      %add3A_2388 = arith.addi %mul3A_194, %add3A_2387 : vector<16xi32>
      %gather3A_2389 = tpu.vector_load_idx %arg7[%add3A_2388] : memref<66560xf32, #tpu.memory_space<vmem>>[vector<16xi32>], vector<16xf32>,
      %gt3A_2390 = arith.cmpf ogt, %gather3A_2389, %max3A_2347 : vector<16xf32>
      %gt3A_2391 = arith.cmpf ogt, %gather3A_2389, %max3A_2345 : vector<16xf32>
      %select_n3A_2392 = arith.select %gt3A_2391, %broadcast_in_dim3A_2373, %select_n3A_2343 : vector<16xi1>, vector<16xi32>
      %select_n3A_2393 = arith.select %gt3A_2390, %select_n3A_2346, %select_n3A_2392 : vector<16xi1>, vector<16xi32>
      %min3A_2394 = arith.minimumf %max3A_2347, %gather3A_2389 : vector<16xf32>
      %max3A_2395 = arith.maximumf %max3A_2345, %min3A_2394 : vector<16xf32>
      %select_n3A_2396 = arith.select %gt3A_2390, %broadcast_in_dim3A_2373, %select_n3A_2346 : vector<16xi1>, vector<16xi32>
      %max3A_2397 = arith.maximumf %max3A_2347, %gather3A_2389 : vector<16xf32>
      %add3A_2398 = arith.constant 44 : i32
      %add3A_2399 = vector.broadcast %add3A_2398 : i32 to vector<16xi32>
      %add3A_2400 = arith.addi %mul3A_208, %add3A_2399 : vector<16xi32>
      %gather3A_2401 = tpu.vector_load_idx %arg7[%add3A_2400] : memref<66560xf32, #tpu.memory_space<vmem>>[vector<16xi32>], vector<16xf32>,
      %gt3A_2402 = arith.cmpf ogt, %gather3A_2401, %max3A_2359 : vector<16xf32>
      %gt3A_2403 = arith.cmpf ogt, %gather3A_2401, %max3A_2357 : vector<16xf32>
      %select_n3A_2404 = arith.select %gt3A_2403, %broadcast_in_dim3A_2373, %select_n3A_2355 : vector<16xi1>, vector<16xi32>
      %select_n3A_2405 = arith.select %gt3A_2402, %select_n3A_2358, %select_n3A_2404 : vector<16xi1>, vector<16xi32>
      %min3A_2406 = arith.minimumf %max3A_2359, %gather3A_2401 : vector<16xf32>
      %max3A_2407 = arith.maximumf %max3A_2357, %min3A_2406 : vector<16xf32>
      %select_n3A_2408 = arith.select %gt3A_2402, %broadcast_in_dim3A_2373, %select_n3A_2358 : vector<16xi1>, vector<16xi32>
      %max3A_2409 = arith.maximumf %max3A_2359, %gather3A_2401 : vector<16xf32>
      %add3A_2410 = arith.constant 44 : i32
      %add3A_2411 = vector.broadcast %add3A_2410 : i32 to vector<16xi32>
      %add3A_2412 = arith.addi %mul3A_222, %add3A_2411 : vector<16xi32>
      %gather3A_2413 = tpu.vector_load_idx %arg7[%add3A_2412] : memref<66560xf32, #tpu.memory_space<vmem>>[vector<16xi32>], vector<16xf32>,
      %gt3A_2414 = arith.cmpf ogt, %gather3A_2413, %max3A_2371 : vector<16xf32>
      %gt3A_2415 = arith.cmpf ogt, %gather3A_2413, %max3A_2369 : vector<16xf32>
      %select_n3A_2416 = arith.select %gt3A_2415, %broadcast_in_dim3A_2373, %select_n3A_2367 : vector<16xi1>, vector<16xi32>
      %select_n3A_2417 = arith.select %gt3A_2414, %select_n3A_2370, %select_n3A_2416 : vector<16xi1>, vector<16xi32>
      %min3A_2418 = arith.minimumf %max3A_2371, %gather3A_2413 : vector<16xf32>
      %max3A_2419 = arith.maximumf %max3A_2369, %min3A_2418 : vector<16xf32>
      %select_n3A_2420 = arith.select %gt3A_2414, %broadcast_in_dim3A_2373, %select_n3A_2370 : vector<16xi1>, vector<16xi32>
      %max3A_2421 = arith.maximumf %max3A_2371, %gather3A_2413 : vector<16xf32>
      %broadcast_in_dim3A_2422 = arith.constant 45 : i32
      %broadcast_in_dim3A_2423 = vector.broadcast %broadcast_in_dim3A_2422 : i32 to vector<16xi32>
      %add3A_2424 = arith.constant 45 : i32
      %add3A_2425 = vector.broadcast %add3A_2424 : i32 to vector<16xi32>
      %add3A_2426 = arith.addi %mul3A_181, %add3A_2425 : vector<16xi32>
      %gather3A_2427 = tpu.vector_load_idx %arg7[%add3A_2426] : memref<66560xf32, #tpu.memory_space<vmem>>[vector<16xi32>], vector<16xf32>,
      %gt3A_2428 = arith.cmpf ogt, %gather3A_2427, %max3A_2385 : vector<16xf32>
      %gt3A_2429 = arith.cmpf ogt, %gather3A_2427, %max3A_2383 : vector<16xf32>
      %select_n3A_2430 = arith.select %gt3A_2429, %broadcast_in_dim3A_2423, %select_n3A_2381 : vector<16xi1>, vector<16xi32>
      %select_n3A_2431 = arith.select %gt3A_2428, %select_n3A_2384, %select_n3A_2430 : vector<16xi1>, vector<16xi32>
      %min3A_2432 = arith.minimumf %max3A_2385, %gather3A_2427 : vector<16xf32>
      %max3A_2433 = arith.maximumf %max3A_2383, %min3A_2432 : vector<16xf32>
      %select_n3A_2434 = arith.select %gt3A_2428, %broadcast_in_dim3A_2423, %select_n3A_2384 : vector<16xi1>, vector<16xi32>
      %max3A_2435 = arith.maximumf %max3A_2385, %gather3A_2427 : vector<16xf32>
      %add3A_2436 = arith.constant 45 : i32
      %add3A_2437 = vector.broadcast %add3A_2436 : i32 to vector<16xi32>
      %add3A_2438 = arith.addi %mul3A_194, %add3A_2437 : vector<16xi32>
      %gather3A_2439 = tpu.vector_load_idx %arg7[%add3A_2438] : memref<66560xf32, #tpu.memory_space<vmem>>[vector<16xi32>], vector<16xf32>,
      %gt3A_2440 = arith.cmpf ogt, %gather3A_2439, %max3A_2397 : vector<16xf32>
      %gt3A_2441 = arith.cmpf ogt, %gather3A_2439, %max3A_2395 : vector<16xf32>
      %select_n3A_2442 = arith.select %gt3A_2441, %broadcast_in_dim3A_2423, %select_n3A_2393 : vector<16xi1>, vector<16xi32>
      %select_n3A_2443 = arith.select %gt3A_2440, %select_n3A_2396, %select_n3A_2442 : vector<16xi1>, vector<16xi32>
      %min3A_2444 = arith.minimumf %max3A_2397, %gather3A_2439 : vector<16xf32>
      %max3A_2445 = arith.maximumf %max3A_2395, %min3A_2444 : vector<16xf32>
      %select_n3A_2446 = arith.select %gt3A_2440, %broadcast_in_dim3A_2423, %select_n3A_2396 : vector<16xi1>, vector<16xi32>
      %max3A_2447 = arith.maximumf %max3A_2397, %gather3A_2439 : vector<16xf32>
      %add3A_2448 = arith.constant 45 : i32
      %add3A_2449 = vector.broadcast %add3A_2448 : i32 to vector<16xi32>
      %add3A_2450 = arith.addi %mul3A_208, %add3A_2449 : vector<16xi32>
      %gather3A_2451 = tpu.vector_load_idx %arg7[%add3A_2450] : memref<66560xf32, #tpu.memory_space<vmem>>[vector<16xi32>], vector<16xf32>,
      %gt3A_2452 = arith.cmpf ogt, %gather3A_2451, %max3A_2409 : vector<16xf32>
      %gt3A_2453 = arith.cmpf ogt, %gather3A_2451, %max3A_2407 : vector<16xf32>
      %select_n3A_2454 = arith.select %gt3A_2453, %broadcast_in_dim3A_2423, %select_n3A_2405 : vector<16xi1>, vector<16xi32>
      %select_n3A_2455 = arith.select %gt3A_2452, %select_n3A_2408, %select_n3A_2454 : vector<16xi1>, vector<16xi32>
      %min3A_2456 = arith.minimumf %max3A_2409, %gather3A_2451 : vector<16xf32>
      %max3A_2457 = arith.maximumf %max3A_2407, %min3A_2456 : vector<16xf32>
      %select_n3A_2458 = arith.select %gt3A_2452, %broadcast_in_dim3A_2423, %select_n3A_2408 : vector<16xi1>, vector<16xi32>
      %max3A_2459 = arith.maximumf %max3A_2409, %gather3A_2451 : vector<16xf32>
      %add3A_2460 = arith.constant 45 : i32
      %add3A_2461 = vector.broadcast %add3A_2460 : i32 to vector<16xi32>
      %add3A_2462 = arith.addi %mul3A_222, %add3A_2461 : vector<16xi32>
      %gather3A_2463 = tpu.vector_load_idx %arg7[%add3A_2462] : memref<66560xf32, #tpu.memory_space<vmem>>[vector<16xi32>], vector<16xf32>,
      %gt3A_2464 = arith.cmpf ogt, %gather3A_2463, %max3A_2421 : vector<16xf32>
      %gt3A_2465 = arith.cmpf ogt, %gather3A_2463, %max3A_2419 : vector<16xf32>
      %select_n3A_2466 = arith.select %gt3A_2465, %broadcast_in_dim3A_2423, %select_n3A_2417 : vector<16xi1>, vector<16xi32>
      %select_n3A_2467 = arith.select %gt3A_2464, %select_n3A_2420, %select_n3A_2466 : vector<16xi1>, vector<16xi32>
      %min3A_2468 = arith.minimumf %max3A_2421, %gather3A_2463 : vector<16xf32>
      %max3A_2469 = arith.maximumf %max3A_2419, %min3A_2468 : vector<16xf32>
      %select_n3A_2470 = arith.select %gt3A_2464, %broadcast_in_dim3A_2423, %select_n3A_2420 : vector<16xi1>, vector<16xi32>
      %max3A_2471 = arith.maximumf %max3A_2421, %gather3A_2463 : vector<16xf32>
      %broadcast_in_dim3A_2472 = arith.constant 46 : i32
      %broadcast_in_dim3A_2473 = vector.broadcast %broadcast_in_dim3A_2472 : i32 to vector<16xi32>
      %add3A_2474 = arith.constant 46 : i32
      %add3A_2475 = vector.broadcast %add3A_2474 : i32 to vector<16xi32>
      %add3A_2476 = arith.addi %mul3A_181, %add3A_2475 : vector<16xi32>
      %gather3A_2477 = tpu.vector_load_idx %arg7[%add3A_2476] : memref<66560xf32, #tpu.memory_space<vmem>>[vector<16xi32>], vector<16xf32>,
      %gt3A_2478 = arith.cmpf ogt, %gather3A_2477, %max3A_2435 : vector<16xf32>
      %gt3A_2479 = arith.cmpf ogt, %gather3A_2477, %max3A_2433 : vector<16xf32>
      %select_n3A_2480 = arith.select %gt3A_2479, %broadcast_in_dim3A_2473, %select_n3A_2431 : vector<16xi1>, vector<16xi32>
      %select_n3A_2481 = arith.select %gt3A_2478, %select_n3A_2434, %select_n3A_2480 : vector<16xi1>, vector<16xi32>
      %min3A_2482 = arith.minimumf %max3A_2435, %gather3A_2477 : vector<16xf32>
      %max3A_2483 = arith.maximumf %max3A_2433, %min3A_2482 : vector<16xf32>
      %select_n3A_2484 = arith.select %gt3A_2478, %broadcast_in_dim3A_2473, %select_n3A_2434 : vector<16xi1>, vector<16xi32>
      %max3A_2485 = arith.maximumf %max3A_2435, %gather3A_2477 : vector<16xf32>
      %add3A_2486 = arith.constant 46 : i32
      %add3A_2487 = vector.broadcast %add3A_2486 : i32 to vector<16xi32>
      %add3A_2488 = arith.addi %mul3A_194, %add3A_2487 : vector<16xi32>
      %gather3A_2489 = tpu.vector_load_idx %arg7[%add3A_2488] : memref<66560xf32, #tpu.memory_space<vmem>>[vector<16xi32>], vector<16xf32>,
      %gt3A_2490 = arith.cmpf ogt, %gather3A_2489, %max3A_2447 : vector<16xf32>
      %gt3A_2491 = arith.cmpf ogt, %gather3A_2489, %max3A_2445 : vector<16xf32>
      %select_n3A_2492 = arith.select %gt3A_2491, %broadcast_in_dim3A_2473, %select_n3A_2443 : vector<16xi1>, vector<16xi32>
      %select_n3A_2493 = arith.select %gt3A_2490, %select_n3A_2446, %select_n3A_2492 : vector<16xi1>, vector<16xi32>
      %min3A_2494 = arith.minimumf %max3A_2447, %gather3A_2489 : vector<16xf32>
      %max3A_2495 = arith.maximumf %max3A_2445, %min3A_2494 : vector<16xf32>
      %select_n3A_2496 = arith.select %gt3A_2490, %broadcast_in_dim3A_2473, %select_n3A_2446 : vector<16xi1>, vector<16xi32>
      %max3A_2497 = arith.maximumf %max3A_2447, %gather3A_2489 : vector<16xf32>
      %add3A_2498 = arith.constant 46 : i32
      %add3A_2499 = vector.broadcast %add3A_2498 : i32 to vector<16xi32>
      %add3A_2500 = arith.addi %mul3A_208, %add3A_2499 : vector<16xi32>
      %gather3A_2501 = tpu.vector_load_idx %arg7[%add3A_2500] : memref<66560xf32, #tpu.memory_space<vmem>>[vector<16xi32>], vector<16xf32>,
      %gt3A_2502 = arith.cmpf ogt, %gather3A_2501, %max3A_2459 : vector<16xf32>
      %gt3A_2503 = arith.cmpf ogt, %gather3A_2501, %max3A_2457 : vector<16xf32>
      %select_n3A_2504 = arith.select %gt3A_2503, %broadcast_in_dim3A_2473, %select_n3A_2455 : vector<16xi1>, vector<16xi32>
      %select_n3A_2505 = arith.select %gt3A_2502, %select_n3A_2458, %select_n3A_2504 : vector<16xi1>, vector<16xi32>
      %min3A_2506 = arith.minimumf %max3A_2459, %gather3A_2501 : vector<16xf32>
      %max3A_2507 = arith.maximumf %max3A_2457, %min3A_2506 : vector<16xf32>
      %select_n3A_2508 = arith.select %gt3A_2502, %broadcast_in_dim3A_2473, %select_n3A_2458 : vector<16xi1>, vector<16xi32>
      %max3A_2509 = arith.maximumf %max3A_2459, %gather3A_2501 : vector<16xf32>
      %add3A_2510 = arith.constant 46 : i32
      %add3A_2511 = vector.broadcast %add3A_2510 : i32 to vector<16xi32>
      %add3A_2512 = arith.addi %mul3A_222, %add3A_2511 : vector<16xi32>
      %gather3A_2513 = tpu.vector_load_idx %arg7[%add3A_2512] : memref<66560xf32, #tpu.memory_space<vmem>>[vector<16xi32>], vector<16xf32>,
      %gt3A_2514 = arith.cmpf ogt, %gather3A_2513, %max3A_2471 : vector<16xf32>
      %gt3A_2515 = arith.cmpf ogt, %gather3A_2513, %max3A_2469 : vector<16xf32>
      %select_n3A_2516 = arith.select %gt3A_2515, %broadcast_in_dim3A_2473, %select_n3A_2467 : vector<16xi1>, vector<16xi32>
      %select_n3A_2517 = arith.select %gt3A_2514, %select_n3A_2470, %select_n3A_2516 : vector<16xi1>, vector<16xi32>
      %min3A_2518 = arith.minimumf %max3A_2471, %gather3A_2513 : vector<16xf32>
      %max3A_2519 = arith.maximumf %max3A_2469, %min3A_2518 : vector<16xf32>
      %select_n3A_2520 = arith.select %gt3A_2514, %broadcast_in_dim3A_2473, %select_n3A_2470 : vector<16xi1>, vector<16xi32>
      %max3A_2521 = arith.maximumf %max3A_2471, %gather3A_2513 : vector<16xf32>
      %broadcast_in_dim3A_2522 = arith.constant 47 : i32
      %broadcast_in_dim3A_2523 = vector.broadcast %broadcast_in_dim3A_2522 : i32 to vector<16xi32>
      %add3A_2524 = arith.constant 47 : i32
      %add3A_2525 = vector.broadcast %add3A_2524 : i32 to vector<16xi32>
      %add3A_2526 = arith.addi %mul3A_181, %add3A_2525 : vector<16xi32>
      %gather3A_2527 = tpu.vector_load_idx %arg7[%add3A_2526] : memref<66560xf32, #tpu.memory_space<vmem>>[vector<16xi32>], vector<16xf32>,
      %gt3A_2528 = arith.cmpf ogt, %gather3A_2527, %max3A_2485 : vector<16xf32>
      %gt3A_2529 = arith.cmpf ogt, %gather3A_2527, %max3A_2483 : vector<16xf32>
      %select_n3A_2530 = arith.select %gt3A_2529, %broadcast_in_dim3A_2523, %select_n3A_2481 : vector<16xi1>, vector<16xi32>
      %select_n3A_2531 = arith.select %gt3A_2528, %select_n3A_2484, %select_n3A_2530 : vector<16xi1>, vector<16xi32>
      %min3A_2532 = arith.minimumf %max3A_2485, %gather3A_2527 : vector<16xf32>
      %max3A_2533 = arith.maximumf %max3A_2483, %min3A_2532 : vector<16xf32>
      %select_n3A_2534 = arith.select %gt3A_2528, %broadcast_in_dim3A_2523, %select_n3A_2484 : vector<16xi1>, vector<16xi32>
      %max3A_2535 = arith.maximumf %max3A_2485, %gather3A_2527 : vector<16xf32>
      %add3A_2536 = arith.constant 47 : i32
      %add3A_2537 = vector.broadcast %add3A_2536 : i32 to vector<16xi32>
      %add3A_2538 = arith.addi %mul3A_194, %add3A_2537 : vector<16xi32>
      %gather3A_2539 = tpu.vector_load_idx %arg7[%add3A_2538] : memref<66560xf32, #tpu.memory_space<vmem>>[vector<16xi32>], vector<16xf32>,
      %gt3A_2540 = arith.cmpf ogt, %gather3A_2539, %max3A_2497 : vector<16xf32>
      %gt3A_2541 = arith.cmpf ogt, %gather3A_2539, %max3A_2495 : vector<16xf32>
      %select_n3A_2542 = arith.select %gt3A_2541, %broadcast_in_dim3A_2523, %select_n3A_2493 : vector<16xi1>, vector<16xi32>
      %select_n3A_2543 = arith.select %gt3A_2540, %select_n3A_2496, %select_n3A_2542 : vector<16xi1>, vector<16xi32>
      %min3A_2544 = arith.minimumf %max3A_2497, %gather3A_2539 : vector<16xf32>
      %max3A_2545 = arith.maximumf %max3A_2495, %min3A_2544 : vector<16xf32>
      %select_n3A_2546 = arith.select %gt3A_2540, %broadcast_in_dim3A_2523, %select_n3A_2496 : vector<16xi1>, vector<16xi32>
      %max3A_2547 = arith.maximumf %max3A_2497, %gather3A_2539 : vector<16xf32>
      %add3A_2548 = arith.constant 47 : i32
      %add3A_2549 = vector.broadcast %add3A_2548 : i32 to vector<16xi32>
      %add3A_2550 = arith.addi %mul3A_208, %add3A_2549 : vector<16xi32>
      %gather3A_2551 = tpu.vector_load_idx %arg7[%add3A_2550] : memref<66560xf32, #tpu.memory_space<vmem>>[vector<16xi32>], vector<16xf32>,
      %gt3A_2552 = arith.cmpf ogt, %gather3A_2551, %max3A_2509 : vector<16xf32>
      %gt3A_2553 = arith.cmpf ogt, %gather3A_2551, %max3A_2507 : vector<16xf32>
      %select_n3A_2554 = arith.select %gt3A_2553, %broadcast_in_dim3A_2523, %select_n3A_2505 : vector<16xi1>, vector<16xi32>
      %select_n3A_2555 = arith.select %gt3A_2552, %select_n3A_2508, %select_n3A_2554 : vector<16xi1>, vector<16xi32>
      %min3A_2556 = arith.minimumf %max3A_2509, %gather3A_2551 : vector<16xf32>
      %max3A_2557 = arith.maximumf %max3A_2507, %min3A_2556 : vector<16xf32>
      %select_n3A_2558 = arith.select %gt3A_2552, %broadcast_in_dim3A_2523, %select_n3A_2508 : vector<16xi1>, vector<16xi32>
      %max3A_2559 = arith.maximumf %max3A_2509, %gather3A_2551 : vector<16xf32>
      %add3A_2560 = arith.constant 47 : i32
      %add3A_2561 = vector.broadcast %add3A_2560 : i32 to vector<16xi32>
      %add3A_2562 = arith.addi %mul3A_222, %add3A_2561 : vector<16xi32>
      %gather3A_2563 = tpu.vector_load_idx %arg7[%add3A_2562] : memref<66560xf32, #tpu.memory_space<vmem>>[vector<16xi32>], vector<16xf32>,
      %gt3A_2564 = arith.cmpf ogt, %gather3A_2563, %max3A_2521 : vector<16xf32>
      %gt3A_2565 = arith.cmpf ogt, %gather3A_2563, %max3A_2519 : vector<16xf32>
      %select_n3A_2566 = arith.select %gt3A_2565, %broadcast_in_dim3A_2523, %select_n3A_2517 : vector<16xi1>, vector<16xi32>
      %select_n3A_2567 = arith.select %gt3A_2564, %select_n3A_2520, %select_n3A_2566 : vector<16xi1>, vector<16xi32>
      %min3A_2568 = arith.minimumf %max3A_2521, %gather3A_2563 : vector<16xf32>
      %max3A_2569 = arith.maximumf %max3A_2519, %min3A_2568 : vector<16xf32>
      %select_n3A_2570 = arith.select %gt3A_2564, %broadcast_in_dim3A_2523, %select_n3A_2520 : vector<16xi1>, vector<16xi32>
      %max3A_2571 = arith.maximumf %max3A_2521, %gather3A_2563 : vector<16xf32>
      %broadcast_in_dim3A_2572 = arith.constant 48 : i32
      %broadcast_in_dim3A_2573 = vector.broadcast %broadcast_in_dim3A_2572 : i32 to vector<16xi32>
      %add3A_2574 = arith.constant 48 : i32
      %add3A_2575 = vector.broadcast %add3A_2574 : i32 to vector<16xi32>
      %add3A_2576 = arith.addi %mul3A_181, %add3A_2575 : vector<16xi32>
      %gather3A_2577 = tpu.vector_load_idx %arg7[%add3A_2576] : memref<66560xf32, #tpu.memory_space<vmem>>[vector<16xi32>], vector<16xf32>,
      %gt3A_2578 = arith.cmpf ogt, %gather3A_2577, %max3A_2535 : vector<16xf32>
      %gt3A_2579 = arith.cmpf ogt, %gather3A_2577, %max3A_2533 : vector<16xf32>
      %select_n3A_2580 = arith.select %gt3A_2579, %broadcast_in_dim3A_2573, %select_n3A_2531 : vector<16xi1>, vector<16xi32>
      %select_n3A_2581 = arith.select %gt3A_2578, %select_n3A_2534, %select_n3A_2580 : vector<16xi1>, vector<16xi32>
      %min3A_2582 = arith.minimumf %max3A_2535, %gather3A_2577 : vector<16xf32>
      %max3A_2583 = arith.maximumf %max3A_2533, %min3A_2582 : vector<16xf32>
      %select_n3A_2584 = arith.select %gt3A_2578, %broadcast_in_dim3A_2573, %select_n3A_2534 : vector<16xi1>, vector<16xi32>
      %max3A_2585 = arith.maximumf %max3A_2535, %gather3A_2577 : vector<16xf32>
      %add3A_2586 = arith.constant 48 : i32
      %add3A_2587 = vector.broadcast %add3A_2586 : i32 to vector<16xi32>
      %add3A_2588 = arith.addi %mul3A_194, %add3A_2587 : vector<16xi32>
      %gather3A_2589 = tpu.vector_load_idx %arg7[%add3A_2588] : memref<66560xf32, #tpu.memory_space<vmem>>[vector<16xi32>], vector<16xf32>,
      %gt3A_2590 = arith.cmpf ogt, %gather3A_2589, %max3A_2547 : vector<16xf32>
      %gt3A_2591 = arith.cmpf ogt, %gather3A_2589, %max3A_2545 : vector<16xf32>
      %select_n3A_2592 = arith.select %gt3A_2591, %broadcast_in_dim3A_2573, %select_n3A_2543 : vector<16xi1>, vector<16xi32>
      %select_n3A_2593 = arith.select %gt3A_2590, %select_n3A_2546, %select_n3A_2592 : vector<16xi1>, vector<16xi32>
      %min3A_2594 = arith.minimumf %max3A_2547, %gather3A_2589 : vector<16xf32>
      %max3A_2595 = arith.maximumf %max3A_2545, %min3A_2594 : vector<16xf32>
      %select_n3A_2596 = arith.select %gt3A_2590, %broadcast_in_dim3A_2573, %select_n3A_2546 : vector<16xi1>, vector<16xi32>
      %max3A_2597 = arith.maximumf %max3A_2547, %gather3A_2589 : vector<16xf32>
      %add3A_2598 = arith.constant 48 : i32
      %add3A_2599 = vector.broadcast %add3A_2598 : i32 to vector<16xi32>
      %add3A_2600 = arith.addi %mul3A_208, %add3A_2599 : vector<16xi32>
      %gather3A_2601 = tpu.vector_load_idx %arg7[%add3A_2600] : memref<66560xf32, #tpu.memory_space<vmem>>[vector<16xi32>], vector<16xf32>,
      %gt3A_2602 = arith.cmpf ogt, %gather3A_2601, %max3A_2559 : vector<16xf32>
      %gt3A_2603 = arith.cmpf ogt, %gather3A_2601, %max3A_2557 : vector<16xf32>
      %select_n3A_2604 = arith.select %gt3A_2603, %broadcast_in_dim3A_2573, %select_n3A_2555 : vector<16xi1>, vector<16xi32>
      %select_n3A_2605 = arith.select %gt3A_2602, %select_n3A_2558, %select_n3A_2604 : vector<16xi1>, vector<16xi32>
      %min3A_2606 = arith.minimumf %max3A_2559, %gather3A_2601 : vector<16xf32>
      %max3A_2607 = arith.maximumf %max3A_2557, %min3A_2606 : vector<16xf32>
      %select_n3A_2608 = arith.select %gt3A_2602, %broadcast_in_dim3A_2573, %select_n3A_2558 : vector<16xi1>, vector<16xi32>
      %max3A_2609 = arith.maximumf %max3A_2559, %gather3A_2601 : vector<16xf32>
      %add3A_2610 = arith.constant 48 : i32
      %add3A_2611 = vector.broadcast %add3A_2610 : i32 to vector<16xi32>
      %add3A_2612 = arith.addi %mul3A_222, %add3A_2611 : vector<16xi32>
      %gather3A_2613 = tpu.vector_load_idx %arg7[%add3A_2612] : memref<66560xf32, #tpu.memory_space<vmem>>[vector<16xi32>], vector<16xf32>,
      %gt3A_2614 = arith.cmpf ogt, %gather3A_2613, %max3A_2571 : vector<16xf32>
      %gt3A_2615 = arith.cmpf ogt, %gather3A_2613, %max3A_2569 : vector<16xf32>
      %select_n3A_2616 = arith.select %gt3A_2615, %broadcast_in_dim3A_2573, %select_n3A_2567 : vector<16xi1>, vector<16xi32>
      %select_n3A_2617 = arith.select %gt3A_2614, %select_n3A_2570, %select_n3A_2616 : vector<16xi1>, vector<16xi32>
      %min3A_2618 = arith.minimumf %max3A_2571, %gather3A_2613 : vector<16xf32>
      %max3A_2619 = arith.maximumf %max3A_2569, %min3A_2618 : vector<16xf32>
      %select_n3A_2620 = arith.select %gt3A_2614, %broadcast_in_dim3A_2573, %select_n3A_2570 : vector<16xi1>, vector<16xi32>
      %max3A_2621 = arith.maximumf %max3A_2571, %gather3A_2613 : vector<16xf32>
      %broadcast_in_dim3A_2622 = arith.constant 49 : i32
      %broadcast_in_dim3A_2623 = vector.broadcast %broadcast_in_dim3A_2622 : i32 to vector<16xi32>
      %add3A_2624 = arith.constant 49 : i32
      %add3A_2625 = vector.broadcast %add3A_2624 : i32 to vector<16xi32>
      %add3A_2626 = arith.addi %mul3A_181, %add3A_2625 : vector<16xi32>
      %gather3A_2627 = tpu.vector_load_idx %arg7[%add3A_2626] : memref<66560xf32, #tpu.memory_space<vmem>>[vector<16xi32>], vector<16xf32>,
      %gt3A_2628 = arith.cmpf ogt, %gather3A_2627, %max3A_2585 : vector<16xf32>
      %gt3A_2629 = arith.cmpf ogt, %gather3A_2627, %max3A_2583 : vector<16xf32>
      %select_n3A_2630 = arith.select %gt3A_2629, %broadcast_in_dim3A_2623, %select_n3A_2581 : vector<16xi1>, vector<16xi32>
      %select_n3A_2631 = arith.select %gt3A_2628, %select_n3A_2584, %select_n3A_2630 : vector<16xi1>, vector<16xi32>
      %min3A_2632 = arith.minimumf %max3A_2585, %gather3A_2627 : vector<16xf32>
      %max3A_2633 = arith.maximumf %max3A_2583, %min3A_2632 : vector<16xf32>
      %select_n3A_2634 = arith.select %gt3A_2628, %broadcast_in_dim3A_2623, %select_n3A_2584 : vector<16xi1>, vector<16xi32>
      %max3A_2635 = arith.maximumf %max3A_2585, %gather3A_2627 : vector<16xf32>
      %add3A_2636 = arith.constant 49 : i32
      %add3A_2637 = vector.broadcast %add3A_2636 : i32 to vector<16xi32>
      %add3A_2638 = arith.addi %mul3A_194, %add3A_2637 : vector<16xi32>
      %gather3A_2639 = tpu.vector_load_idx %arg7[%add3A_2638] : memref<66560xf32, #tpu.memory_space<vmem>>[vector<16xi32>], vector<16xf32>,
      %gt3A_2640 = arith.cmpf ogt, %gather3A_2639, %max3A_2597 : vector<16xf32>
      %gt3A_2641 = arith.cmpf ogt, %gather3A_2639, %max3A_2595 : vector<16xf32>
      %select_n3A_2642 = arith.select %gt3A_2641, %broadcast_in_dim3A_2623, %select_n3A_2593 : vector<16xi1>, vector<16xi32>
      %select_n3A_2643 = arith.select %gt3A_2640, %select_n3A_2596, %select_n3A_2642 : vector<16xi1>, vector<16xi32>
      %min3A_2644 = arith.minimumf %max3A_2597, %gather3A_2639 : vector<16xf32>
      %max3A_2645 = arith.maximumf %max3A_2595, %min3A_2644 : vector<16xf32>
      %select_n3A_2646 = arith.select %gt3A_2640, %broadcast_in_dim3A_2623, %select_n3A_2596 : vector<16xi1>, vector<16xi32>
      %max3A_2647 = arith.maximumf %max3A_2597, %gather3A_2639 : vector<16xf32>
      %add3A_2648 = arith.constant 49 : i32
      %add3A_2649 = vector.broadcast %add3A_2648 : i32 to vector<16xi32>
      %add3A_2650 = arith.addi %mul3A_208, %add3A_2649 : vector<16xi32>
      %gather3A_2651 = tpu.vector_load_idx %arg7[%add3A_2650] : memref<66560xf32, #tpu.memory_space<vmem>>[vector<16xi32>], vector<16xf32>,
      %gt3A_2652 = arith.cmpf ogt, %gather3A_2651, %max3A_2609 : vector<16xf32>
      %gt3A_2653 = arith.cmpf ogt, %gather3A_2651, %max3A_2607 : vector<16xf32>
      %select_n3A_2654 = arith.select %gt3A_2653, %broadcast_in_dim3A_2623, %select_n3A_2605 : vector<16xi1>, vector<16xi32>
      %select_n3A_2655 = arith.select %gt3A_2652, %select_n3A_2608, %select_n3A_2654 : vector<16xi1>, vector<16xi32>
      %min3A_2656 = arith.minimumf %max3A_2609, %gather3A_2651 : vector<16xf32>
      %max3A_2657 = arith.maximumf %max3A_2607, %min3A_2656 : vector<16xf32>
      %select_n3A_2658 = arith.select %gt3A_2652, %broadcast_in_dim3A_2623, %select_n3A_2608 : vector<16xi1>, vector<16xi32>
      %max3A_2659 = arith.maximumf %max3A_2609, %gather3A_2651 : vector<16xf32>
      %add3A_2660 = arith.constant 49 : i32
      %add3A_2661 = vector.broadcast %add3A_2660 : i32 to vector<16xi32>
      %add3A_2662 = arith.addi %mul3A_222, %add3A_2661 : vector<16xi32>
      %gather3A_2663 = tpu.vector_load_idx %arg7[%add3A_2662] : memref<66560xf32, #tpu.memory_space<vmem>>[vector<16xi32>], vector<16xf32>,
      %gt3A_2664 = arith.cmpf ogt, %gather3A_2663, %max3A_2621 : vector<16xf32>
      %gt3A_2665 = arith.cmpf ogt, %gather3A_2663, %max3A_2619 : vector<16xf32>
      %select_n3A_2666 = arith.select %gt3A_2665, %broadcast_in_dim3A_2623, %select_n3A_2617 : vector<16xi1>, vector<16xi32>
      %select_n3A_2667 = arith.select %gt3A_2664, %select_n3A_2620, %select_n3A_2666 : vector<16xi1>, vector<16xi32>
      %min3A_2668 = arith.minimumf %max3A_2621, %gather3A_2663 : vector<16xf32>
      %max3A_2669 = arith.maximumf %max3A_2619, %min3A_2668 : vector<16xf32>
      %select_n3A_2670 = arith.select %gt3A_2664, %broadcast_in_dim3A_2623, %select_n3A_2620 : vector<16xi1>, vector<16xi32>
      %max3A_2671 = arith.maximumf %max3A_2621, %gather3A_2663 : vector<16xf32>
      %broadcast_in_dim3A_2672 = arith.constant 50 : i32
      %broadcast_in_dim3A_2673 = vector.broadcast %broadcast_in_dim3A_2672 : i32 to vector<16xi32>
      %add3A_2674 = arith.constant 50 : i32
      %add3A_2675 = vector.broadcast %add3A_2674 : i32 to vector<16xi32>
      %add3A_2676 = arith.addi %mul3A_181, %add3A_2675 : vector<16xi32>
      %gather3A_2677 = tpu.vector_load_idx %arg7[%add3A_2676] : memref<66560xf32, #tpu.memory_space<vmem>>[vector<16xi32>], vector<16xf32>,
      %gt3A_2678 = arith.cmpf ogt, %gather3A_2677, %max3A_2635 : vector<16xf32>
      %gt3A_2679 = arith.cmpf ogt, %gather3A_2677, %max3A_2633 : vector<16xf32>
      %select_n3A_2680 = arith.select %gt3A_2679, %broadcast_in_dim3A_2673, %select_n3A_2631 : vector<16xi1>, vector<16xi32>
      %select_n3A_2681 = arith.select %gt3A_2678, %select_n3A_2634, %select_n3A_2680 : vector<16xi1>, vector<16xi32>
      %min3A_2682 = arith.minimumf %max3A_2635, %gather3A_2677 : vector<16xf32>
      %max3A_2683 = arith.maximumf %max3A_2633, %min3A_2682 : vector<16xf32>
      %select_n3A_2684 = arith.select %gt3A_2678, %broadcast_in_dim3A_2673, %select_n3A_2634 : vector<16xi1>, vector<16xi32>
      %max3A_2685 = arith.maximumf %max3A_2635, %gather3A_2677 : vector<16xf32>
      %add3A_2686 = arith.constant 50 : i32
      %add3A_2687 = vector.broadcast %add3A_2686 : i32 to vector<16xi32>
      %add3A_2688 = arith.addi %mul3A_194, %add3A_2687 : vector<16xi32>
      %gather3A_2689 = tpu.vector_load_idx %arg7[%add3A_2688] : memref<66560xf32, #tpu.memory_space<vmem>>[vector<16xi32>], vector<16xf32>,
      %gt3A_2690 = arith.cmpf ogt, %gather3A_2689, %max3A_2647 : vector<16xf32>
      %gt3A_2691 = arith.cmpf ogt, %gather3A_2689, %max3A_2645 : vector<16xf32>
      %select_n3A_2692 = arith.select %gt3A_2691, %broadcast_in_dim3A_2673, %select_n3A_2643 : vector<16xi1>, vector<16xi32>
      %select_n3A_2693 = arith.select %gt3A_2690, %select_n3A_2646, %select_n3A_2692 : vector<16xi1>, vector<16xi32>
      %min3A_2694 = arith.minimumf %max3A_2647, %gather3A_2689 : vector<16xf32>
      %max3A_2695 = arith.maximumf %max3A_2645, %min3A_2694 : vector<16xf32>
      %select_n3A_2696 = arith.select %gt3A_2690, %broadcast_in_dim3A_2673, %select_n3A_2646 : vector<16xi1>, vector<16xi32>
      %max3A_2697 = arith.maximumf %max3A_2647, %gather3A_2689 : vector<16xf32>
      %add3A_2698 = arith.constant 50 : i32
      %add3A_2699 = vector.broadcast %add3A_2698 : i32 to vector<16xi32>
      %add3A_2700 = arith.addi %mul3A_208, %add3A_2699 : vector<16xi32>
      %gather3A_2701 = tpu.vector_load_idx %arg7[%add3A_2700] : memref<66560xf32, #tpu.memory_space<vmem>>[vector<16xi32>], vector<16xf32>,
      %gt3A_2702 = arith.cmpf ogt, %gather3A_2701, %max3A_2659 : vector<16xf32>
      %gt3A_2703 = arith.cmpf ogt, %gather3A_2701, %max3A_2657 : vector<16xf32>
      %select_n3A_2704 = arith.select %gt3A_2703, %broadcast_in_dim3A_2673, %select_n3A_2655 : vector<16xi1>, vector<16xi32>
      %select_n3A_2705 = arith.select %gt3A_2702, %select_n3A_2658, %select_n3A_2704 : vector<16xi1>, vector<16xi32>
      %min3A_2706 = arith.minimumf %max3A_2659, %gather3A_2701 : vector<16xf32>
      %max3A_2707 = arith.maximumf %max3A_2657, %min3A_2706 : vector<16xf32>
      %select_n3A_2708 = arith.select %gt3A_2702, %broadcast_in_dim3A_2673, %select_n3A_2658 : vector<16xi1>, vector<16xi32>
      %max3A_2709 = arith.maximumf %max3A_2659, %gather3A_2701 : vector<16xf32>
      %add3A_2710 = arith.constant 50 : i32
      %add3A_2711 = vector.broadcast %add3A_2710 : i32 to vector<16xi32>
      %add3A_2712 = arith.addi %mul3A_222, %add3A_2711 : vector<16xi32>
      %gather3A_2713 = tpu.vector_load_idx %arg7[%add3A_2712] : memref<66560xf32, #tpu.memory_space<vmem>>[vector<16xi32>], vector<16xf32>,
      %gt3A_2714 = arith.cmpf ogt, %gather3A_2713, %max3A_2671 : vector<16xf32>
      %gt3A_2715 = arith.cmpf ogt, %gather3A_2713, %max3A_2669 : vector<16xf32>
      %select_n3A_2716 = arith.select %gt3A_2715, %broadcast_in_dim3A_2673, %select_n3A_2667 : vector<16xi1>, vector<16xi32>
      %select_n3A_2717 = arith.select %gt3A_2714, %select_n3A_2670, %select_n3A_2716 : vector<16xi1>, vector<16xi32>
      %min3A_2718 = arith.minimumf %max3A_2671, %gather3A_2713 : vector<16xf32>
      %max3A_2719 = arith.maximumf %max3A_2669, %min3A_2718 : vector<16xf32>
      %select_n3A_2720 = arith.select %gt3A_2714, %broadcast_in_dim3A_2673, %select_n3A_2670 : vector<16xi1>, vector<16xi32>
      %max3A_2721 = arith.maximumf %max3A_2671, %gather3A_2713 : vector<16xf32>
      %broadcast_in_dim3A_2722 = arith.constant 51 : i32
      %broadcast_in_dim3A_2723 = vector.broadcast %broadcast_in_dim3A_2722 : i32 to vector<16xi32>
      %add3A_2724 = arith.constant 51 : i32
      %add3A_2725 = vector.broadcast %add3A_2724 : i32 to vector<16xi32>
      %add3A_2726 = arith.addi %mul3A_181, %add3A_2725 : vector<16xi32>
      %gather3A_2727 = tpu.vector_load_idx %arg7[%add3A_2726] : memref<66560xf32, #tpu.memory_space<vmem>>[vector<16xi32>], vector<16xf32>,
      %gt3A_2728 = arith.cmpf ogt, %gather3A_2727, %max3A_2685 : vector<16xf32>
      %gt3A_2729 = arith.cmpf ogt, %gather3A_2727, %max3A_2683 : vector<16xf32>
      %select_n3A_2730 = arith.select %gt3A_2729, %broadcast_in_dim3A_2723, %select_n3A_2681 : vector<16xi1>, vector<16xi32>
      %select_n3A_2731 = arith.select %gt3A_2728, %select_n3A_2684, %select_n3A_2730 : vector<16xi1>, vector<16xi32>
      %min3A_2732 = arith.minimumf %max3A_2685, %gather3A_2727 : vector<16xf32>
      %max3A_2733 = arith.maximumf %max3A_2683, %min3A_2732 : vector<16xf32>
      %select_n3A_2734 = arith.select %gt3A_2728, %broadcast_in_dim3A_2723, %select_n3A_2684 : vector<16xi1>, vector<16xi32>
      %max3A_2735 = arith.maximumf %max3A_2685, %gather3A_2727 : vector<16xf32>
      %add3A_2736 = arith.constant 51 : i32
      %add3A_2737 = vector.broadcast %add3A_2736 : i32 to vector<16xi32>
      %add3A_2738 = arith.addi %mul3A_194, %add3A_2737 : vector<16xi32>
      %gather3A_2739 = tpu.vector_load_idx %arg7[%add3A_2738] : memref<66560xf32, #tpu.memory_space<vmem>>[vector<16xi32>], vector<16xf32>,
      %gt3A_2740 = arith.cmpf ogt, %gather3A_2739, %max3A_2697 : vector<16xf32>
      %gt3A_2741 = arith.cmpf ogt, %gather3A_2739, %max3A_2695 : vector<16xf32>
      %select_n3A_2742 = arith.select %gt3A_2741, %broadcast_in_dim3A_2723, %select_n3A_2693 : vector<16xi1>, vector<16xi32>
      %select_n3A_2743 = arith.select %gt3A_2740, %select_n3A_2696, %select_n3A_2742 : vector<16xi1>, vector<16xi32>
      %min3A_2744 = arith.minimumf %max3A_2697, %gather3A_2739 : vector<16xf32>
      %max3A_2745 = arith.maximumf %max3A_2695, %min3A_2744 : vector<16xf32>
      %select_n3A_2746 = arith.select %gt3A_2740, %broadcast_in_dim3A_2723, %select_n3A_2696 : vector<16xi1>, vector<16xi32>
      %max3A_2747 = arith.maximumf %max3A_2697, %gather3A_2739 : vector<16xf32>
      %add3A_2748 = arith.constant 51 : i32
      %add3A_2749 = vector.broadcast %add3A_2748 : i32 to vector<16xi32>
      %add3A_2750 = arith.addi %mul3A_208, %add3A_2749 : vector<16xi32>
      %gather3A_2751 = tpu.vector_load_idx %arg7[%add3A_2750] : memref<66560xf32, #tpu.memory_space<vmem>>[vector<16xi32>], vector<16xf32>,
      %gt3A_2752 = arith.cmpf ogt, %gather3A_2751, %max3A_2709 : vector<16xf32>
      %gt3A_2753 = arith.cmpf ogt, %gather3A_2751, %max3A_2707 : vector<16xf32>
      %select_n3A_2754 = arith.select %gt3A_2753, %broadcast_in_dim3A_2723, %select_n3A_2705 : vector<16xi1>, vector<16xi32>
      %select_n3A_2755 = arith.select %gt3A_2752, %select_n3A_2708, %select_n3A_2754 : vector<16xi1>, vector<16xi32>
      %min3A_2756 = arith.minimumf %max3A_2709, %gather3A_2751 : vector<16xf32>
      %max3A_2757 = arith.maximumf %max3A_2707, %min3A_2756 : vector<16xf32>
      %select_n3A_2758 = arith.select %gt3A_2752, %broadcast_in_dim3A_2723, %select_n3A_2708 : vector<16xi1>, vector<16xi32>
      %max3A_2759 = arith.maximumf %max3A_2709, %gather3A_2751 : vector<16xf32>
      %add3A_2760 = arith.constant 51 : i32
      %add3A_2761 = vector.broadcast %add3A_2760 : i32 to vector<16xi32>
      %add3A_2762 = arith.addi %mul3A_222, %add3A_2761 : vector<16xi32>
      %gather3A_2763 = tpu.vector_load_idx %arg7[%add3A_2762] : memref<66560xf32, #tpu.memory_space<vmem>>[vector<16xi32>], vector<16xf32>,
      %gt3A_2764 = arith.cmpf ogt, %gather3A_2763, %max3A_2721 : vector<16xf32>
      %gt3A_2765 = arith.cmpf ogt, %gather3A_2763, %max3A_2719 : vector<16xf32>
      %select_n3A_2766 = arith.select %gt3A_2765, %broadcast_in_dim3A_2723, %select_n3A_2717 : vector<16xi1>, vector<16xi32>
      %select_n3A_2767 = arith.select %gt3A_2764, %select_n3A_2720, %select_n3A_2766 : vector<16xi1>, vector<16xi32>
      %min3A_2768 = arith.minimumf %max3A_2721, %gather3A_2763 : vector<16xf32>
      %max3A_2769 = arith.maximumf %max3A_2719, %min3A_2768 : vector<16xf32>
      %select_n3A_2770 = arith.select %gt3A_2764, %broadcast_in_dim3A_2723, %select_n3A_2720 : vector<16xi1>, vector<16xi32>
      %max3A_2771 = arith.maximumf %max3A_2721, %gather3A_2763 : vector<16xf32>
      %broadcast_in_dim3A_2772 = arith.constant 52 : i32
      %broadcast_in_dim3A_2773 = vector.broadcast %broadcast_in_dim3A_2772 : i32 to vector<16xi32>
      %add3A_2774 = arith.constant 52 : i32
      %add3A_2775 = vector.broadcast %add3A_2774 : i32 to vector<16xi32>
      %add3A_2776 = arith.addi %mul3A_181, %add3A_2775 : vector<16xi32>
      %gather3A_2777 = tpu.vector_load_idx %arg7[%add3A_2776] : memref<66560xf32, #tpu.memory_space<vmem>>[vector<16xi32>], vector<16xf32>,
      %gt3A_2778 = arith.cmpf ogt, %gather3A_2777, %max3A_2735 : vector<16xf32>
      %gt3A_2779 = arith.cmpf ogt, %gather3A_2777, %max3A_2733 : vector<16xf32>
      %select_n3A_2780 = arith.select %gt3A_2779, %broadcast_in_dim3A_2773, %select_n3A_2731 : vector<16xi1>, vector<16xi32>
      %select_n3A_2781 = arith.select %gt3A_2778, %select_n3A_2734, %select_n3A_2780 : vector<16xi1>, vector<16xi32>
      %min3A_2782 = arith.minimumf %max3A_2735, %gather3A_2777 : vector<16xf32>
      %max3A_2783 = arith.maximumf %max3A_2733, %min3A_2782 : vector<16xf32>
      %select_n3A_2784 = arith.select %gt3A_2778, %broadcast_in_dim3A_2773, %select_n3A_2734 : vector<16xi1>, vector<16xi32>
      %max3A_2785 = arith.maximumf %max3A_2735, %gather3A_2777 : vector<16xf32>
      %add3A_2786 = arith.constant 52 : i32
      %add3A_2787 = vector.broadcast %add3A_2786 : i32 to vector<16xi32>
      %add3A_2788 = arith.addi %mul3A_194, %add3A_2787 : vector<16xi32>
      %gather3A_2789 = tpu.vector_load_idx %arg7[%add3A_2788] : memref<66560xf32, #tpu.memory_space<vmem>>[vector<16xi32>], vector<16xf32>,
      %gt3A_2790 = arith.cmpf ogt, %gather3A_2789, %max3A_2747 : vector<16xf32>
      %gt3A_2791 = arith.cmpf ogt, %gather3A_2789, %max3A_2745 : vector<16xf32>
      %select_n3A_2792 = arith.select %gt3A_2791, %broadcast_in_dim3A_2773, %select_n3A_2743 : vector<16xi1>, vector<16xi32>
      %select_n3A_2793 = arith.select %gt3A_2790, %select_n3A_2746, %select_n3A_2792 : vector<16xi1>, vector<16xi32>
      %min3A_2794 = arith.minimumf %max3A_2747, %gather3A_2789 : vector<16xf32>
      %max3A_2795 = arith.maximumf %max3A_2745, %min3A_2794 : vector<16xf32>
      %select_n3A_2796 = arith.select %gt3A_2790, %broadcast_in_dim3A_2773, %select_n3A_2746 : vector<16xi1>, vector<16xi32>
      %max3A_2797 = arith.maximumf %max3A_2747, %gather3A_2789 : vector<16xf32>
      %add3A_2798 = arith.constant 52 : i32
      %add3A_2799 = vector.broadcast %add3A_2798 : i32 to vector<16xi32>
      %add3A_2800 = arith.addi %mul3A_208, %add3A_2799 : vector<16xi32>
      %gather3A_2801 = tpu.vector_load_idx %arg7[%add3A_2800] : memref<66560xf32, #tpu.memory_space<vmem>>[vector<16xi32>], vector<16xf32>,
      %gt3A_2802 = arith.cmpf ogt, %gather3A_2801, %max3A_2759 : vector<16xf32>
      %gt3A_2803 = arith.cmpf ogt, %gather3A_2801, %max3A_2757 : vector<16xf32>
      %select_n3A_2804 = arith.select %gt3A_2803, %broadcast_in_dim3A_2773, %select_n3A_2755 : vector<16xi1>, vector<16xi32>
      %select_n3A_2805 = arith.select %gt3A_2802, %select_n3A_2758, %select_n3A_2804 : vector<16xi1>, vector<16xi32>
      %min3A_2806 = arith.minimumf %max3A_2759, %gather3A_2801 : vector<16xf32>
      %max3A_2807 = arith.maximumf %max3A_2757, %min3A_2806 : vector<16xf32>
      %select_n3A_2808 = arith.select %gt3A_2802, %broadcast_in_dim3A_2773, %select_n3A_2758 : vector<16xi1>, vector<16xi32>
      %max3A_2809 = arith.maximumf %max3A_2759, %gather3A_2801 : vector<16xf32>
      %add3A_2810 = arith.constant 52 : i32
      %add3A_2811 = vector.broadcast %add3A_2810 : i32 to vector<16xi32>
      %add3A_2812 = arith.addi %mul3A_222, %add3A_2811 : vector<16xi32>
      %gather3A_2813 = tpu.vector_load_idx %arg7[%add3A_2812] : memref<66560xf32, #tpu.memory_space<vmem>>[vector<16xi32>], vector<16xf32>,
      %gt3A_2814 = arith.cmpf ogt, %gather3A_2813, %max3A_2771 : vector<16xf32>
      %gt3A_2815 = arith.cmpf ogt, %gather3A_2813, %max3A_2769 : vector<16xf32>
      %select_n3A_2816 = arith.select %gt3A_2815, %broadcast_in_dim3A_2773, %select_n3A_2767 : vector<16xi1>, vector<16xi32>
      %select_n3A_2817 = arith.select %gt3A_2814, %select_n3A_2770, %select_n3A_2816 : vector<16xi1>, vector<16xi32>
      %min3A_2818 = arith.minimumf %max3A_2771, %gather3A_2813 : vector<16xf32>
      %max3A_2819 = arith.maximumf %max3A_2769, %min3A_2818 : vector<16xf32>
      %select_n3A_2820 = arith.select %gt3A_2814, %broadcast_in_dim3A_2773, %select_n3A_2770 : vector<16xi1>, vector<16xi32>
      %max3A_2821 = arith.maximumf %max3A_2771, %gather3A_2813 : vector<16xf32>
      %broadcast_in_dim3A_2822 = arith.constant 53 : i32
      %broadcast_in_dim3A_2823 = vector.broadcast %broadcast_in_dim3A_2822 : i32 to vector<16xi32>
      %add3A_2824 = arith.constant 53 : i32
      %add3A_2825 = vector.broadcast %add3A_2824 : i32 to vector<16xi32>
      %add3A_2826 = arith.addi %mul3A_181, %add3A_2825 : vector<16xi32>
      %gather3A_2827 = tpu.vector_load_idx %arg7[%add3A_2826] : memref<66560xf32, #tpu.memory_space<vmem>>[vector<16xi32>], vector<16xf32>,
      %gt3A_2828 = arith.cmpf ogt, %gather3A_2827, %max3A_2785 : vector<16xf32>
      %gt3A_2829 = arith.cmpf ogt, %gather3A_2827, %max3A_2783 : vector<16xf32>
      %select_n3A_2830 = arith.select %gt3A_2829, %broadcast_in_dim3A_2823, %select_n3A_2781 : vector<16xi1>, vector<16xi32>
      %select_n3A_2831 = arith.select %gt3A_2828, %select_n3A_2784, %select_n3A_2830 : vector<16xi1>, vector<16xi32>
      %min3A_2832 = arith.minimumf %max3A_2785, %gather3A_2827 : vector<16xf32>
      %max3A_2833 = arith.maximumf %max3A_2783, %min3A_2832 : vector<16xf32>
      %select_n3A_2834 = arith.select %gt3A_2828, %broadcast_in_dim3A_2823, %select_n3A_2784 : vector<16xi1>, vector<16xi32>
      %max3A_2835 = arith.maximumf %max3A_2785, %gather3A_2827 : vector<16xf32>
      %add3A_2836 = arith.constant 53 : i32
      %add3A_2837 = vector.broadcast %add3A_2836 : i32 to vector<16xi32>
      %add3A_2838 = arith.addi %mul3A_194, %add3A_2837 : vector<16xi32>
      %gather3A_2839 = tpu.vector_load_idx %arg7[%add3A_2838] : memref<66560xf32, #tpu.memory_space<vmem>>[vector<16xi32>], vector<16xf32>,
      %gt3A_2840 = arith.cmpf ogt, %gather3A_2839, %max3A_2797 : vector<16xf32>
      %gt3A_2841 = arith.cmpf ogt, %gather3A_2839, %max3A_2795 : vector<16xf32>
      %select_n3A_2842 = arith.select %gt3A_2841, %broadcast_in_dim3A_2823, %select_n3A_2793 : vector<16xi1>, vector<16xi32>
      %select_n3A_2843 = arith.select %gt3A_2840, %select_n3A_2796, %select_n3A_2842 : vector<16xi1>, vector<16xi32>
      %min3A_2844 = arith.minimumf %max3A_2797, %gather3A_2839 : vector<16xf32>
      %max3A_2845 = arith.maximumf %max3A_2795, %min3A_2844 : vector<16xf32>
      %select_n3A_2846 = arith.select %gt3A_2840, %broadcast_in_dim3A_2823, %select_n3A_2796 : vector<16xi1>, vector<16xi32>
      %max3A_2847 = arith.maximumf %max3A_2797, %gather3A_2839 : vector<16xf32>
      %add3A_2848 = arith.constant 53 : i32
      %add3A_2849 = vector.broadcast %add3A_2848 : i32 to vector<16xi32>
      %add3A_2850 = arith.addi %mul3A_208, %add3A_2849 : vector<16xi32>
      %gather3A_2851 = tpu.vector_load_idx %arg7[%add3A_2850] : memref<66560xf32, #tpu.memory_space<vmem>>[vector<16xi32>], vector<16xf32>,
      %gt3A_2852 = arith.cmpf ogt, %gather3A_2851, %max3A_2809 : vector<16xf32>
      %gt3A_2853 = arith.cmpf ogt, %gather3A_2851, %max3A_2807 : vector<16xf32>
      %select_n3A_2854 = arith.select %gt3A_2853, %broadcast_in_dim3A_2823, %select_n3A_2805 : vector<16xi1>, vector<16xi32>
      %select_n3A_2855 = arith.select %gt3A_2852, %select_n3A_2808, %select_n3A_2854 : vector<16xi1>, vector<16xi32>
      %min3A_2856 = arith.minimumf %max3A_2809, %gather3A_2851 : vector<16xf32>
      %max3A_2857 = arith.maximumf %max3A_2807, %min3A_2856 : vector<16xf32>
      %select_n3A_2858 = arith.select %gt3A_2852, %broadcast_in_dim3A_2823, %select_n3A_2808 : vector<16xi1>, vector<16xi32>
      %max3A_2859 = arith.maximumf %max3A_2809, %gather3A_2851 : vector<16xf32>
      %add3A_2860 = arith.constant 53 : i32
      %add3A_2861 = vector.broadcast %add3A_2860 : i32 to vector<16xi32>
      %add3A_2862 = arith.addi %mul3A_222, %add3A_2861 : vector<16xi32>
      %gather3A_2863 = tpu.vector_load_idx %arg7[%add3A_2862] : memref<66560xf32, #tpu.memory_space<vmem>>[vector<16xi32>], vector<16xf32>,
      %gt3A_2864 = arith.cmpf ogt, %gather3A_2863, %max3A_2821 : vector<16xf32>
      %gt3A_2865 = arith.cmpf ogt, %gather3A_2863, %max3A_2819 : vector<16xf32>
      %select_n3A_2866 = arith.select %gt3A_2865, %broadcast_in_dim3A_2823, %select_n3A_2817 : vector<16xi1>, vector<16xi32>
      %select_n3A_2867 = arith.select %gt3A_2864, %select_n3A_2820, %select_n3A_2866 : vector<16xi1>, vector<16xi32>
      %min3A_2868 = arith.minimumf %max3A_2821, %gather3A_2863 : vector<16xf32>
      %max3A_2869 = arith.maximumf %max3A_2819, %min3A_2868 : vector<16xf32>
      %select_n3A_2870 = arith.select %gt3A_2864, %broadcast_in_dim3A_2823, %select_n3A_2820 : vector<16xi1>, vector<16xi32>
      %max3A_2871 = arith.maximumf %max3A_2821, %gather3A_2863 : vector<16xf32>
      %broadcast_in_dim3A_2872 = arith.constant 54 : i32
      %broadcast_in_dim3A_2873 = vector.broadcast %broadcast_in_dim3A_2872 : i32 to vector<16xi32>
      %add3A_2874 = arith.constant 54 : i32
      %add3A_2875 = vector.broadcast %add3A_2874 : i32 to vector<16xi32>
      %add3A_2876 = arith.addi %mul3A_181, %add3A_2875 : vector<16xi32>
      %gather3A_2877 = tpu.vector_load_idx %arg7[%add3A_2876] : memref<66560xf32, #tpu.memory_space<vmem>>[vector<16xi32>], vector<16xf32>,
      %gt3A_2878 = arith.cmpf ogt, %gather3A_2877, %max3A_2835 : vector<16xf32>
      %gt3A_2879 = arith.cmpf ogt, %gather3A_2877, %max3A_2833 : vector<16xf32>
      %select_n3A_2880 = arith.select %gt3A_2879, %broadcast_in_dim3A_2873, %select_n3A_2831 : vector<16xi1>, vector<16xi32>
      %select_n3A_2881 = arith.select %gt3A_2878, %select_n3A_2834, %select_n3A_2880 : vector<16xi1>, vector<16xi32>
      %min3A_2882 = arith.minimumf %max3A_2835, %gather3A_2877 : vector<16xf32>
      %max3A_2883 = arith.maximumf %max3A_2833, %min3A_2882 : vector<16xf32>
      %select_n3A_2884 = arith.select %gt3A_2878, %broadcast_in_dim3A_2873, %select_n3A_2834 : vector<16xi1>, vector<16xi32>
      %max3A_2885 = arith.maximumf %max3A_2835, %gather3A_2877 : vector<16xf32>
      %add3A_2886 = arith.constant 54 : i32
      %add3A_2887 = vector.broadcast %add3A_2886 : i32 to vector<16xi32>
      %add3A_2888 = arith.addi %mul3A_194, %add3A_2887 : vector<16xi32>
      %gather3A_2889 = tpu.vector_load_idx %arg7[%add3A_2888] : memref<66560xf32, #tpu.memory_space<vmem>>[vector<16xi32>], vector<16xf32>,
      %gt3A_2890 = arith.cmpf ogt, %gather3A_2889, %max3A_2847 : vector<16xf32>
      %gt3A_2891 = arith.cmpf ogt, %gather3A_2889, %max3A_2845 : vector<16xf32>
      %select_n3A_2892 = arith.select %gt3A_2891, %broadcast_in_dim3A_2873, %select_n3A_2843 : vector<16xi1>, vector<16xi32>
      %select_n3A_2893 = arith.select %gt3A_2890, %select_n3A_2846, %select_n3A_2892 : vector<16xi1>, vector<16xi32>
      %min3A_2894 = arith.minimumf %max3A_2847, %gather3A_2889 : vector<16xf32>
      %max3A_2895 = arith.maximumf %max3A_2845, %min3A_2894 : vector<16xf32>
      %select_n3A_2896 = arith.select %gt3A_2890, %broadcast_in_dim3A_2873, %select_n3A_2846 : vector<16xi1>, vector<16xi32>
      %max3A_2897 = arith.maximumf %max3A_2847, %gather3A_2889 : vector<16xf32>
      %add3A_2898 = arith.constant 54 : i32
      %add3A_2899 = vector.broadcast %add3A_2898 : i32 to vector<16xi32>
      %add3A_2900 = arith.addi %mul3A_208, %add3A_2899 : vector<16xi32>
      %gather3A_2901 = tpu.vector_load_idx %arg7[%add3A_2900] : memref<66560xf32, #tpu.memory_space<vmem>>[vector<16xi32>], vector<16xf32>,
      %gt3A_2902 = arith.cmpf ogt, %gather3A_2901, %max3A_2859 : vector<16xf32>
      %gt3A_2903 = arith.cmpf ogt, %gather3A_2901, %max3A_2857 : vector<16xf32>
      %select_n3A_2904 = arith.select %gt3A_2903, %broadcast_in_dim3A_2873, %select_n3A_2855 : vector<16xi1>, vector<16xi32>
      %select_n3A_2905 = arith.select %gt3A_2902, %select_n3A_2858, %select_n3A_2904 : vector<16xi1>, vector<16xi32>
      %min3A_2906 = arith.minimumf %max3A_2859, %gather3A_2901 : vector<16xf32>
      %max3A_2907 = arith.maximumf %max3A_2857, %min3A_2906 : vector<16xf32>
      %select_n3A_2908 = arith.select %gt3A_2902, %broadcast_in_dim3A_2873, %select_n3A_2858 : vector<16xi1>, vector<16xi32>
      %max3A_2909 = arith.maximumf %max3A_2859, %gather3A_2901 : vector<16xf32>
      %add3A_2910 = arith.constant 54 : i32
      %add3A_2911 = vector.broadcast %add3A_2910 : i32 to vector<16xi32>
      %add3A_2912 = arith.addi %mul3A_222, %add3A_2911 : vector<16xi32>
      %gather3A_2913 = tpu.vector_load_idx %arg7[%add3A_2912] : memref<66560xf32, #tpu.memory_space<vmem>>[vector<16xi32>], vector<16xf32>,
      %gt3A_2914 = arith.cmpf ogt, %gather3A_2913, %max3A_2871 : vector<16xf32>
      %gt3A_2915 = arith.cmpf ogt, %gather3A_2913, %max3A_2869 : vector<16xf32>
      %select_n3A_2916 = arith.select %gt3A_2915, %broadcast_in_dim3A_2873, %select_n3A_2867 : vector<16xi1>, vector<16xi32>
      %select_n3A_2917 = arith.select %gt3A_2914, %select_n3A_2870, %select_n3A_2916 : vector<16xi1>, vector<16xi32>
      %min3A_2918 = arith.minimumf %max3A_2871, %gather3A_2913 : vector<16xf32>
      %max3A_2919 = arith.maximumf %max3A_2869, %min3A_2918 : vector<16xf32>
      %select_n3A_2920 = arith.select %gt3A_2914, %broadcast_in_dim3A_2873, %select_n3A_2870 : vector<16xi1>, vector<16xi32>
      %max3A_2921 = arith.maximumf %max3A_2871, %gather3A_2913 : vector<16xf32>
      %broadcast_in_dim3A_2922 = arith.constant 55 : i32
      %broadcast_in_dim3A_2923 = vector.broadcast %broadcast_in_dim3A_2922 : i32 to vector<16xi32>
      %add3A_2924 = arith.constant 55 : i32
      %add3A_2925 = vector.broadcast %add3A_2924 : i32 to vector<16xi32>
      %add3A_2926 = arith.addi %mul3A_181, %add3A_2925 : vector<16xi32>
      %gather3A_2927 = tpu.vector_load_idx %arg7[%add3A_2926] : memref<66560xf32, #tpu.memory_space<vmem>>[vector<16xi32>], vector<16xf32>,
      %gt3A_2928 = arith.cmpf ogt, %gather3A_2927, %max3A_2885 : vector<16xf32>
      %gt3A_2929 = arith.cmpf ogt, %gather3A_2927, %max3A_2883 : vector<16xf32>
      %select_n3A_2930 = arith.select %gt3A_2929, %broadcast_in_dim3A_2923, %select_n3A_2881 : vector<16xi1>, vector<16xi32>
      %select_n3A_2931 = arith.select %gt3A_2928, %select_n3A_2884, %select_n3A_2930 : vector<16xi1>, vector<16xi32>
      %min3A_2932 = arith.minimumf %max3A_2885, %gather3A_2927 : vector<16xf32>
      %max3A_2933 = arith.maximumf %max3A_2883, %min3A_2932 : vector<16xf32>
      %select_n3A_2934 = arith.select %gt3A_2928, %broadcast_in_dim3A_2923, %select_n3A_2884 : vector<16xi1>, vector<16xi32>
      %max3A_2935 = arith.maximumf %max3A_2885, %gather3A_2927 : vector<16xf32>
      %add3A_2936 = arith.constant 55 : i32
      %add3A_2937 = vector.broadcast %add3A_2936 : i32 to vector<16xi32>
      %add3A_2938 = arith.addi %mul3A_194, %add3A_2937 : vector<16xi32>
      %gather3A_2939 = tpu.vector_load_idx %arg7[%add3A_2938] : memref<66560xf32, #tpu.memory_space<vmem>>[vector<16xi32>], vector<16xf32>,
      %gt3A_2940 = arith.cmpf ogt, %gather3A_2939, %max3A_2897 : vector<16xf32>
      %gt3A_2941 = arith.cmpf ogt, %gather3A_2939, %max3A_2895 : vector<16xf32>
      %select_n3A_2942 = arith.select %gt3A_2941, %broadcast_in_dim3A_2923, %select_n3A_2893 : vector<16xi1>, vector<16xi32>
      %select_n3A_2943 = arith.select %gt3A_2940, %select_n3A_2896, %select_n3A_2942 : vector<16xi1>, vector<16xi32>
      %min3A_2944 = arith.minimumf %max3A_2897, %gather3A_2939 : vector<16xf32>
      %max3A_2945 = arith.maximumf %max3A_2895, %min3A_2944 : vector<16xf32>
      %select_n3A_2946 = arith.select %gt3A_2940, %broadcast_in_dim3A_2923, %select_n3A_2896 : vector<16xi1>, vector<16xi32>
      %max3A_2947 = arith.maximumf %max3A_2897, %gather3A_2939 : vector<16xf32>
      %add3A_2948 = arith.constant 55 : i32
      %add3A_2949 = vector.broadcast %add3A_2948 : i32 to vector<16xi32>
      %add3A_2950 = arith.addi %mul3A_208, %add3A_2949 : vector<16xi32>
      %gather3A_2951 = tpu.vector_load_idx %arg7[%add3A_2950] : memref<66560xf32, #tpu.memory_space<vmem>>[vector<16xi32>], vector<16xf32>,
      %gt3A_2952 = arith.cmpf ogt, %gather3A_2951, %max3A_2909 : vector<16xf32>
      %gt3A_2953 = arith.cmpf ogt, %gather3A_2951, %max3A_2907 : vector<16xf32>
      %select_n3A_2954 = arith.select %gt3A_2953, %broadcast_in_dim3A_2923, %select_n3A_2905 : vector<16xi1>, vector<16xi32>
      %select_n3A_2955 = arith.select %gt3A_2952, %select_n3A_2908, %select_n3A_2954 : vector<16xi1>, vector<16xi32>
      %min3A_2956 = arith.minimumf %max3A_2909, %gather3A_2951 : vector<16xf32>
      %max3A_2957 = arith.maximumf %max3A_2907, %min3A_2956 : vector<16xf32>
      %select_n3A_2958 = arith.select %gt3A_2952, %broadcast_in_dim3A_2923, %select_n3A_2908 : vector<16xi1>, vector<16xi32>
      %max3A_2959 = arith.maximumf %max3A_2909, %gather3A_2951 : vector<16xf32>
      %add3A_2960 = arith.constant 55 : i32
      %add3A_2961 = vector.broadcast %add3A_2960 : i32 to vector<16xi32>
      %add3A_2962 = arith.addi %mul3A_222, %add3A_2961 : vector<16xi32>
      %gather3A_2963 = tpu.vector_load_idx %arg7[%add3A_2962] : memref<66560xf32, #tpu.memory_space<vmem>>[vector<16xi32>], vector<16xf32>,
      %gt3A_2964 = arith.cmpf ogt, %gather3A_2963, %max3A_2921 : vector<16xf32>
      %gt3A_2965 = arith.cmpf ogt, %gather3A_2963, %max3A_2919 : vector<16xf32>
      %select_n3A_2966 = arith.select %gt3A_2965, %broadcast_in_dim3A_2923, %select_n3A_2917 : vector<16xi1>, vector<16xi32>
      %select_n3A_2967 = arith.select %gt3A_2964, %select_n3A_2920, %select_n3A_2966 : vector<16xi1>, vector<16xi32>
      %min3A_2968 = arith.minimumf %max3A_2921, %gather3A_2963 : vector<16xf32>
      %max3A_2969 = arith.maximumf %max3A_2919, %min3A_2968 : vector<16xf32>
      %select_n3A_2970 = arith.select %gt3A_2964, %broadcast_in_dim3A_2923, %select_n3A_2920 : vector<16xi1>, vector<16xi32>
      %max3A_2971 = arith.maximumf %max3A_2921, %gather3A_2963 : vector<16xf32>
      %broadcast_in_dim3A_2972 = arith.constant 56 : i32
      %broadcast_in_dim3A_2973 = vector.broadcast %broadcast_in_dim3A_2972 : i32 to vector<16xi32>
      %add3A_2974 = arith.constant 56 : i32
      %add3A_2975 = vector.broadcast %add3A_2974 : i32 to vector<16xi32>
      %add3A_2976 = arith.addi %mul3A_181, %add3A_2975 : vector<16xi32>
      %gather3A_2977 = tpu.vector_load_idx %arg7[%add3A_2976] : memref<66560xf32, #tpu.memory_space<vmem>>[vector<16xi32>], vector<16xf32>,
      %gt3A_2978 = arith.cmpf ogt, %gather3A_2977, %max3A_2935 : vector<16xf32>
      %gt3A_2979 = arith.cmpf ogt, %gather3A_2977, %max3A_2933 : vector<16xf32>
      %select_n3A_2980 = arith.select %gt3A_2979, %broadcast_in_dim3A_2973, %select_n3A_2931 : vector<16xi1>, vector<16xi32>
      %select_n3A_2981 = arith.select %gt3A_2978, %select_n3A_2934, %select_n3A_2980 : vector<16xi1>, vector<16xi32>
      %min3A_2982 = arith.minimumf %max3A_2935, %gather3A_2977 : vector<16xf32>
      %max3A_2983 = arith.maximumf %max3A_2933, %min3A_2982 : vector<16xf32>
      %select_n3A_2984 = arith.select %gt3A_2978, %broadcast_in_dim3A_2973, %select_n3A_2934 : vector<16xi1>, vector<16xi32>
      %max3A_2985 = arith.maximumf %max3A_2935, %gather3A_2977 : vector<16xf32>
      %add3A_2986 = arith.constant 56 : i32
      %add3A_2987 = vector.broadcast %add3A_2986 : i32 to vector<16xi32>
      %add3A_2988 = arith.addi %mul3A_194, %add3A_2987 : vector<16xi32>
      %gather3A_2989 = tpu.vector_load_idx %arg7[%add3A_2988] : memref<66560xf32, #tpu.memory_space<vmem>>[vector<16xi32>], vector<16xf32>,
      %gt3A_2990 = arith.cmpf ogt, %gather3A_2989, %max3A_2947 : vector<16xf32>
      %gt3A_2991 = arith.cmpf ogt, %gather3A_2989, %max3A_2945 : vector<16xf32>
      %select_n3A_2992 = arith.select %gt3A_2991, %broadcast_in_dim3A_2973, %select_n3A_2943 : vector<16xi1>, vector<16xi32>
      %select_n3A_2993 = arith.select %gt3A_2990, %select_n3A_2946, %select_n3A_2992 : vector<16xi1>, vector<16xi32>
      %min3A_2994 = arith.minimumf %max3A_2947, %gather3A_2989 : vector<16xf32>
      %max3A_2995 = arith.maximumf %max3A_2945, %min3A_2994 : vector<16xf32>
      %select_n3A_2996 = arith.select %gt3A_2990, %broadcast_in_dim3A_2973, %select_n3A_2946 : vector<16xi1>, vector<16xi32>
      %max3A_2997 = arith.maximumf %max3A_2947, %gather3A_2989 : vector<16xf32>
      %add3A_2998 = arith.constant 56 : i32
      %add3A_2999 = vector.broadcast %add3A_2998 : i32 to vector<16xi32>
      %add3A_3000 = arith.addi %mul3A_208, %add3A_2999 : vector<16xi32>
      %gather3A_3001 = tpu.vector_load_idx %arg7[%add3A_3000] : memref<66560xf32, #tpu.memory_space<vmem>>[vector<16xi32>], vector<16xf32>,
      %gt3A_3002 = arith.cmpf ogt, %gather3A_3001, %max3A_2959 : vector<16xf32>
      %gt3A_3003 = arith.cmpf ogt, %gather3A_3001, %max3A_2957 : vector<16xf32>
      %select_n3A_3004 = arith.select %gt3A_3003, %broadcast_in_dim3A_2973, %select_n3A_2955 : vector<16xi1>, vector<16xi32>
      %select_n3A_3005 = arith.select %gt3A_3002, %select_n3A_2958, %select_n3A_3004 : vector<16xi1>, vector<16xi32>
      %min3A_3006 = arith.minimumf %max3A_2959, %gather3A_3001 : vector<16xf32>
      %max3A_3007 = arith.maximumf %max3A_2957, %min3A_3006 : vector<16xf32>
      %select_n3A_3008 = arith.select %gt3A_3002, %broadcast_in_dim3A_2973, %select_n3A_2958 : vector<16xi1>, vector<16xi32>
      %max3A_3009 = arith.maximumf %max3A_2959, %gather3A_3001 : vector<16xf32>
      %add3A_3010 = arith.constant 56 : i32
      %add3A_3011 = vector.broadcast %add3A_3010 : i32 to vector<16xi32>
      %add3A_3012 = arith.addi %mul3A_222, %add3A_3011 : vector<16xi32>
      %gather3A_3013 = tpu.vector_load_idx %arg7[%add3A_3012] : memref<66560xf32, #tpu.memory_space<vmem>>[vector<16xi32>], vector<16xf32>,
      %gt3A_3014 = arith.cmpf ogt, %gather3A_3013, %max3A_2971 : vector<16xf32>
      %gt3A_3015 = arith.cmpf ogt, %gather3A_3013, %max3A_2969 : vector<16xf32>
      %select_n3A_3016 = arith.select %gt3A_3015, %broadcast_in_dim3A_2973, %select_n3A_2967 : vector<16xi1>, vector<16xi32>
      %select_n3A_3017 = arith.select %gt3A_3014, %select_n3A_2970, %select_n3A_3016 : vector<16xi1>, vector<16xi32>
      %min3A_3018 = arith.minimumf %max3A_2971, %gather3A_3013 : vector<16xf32>
      %max3A_3019 = arith.maximumf %max3A_2969, %min3A_3018 : vector<16xf32>
      %select_n3A_3020 = arith.select %gt3A_3014, %broadcast_in_dim3A_2973, %select_n3A_2970 : vector<16xi1>, vector<16xi32>
      %max3A_3021 = arith.maximumf %max3A_2971, %gather3A_3013 : vector<16xf32>
      %broadcast_in_dim3A_3022 = arith.constant 57 : i32
      %broadcast_in_dim3A_3023 = vector.broadcast %broadcast_in_dim3A_3022 : i32 to vector<16xi32>
      %add3A_3024 = arith.constant 57 : i32
      %add3A_3025 = vector.broadcast %add3A_3024 : i32 to vector<16xi32>
      %add3A_3026 = arith.addi %mul3A_181, %add3A_3025 : vector<16xi32>
      %gather3A_3027 = tpu.vector_load_idx %arg7[%add3A_3026] : memref<66560xf32, #tpu.memory_space<vmem>>[vector<16xi32>], vector<16xf32>,
      %gt3A_3028 = arith.cmpf ogt, %gather3A_3027, %max3A_2985 : vector<16xf32>
      %gt3A_3029 = arith.cmpf ogt, %gather3A_3027, %max3A_2983 : vector<16xf32>
      %select_n3A_3030 = arith.select %gt3A_3029, %broadcast_in_dim3A_3023, %select_n3A_2981 : vector<16xi1>, vector<16xi32>
      %select_n3A_3031 = arith.select %gt3A_3028, %select_n3A_2984, %select_n3A_3030 : vector<16xi1>, vector<16xi32>
      %min3A_3032 = arith.minimumf %max3A_2985, %gather3A_3027 : vector<16xf32>
      %max3A_3033 = arith.maximumf %max3A_2983, %min3A_3032 : vector<16xf32>
      %select_n3A_3034 = arith.select %gt3A_3028, %broadcast_in_dim3A_3023, %select_n3A_2984 : vector<16xi1>, vector<16xi32>
      %max3A_3035 = arith.maximumf %max3A_2985, %gather3A_3027 : vector<16xf32>
      %add3A_3036 = arith.constant 57 : i32
      %add3A_3037 = vector.broadcast %add3A_3036 : i32 to vector<16xi32>
      %add3A_3038 = arith.addi %mul3A_194, %add3A_3037 : vector<16xi32>
      %gather3A_3039 = tpu.vector_load_idx %arg7[%add3A_3038] : memref<66560xf32, #tpu.memory_space<vmem>>[vector<16xi32>], vector<16xf32>,
      %gt3A_3040 = arith.cmpf ogt, %gather3A_3039, %max3A_2997 : vector<16xf32>
      %gt3A_3041 = arith.cmpf ogt, %gather3A_3039, %max3A_2995 : vector<16xf32>
      %select_n3A_3042 = arith.select %gt3A_3041, %broadcast_in_dim3A_3023, %select_n3A_2993 : vector<16xi1>, vector<16xi32>
      %select_n3A_3043 = arith.select %gt3A_3040, %select_n3A_2996, %select_n3A_3042 : vector<16xi1>, vector<16xi32>
      %min3A_3044 = arith.minimumf %max3A_2997, %gather3A_3039 : vector<16xf32>
      %max3A_3045 = arith.maximumf %max3A_2995, %min3A_3044 : vector<16xf32>
      %select_n3A_3046 = arith.select %gt3A_3040, %broadcast_in_dim3A_3023, %select_n3A_2996 : vector<16xi1>, vector<16xi32>
      %max3A_3047 = arith.maximumf %max3A_2997, %gather3A_3039 : vector<16xf32>
      %add3A_3048 = arith.constant 57 : i32
      %add3A_3049 = vector.broadcast %add3A_3048 : i32 to vector<16xi32>
      %add3A_3050 = arith.addi %mul3A_208, %add3A_3049 : vector<16xi32>
      %gather3A_3051 = tpu.vector_load_idx %arg7[%add3A_3050] : memref<66560xf32, #tpu.memory_space<vmem>>[vector<16xi32>], vector<16xf32>,
      %gt3A_3052 = arith.cmpf ogt, %gather3A_3051, %max3A_3009 : vector<16xf32>
      %gt3A_3053 = arith.cmpf ogt, %gather3A_3051, %max3A_3007 : vector<16xf32>
      %select_n3A_3054 = arith.select %gt3A_3053, %broadcast_in_dim3A_3023, %select_n3A_3005 : vector<16xi1>, vector<16xi32>
      %select_n3A_3055 = arith.select %gt3A_3052, %select_n3A_3008, %select_n3A_3054 : vector<16xi1>, vector<16xi32>
      %min3A_3056 = arith.minimumf %max3A_3009, %gather3A_3051 : vector<16xf32>
      %max3A_3057 = arith.maximumf %max3A_3007, %min3A_3056 : vector<16xf32>
      %select_n3A_3058 = arith.select %gt3A_3052, %broadcast_in_dim3A_3023, %select_n3A_3008 : vector<16xi1>, vector<16xi32>
      %max3A_3059 = arith.maximumf %max3A_3009, %gather3A_3051 : vector<16xf32>
      %add3A_3060 = arith.constant 57 : i32
      %add3A_3061 = vector.broadcast %add3A_3060 : i32 to vector<16xi32>
      %add3A_3062 = arith.addi %mul3A_222, %add3A_3061 : vector<16xi32>
      %gather3A_3063 = tpu.vector_load_idx %arg7[%add3A_3062] : memref<66560xf32, #tpu.memory_space<vmem>>[vector<16xi32>], vector<16xf32>,
      %gt3A_3064 = arith.cmpf ogt, %gather3A_3063, %max3A_3021 : vector<16xf32>
      %gt3A_3065 = arith.cmpf ogt, %gather3A_3063, %max3A_3019 : vector<16xf32>
      %select_n3A_3066 = arith.select %gt3A_3065, %broadcast_in_dim3A_3023, %select_n3A_3017 : vector<16xi1>, vector<16xi32>
      %select_n3A_3067 = arith.select %gt3A_3064, %select_n3A_3020, %select_n3A_3066 : vector<16xi1>, vector<16xi32>
      %min3A_3068 = arith.minimumf %max3A_3021, %gather3A_3063 : vector<16xf32>
      %max3A_3069 = arith.maximumf %max3A_3019, %min3A_3068 : vector<16xf32>
      %select_n3A_3070 = arith.select %gt3A_3064, %broadcast_in_dim3A_3023, %select_n3A_3020 : vector<16xi1>, vector<16xi32>
      %max3A_3071 = arith.maximumf %max3A_3021, %gather3A_3063 : vector<16xf32>
      %broadcast_in_dim3A_3072 = arith.constant 58 : i32
      %broadcast_in_dim3A_3073 = vector.broadcast %broadcast_in_dim3A_3072 : i32 to vector<16xi32>
      %add3A_3074 = arith.constant 58 : i32
      %add3A_3075 = vector.broadcast %add3A_3074 : i32 to vector<16xi32>
      %add3A_3076 = arith.addi %mul3A_181, %add3A_3075 : vector<16xi32>
      %gather3A_3077 = tpu.vector_load_idx %arg7[%add3A_3076] : memref<66560xf32, #tpu.memory_space<vmem>>[vector<16xi32>], vector<16xf32>,
      %gt3A_3078 = arith.cmpf ogt, %gather3A_3077, %max3A_3035 : vector<16xf32>
      %gt3A_3079 = arith.cmpf ogt, %gather3A_3077, %max3A_3033 : vector<16xf32>
      %select_n3A_3080 = arith.select %gt3A_3079, %broadcast_in_dim3A_3073, %select_n3A_3031 : vector<16xi1>, vector<16xi32>
      %select_n3A_3081 = arith.select %gt3A_3078, %select_n3A_3034, %select_n3A_3080 : vector<16xi1>, vector<16xi32>
      %min3A_3082 = arith.minimumf %max3A_3035, %gather3A_3077 : vector<16xf32>
      %max3A_3083 = arith.maximumf %max3A_3033, %min3A_3082 : vector<16xf32>
      %select_n3A_3084 = arith.select %gt3A_3078, %broadcast_in_dim3A_3073, %select_n3A_3034 : vector<16xi1>, vector<16xi32>
      %max3A_3085 = arith.maximumf %max3A_3035, %gather3A_3077 : vector<16xf32>
      %add3A_3086 = arith.constant 58 : i32
      %add3A_3087 = vector.broadcast %add3A_3086 : i32 to vector<16xi32>
      %add3A_3088 = arith.addi %mul3A_194, %add3A_3087 : vector<16xi32>
      %gather3A_3089 = tpu.vector_load_idx %arg7[%add3A_3088] : memref<66560xf32, #tpu.memory_space<vmem>>[vector<16xi32>], vector<16xf32>,
      %gt3A_3090 = arith.cmpf ogt, %gather3A_3089, %max3A_3047 : vector<16xf32>
      %gt3A_3091 = arith.cmpf ogt, %gather3A_3089, %max3A_3045 : vector<16xf32>
      %select_n3A_3092 = arith.select %gt3A_3091, %broadcast_in_dim3A_3073, %select_n3A_3043 : vector<16xi1>, vector<16xi32>
      %select_n3A_3093 = arith.select %gt3A_3090, %select_n3A_3046, %select_n3A_3092 : vector<16xi1>, vector<16xi32>
      %min3A_3094 = arith.minimumf %max3A_3047, %gather3A_3089 : vector<16xf32>
      %max3A_3095 = arith.maximumf %max3A_3045, %min3A_3094 : vector<16xf32>
      %select_n3A_3096 = arith.select %gt3A_3090, %broadcast_in_dim3A_3073, %select_n3A_3046 : vector<16xi1>, vector<16xi32>
      %max3A_3097 = arith.maximumf %max3A_3047, %gather3A_3089 : vector<16xf32>
      %add3A_3098 = arith.constant 58 : i32
      %add3A_3099 = vector.broadcast %add3A_3098 : i32 to vector<16xi32>
      %add3A_3100 = arith.addi %mul3A_208, %add3A_3099 : vector<16xi32>
      %gather3A_3101 = tpu.vector_load_idx %arg7[%add3A_3100] : memref<66560xf32, #tpu.memory_space<vmem>>[vector<16xi32>], vector<16xf32>,
      %gt3A_3102 = arith.cmpf ogt, %gather3A_3101, %max3A_3059 : vector<16xf32>
      %gt3A_3103 = arith.cmpf ogt, %gather3A_3101, %max3A_3057 : vector<16xf32>
      %select_n3A_3104 = arith.select %gt3A_3103, %broadcast_in_dim3A_3073, %select_n3A_3055 : vector<16xi1>, vector<16xi32>
      %select_n3A_3105 = arith.select %gt3A_3102, %select_n3A_3058, %select_n3A_3104 : vector<16xi1>, vector<16xi32>
      %min3A_3106 = arith.minimumf %max3A_3059, %gather3A_3101 : vector<16xf32>
      %max3A_3107 = arith.maximumf %max3A_3057, %min3A_3106 : vector<16xf32>
      %select_n3A_3108 = arith.select %gt3A_3102, %broadcast_in_dim3A_3073, %select_n3A_3058 : vector<16xi1>, vector<16xi32>
      %max3A_3109 = arith.maximumf %max3A_3059, %gather3A_3101 : vector<16xf32>
      %add3A_3110 = arith.constant 58 : i32
      %add3A_3111 = vector.broadcast %add3A_3110 : i32 to vector<16xi32>
      %add3A_3112 = arith.addi %mul3A_222, %add3A_3111 : vector<16xi32>
      %gather3A_3113 = tpu.vector_load_idx %arg7[%add3A_3112] : memref<66560xf32, #tpu.memory_space<vmem>>[vector<16xi32>], vector<16xf32>,
      %gt3A_3114 = arith.cmpf ogt, %gather3A_3113, %max3A_3071 : vector<16xf32>
      %gt3A_3115 = arith.cmpf ogt, %gather3A_3113, %max3A_3069 : vector<16xf32>
      %select_n3A_3116 = arith.select %gt3A_3115, %broadcast_in_dim3A_3073, %select_n3A_3067 : vector<16xi1>, vector<16xi32>
      %select_n3A_3117 = arith.select %gt3A_3114, %select_n3A_3070, %select_n3A_3116 : vector<16xi1>, vector<16xi32>
      %min3A_3118 = arith.minimumf %max3A_3071, %gather3A_3113 : vector<16xf32>
      %max3A_3119 = arith.maximumf %max3A_3069, %min3A_3118 : vector<16xf32>
      %select_n3A_3120 = arith.select %gt3A_3114, %broadcast_in_dim3A_3073, %select_n3A_3070 : vector<16xi1>, vector<16xi32>
      %max3A_3121 = arith.maximumf %max3A_3071, %gather3A_3113 : vector<16xf32>
      %broadcast_in_dim3A_3122 = arith.constant 59 : i32
      %broadcast_in_dim3A_3123 = vector.broadcast %broadcast_in_dim3A_3122 : i32 to vector<16xi32>
      %add3A_3124 = arith.constant 59 : i32
      %add3A_3125 = vector.broadcast %add3A_3124 : i32 to vector<16xi32>
      %add3A_3126 = arith.addi %mul3A_181, %add3A_3125 : vector<16xi32>
      %gather3A_3127 = tpu.vector_load_idx %arg7[%add3A_3126] : memref<66560xf32, #tpu.memory_space<vmem>>[vector<16xi32>], vector<16xf32>,
      %gt3A_3128 = arith.cmpf ogt, %gather3A_3127, %max3A_3085 : vector<16xf32>
      %gt3A_3129 = arith.cmpf ogt, %gather3A_3127, %max3A_3083 : vector<16xf32>
      %select_n3A_3130 = arith.select %gt3A_3129, %broadcast_in_dim3A_3123, %select_n3A_3081 : vector<16xi1>, vector<16xi32>
      %select_n3A_3131 = arith.select %gt3A_3128, %select_n3A_3084, %select_n3A_3130 : vector<16xi1>, vector<16xi32>
      %min3A_3132 = arith.minimumf %max3A_3085, %gather3A_3127 : vector<16xf32>
      %max3A_3133 = arith.maximumf %max3A_3083, %min3A_3132 : vector<16xf32>
      %select_n3A_3134 = arith.select %gt3A_3128, %broadcast_in_dim3A_3123, %select_n3A_3084 : vector<16xi1>, vector<16xi32>
      %max3A_3135 = arith.maximumf %max3A_3085, %gather3A_3127 : vector<16xf32>
      %add3A_3136 = arith.constant 59 : i32
      %add3A_3137 = vector.broadcast %add3A_3136 : i32 to vector<16xi32>
      %add3A_3138 = arith.addi %mul3A_194, %add3A_3137 : vector<16xi32>
      %gather3A_3139 = tpu.vector_load_idx %arg7[%add3A_3138] : memref<66560xf32, #tpu.memory_space<vmem>>[vector<16xi32>], vector<16xf32>,
      %gt3A_3140 = arith.cmpf ogt, %gather3A_3139, %max3A_3097 : vector<16xf32>
      %gt3A_3141 = arith.cmpf ogt, %gather3A_3139, %max3A_3095 : vector<16xf32>
      %select_n3A_3142 = arith.select %gt3A_3141, %broadcast_in_dim3A_3123, %select_n3A_3093 : vector<16xi1>, vector<16xi32>
      %select_n3A_3143 = arith.select %gt3A_3140, %select_n3A_3096, %select_n3A_3142 : vector<16xi1>, vector<16xi32>
      %min3A_3144 = arith.minimumf %max3A_3097, %gather3A_3139 : vector<16xf32>
      %max3A_3145 = arith.maximumf %max3A_3095, %min3A_3144 : vector<16xf32>
      %select_n3A_3146 = arith.select %gt3A_3140, %broadcast_in_dim3A_3123, %select_n3A_3096 : vector<16xi1>, vector<16xi32>
      %max3A_3147 = arith.maximumf %max3A_3097, %gather3A_3139 : vector<16xf32>
      %add3A_3148 = arith.constant 59 : i32
      %add3A_3149 = vector.broadcast %add3A_3148 : i32 to vector<16xi32>
      %add3A_3150 = arith.addi %mul3A_208, %add3A_3149 : vector<16xi32>
      %gather3A_3151 = tpu.vector_load_idx %arg7[%add3A_3150] : memref<66560xf32, #tpu.memory_space<vmem>>[vector<16xi32>], vector<16xf32>,
      %gt3A_3152 = arith.cmpf ogt, %gather3A_3151, %max3A_3109 : vector<16xf32>
      %gt3A_3153 = arith.cmpf ogt, %gather3A_3151, %max3A_3107 : vector<16xf32>
      %select_n3A_3154 = arith.select %gt3A_3153, %broadcast_in_dim3A_3123, %select_n3A_3105 : vector<16xi1>, vector<16xi32>
      %select_n3A_3155 = arith.select %gt3A_3152, %select_n3A_3108, %select_n3A_3154 : vector<16xi1>, vector<16xi32>
      %min3A_3156 = arith.minimumf %max3A_3109, %gather3A_3151 : vector<16xf32>
      %max3A_3157 = arith.maximumf %max3A_3107, %min3A_3156 : vector<16xf32>
      %select_n3A_3158 = arith.select %gt3A_3152, %broadcast_in_dim3A_3123, %select_n3A_3108 : vector<16xi1>, vector<16xi32>
      %max3A_3159 = arith.maximumf %max3A_3109, %gather3A_3151 : vector<16xf32>
      %add3A_3160 = arith.constant 59 : i32
      %add3A_3161 = vector.broadcast %add3A_3160 : i32 to vector<16xi32>
      %add3A_3162 = arith.addi %mul3A_222, %add3A_3161 : vector<16xi32>
      %gather3A_3163 = tpu.vector_load_idx %arg7[%add3A_3162] : memref<66560xf32, #tpu.memory_space<vmem>>[vector<16xi32>], vector<16xf32>,
      %gt3A_3164 = arith.cmpf ogt, %gather3A_3163, %max3A_3121 : vector<16xf32>
      %gt3A_3165 = arith.cmpf ogt, %gather3A_3163, %max3A_3119 : vector<16xf32>
      %select_n3A_3166 = arith.select %gt3A_3165, %broadcast_in_dim3A_3123, %select_n3A_3117 : vector<16xi1>, vector<16xi32>
      %select_n3A_3167 = arith.select %gt3A_3164, %select_n3A_3120, %select_n3A_3166 : vector<16xi1>, vector<16xi32>
      %min3A_3168 = arith.minimumf %max3A_3121, %gather3A_3163 : vector<16xf32>
      %max3A_3169 = arith.maximumf %max3A_3119, %min3A_3168 : vector<16xf32>
      %select_n3A_3170 = arith.select %gt3A_3164, %broadcast_in_dim3A_3123, %select_n3A_3120 : vector<16xi1>, vector<16xi32>
      %max3A_3171 = arith.maximumf %max3A_3121, %gather3A_3163 : vector<16xf32>
      %broadcast_in_dim3A_3172 = arith.constant 60 : i32
      %broadcast_in_dim3A_3173 = vector.broadcast %broadcast_in_dim3A_3172 : i32 to vector<16xi32>
      %add3A_3174 = arith.constant 60 : i32
      %add3A_3175 = vector.broadcast %add3A_3174 : i32 to vector<16xi32>
      %add3A_3176 = arith.addi %mul3A_181, %add3A_3175 : vector<16xi32>
      %gather3A_3177 = tpu.vector_load_idx %arg7[%add3A_3176] : memref<66560xf32, #tpu.memory_space<vmem>>[vector<16xi32>], vector<16xf32>,
      %gt3A_3178 = arith.cmpf ogt, %gather3A_3177, %max3A_3135 : vector<16xf32>
      %gt3A_3179 = arith.cmpf ogt, %gather3A_3177, %max3A_3133 : vector<16xf32>
      %select_n3A_3180 = arith.select %gt3A_3179, %broadcast_in_dim3A_3173, %select_n3A_3131 : vector<16xi1>, vector<16xi32>
      %select_n3A_3181 = arith.select %gt3A_3178, %select_n3A_3134, %select_n3A_3180 : vector<16xi1>, vector<16xi32>
      %min3A_3182 = arith.minimumf %max3A_3135, %gather3A_3177 : vector<16xf32>
      %max3A_3183 = arith.maximumf %max3A_3133, %min3A_3182 : vector<16xf32>
      %select_n3A_3184 = arith.select %gt3A_3178, %broadcast_in_dim3A_3173, %select_n3A_3134 : vector<16xi1>, vector<16xi32>
      %max3A_3185 = arith.maximumf %max3A_3135, %gather3A_3177 : vector<16xf32>
      %add3A_3186 = arith.constant 60 : i32
      %add3A_3187 = vector.broadcast %add3A_3186 : i32 to vector<16xi32>
      %add3A_3188 = arith.addi %mul3A_194, %add3A_3187 : vector<16xi32>
      %gather3A_3189 = tpu.vector_load_idx %arg7[%add3A_3188] : memref<66560xf32, #tpu.memory_space<vmem>>[vector<16xi32>], vector<16xf32>,
      %gt3A_3190 = arith.cmpf ogt, %gather3A_3189, %max3A_3147 : vector<16xf32>
      %gt3A_3191 = arith.cmpf ogt, %gather3A_3189, %max3A_3145 : vector<16xf32>
      %select_n3A_3192 = arith.select %gt3A_3191, %broadcast_in_dim3A_3173, %select_n3A_3143 : vector<16xi1>, vector<16xi32>
      %select_n3A_3193 = arith.select %gt3A_3190, %select_n3A_3146, %select_n3A_3192 : vector<16xi1>, vector<16xi32>
      %min3A_3194 = arith.minimumf %max3A_3147, %gather3A_3189 : vector<16xf32>
      %max3A_3195 = arith.maximumf %max3A_3145, %min3A_3194 : vector<16xf32>
      %select_n3A_3196 = arith.select %gt3A_3190, %broadcast_in_dim3A_3173, %select_n3A_3146 : vector<16xi1>, vector<16xi32>
      %max3A_3197 = arith.maximumf %max3A_3147, %gather3A_3189 : vector<16xf32>
      %add3A_3198 = arith.constant 60 : i32
      %add3A_3199 = vector.broadcast %add3A_3198 : i32 to vector<16xi32>
      %add3A_3200 = arith.addi %mul3A_208, %add3A_3199 : vector<16xi32>
      %gather3A_3201 = tpu.vector_load_idx %arg7[%add3A_3200] : memref<66560xf32, #tpu.memory_space<vmem>>[vector<16xi32>], vector<16xf32>,
      %gt3A_3202 = arith.cmpf ogt, %gather3A_3201, %max3A_3159 : vector<16xf32>
      %gt3A_3203 = arith.cmpf ogt, %gather3A_3201, %max3A_3157 : vector<16xf32>
      %select_n3A_3204 = arith.select %gt3A_3203, %broadcast_in_dim3A_3173, %select_n3A_3155 : vector<16xi1>, vector<16xi32>
      %select_n3A_3205 = arith.select %gt3A_3202, %select_n3A_3158, %select_n3A_3204 : vector<16xi1>, vector<16xi32>
      %min3A_3206 = arith.minimumf %max3A_3159, %gather3A_3201 : vector<16xf32>
      %max3A_3207 = arith.maximumf %max3A_3157, %min3A_3206 : vector<16xf32>
      %select_n3A_3208 = arith.select %gt3A_3202, %broadcast_in_dim3A_3173, %select_n3A_3158 : vector<16xi1>, vector<16xi32>
      %max3A_3209 = arith.maximumf %max3A_3159, %gather3A_3201 : vector<16xf32>
      %add3A_3210 = arith.constant 60 : i32
      %add3A_3211 = vector.broadcast %add3A_3210 : i32 to vector<16xi32>
      %add3A_3212 = arith.addi %mul3A_222, %add3A_3211 : vector<16xi32>
      %gather3A_3213 = tpu.vector_load_idx %arg7[%add3A_3212] : memref<66560xf32, #tpu.memory_space<vmem>>[vector<16xi32>], vector<16xf32>,
      %gt3A_3214 = arith.cmpf ogt, %gather3A_3213, %max3A_3171 : vector<16xf32>
      %gt3A_3215 = arith.cmpf ogt, %gather3A_3213, %max3A_3169 : vector<16xf32>
      %select_n3A_3216 = arith.select %gt3A_3215, %broadcast_in_dim3A_3173, %select_n3A_3167 : vector<16xi1>, vector<16xi32>
      %select_n3A_3217 = arith.select %gt3A_3214, %select_n3A_3170, %select_n3A_3216 : vector<16xi1>, vector<16xi32>
      %min3A_3218 = arith.minimumf %max3A_3171, %gather3A_3213 : vector<16xf32>
      %max3A_3219 = arith.maximumf %max3A_3169, %min3A_3218 : vector<16xf32>
      %select_n3A_3220 = arith.select %gt3A_3214, %broadcast_in_dim3A_3173, %select_n3A_3170 : vector<16xi1>, vector<16xi32>
      %max3A_3221 = arith.maximumf %max3A_3171, %gather3A_3213 : vector<16xf32>
      %broadcast_in_dim3A_3222 = arith.constant 61 : i32
      %broadcast_in_dim3A_3223 = vector.broadcast %broadcast_in_dim3A_3222 : i32 to vector<16xi32>
      %add3A_3224 = arith.constant 61 : i32
      %add3A_3225 = vector.broadcast %add3A_3224 : i32 to vector<16xi32>
      %add3A_3226 = arith.addi %mul3A_181, %add3A_3225 : vector<16xi32>
      %gather3A_3227 = tpu.vector_load_idx %arg7[%add3A_3226] : memref<66560xf32, #tpu.memory_space<vmem>>[vector<16xi32>], vector<16xf32>,
      %gt3A_3228 = arith.cmpf ogt, %gather3A_3227, %max3A_3185 : vector<16xf32>
      %gt3A_3229 = arith.cmpf ogt, %gather3A_3227, %max3A_3183 : vector<16xf32>
      %select_n3A_3230 = arith.select %gt3A_3229, %broadcast_in_dim3A_3223, %select_n3A_3181 : vector<16xi1>, vector<16xi32>
      %select_n3A_3231 = arith.select %gt3A_3228, %select_n3A_3184, %select_n3A_3230 : vector<16xi1>, vector<16xi32>
      %min3A_3232 = arith.minimumf %max3A_3185, %gather3A_3227 : vector<16xf32>
      %max3A_3233 = arith.maximumf %max3A_3183, %min3A_3232 : vector<16xf32>
      %select_n3A_3234 = arith.select %gt3A_3228, %broadcast_in_dim3A_3223, %select_n3A_3184 : vector<16xi1>, vector<16xi32>
      %max3A_3235 = arith.maximumf %max3A_3185, %gather3A_3227 : vector<16xf32>
      %add3A_3236 = arith.constant 61 : i32
      %add3A_3237 = vector.broadcast %add3A_3236 : i32 to vector<16xi32>
      %add3A_3238 = arith.addi %mul3A_194, %add3A_3237 : vector<16xi32>
      %gather3A_3239 = tpu.vector_load_idx %arg7[%add3A_3238] : memref<66560xf32, #tpu.memory_space<vmem>>[vector<16xi32>], vector<16xf32>,
      %gt3A_3240 = arith.cmpf ogt, %gather3A_3239, %max3A_3197 : vector<16xf32>
      %gt3A_3241 = arith.cmpf ogt, %gather3A_3239, %max3A_3195 : vector<16xf32>
      %select_n3A_3242 = arith.select %gt3A_3241, %broadcast_in_dim3A_3223, %select_n3A_3193 : vector<16xi1>, vector<16xi32>
      %select_n3A_3243 = arith.select %gt3A_3240, %select_n3A_3196, %select_n3A_3242 : vector<16xi1>, vector<16xi32>
      %min3A_3244 = arith.minimumf %max3A_3197, %gather3A_3239 : vector<16xf32>
      %max3A_3245 = arith.maximumf %max3A_3195, %min3A_3244 : vector<16xf32>
      %select_n3A_3246 = arith.select %gt3A_3240, %broadcast_in_dim3A_3223, %select_n3A_3196 : vector<16xi1>, vector<16xi32>
      %max3A_3247 = arith.maximumf %max3A_3197, %gather3A_3239 : vector<16xf32>
      %add3A_3248 = arith.constant 61 : i32
      %add3A_3249 = vector.broadcast %add3A_3248 : i32 to vector<16xi32>
      %add3A_3250 = arith.addi %mul3A_208, %add3A_3249 : vector<16xi32>
      %gather3A_3251 = tpu.vector_load_idx %arg7[%add3A_3250] : memref<66560xf32, #tpu.memory_space<vmem>>[vector<16xi32>], vector<16xf32>,
      %gt3A_3252 = arith.cmpf ogt, %gather3A_3251, %max3A_3209 : vector<16xf32>
      %gt3A_3253 = arith.cmpf ogt, %gather3A_3251, %max3A_3207 : vector<16xf32>
      %select_n3A_3254 = arith.select %gt3A_3253, %broadcast_in_dim3A_3223, %select_n3A_3205 : vector<16xi1>, vector<16xi32>
      %select_n3A_3255 = arith.select %gt3A_3252, %select_n3A_3208, %select_n3A_3254 : vector<16xi1>, vector<16xi32>
      %min3A_3256 = arith.minimumf %max3A_3209, %gather3A_3251 : vector<16xf32>
      %max3A_3257 = arith.maximumf %max3A_3207, %min3A_3256 : vector<16xf32>
      %select_n3A_3258 = arith.select %gt3A_3252, %broadcast_in_dim3A_3223, %select_n3A_3208 : vector<16xi1>, vector<16xi32>
      %max3A_3259 = arith.maximumf %max3A_3209, %gather3A_3251 : vector<16xf32>
      %add3A_3260 = arith.constant 61 : i32
      %add3A_3261 = vector.broadcast %add3A_3260 : i32 to vector<16xi32>
      %add3A_3262 = arith.addi %mul3A_222, %add3A_3261 : vector<16xi32>
      %gather3A_3263 = tpu.vector_load_idx %arg7[%add3A_3262] : memref<66560xf32, #tpu.memory_space<vmem>>[vector<16xi32>], vector<16xf32>,
      %gt3A_3264 = arith.cmpf ogt, %gather3A_3263, %max3A_3221 : vector<16xf32>
      %gt3A_3265 = arith.cmpf ogt, %gather3A_3263, %max3A_3219 : vector<16xf32>
      %select_n3A_3266 = arith.select %gt3A_3265, %broadcast_in_dim3A_3223, %select_n3A_3217 : vector<16xi1>, vector<16xi32>
      %select_n3A_3267 = arith.select %gt3A_3264, %select_n3A_3220, %select_n3A_3266 : vector<16xi1>, vector<16xi32>
      %min3A_3268 = arith.minimumf %max3A_3221, %gather3A_3263 : vector<16xf32>
      %max3A_3269 = arith.maximumf %max3A_3219, %min3A_3268 : vector<16xf32>
      %select_n3A_3270 = arith.select %gt3A_3264, %broadcast_in_dim3A_3223, %select_n3A_3220 : vector<16xi1>, vector<16xi32>
      %max3A_3271 = arith.maximumf %max3A_3221, %gather3A_3263 : vector<16xf32>
      %broadcast_in_dim3A_3272 = arith.constant 62 : i32
      %broadcast_in_dim3A_3273 = vector.broadcast %broadcast_in_dim3A_3272 : i32 to vector<16xi32>
      %add3A_3274 = arith.constant 62 : i32
      %add3A_3275 = vector.broadcast %add3A_3274 : i32 to vector<16xi32>
      %add3A_3276 = arith.addi %mul3A_181, %add3A_3275 : vector<16xi32>
      %gather3A_3277 = tpu.vector_load_idx %arg7[%add3A_3276] : memref<66560xf32, #tpu.memory_space<vmem>>[vector<16xi32>], vector<16xf32>,
      %gt3A_3278 = arith.cmpf ogt, %gather3A_3277, %max3A_3235 : vector<16xf32>
      %gt3A_3279 = arith.cmpf ogt, %gather3A_3277, %max3A_3233 : vector<16xf32>
      %select_n3A_3280 = arith.select %gt3A_3279, %broadcast_in_dim3A_3273, %select_n3A_3231 : vector<16xi1>, vector<16xi32>
      %select_n3A_3281 = arith.select %gt3A_3278, %select_n3A_3234, %select_n3A_3280 : vector<16xi1>, vector<16xi32>
      %min3A_3282 = arith.minimumf %max3A_3235, %gather3A_3277 : vector<16xf32>
      %max3A_3283 = arith.maximumf %max3A_3233, %min3A_3282 : vector<16xf32>
      %select_n3A_3284 = arith.select %gt3A_3278, %broadcast_in_dim3A_3273, %select_n3A_3234 : vector<16xi1>, vector<16xi32>
      %max3A_3285 = arith.maximumf %max3A_3235, %gather3A_3277 : vector<16xf32>
      %add3A_3286 = arith.constant 62 : i32
      %add3A_3287 = vector.broadcast %add3A_3286 : i32 to vector<16xi32>
      %add3A_3288 = arith.addi %mul3A_194, %add3A_3287 : vector<16xi32>
      %gather3A_3289 = tpu.vector_load_idx %arg7[%add3A_3288] : memref<66560xf32, #tpu.memory_space<vmem>>[vector<16xi32>], vector<16xf32>,
      %gt3A_3290 = arith.cmpf ogt, %gather3A_3289, %max3A_3247 : vector<16xf32>
      %gt3A_3291 = arith.cmpf ogt, %gather3A_3289, %max3A_3245 : vector<16xf32>
      %select_n3A_3292 = arith.select %gt3A_3291, %broadcast_in_dim3A_3273, %select_n3A_3243 : vector<16xi1>, vector<16xi32>
      %select_n3A_3293 = arith.select %gt3A_3290, %select_n3A_3246, %select_n3A_3292 : vector<16xi1>, vector<16xi32>
      %min3A_3294 = arith.minimumf %max3A_3247, %gather3A_3289 : vector<16xf32>
      %max3A_3295 = arith.maximumf %max3A_3245, %min3A_3294 : vector<16xf32>
      %select_n3A_3296 = arith.select %gt3A_3290, %broadcast_in_dim3A_3273, %select_n3A_3246 : vector<16xi1>, vector<16xi32>
      %max3A_3297 = arith.maximumf %max3A_3247, %gather3A_3289 : vector<16xf32>
      %add3A_3298 = arith.constant 62 : i32
      %add3A_3299 = vector.broadcast %add3A_3298 : i32 to vector<16xi32>
      %add3A_3300 = arith.addi %mul3A_208, %add3A_3299 : vector<16xi32>
      %gather3A_3301 = tpu.vector_load_idx %arg7[%add3A_3300] : memref<66560xf32, #tpu.memory_space<vmem>>[vector<16xi32>], vector<16xf32>,
      %gt3A_3302 = arith.cmpf ogt, %gather3A_3301, %max3A_3259 : vector<16xf32>
      %gt3A_3303 = arith.cmpf ogt, %gather3A_3301, %max3A_3257 : vector<16xf32>
      %select_n3A_3304 = arith.select %gt3A_3303, %broadcast_in_dim3A_3273, %select_n3A_3255 : vector<16xi1>, vector<16xi32>
      %select_n3A_3305 = arith.select %gt3A_3302, %select_n3A_3258, %select_n3A_3304 : vector<16xi1>, vector<16xi32>
      %min3A_3306 = arith.minimumf %max3A_3259, %gather3A_3301 : vector<16xf32>
      %max3A_3307 = arith.maximumf %max3A_3257, %min3A_3306 : vector<16xf32>
      %select_n3A_3308 = arith.select %gt3A_3302, %broadcast_in_dim3A_3273, %select_n3A_3258 : vector<16xi1>, vector<16xi32>
      %max3A_3309 = arith.maximumf %max3A_3259, %gather3A_3301 : vector<16xf32>
      %add3A_3310 = arith.constant 62 : i32
      %add3A_3311 = vector.broadcast %add3A_3310 : i32 to vector<16xi32>
      %add3A_3312 = arith.addi %mul3A_222, %add3A_3311 : vector<16xi32>
      %gather3A_3313 = tpu.vector_load_idx %arg7[%add3A_3312] : memref<66560xf32, #tpu.memory_space<vmem>>[vector<16xi32>], vector<16xf32>,
      %gt3A_3314 = arith.cmpf ogt, %gather3A_3313, %max3A_3271 : vector<16xf32>
      %gt3A_3315 = arith.cmpf ogt, %gather3A_3313, %max3A_3269 : vector<16xf32>
      %select_n3A_3316 = arith.select %gt3A_3315, %broadcast_in_dim3A_3273, %select_n3A_3267 : vector<16xi1>, vector<16xi32>
      %select_n3A_3317 = arith.select %gt3A_3314, %select_n3A_3270, %select_n3A_3316 : vector<16xi1>, vector<16xi32>
      %min3A_3318 = arith.minimumf %max3A_3271, %gather3A_3313 : vector<16xf32>
      %max3A_3319 = arith.maximumf %max3A_3269, %min3A_3318 : vector<16xf32>
      %select_n3A_3320 = arith.select %gt3A_3314, %broadcast_in_dim3A_3273, %select_n3A_3270 : vector<16xi1>, vector<16xi32>
      %max3A_3321 = arith.maximumf %max3A_3271, %gather3A_3313 : vector<16xf32>
      %broadcast_in_dim3A_3322 = arith.constant 63 : i32
      %broadcast_in_dim3A_3323 = vector.broadcast %broadcast_in_dim3A_3322 : i32 to vector<16xi32>
      %add3A_3324 = arith.constant 63 : i32
      %add3A_3325 = vector.broadcast %add3A_3324 : i32 to vector<16xi32>
      %add3A_3326 = arith.addi %mul3A_181, %add3A_3325 : vector<16xi32>
      %gather3A_3327 = tpu.vector_load_idx %arg7[%add3A_3326] : memref<66560xf32, #tpu.memory_space<vmem>>[vector<16xi32>], vector<16xf32>,
      %gt3A_3328 = arith.cmpf ogt, %gather3A_3327, %max3A_3285 : vector<16xf32>
      %gt3A_3329 = arith.cmpf ogt, %gather3A_3327, %max3A_3283 : vector<16xf32>
      %select_n3A_3330 = arith.select %gt3A_3329, %broadcast_in_dim3A_3323, %select_n3A_3281 : vector<16xi1>, vector<16xi32>
      %select_n3A_3331 = arith.select %gt3A_3328, %select_n3A_3284, %select_n3A_3330 : vector<16xi1>, vector<16xi32>
      %min3A_3332 = arith.minimumf %max3A_3285, %gather3A_3327 : vector<16xf32>
      %max3A_3333 = arith.maximumf %max3A_3283, %min3A_3332 : vector<16xf32>
      %select_n3A_3334 = arith.select %gt3A_3328, %broadcast_in_dim3A_3323, %select_n3A_3284 : vector<16xi1>, vector<16xi32>
      %max3A_3335 = arith.maximumf %max3A_3285, %gather3A_3327 : vector<16xf32>
      %add3A_3336 = arith.constant 63 : i32
      %add3A_3337 = vector.broadcast %add3A_3336 : i32 to vector<16xi32>
      %add3A_3338 = arith.addi %mul3A_194, %add3A_3337 : vector<16xi32>
      %gather3A_3339 = tpu.vector_load_idx %arg7[%add3A_3338] : memref<66560xf32, #tpu.memory_space<vmem>>[vector<16xi32>], vector<16xf32>,
      %gt3A_3340 = arith.cmpf ogt, %gather3A_3339, %max3A_3297 : vector<16xf32>
      %gt3A_3341 = arith.cmpf ogt, %gather3A_3339, %max3A_3295 : vector<16xf32>
      %select_n3A_3342 = arith.select %gt3A_3341, %broadcast_in_dim3A_3323, %select_n3A_3293 : vector<16xi1>, vector<16xi32>
      %select_n3A_3343 = arith.select %gt3A_3340, %select_n3A_3296, %select_n3A_3342 : vector<16xi1>, vector<16xi32>
      %min3A_3344 = arith.minimumf %max3A_3297, %gather3A_3339 : vector<16xf32>
      %max3A_3345 = arith.maximumf %max3A_3295, %min3A_3344 : vector<16xf32>
      %select_n3A_3346 = arith.select %gt3A_3340, %broadcast_in_dim3A_3323, %select_n3A_3296 : vector<16xi1>, vector<16xi32>
      %max3A_3347 = arith.maximumf %max3A_3297, %gather3A_3339 : vector<16xf32>
      %add3A_3348 = arith.constant 63 : i32
      %add3A_3349 = vector.broadcast %add3A_3348 : i32 to vector<16xi32>
      %add3A_3350 = arith.addi %mul3A_208, %add3A_3349 : vector<16xi32>
      %gather3A_3351 = tpu.vector_load_idx %arg7[%add3A_3350] : memref<66560xf32, #tpu.memory_space<vmem>>[vector<16xi32>], vector<16xf32>,
      %gt3A_3352 = arith.cmpf ogt, %gather3A_3351, %max3A_3309 : vector<16xf32>
      %gt3A_3353 = arith.cmpf ogt, %gather3A_3351, %max3A_3307 : vector<16xf32>
      %select_n3A_3354 = arith.select %gt3A_3353, %broadcast_in_dim3A_3323, %select_n3A_3305 : vector<16xi1>, vector<16xi32>
      %select_n3A_3355 = arith.select %gt3A_3352, %select_n3A_3308, %select_n3A_3354 : vector<16xi1>, vector<16xi32>
      %min3A_3356 = arith.minimumf %max3A_3309, %gather3A_3351 : vector<16xf32>
      %max3A_3357 = arith.maximumf %max3A_3307, %min3A_3356 : vector<16xf32>
      %select_n3A_3358 = arith.select %gt3A_3352, %broadcast_in_dim3A_3323, %select_n3A_3308 : vector<16xi1>, vector<16xi32>
      %max3A_3359 = arith.maximumf %max3A_3309, %gather3A_3351 : vector<16xf32>
      %add3A_3360 = arith.constant 63 : i32
      %add3A_3361 = vector.broadcast %add3A_3360 : i32 to vector<16xi32>
      %add3A_3362 = arith.addi %mul3A_222, %add3A_3361 : vector<16xi32>
      %gather3A_3363 = tpu.vector_load_idx %arg7[%add3A_3362] : memref<66560xf32, #tpu.memory_space<vmem>>[vector<16xi32>], vector<16xf32>,
      %gt3A_3364 = arith.cmpf ogt, %gather3A_3363, %max3A_3321 : vector<16xf32>
      %gt3A_3365 = arith.cmpf ogt, %gather3A_3363, %max3A_3319 : vector<16xf32>
      %select_n3A_3366 = arith.select %gt3A_3365, %broadcast_in_dim3A_3323, %select_n3A_3317 : vector<16xi1>, vector<16xi32>
      %select_n3A_3367 = arith.select %gt3A_3364, %select_n3A_3320, %select_n3A_3366 : vector<16xi1>, vector<16xi32>
      %min3A_3368 = arith.minimumf %max3A_3321, %gather3A_3363 : vector<16xf32>
      %max3A_3369 = arith.maximumf %max3A_3319, %min3A_3368 : vector<16xf32>
      %select_n3A_3370 = arith.select %gt3A_3364, %broadcast_in_dim3A_3323, %select_n3A_3320 : vector<16xi1>, vector<16xi32>
      %max3A_3371 = arith.maximumf %max3A_3321, %gather3A_3363 : vector<16xf32>
      %mul3A_3372 = arith.constant 4 : i32
      %mul3A_3373 = arith.muli %scan3A_169, %mul3A_3372 : i32
      %add3A_3374 = arith.constant 0 : i32
      %add3A_3375 = arith.addi %mul3A_3373, %add3A_3374 : i32
      %mul3A_3376 = arith.constant 16 : i32
      %mul3A_3377 = arith.muli %add3A_3375, %mul3A_3376 : i32
      %swap3A_3378 = arith.index_cast %mul3A_3377 : i32 to index
      %swap3A_3379 = tpu.vector_load %arg8[%swap3A_3378] {strides = array<i32>} : memref<1024xf32, #tpu.memory_space<vmem>>, vector<16xf32>,
      tpu.vector_store %arg8[%swap3A_3378], %max3A_3335 {strides = array<i32>} : memref<1024xf32, #tpu.memory_space<vmem>>, vector<16xf32>,
      %swap3A_3380 = arith.index_cast %mul3A_3377 : i32 to index
      %swap3A_3381 = tpu.vector_load %arg9[%swap3A_3380] {strides = array<i32>} : memref<1024xf32, #tpu.memory_space<vmem>>, vector<16xf32>,
      tpu.vector_store %arg9[%swap3A_3380], %max3A_3333 {strides = array<i32>} : memref<1024xf32, #tpu.memory_space<vmem>>, vector<16xf32>,
      %swap3A_3382 = arith.index_cast %mul3A_3377 : i32 to index
      %swap3A_3383 = tpu.vector_load %arg10[%swap3A_3382] {strides = array<i32>} : memref<1024xi32, #tpu.memory_space<vmem>>, vector<16xi32>,
      tpu.vector_store %arg10[%swap3A_3382], %select_n3A_3334 {strides = array<i32>} : memref<1024xi32, #tpu.memory_space<vmem>>, vector<16xi32>,
      %swap3A_3384 = arith.index_cast %mul3A_3377 : i32 to index
      %swap3A_3385 = tpu.vector_load %arg11[%swap3A_3384] {strides = array<i32>} : memref<1024xi32, #tpu.memory_space<vmem>>, vector<16xi32>,
      tpu.vector_store %arg11[%swap3A_3384], %select_n3A_3331 {strides = array<i32>} : memref<1024xi32, #tpu.memory_space<vmem>>, vector<16xi32>,
      %mul3A_3386 = arith.constant 4 : i32
      %mul3A_3387 = arith.muli %scan3A_169, %mul3A_3386 : i32
      %add3A_3388 = arith.constant 1 : i32
      %add3A_3389 = arith.addi %mul3A_3387, %add3A_3388 : i32
      %mul3A_3390 = arith.constant 16 : i32
      %mul3A_3391 = arith.muli %add3A_3389, %mul3A_3390 : i32
      %swap3A_3392 = arith.index_cast %mul3A_3391 : i32 to index
      %swap3A_3393 = tpu.vector_load %arg8[%swap3A_3392] {strides = array<i32>} : memref<1024xf32, #tpu.memory_space<vmem>>, vector<16xf32>,
      tpu.vector_store %arg8[%swap3A_3392], %max3A_3347 {strides = array<i32>} : memref<1024xf32, #tpu.memory_space<vmem>>, vector<16xf32>,
      %swap3A_3394 = arith.index_cast %mul3A_3391 : i32 to index
      %swap3A_3395 = tpu.vector_load %arg9[%swap3A_3394] {strides = array<i32>} : memref<1024xf32, #tpu.memory_space<vmem>>, vector<16xf32>,
      tpu.vector_store %arg9[%swap3A_3394], %max3A_3345 {strides = array<i32>} : memref<1024xf32, #tpu.memory_space<vmem>>, vector<16xf32>,
      %swap3A_3396 = arith.index_cast %mul3A_3391 : i32 to index
      %swap3A_3397 = tpu.vector_load %arg10[%swap3A_3396] {strides = array<i32>} : memref<1024xi32, #tpu.memory_space<vmem>>, vector<16xi32>,
      tpu.vector_store %arg10[%swap3A_3396], %select_n3A_3346 {strides = array<i32>} : memref<1024xi32, #tpu.memory_space<vmem>>, vector<16xi32>,
      %swap3A_3398 = arith.index_cast %mul3A_3391 : i32 to index
      %swap3A_3399 = tpu.vector_load %arg11[%swap3A_3398] {strides = array<i32>} : memref<1024xi32, #tpu.memory_space<vmem>>, vector<16xi32>,
      tpu.vector_store %arg11[%swap3A_3398], %select_n3A_3343 {strides = array<i32>} : memref<1024xi32, #tpu.memory_space<vmem>>, vector<16xi32>,
      %mul3A_3400 = arith.constant 4 : i32
      %mul3A_3401 = arith.muli %scan3A_169, %mul3A_3400 : i32
      %add3A_3402 = arith.constant 2 : i32
      %add3A_3403 = arith.addi %mul3A_3401, %add3A_3402 : i32
      %mul3A_3404 = arith.constant 16 : i32
      %mul3A_3405 = arith.muli %add3A_3403, %mul3A_3404 : i32
      %swap3A_3406 = arith.index_cast %mul3A_3405 : i32 to index
      %swap3A_3407 = tpu.vector_load %arg8[%swap3A_3406] {strides = array<i32>} : memref<1024xf32, #tpu.memory_space<vmem>>, vector<16xf32>,
      tpu.vector_store %arg8[%swap3A_3406], %max3A_3359 {strides = array<i32>} : memref<1024xf32, #tpu.memory_space<vmem>>, vector<16xf32>,
      %swap3A_3408 = arith.index_cast %mul3A_3405 : i32 to index
      %swap3A_3409 = tpu.vector_load %arg9[%swap3A_3408] {strides = array<i32>} : memref<1024xf32, #tpu.memory_space<vmem>>, vector<16xf32>,
      tpu.vector_store %arg9[%swap3A_3408], %max3A_3357 {strides = array<i32>} : memref<1024xf32, #tpu.memory_space<vmem>>, vector<16xf32>,
      %swap3A_3410 = arith.index_cast %mul3A_3405 : i32 to index
      %swap3A_3411 = tpu.vector_load %arg10[%swap3A_3410] {strides = array<i32>} : memref<1024xi32, #tpu.memory_space<vmem>>, vector<16xi32>,
      tpu.vector_store %arg10[%swap3A_3410], %select_n3A_3358 {strides = array<i32>} : memref<1024xi32, #tpu.memory_space<vmem>>, vector<16xi32>,
      %swap3A_3412 = arith.index_cast %mul3A_3405 : i32 to index
      %swap3A_3413 = tpu.vector_load %arg11[%swap3A_3412] {strides = array<i32>} : memref<1024xi32, #tpu.memory_space<vmem>>, vector<16xi32>,
      tpu.vector_store %arg11[%swap3A_3412], %select_n3A_3355 {strides = array<i32>} : memref<1024xi32, #tpu.memory_space<vmem>>, vector<16xi32>,
      %mul3A_3414 = arith.constant 4 : i32
      %mul3A_3415 = arith.muli %scan3A_169, %mul3A_3414 : i32
      %add3A_3416 = arith.constant 3 : i32
      %add3A_3417 = arith.addi %mul3A_3415, %add3A_3416 : i32
      %mul3A_3418 = arith.constant 16 : i32
      %mul3A_3419 = arith.muli %add3A_3417, %mul3A_3418 : i32
      %swap3A_3420 = arith.index_cast %mul3A_3419 : i32 to index
      %swap3A_3421 = tpu.vector_load %arg8[%swap3A_3420] {strides = array<i32>} : memref<1024xf32, #tpu.memory_space<vmem>>, vector<16xf32>,
      tpu.vector_store %arg8[%swap3A_3420], %max3A_3371 {strides = array<i32>} : memref<1024xf32, #tpu.memory_space<vmem>>, vector<16xf32>,
      %swap3A_3422 = arith.index_cast %mul3A_3419 : i32 to index
      %swap3A_3423 = tpu.vector_load %arg9[%swap3A_3422] {strides = array<i32>} : memref<1024xf32, #tpu.memory_space<vmem>>, vector<16xf32>,
      tpu.vector_store %arg9[%swap3A_3422], %max3A_3369 {strides = array<i32>} : memref<1024xf32, #tpu.memory_space<vmem>>, vector<16xf32>,
      %swap3A_3424 = arith.index_cast %mul3A_3419 : i32 to index
      %swap3A_3425 = tpu.vector_load %arg10[%swap3A_3424] {strides = array<i32>} : memref<1024xi32, #tpu.memory_space<vmem>>, vector<16xi32>,
      tpu.vector_store %arg10[%swap3A_3424], %select_n3A_3370 {strides = array<i32>} : memref<1024xi32, #tpu.memory_space<vmem>>, vector<16xi32>,
      %swap3A_3426 = arith.index_cast %mul3A_3419 : i32 to index
      %swap3A_3427 = tpu.vector_load %arg11[%swap3A_3426] {strides = array<i32>} : memref<1024xi32, #tpu.memory_space<vmem>>, vector<16xi32>,
      tpu.vector_store %arg11[%swap3A_3426], %select_n3A_3367 {strides = array<i32>} : memref<1024xi32, #tpu.memory_space<vmem>>, vector<16xi32>,
    }
    %scan3A_168 = arith.constant 16 : i32
    "tpu.region"() ({
      %run_scoped3A = tpu.sem_alloc : memref<!tpu.dma_semaphore, #tpu.memory_space<semaphore_mem>>
      %dma_start3A = tpu.memref_slice %arg3[%mul3A_2] : memref<32768xf32, #tpu.memory_space<hbm>> -> memref<1024xf32, #tpu.memory_space<hbm>>
      %dma_start3A_169 = tpu.memref_slice %arg3[%mul3A_2] : memref<32768xf32, #tpu.memory_space<hbm>> -> memref<1024xf32, #tpu.memory_space<hbm>>
      tpu.enqueue_dma source(%arg8 : memref<1024xf32, #tpu.memory_space<vmem>>) target(%dma_start3A_169 : memref<1024xf32, #tpu.memory_space<hbm>>) target_semaphore(%run_scoped3A : memref<!tpu.dma_semaphore, #tpu.memory_space<semaphore_mem>>)
      %dma_wait3A = tpu.memref_slice %arg3[%mul3A_2] : memref<32768xf32, #tpu.memory_space<hbm>> -> memref<1024xf32, #tpu.memory_space<hbm>>
      %dma_wait3A_170 = tpu.memref_slice %arg3[%mul3A_2] : memref<32768xf32, #tpu.memory_space<hbm>> -> memref<1024xf32, #tpu.memory_space<hbm>>
      tpu.wait_dma2 semaphore(%run_scoped3A : memref<!tpu.dma_semaphore, #tpu.memory_space<semaphore_mem>>) src(%arg8 : memref<1024xf32, #tpu.memory_space<vmem>>) dst(%dma_wait3A_170 : memref<1024xf32, #tpu.memory_space<hbm>>)
      tpu.yield
    }) : () -> ()
    "tpu.region"() ({
      %run_scoped3A = tpu.sem_alloc : memref<!tpu.dma_semaphore, #tpu.memory_space<semaphore_mem>>
      %dma_start3A = tpu.memref_slice %arg4[%mul3A_2] : memref<32768xf32, #tpu.memory_space<hbm>> -> memref<1024xf32, #tpu.memory_space<hbm>>
      %dma_start3A_169 = tpu.memref_slice %arg4[%mul3A_2] : memref<32768xf32, #tpu.memory_space<hbm>> -> memref<1024xf32, #tpu.memory_space<hbm>>
      tpu.enqueue_dma source(%arg9 : memref<1024xf32, #tpu.memory_space<vmem>>) target(%dma_start3A_169 : memref<1024xf32, #tpu.memory_space<hbm>>) target_semaphore(%run_scoped3A : memref<!tpu.dma_semaphore, #tpu.memory_space<semaphore_mem>>)
      %dma_wait3A = tpu.memref_slice %arg4[%mul3A_2] : memref<32768xf32, #tpu.memory_space<hbm>> -> memref<1024xf32, #tpu.memory_space<hbm>>
      %dma_wait3A_170 = tpu.memref_slice %arg4[%mul3A_2] : memref<32768xf32, #tpu.memory_space<hbm>> -> memref<1024xf32, #tpu.memory_space<hbm>>
      tpu.wait_dma2 semaphore(%run_scoped3A : memref<!tpu.dma_semaphore, #tpu.memory_space<semaphore_mem>>) src(%arg9 : memref<1024xf32, #tpu.memory_space<vmem>>) dst(%dma_wait3A_170 : memref<1024xf32, #tpu.memory_space<hbm>>)
      tpu.yield
    }) : () -> ()
    "tpu.region"() ({
      %run_scoped3A = tpu.sem_alloc : memref<!tpu.dma_semaphore, #tpu.memory_space<semaphore_mem>>
      %dma_start3A = tpu.memref_slice %arg5[%mul3A_2] : memref<32768xi32, #tpu.memory_space<hbm>> -> memref<1024xi32, #tpu.memory_space<hbm>>
      %dma_start3A_169 = tpu.memref_slice %arg5[%mul3A_2] : memref<32768xi32, #tpu.memory_space<hbm>> -> memref<1024xi32, #tpu.memory_space<hbm>>
      tpu.enqueue_dma source(%arg10 : memref<1024xi32, #tpu.memory_space<vmem>>) target(%dma_start3A_169 : memref<1024xi32, #tpu.memory_space<hbm>>) target_semaphore(%run_scoped3A : memref<!tpu.dma_semaphore, #tpu.memory_space<semaphore_mem>>)
      %dma_wait3A = tpu.memref_slice %arg5[%mul3A_2] : memref<32768xi32, #tpu.memory_space<hbm>> -> memref<1024xi32, #tpu.memory_space<hbm>>
      %dma_wait3A_170 = tpu.memref_slice %arg5[%mul3A_2] : memref<32768xi32, #tpu.memory_space<hbm>> -> memref<1024xi32, #tpu.memory_space<hbm>>
      tpu.wait_dma2 semaphore(%run_scoped3A : memref<!tpu.dma_semaphore, #tpu.memory_space<semaphore_mem>>) src(%arg10 : memref<1024xi32, #tpu.memory_space<vmem>>) dst(%dma_wait3A_170 : memref<1024xi32, #tpu.memory_space<hbm>>)
      tpu.yield
    }) : () -> ()
    "tpu.region"() ({
      %run_scoped3A = tpu.sem_alloc : memref<!tpu.dma_semaphore, #tpu.memory_space<semaphore_mem>>
      %dma_start3A = tpu.memref_slice %arg6[%mul3A_2] : memref<32768xi32, #tpu.memory_space<hbm>> -> memref<1024xi32, #tpu.memory_space<hbm>>
      %dma_start3A_169 = tpu.memref_slice %arg6[%mul3A_2] : memref<32768xi32, #tpu.memory_space<hbm>> -> memref<1024xi32, #tpu.memory_space<hbm>>
      tpu.enqueue_dma source(%arg11 : memref<1024xi32, #tpu.memory_space<vmem>>) target(%dma_start3A_169 : memref<1024xi32, #tpu.memory_space<hbm>>) target_semaphore(%run_scoped3A : memref<!tpu.dma_semaphore, #tpu.memory_space<semaphore_mem>>)
      %dma_wait3A = tpu.memref_slice %arg6[%mul3A_2] : memref<32768xi32, #tpu.memory_space<hbm>> -> memref<1024xi32, #tpu.memory_space<hbm>>
      %dma_wait3A_170 = tpu.memref_slice %arg6[%mul3A_2] : memref<32768xi32, #tpu.memory_space<hbm>> -> memref<1024xi32, #tpu.memory_space<hbm>>
      tpu.wait_dma2 semaphore(%run_scoped3A : memref<!tpu.dma_semaphore, #tpu.memory_space<semaphore_mem>>) src(%arg11 : memref<1024xi32, #tpu.memory_space<vmem>>) dst(%dma_wait3A_170 : memref<1024xi32, #tpu.memory_space<hbm>>)
      tpu.yield
    }) : () -> ()
    return
  }
}

module attributes {stable_mosaic.version = 14 : i64} {
  func.func @_dense_body_t(%arg0: i32, %arg1: memref<4096x768xf32, #tpu.memory_space<vmem>>, %arg2: memref<64x768xf32, #tpu.memory_space<vmem>>, %arg3: memref<64x1xf32, #tpu.memory_space<vmem>>, %arg4: memref<64x4096xf32, #tpu.memory_space<vmem>>) attributes {dimension_semantics = [#tpu.dimension_semantics<arbitrary>], iteration_bounds = array<i64: 8>, scalar_prefetch = 0 : i64, scratch_operands = 0 : i64, tpu.core_type = #tpu.core_type<tc>, window_params = [{transform_indices = @transform_0, window_bounds = array<i64: 4096, 768>}, {pipeline_mode = #tpu.pipeline_mode<synchronous>, transform_indices = @transform_1, window_bounds = array<i64: 64, 768>}, {pipeline_mode = #tpu.pipeline_mode<synchronous>, transform_indices = @transform_2, window_bounds = array<i64: 64, 1>}, {transform_indices = @transform_3, window_bounds = array<i64: 64, 4096>}]} {
    %get3A = arith.constant 0 : index
    %get3A_0 = arith.constant 0 : index
    %get3A_1 = vector.load %arg1[%get3A, %get3A_0] : memref<4096x768xf32, #tpu.memory_space<vmem>>, vector<4096x768xf32>
    %get3A_2 = arith.constant 0 : index
    %get3A_3 = arith.constant 0 : index
    %get3A_4 = vector.load %arg2[%get3A_2, %get3A_3] : memref<64x768xf32, #tpu.memory_space<vmem>>, vector<64x768xf32>
    %dot_general3A = arith.constant dense<0.000000e+00> : vector<64x4096xf32>
    %dot_general3A_5 = tpu.matmul %get3A_4, %get3A_1, %dot_general3A {dimension_numbers = #tpu.dot_dimension_numbers<[1], [1], [0], [0], [0, 0, 1, 0], [], []>, transpose_lhs_hint = false} : vector<64x768xf32>, vector<4096x768xf32>, vector<64x4096xf32> -> vector<64x4096xf32>
    %get3A_6 = arith.constant 0 : index
    %get3A_7 = arith.constant 0 : index
    %get3A_8 = vector.load %arg3[%get3A_6, %get3A_7] : memref<64x1xf32, #tpu.memory_space<vmem>>, vector<64x1xf32>
    %add3A = vector.broadcast %get3A_8 : vector<64x1xf32> to vector<64x4096xf32>
    %add3A_9 = arith.addf %dot_general3A_5, %add3A : vector<64x4096xf32>
    %reduce_max3A = arith.constant dense<0xFF800000> : vector<4096xf32>
    %reduce_max3A_10 = vector.multi_reduction <maximumf>, %add3A_9, %reduce_max3A [0] : vector<64x4096xf32> to vector<4096xf32>
    %broadcast_in_dim3A = vector.shape_cast %reduce_max3A_10 : vector<4096xf32> to vector<1x4096xf32>
    %sub3A = vector.broadcast %broadcast_in_dim3A : vector<1x4096xf32> to vector<64x4096xf32>
    %sub3A_11 = arith.subf %add3A_9, %sub3A : vector<64x4096xf32>
    %exp3A = math.exp %sub3A_11 : vector<64x4096xf32>
    %reduce_sum3A = arith.constant dense<0.000000e+00> : vector<4096xf32>
    %reduce_sum3A_12 = vector.multi_reduction <add>, %exp3A, %reduce_sum3A [0] : vector<64x4096xf32> to vector<4096xf32>
    %broadcast_in_dim3A_13 = vector.shape_cast %reduce_sum3A_12 : vector<4096xf32> to vector<1x4096xf32>
    %div3A = arith.constant 1.000000e+00 : f32
    %div3A_14 = vector.broadcast %div3A : f32 to vector<1x4096xf32>
    %div3A_15 = arith.divf %div3A_14, %broadcast_in_dim3A_13 : vector<1x4096xf32>
    %mul3A = vector.broadcast %div3A_15 : vector<1x4096xf32> to vector<64x4096xf32>
    %mul3A_16 = arith.mulf %exp3A, %mul3A : vector<64x4096xf32>
    %swap3A = arith.constant 0 : index
    %swap3A_17 = arith.constant 0 : index
    %swap3A_18 = vector.load %arg4[%swap3A, %swap3A_17] : memref<64x4096xf32, #tpu.memory_space<vmem>>, vector<64x4096xf32>
    tpu.vector_store %arg4[%swap3A, %swap3A_17], %mul3A_16 {strides = array<i32>} : memref<64x4096xf32, #tpu.memory_space<vmem>>, vector<64x4096xf32>,
    return
  }
  func.func @transform_0(%arg0: i32) -> (i32, i32) {
    %c0_i32 = arith.constant 0 : i32
    %c0_i32_0 = arith.constant 0 : i32
    return %arg0, %c0_i32 : i32, i32
  }
  func.func @transform_1(%arg0: i32) -> (i32, i32) {
    %c0_i32 = arith.constant 0 : i32
    %c0_i32_0 = arith.constant 0 : i32
    %c0_i32_1 = arith.constant 0 : i32
    return %c0_i32, %c0_i32_0 : i32, i32
  }
  func.func @transform_2(%arg0: i32) -> (i32, i32) {
    %c0_i32 = arith.constant 0 : i32
    %c0_i32_0 = arith.constant 0 : i32
    %c0_i32_1 = arith.constant 0 : i32
    return %c0_i32, %c0_i32_0 : i32, i32
  }
  func.func @transform_3(%arg0: i32) -> (i32, i32) {
    %c0_i32 = arith.constant 0 : i32
    %c0_i32_0 = arith.constant 0 : i32
    return %c0_i32, %arg0 : i32, i32
  }
}

</mosaic_0001>

<sc_bundles>
// kernel: kernel.4.cloned.1.call-start
scs
__scs_entry_jumppad:
0x0: {  	(pc) =	sbr.rel $0x88, $3  }
0x1: {  	(tag) =	ssettag $0x0;
	lr =	simm.s32 $0x1  }
0x2: {  	[smem:$0x3F9E] =	sst lr;
	_ =	strace $0xD0000000  }
0x3: {  	_ = 	snop  }
0x4: {  	_ = 	snop  }
0x5: {  	_ = 	snop  }
0x6: {  	_ = 	snop  }
0x7: {  	_ = 	snop  }
__scs_overlays_trampoline_lowered:
0x8: {  	[smem:$0x3FAD] =	sst s0  }
0x9: {  	[smem:$0x3FAE] =	sst s1  }
0xa: {  	[smem:$0x3FAF] =	sst s2  }
0xb: {  	[smem:$0x3FB0] =	sst s3  }
0xc: {  	[smem:$0x3FB1] =	sst s4  }
0xd: {  	[smem:$0x3FB2] =	sst s5  }
0xe: {  	[smem:$0x3FB3] =	sst s6  }
0xf: {  	[smem:$0x3FB4] =	sst s7  }
0x10: {  	[smem:$0x3FB5] =	sst s8  }
0x11: {  	[smem:$0x3FB6] =	sst s9;
	s0 =	simm.s32 @!p0 $0x0  }
0x12: {  	s1 =	sld [smem:$0x3F9C];
	s0 =	simm.s32 @p0 $0x1  }
0x13: {  	[smem:$0x3FB7] =	sst s0;
	s0 =	simm.s32 @!p1 $0x0  }
0x14: {  	s2 =	sld [smem:$0x3F9B];
	s0 =	simm.s32 @p1 $0x1  }
0x15: {  	[smem:$0x3FB8] =	sst s0;
	s0 =	simm.s32 @!p2 $0x0  }
0x16: {  	s3 =	sld [smem:$0x3FDB];
	s0 =	simm.s32 @p2 $0x1  }
0x17: {  	s4 =	simm.s32 $0x1BF5;
	[smem:$0x3FBA] =	sst s0  }
0x18: {  	s0 =	sld [smem:$0x3F9D];
	_ =	swait.ge [sflag:s4], $0x0  }
0x19: {  	s7 =	sld [smem:$0x3F9E]  }
0x1a: {  	s8 =	sadd.s32 $0xFFFFE003, lr  }
0x1b: {  	s9 =	sadd.s32 $0xFFFFFEF7, lr;
	s5 =	simm.s32 $0xFFFFFFFF;
	p2 =	slt.u32 s8, $0xFFFFF086  }
0x1c: {  	p1 =	slt.u32 s9, $0xF7A;
	s5 =	simm.s32 @!p2 $0x0  }
0x1d: {  	s5 =	simm.s32 @p1 $0x1;
	p0 =	seq.s32 s7, s2  }
0x1e: {  	s7 =	smul.u32 @!p0 $0xF7A, s2;
	p2 =	seq.s32 @!p0 s5, $0x0  }
0x1f: {  	s9 =	smul.u32 $0xF7A, s1;
	s8 =	simm.s32 @!p0 $0x1BF5;
	p2 =	por !p2, p0  }
0x20: {  	[sflag:s8] =	ssyncset.s32 @!p0 $0xFFFFF086;
	s6 =	sadd.s32 @!p0 s3, s7;
	s7 =	simm.s32 @!p0 $0x108  }
0x21: {  	s3 =	sadd.s32 s3, s9;
	s6 =	sadd.s32 @!p0 $0x88, s6;
	s7 =	simm.s32 @p2 $0x1082  }
0x22: {  	[simem:s7], [sflag:s8] =	dma.local @!p0 [hbm:s6], $0xF7A  }
0x23: {  	s9 =	sor.u32 $0xD0000000, s2;
	s6 =	simm.s32 $0x108;
	_ =	swait.ge @!p0 [sflag:s8], $0x0  }
0x24: {  	s3 =	sadd.s32 $0x88, s3;
	s6 =	simm.s32 @!p1 $0x1082;
	[sflag:s4] =	ssyncset.s32 $0xFFFFF086  }
0x25: {  	[simem:s6], [sflag:s4] =	dma.local [hbm:s3], $0xF7A  }
0x26: {  	[smem:$0x3F9E] =	sst s1;
	(tag) =	ssettag s2;
	_ =	strace s9  }
0x27: {  	s1 =	sld [smem:$0x3FAE]  }
0x28: {  	s2 =	sld [smem:$0x3FAF]  }
0x29: {  	s4 =	sld [smem:$0x3FB1]  }
0x2a: {  	p0 =	seq.s32 s5, $0x0;
	s5 =	sld [smem:$0x3FB2]  }
0x2b: {  	s6 =	sld [smem:$0x3FB3]  }
0x2c: {  	s7 =	sld [smem:$0x3FB4]  }
0x2d: {  	s3 =	simm.s32 $0x108;
	s8 =	sld [smem:$0x3FB5]  }
0x2e: {  	s3 =	simm.s32 @!p0 $0x1082;
	s9 =	sld [smem:$0x3FB6]  }
0x2f: {  	lr =	sadd.s32 s0, s3;
	s0 =	sld [smem:$0x3FAD]  }
0x30: {  	s3 =	sld [smem:$0x3FB0]  }
0x31: {  	[smem:$0x3FB9] =	sst s10  }
0x32: {  	s10 =	sld [smem:$0x3FB7];
	_ =	sdelay $0x3  }
0x33: {  	p0 =	seq.s32 s10, $0x1;
	s10 =	sld [smem:$0x3FB9];
	_ =	sdelay $0x3  }
0x34: {  	[smem:$0x3FB9] =	sst s10  }
0x35: {  	s10 =	sld [smem:$0x3FB8];
	_ =	sdelay $0x3  }
0x36: {  	p1 =	seq.s32 s10, $0x1;
	s10 =	sld [smem:$0x3FB9];
	_ =	sdelay $0x3  }
0x37: {  	[smem:$0x3FB9] =	sst s10  }
0x38: {  	s10 =	sld [smem:$0x3FBA]  }
0x39: {  	_ = 	snop;
	(pc) =	sbr.ind lr, $3  }
0x3a: {  	_ = 	snop  }
0x3b: {  	_ = 	snop  }
0x3c: {  	p2 =	seq.s32 s10, $0x1;
	s10 =	sld [smem:$0x3FB9]  }
0x3d: {  	_ =	shalt  }
0x3e: {  	_ =	shalt  }
0x3f: {  	_ =	shalt  }
0x40: {  	_ =	shalt  }
0x41: {  	_ =	shalt  }
0x42: {  	_ =	shalt  }
0x43: {  	_ =	shalt  }
0x44: {  	_ =	shalt  }
0x45: {  	_ =	shalt  }
0x46: {  	_ =	shalt  }
0x47: {  	_ =	shalt  }
0x48: {  	_ =	shalt  }
0x49: {  	_ =	shalt  }
0x4a: {  	_ =	shalt  }
0x4b: {  	_ =	shalt  }
0x4c: {  	_ =	shalt  }
0x4d: {  	_ =	shalt  }
0x4e: {  	_ =	shalt  }
0x4f: {  	_ =	shalt  }
0x50: {  	_ =	shalt  }
0x51: {  	_ =	shalt  }
0x52: {  	_ =	shalt  }
0x53: {  	_ =	shalt  }
0x54: {  	_ =	shalt  }
0x55: {  	_ =	shalt  }
0x56: {  	_ =	shalt  }
0x57: {  	_ =	shalt  }
0x58: {  	_ =	shalt  }
0x59: {  	_ =	shalt  }
0x5a: {  	_ =	shalt  }
0x5b: {  	_ =	shalt  }
0x5c: {  	_ =	shalt  }
0x5d: {  	_ =	shalt  }
0x5e: {  	_ =	shalt  }
0x5f: {  	_ =	shalt  }
0x60: {  	_ =	shalt  }
0x61: {  	_ =	shalt  }
0x62: {  	_ =	shalt  }
0x63: {  	_ =	shalt  }
0x64: {  	_ =	shalt  }
0x65: {  	_ =	shalt  }
0x66: {  	_ =	shalt  }
0x67: {  	_ =	shalt  }
0x68: {  	_ =	shalt  }
0x69: {  	_ =	shalt  }
0x6a: {  	_ =	shalt  }
0x6b: {  	_ =	shalt  }
0x6c: {  	_ =	shalt  }
0x6d: {  	_ =	shalt  }
0x6e: {  	_ =	shalt  }
0x6f: {  	_ =	shalt  }
0x70: {  	_ =	shalt  }
0x71: {  	_ =	shalt  }
0x72: {  	_ =	shalt  }
0x73: {  	_ =	shalt  }
0x74: {  	_ =	shalt  }
0x75: {  	_ =	shalt  }
0x76: {  	_ =	shalt  }
0x77: {  	_ =	shalt  }
0x78: {  	_ =	shalt  }
0x79: {  	_ =	shalt  }
0x7a: {  	_ =	shalt  }
0x7b: {  	_ =	shalt  }
0x7c: {  	_ =	shalt  }
0x7d: {  	_ =	shalt  }
0x7e: {  	_ =	shalt  }
0x7f: {  	_ =	shalt  }
0x80: {  	_ =	shalt  }
0x81: {  	_ =	shalt  }
0x82: {  	_ =	shalt  }
0x83: {  	_ =	shalt  }
0x84: {  	_ =	shalt  }
0x85: {  	_ =	shalt  }
0x86: {  	_ =	shalt  }
0x87: {  	_ =	shalt  }
.Lfunc_end0:
.L_simem_size_0:
called_computation_lowered:
.L_overlay_start_0:
0x88: {  	s2 =	sld [smem:$0x3FD9]  }
0x89: {  	s3 =	sld [smem:$0x3FFE];
	_ =	sdelay $0x1  }
0x8a: {  	s1 =	srdreg.scid  }
0x8b: {  	s0 =	sand.u32 $0x1, s1  }
0x8c: {  	s14 =	sshll.u32 s0, $0xA;
	s2 =	sadd.s32 s3, s2  }
0x8d: {  	s2 =	sadd.s32 s2, s14  }
0x8e: {  	[smem:$0x3FC5] =	sst s2  }
0x8f: {  	_ = 	snop  }
0x90: {  	s2 =	sld [smem:$0x3FD0];
	_ =	sdelay $0x2  }
0x91: {  	s15 =	simm.s32 $0xA;
	s4 =	simm.s32 $0x10  }
0x92: {  	[smem:s4], [sflag:s15] =	dma.local [hbm:s2], $0x1  }
0x93: {  	_ =	swait.eq [sflag:s15], $0x1  }
0x94: {  	[sflag:s15] =	ssyncset.done $0x0  }
0x95: {  	[sflag:s15] =	ssyncadd.s32 $0xFFFFFFFF  }
0x96: {  	s16 =	sld [smem:$0x11];
	(tm) =	ssettm $0x1  }
0x97: {  	s17 =	sld [smem:$0x3FFB];
	_ =	sdelay $0x3  }
0x98: {  	_ =	strace s17  }
0x99: {  	s3 =	sld [smem:$0x3FFC];
	_ =	sdelay $0x3  }
0x9a: {  	_ =	strace s3  }
0x9b: {  	s3 =	sld [smem:$0x3FFD];
	_ =	sdelay $0x3  }
0x9c: {  	_ =	strace s3  }
0x9d: {  	_ =	strace $0x8FFFFFFF  }
0x9e: {  	s18 =	sld [smem:$0x3FDB];
	_ =	sdelay $0x1  }
0x9f: {  	s19 =	simm.s32 $_scs_section_size  }
0xa0: {  	s5 =	simm.s32 $_size__tile_overlayer_lowered;
	s6 =	simm.s32 $_tile_overlayer_lowered  }
0xa1: {  	s22 =	simm.s32 $0x1BFF;
	s21 =	sshll.u32 s6, $0x1;
	s3 =	sadd.s32 s19, s18  }
0xa2: {  	s7 =	simm.s32 $0x0;
	s20 =	sshll.u32 s5, $0x1;
	s5 =	sadd.s32 s21, s3  }
0xa3: {  	[timem:s7], [sflag:s22] =	dma.local [hbm:s5], s20  }
0xa4: {  	_ =	swait.ge [sflag:s22], s20  }
0xa5: {  	s4 =	ssub.s32 $0x0, s20;
	[sflag:s22] =	ssyncset.done $0x0  }
0xa6: {  	[sflag:s22] =	ssyncadd.s32 s4;
	_ =	sdelay $0x1  }
0xa7: {  	s23 =	simm.s32 $0x1B8B  }
0xa8: {  	_ =	swait.ge [sflag:s23], $0x1  }
0xa9: {  	[sflag:s23] =	ssyncset.done $0x0  }
0xaa: {  	s25 =	simm.s32 $0x1B8E;
	s24 =	sld [smem:$0x3FFE];
	[sflag:s23] =	ssyncadd.s32 $0xFFFFFFFF  }
0xab: {  	s26 =	simm.s32 $execute0_lowered;
	[smem:$0x3FD2] =	sst s25  }
0xac: {  	s5 =	sshll.u32 s26, $0x1;
	_ =	strace $0x80000046;
	[dreg:$0x1] =	wrdreg $0xFFFFFFFF  }
0xad: {  	s28 =	simm.s32 $_size_execute0_lowered;
	s3 =	sadd.s32 s3, s5;
	[dreg:$0x0] =	wrdreg $0x0  }
0xae: {  	s5 =	sshll.u32 s28, $0x1;
	[dreg:$0x2] =	wrdreg s3  }
0xaf: {  	[dreg:$0x3] =	wrdreg s5  }
0xb0: {  	[dreg:$0x4] =	wrdreg $0xC0  }
0xb1: {  	_ =	task [dreg:s7], $0x5FFFF  }
0xb2: {  	[dreg:$0x1] =	wrdreg $0xFFFFFFFF  }
0xb3: {  	[dreg:$0x0] =	wrdreg $0x60  }
0xb4: {  	[dreg:$0x2] =	wrdreg s24  }
0xb5: {  	[dreg:$0x3] =	wrdreg s16  }
0xb6: {  	[dreg:$0x4] =	wrdreg $0x9  }
0xb7: {  	_ =	task.clear_ibuf [dreg:s7], $0x5FFFF;
	_ =	strace $0x90000046  }
0xb8: {  	s29 =	simm.s32 $0x9;
	_ =	strace $0x80000048  }
0xb9: {  	_ =	swait.ge [sflag:s29], $0x1  }
0xba: {  	[sflag:s29] =	ssyncadd.s32 $0xFFFFFFFF  }
0xbb: {  	_ =	strace $0x90000048  }
0xbc: {  	_ =	sfence  }
0xbd: {  	s30 =	sld [smem:$0x0];
	_ =	sdelay $0x2  }
0xbe: {  	s31 =	sshll.u32 s1, $0xD;
	s1 =	sshrl.u32 s1, $0x2  }
0xbf: {  	s3 =	sand.u32 $0x4000, s31;
	s1 =	sadd.s32 s1, s30  }
0xc0: {  	s0 =	sor.u32 s3, s0;
	s1 =	sshll.u32 s1, $0x11  }
0xc1: {  	s0 =	sor.u32 s1, s0  }
0xc2: {  	s0 =	sadd.s32 $0x8F2B, s0  }
0xc3: {  	[sflag:s0] =	ssyncadd.remote.s32 $0x1  }
0xc4: {  	_ =	sfence.sel $0xFFFF  }
0xc5: {  	[dreg:$0x0] =	wrdreg $0xFFFFFFFF;
	(pc) =	sbr.abs _section_cstart, $3  }
0xc6: {  	[dreg:$0x1] =	wrdreg $0xFFFFFFFF  }
0xc7: {  	_ =	task.clear_ibuf [dreg:s7], $0x2FFFF;
	_ =	strace $0x9FFFFFFF  }
0xc8: {  	(tm) =	ssettm $0x7FFFFFFF  }
0xc9: {  	_ =	shalt  }
tec
execute0_lowered:
.L_overlay_start_1:
0x0: {  	(tag) =	ssettag $0x1  }
0x1: {  	v0 =	vlaneseq.u32  }
0x2: {  	v0 =	vmul.u32 $0x41, v0;
	_ =	sdelay $0x1  }
0x3: {  	v1 =	vadd.s32 $0x3, v0  }
0x4: {  	[tilespmem:$0x1FC20] =	vst v1;
	v1 =	vadd.s32 $0x4, v0  }
0x5: {  	[tilespmem:$0x1FC30] =	vst v1;
	v1 =	vadd.s32 $0x5, v0  }
0x6: {  	[tilespmem:$0x1FC40] =	vst v1;
	v1 =	vadd.s32 $0x6, v0  }
0x7: {  	[tilespmem:$0x1FC50] =	vst v1;
	v1 =	vadd.s32 $0x7, v0  }
0x8: {  	[tilespmem:$0x1FC60] =	vst v1;
	v1 =	vadd.s32 $0x8, v0  }
0x9: {  	[tilespmem:$0x1FC70] =	vst v1;
	v1 =	vadd.s32 $0x9, v0  }
0xa: {  	[tilespmem:$0x1FC80] =	vst v1;
	v1 =	vadd.s32 $0xA, v0  }
0xb: {  	[tilespmem:$0x1FC90] =	vst v1;
	v1 =	vadd.s32 $0xB, v0  }
0xc: {  	[tilespmem:$0x1FCA0] =	vst v1;
	v1 =	vadd.s32 $0xC, v0  }
0xd: {  	[tilespmem:$0x1FCB0] =	vst v1;
	v1 =	vadd.s32 $0xD, v0  }
0xe: {  	[tilespmem:$0x1FCC0] =	vst v1;
	v1 =	vadd.s32 $0xE, v0  }
0xf: {  	[tilespmem:$0x1FCD0] =	vst v1;
	v1 =	vadd.s32 $0xF, v0  }
0x10: {  	[tilespmem:$0x1FCE0] =	vst v1;
	v1 =	vadd.s32 $0x10, v0  }
0x11: {  	[tilespmem:$0x1FCF0] =	vst v1;
	v1 =	vadd.s32 $0x11, v0  }
0x12: {  	[tilespmem:$0x1FD00] =	vst v1;
	v1 =	vadd.s32 $0x12, v0  }
0x13: {  	[tilespmem:$0x1FD10] =	vst v1;
	v1 =	vadd.s32 $0x13, v0  }
0x14: {  	[tilespmem:$0x1FD20] =	vst v1;
	v1 =	vadd.s32 $0x14, v0  }
0x15: {  	[tilespmem:$0x1FD30] =	vst v1;
	v1 =	vadd.s32 $0x15, v0  }
0x16: {  	[tilespmem:$0x1FD40] =	vst v1;
	v1 =	vadd.s32 $0x16, v0  }
0x17: {  	[tilespmem:$0x1FD50] =	vst v1;
	v1 =	vadd.s32 $0x17, v0  }
0x18: {  	[tilespmem:$0x1FD60] =	vst v1;
	v1 =	vadd.s32 $0x18, v0  }
0x19: {  	[tilespmem:$0x1FD70] =	vst v1;
	v1 =	vadd.s32 $0x19, v0  }
0x1a: {  	[tilespmem:$0x1FD80] =	vst v1;
	v1 =	vadd.s32 $0x1A, v0  }
0x1b: {  	[tilespmem:$0x1FD90] =	vst v1;
	v1 =	vadd.s32 $0x1B, v0  }
0x1c: {  	[tilespmem:$0x1FDA0] =	vst v1;
	v1 =	vadd.s32 $0x1C, v0  }
0x1d: {  	[tilespmem:$0x1FDB0] =	vst v1;
	v1 =	vadd.s32 $0x1D, v0  }
0x1e: {  	[tilespmem:$0x1FDC0] =	vst v1;
	v1 =	vadd.s32 $0x1E, v0  }
0x1f: {  	[tilespmem:$0x1FDD0] =	vst v1;
	v1 =	vadd.s32 $0x1F, v0  }
0x20: {  	[tilespmem:$0x1FDE0] =	vst v1;
	v1 =	vadd.s32 $0x20, v0  }
0x21: {  	[tilespmem:$0x1FDF0] =	vst v1;
	v1 =	vadd.s32 $0x21, v0  }
0x22: {  	[tilespmem:$0x1FE00] =	vst v1;
	v1 =	vadd.s32 $0x22, v0  }
0x23: {  	[tilespmem:$0x1FE10] =	vst v1;
	v1 =	vadd.s32 $0x23, v0  }
0x24: {  	[tilespmem:$0x1FE20] =	vst v1;
	v1 =	vadd.s32 $0x24, v0  }
0x25: {  	[tilespmem:$0x1FE30] =	vst v1;
	v1 =	vadd.s32 $0x25, v0  }
0x26: {  	[tilespmem:$0x1FE40] =	vst v1;
	v1 =	vadd.s32 $0x26, v0  }
0x27: {  	[tilespmem:$0x1FE50] =	vst v1;
	v1 =	vadd.s32 $0x27, v0  }
0x28: {  	s3 =	rddreg [dreg:$0x0];
	[tilespmem:$0x1FE60] =	vst v1;
	v1 =	vadd.s32 $0x28, v0  }
0x29: {  	s4 =	rddreg [dreg:$0x1];
	s2 =	simm.s32 $0x0;
	[tilespmem:$0x1FE70] =	vst v1;
	v1 =	vadd.s32 $0x29, v0  }
0x2a: {  	[smem:$0x7FF] =	sst s2;
	[tilespmem:$0x1FE80] =	vst v1;
	v1 =	vadd.s32 $0x2A, v0  }
0x2b: {  	s0 =	rddreg [dreg:$0x2];
	v11 =	vadd.s32 $0x1, v0;
	_ =	strace $0x80000047;
	[tilespmem:$0x1FE90] =	vst v1  }
0x2c: {  	v25 =	vadd.s32 $0x2, v0;
	[tilespmem:$0x1FFE0] =	vst v11  }
0x2d: {  	v1 =	vadd.s32 $0x2B, v0;
	[tilespmem:$0x1FFF0] =	vst v25  }
0x2e: {  	[tilespmem:$0x1FEA0] =	vst v1;
	v1 =	vadd.s32 $0x2C, v0  }
0x2f: {  	[tilespmem:$0x1FEB0] =	vst v1;
	v1 =	vadd.s32 $0x2D, v0  }
0x30: {  	[tilespmem:$0x1FEC0] =	vst v1;
	v1 =	vadd.s32 $0x2E, v0  }
0x31: {  	[tilespmem:$0x1FED0] =	vst v1;
	v1 =	vadd.s32 $0x2F, v0  }
0x32: {  	[tilespmem:$0x1FEE0] =	vst v1;
	v1 =	vadd.s32 $0x30, v0  }
0x33: {  	[tilespmem:$0x1FEF0] =	vst v1;
	v1 =	vadd.s32 $0x31, v0  }
0x34: {  	[tilespmem:$0x1FF00] =	vst v1;
	v1 =	vadd.s32 $0x32, v0  }
0x35: {  	[tilespmem:$0x1FF10] =	vst v1;
	v1 =	vadd.s32 $0x33, v0  }
0x36: {  	[tilespmem:$0x1FF20] =	vst v1;
	v1 =	vadd.s32 $0x34, v0  }
0x37: {  	[tilespmem:$0x1FF30] =	vst v1;
	v1 =	vadd.s32 $0x35, v0  }
0x38: {  	[tilespmem:$0x1FF40] =	vst v1;
	v1 =	vadd.s32 $0x36, v0  }
0x39: {  	[tilespmem:$0x1FF50] =	vst v1;
	v1 =	vadd.s32 $0x37, v0  }
0x3a: {  	s5 =	srdreg.scid;
	s1 =	stileid.u32;
	s10 =	simm.s32 $0x10400;
	[tilespmem:$0x1FF60] =	vst v1;
	v1 =	vadd.s32 $0x38, v0  }
0x3b: {  	s11 =	simm.s32 $0x10800;
	s5 =	sand.u32 $0x1, s5;
	s6 =	sshll.u32 s1, $0x1;
	[tilespmem:$0x1FF70] =	vst v1;
	v1 =	vadd.s32 $0x39, v0  }
0x3c: {  	s12 =	simm.s32 $0x10C00;
	s13 =	simm.s32 $0x11000;
	s6 =	sor.u32 s5, s6;
	[tilespmem:$0x1FF80] =	vst v1;
	v1 =	vadd.s32 $0x3A, v0  }
0x3d: {  	s14 =	simm.s32 $0x0;
	s5 =	ssub.s32 $0x2, s5;
	s7 =	sshll.u32 s6, $0xD;
	[tilespmem:$0x1FF90] =	vst v1;
	v1 =	vadd.s32 $0x3B, v0  }
0x3e: {  	s6 =	sshll.u32 s6, $0x7;
	s8 =	sshrl.u32 s5, $0x1;
	s7 =	sadd.s32 s7, s3;
	[tilespmem:$0x1FFA0] =	vst v1;
	v1 =	vadd.s32 $0x3C, v0  }
0x3f: {  	s9 =	sadd.s32 s6, s3;
	s8 =	ssub.s32 s5, s8;
	s4 =	sadd.s32 s4, s6;
	[tilespmem:$0x1FFB0] =	vst v1;
	v1 =	vadd.s32 $0x3D, v0  }
0x40: {  	s3 =	sadd.s32 $0xA00, s7;
	s5 =	sadd.s32 $0x40A00, s9;
	s6 =	sadd.s32 $0x41A00, s9;
	[tilespmem:$0x1FFC0] =	vst v1;
	v1 =	vadd.s32 $0x3E, v0  }
0x41: {  	v23 =	vimm.s32 $0x0;
	s7 =	sadd.s32 $0x42A00, s9;
	s8 =	smax.u32 s8, $0x1;
	s9 =	simm.s32 $0x1;
	[tilespmem:$0x1FFD0] =	vst v1  }
.LBB2_1:
0x42: {  	[tilespmem:s2], [sflag:$0x1] =	stream.linear.gather [hbm4b:s3+s2], $0x10000, $0x38;
	[tilespmem:$0x11400] =	vst v63  }
0x43: {  	_ =	swait.ge [sflag:s9], $0x10000  }
0x44: {  	[sflag:s9] =	ssyncset.done $0x0  }
0x45: {  	s15 =	simm.s32 $0x0;
	[sflag:s9] =	ssyncadd.s32 $0xFFFF0000  }
0x46: {  	v1 =	vld [tilespmem:s15+$0xFFB0];
	_ =	sdelay $0x4  }
0x47: {  	[tilespmem:s15+$0x103AE] =	vst v1;
	v1 =	vld [tilespmem:s15+$0xFFA0];
	_ =	sdelay $0x4  }
0x48: {  	[tilespmem:s15+$0x1039E] =	vst v1;
	v1 =	vld [tilespmem:s15+$0xFF90];
	_ =	sdelay $0x4  }
0x49: {  	[tilespmem:s15+$0x1038E] =	vst v1;
	v1 =	vld [tilespmem:s15+$0xFF80];
	_ =	sdelay $0x4  }
0x4a: {  	[tilespmem:s15+$0x1037E] =	vst v1;
	v1 =	vld [tilespmem:s15+$0xFF70];
	_ =	sdelay $0x4  }
0x4b: {  	[tilespmem:s15+$0x1036D] =	vst v1;
	v1 =	vld [tilespmem:s15+$0xFF60];
	_ =	sdelay $0x4  }
0x4c: {  	[tilespmem:s15+$0x1035D] =	vst v1;
	v1 =	vld [tilespmem:s15+$0xFF50];
	_ =	sdelay $0x4  }
0x4d: {  	[tilespmem:s15+$0x1034D] =	vst v1;
	v1 =	vld [tilespmem:s15+$0xFF40];
	_ =	sdelay $0x4  }
0x4e: {  	[tilespmem:s15+$0x1033D] =	vst v1;
	v1 =	vld [tilespmem:s15+$0xFF30];
	_ =	sdelay $0x4  }
0x4f: {  	[tilespmem:s15+$0x1032C] =	vst v1;
	v1 =	vld [tilespmem:s15+$0xFF20];
	_ =	sdelay $0x4  }
0x50: {  	[tilespmem:s15+$0x1031C] =	vst v1;
	v1 =	vld [tilespmem:s15+$0xFF10];
	_ =	sdelay $0x4  }
0x51: {  	[tilespmem:s15+$0x1030C] =	vst v1;
	v1 =	vld [tilespmem:s15+$0xFF00];
	_ =	sdelay $0x4  }
0x52: {  	[tilespmem:s15+$0x102FC] =	vst v1;
	v1 =	vld [tilespmem:s15+$0xFEF0];
	_ =	sdelay $0x4  }
0x53: {  	[tilespmem:s15+$0x102EB] =	vst v1;
	v1 =	vld [tilespmem:s15+$0xFEE0];
	_ =	sdelay $0x4  }
0x54: {  	[tilespmem:s15+$0x102DB] =	vst v1;
	v1 =	vld [tilespmem:s15+$0xFED0];
	_ =	sdelay $0x4  }
0x55: {  	[tilespmem:s15+$0x102CB] =	vst v1;
	v1 =	vld [tilespmem:s15+$0xFEC0];
	_ =	sdelay $0x3  }
0x56: {  	s16 =	simm.s32 $0x1;
	s17 =	simm.s32 $0xFFFFFC00;
	s18 =	simm.s32 $0x0  }
.LBB2_2:
0x57: {  	s19 =	sshra.s32 s17, $0x2;
	s16 =	sadd.s32 $0x4, s16;
	[tilespmem:s15+$0x102BB] =	vst v1  }
0x58: {  	v1 =	vld [tilespmem:s19+$0xFFB0];
	p0 =	slt.u32 s16, $0x3F9;
	_ =	sdelay $0x2  }
0x59: {  	s18 =	sadd.s32 $0xFFFFFBF0, s18  }
0x5a: {  	s15 =	sshra.s32 s18, $0x2  }
0x5b: {  	[tilespmem:s15+$0x103AE] =	vst v1  }
0x5c: {  	v1 =	vld [tilespmem:s19+$0xFFA0];
	_ =	sdelay $0x4  }
0x5d: {  	[tilespmem:s15+$0x1039E] =	vst v1  }
0x5e: {  	v1 =	vld [tilespmem:s19+$0xFF90];
	_ =	sdelay $0x4  }
0x5f: {  	[tilespmem:s15+$0x1038E] =	vst v1  }
0x60: {  	v1 =	vld [tilespmem:s19+$0xFF80];
	_ =	sdelay $0x4  }
0x61: {  	[tilespmem:s15+$0x1037E] =	vst v1  }
0x62: {  	v1 =	vld [tilespmem:s19+$0xFF70];
	_ =	sdelay $0x4  }
0x63: {  	[tilespmem:s15+$0x1036D] =	vst v1  }
0x64: {  	v1 =	vld [tilespmem:s19+$0xFF60];
	_ =	sdelay $0x4  }
0x65: {  	[tilespmem:s15+$0x1035D] =	vst v1  }
0x66: {  	v1 =	vld [tilespmem:s19+$0xFF50];
	_ =	sdelay $0x4  }
0x67: {  	[tilespmem:s15+$0x1034D] =	vst v1  }
0x68: {  	v1 =	vld [tilespmem:s19+$0xFF40];
	_ =	sdelay $0x4  }
0x69: {  	[tilespmem:s15+$0x1033D] =	vst v1  }
0x6a: {  	v1 =	vld [tilespmem:s19+$0xFF30];
	_ =	sdelay $0x4  }
0x6b: {  	[tilespmem:s15+$0x1032C] =	vst v1  }
0x6c: {  	v1 =	vld [tilespmem:s19+$0xFF20];
	_ =	sdelay $0x4  }
0x6d: {  	[tilespmem:s15+$0x1031C] =	vst v1  }
0x6e: {  	v1 =	vld [tilespmem:s19+$0xFF10];
	_ =	sdelay $0x4  }
0x6f: {  	[tilespmem:s15+$0x1030C] =	vst v1  }
0x70: {  	v1 =	vld [tilespmem:s19+$0xFF00];
	_ =	sdelay $0x4  }
0x71: {  	[tilespmem:s15+$0x102FC] =	vst v1  }
0x72: {  	v1 =	vld [tilespmem:s19+$0xFEF0];
	_ =	sdelay $0x4  }
0x73: {  	[tilespmem:s15+$0x102EB] =	vst v1  }
0x74: {  	v1 =	vld [tilespmem:s19+$0xFEE0];
	_ =	sdelay $0x4  }
0x75: {  	[tilespmem:s15+$0x102DB] =	vst v1  }
0x76: {  	v1 =	vld [tilespmem:s19+$0xFED0];
	_ =	sdelay $0x4  }
0x77: {  	[tilespmem:s15+$0x102CB] =	vst v1  }
.Ltmp0:
0x78: {  	v1 =	vld [tilespmem:s19+$0xFEC0];
	(pc) =	sbr.rel @p0 .LBB2_2-.Ltmp0, $2  }
0x79: {  	_ =	sdelay $0x2  }
0x7a: {  	s17 =	sadd.s32 $0xFFFFFC00, s17  }
0x7b: {  	v49 =	vld [tilespmem:$0x1FD90]  }
0x7c: {  	v50 =	vld [tilespmem:$0x1FDA0]  }
0x7d: {  	v51 =	vld [tilespmem:$0x1FDB0]  }
0x7e: {  	v52 =	vld [tilespmem:$0x1FDC0]  }
0x7f: {  	v53 =	vld [tilespmem:$0x1FDD0]  }
0x80: {  	v54 =	vld [tilespmem:$0x1FDE0]  }
0x81: {  	v55 =	vld [tilespmem:$0x1FDF0]  }
0x82: {  	v56 =	vld [tilespmem:$0x1FE00]  }
0x83: {  	v57 =	vld [tilespmem:$0x1FE10]  }
0x84: {  	v58 =	vld [tilespmem:$0x1FE20]  }
0x85: {  	v59 =	vld [tilespmem:$0x1FE30]  }
0x86: {  	v60 =	vld [tilespmem:$0x1FE40]  }
0x87: {  	v61 =	vld [tilespmem:$0x1FE50]  }
0x88: {  	v62 =	vld [tilespmem:$0x1FE60]  }
0x89: {  	v63 =	vld [tilespmem:$0x1FE70]  }
0x8a: {  	v26 =	vld [tilespmem:$0x1FE80]  }
0x8b: {  	v27 =	vld [tilespmem:$0x1FE90]  }
0x8c: {  	v28 =	vld [tilespmem:$0x1FEA0]  }
0x8d: {  	v29 =	vld [tilespmem:$0x1FEB0]  }
0x8e: {  	v30 =	vld [tilespmem:$0x1FEC0]  }
0x8f: {  	v31 =	vld [tilespmem:$0x1FED0]  }
0x90: {  	v32 =	vld [tilespmem:$0x1FEE0]  }
0x91: {  	v33 =	vld [tilespmem:$0x1FEF0]  }
0x92: {  	v34 =	vld [tilespmem:$0x1FF00]  }
0x93: {  	v35 =	vld [tilespmem:$0x1FF10]  }
0x94: {  	v36 =	vld [tilespmem:$0x1FF20]  }
0x95: {  	v37 =	vld [tilespmem:$0x1FF30]  }
0x96: {  	v38 =	vld [tilespmem:$0x1FF40]  }
0x97: {  	v39 =	vld [tilespmem:$0x1FF50]  }
0x98: {  	v40 =	vld [tilespmem:$0x1FF60]  }
0x99: {  	v41 =	vld [tilespmem:$0x1FF70]  }
0x9a: {  	[tilespmem:s15+$0x102BB] =	vst v1;
	v42 =	vld [tilespmem:$0x1FF80]  }
0x9b: {  	v1 =	vld [tilespmem:$0xB0]  }
0x9c: {  	v2 =	vld [tilespmem:$0xA0]  }
0x9d: {  	v3 =	vld [tilespmem:$0x90]  }
0x9e: {  	v4 =	vld [tilespmem:$0x80]  }
0x9f: {  	v5 =	vld [tilespmem:$0x70]  }
0xa0: {  	[tilespmem:$0xB2] =	vst v1;
	v1 =	vld [tilespmem:$0x60]  }
0xa1: {  	[tilespmem:$0xA2] =	vst v2;
	v2 =	vld [tilespmem:$0x50]  }
0xa2: {  	[tilespmem:$0x92] =	vst v3;
	v3 =	vld [tilespmem:$0x40]  }
0xa3: {  	v43 =	vld [tilespmem:$0x1FF90];
	[tilespmem:$0x82] =	vst v4  }
0xa4: {  	v44 =	vld [tilespmem:$0x1FFA0];
	[tilespmem:$0x71] =	vst v5  }
0xa5: {  	v45 =	vld [tilespmem:$0x1FFB0];
	[tilespmem:$0x61] =	vst v1  }
0xa6: {  	s15 =	simm.s32 $0x30;
	s16 =	simm.s32 $0x10C20;
	v46 =	vld [tilespmem:$0x1FFC0];
	[tilespmem:$0x51] =	vst v2  }
0xa7: {  	s17 =	simm.s32 $0x11020;
	s18 =	simm.s32 $0x10820;
	s19 =	simm.s32 $0x10420;
	v47 =	vld [tilespmem:$0x1FFD0];
	[tilespmem:$0x41] =	vst v3  }
.LBB2_4:
0xa8: {  	s20 =	sadd.s32 $0xFFFFFFD0, s15  }
0xa9: {  	v1 =	vmov s20  }
0xaa: {  	v1 =	vmul.u32 $0x41, v1;
	_ =	sdelay $0x1  }
0xab: {  	v3 =	vbroadcast v1, $0x0  }
0xac: {  	s30 =	sadd.s32 $0xFFFFFFE0, s15  }
0xad: {  	v1 =	vmov s30;
	v2 =	vadd.s32 v0, v3  }
0xae: {  	v1 =	vmul.u32 $0x41, v1  }
0xaf: {  	s31 =	sadd.s32 $0xFFFFFFF0, s15;
	v5 =	vadd.s32 v11, v3  }
0xb0: {  	v4 =	vbroadcast v1, $0x0;
	v1 =	vmov s31  }
0xb1: {  	v1 =	vmul.u32 $0x41, v1  }
0xb2: {  	v6 =	vadd.s32 v0, v4;
	v7 =	vld.idx.msk [tilespmem:v2+s2+$0x0], $0xffff;
	v2 =	vmov s15  }
0xb3: {  	v12 =	vld [tilespmem:$0x1FFE0];
	v8 =	vadd.s32 v11, v4;
	v1 =	vbroadcast v1, $0x0;
	v2 =	vmul.u32 $0x41, v2  }
0xb4: {  	v5 =	vld.idx.msk [tilespmem:v5+s2+$0x0], $0xffff  }
0xb5: {  	v9 =	vadd.s32 v0, v1;
	v2 =	vbroadcast v2, $0x0  }
0xb6: {  	v10 =	vadd.s32 v11, v1  }
0xb7: {  	v6 =	vld.idx.msk [tilespmem:v6+s2+$0x0], $0xffff;
	v11 =	vadd.s32 v0, v2  }
0xb8: {  	v48 =	vadd.s32 v25, v3;
	v8 =	vld.idx.msk [tilespmem:v8+s2+$0x0], $0xffff;
	v12 =	vadd.s32 v12, v2  }
0xb9: {  	vm0 =	vgt.f32 v5, v7;
	vm1 =	vlt.f32 v5, $-Inf;
	vm2 =	vgt.f32 v5, $-Inf  }
0xba: {  	v18 =	vadd.s32 v25, v4;
	v9 =	vld.idx.msk [tilespmem:v9+s2+$0x0], $0xffff;
	vm3 =	vmneg vm0;
	vm1 =	vmor vm2, vm1  }
0xbb: {  	v20 =	vadd.s32 v25, v1;
	v14 =	vmin.f32 v7, v5;
	v10 =	vld.idx.msk [tilespmem:v10+s2+$0x0], $0xffff;
	vm1 =	vmand vm3, vm1  }
0xbc: {  	v5 =	vmax.f32 v7, v5;
	v15 =	vsel vm0, $0x1, v23;
	v13 =	vsel vm1, $0x1, v23;
	v11 =	vld.idx.msk [tilespmem:v11+s2+$0x0], $0xffff  }
0xbd: {  	vm10 =	vgt.f32 v8, v6;
	vm11 =	vlt.f32 v8, $-Inf;
	vm12 =	vgt.f32 v8, $-Inf;
	v7 =	vld.idx.msk [tilespmem:v12+s2+$0x0], $0xffff  }
0xbe: {  	v17 =	vmin.f32 v6, v8;
	vm13 =	vmneg vm10;
	vm2 =	vmor vm12, vm11  }
0xbf: {  	v6 =	vmax.f32 v6, v8;
	v19 =	vsel vm10, $0x1, v23;
	vm0 =	vmand vm13, vm2  }
0xc0: {  	vm14 =	vgt.f32 v10, v9;
	vm15 =	vlt.f32 v10, $-Inf;
	vm4 =	vgt.f32 v10, $-Inf  }
0xc1: {  	v16 =	vsel vm0, $0x1, v23;
	v21 =	vmin.f32 v9, v10;
	vm7 =	vmneg vm14  }
0xc2: {  	v12 =	vld.idx.msk [tilespmem:v48+s2+$0x0], $0xffff;
	vm8 =	vgt.f32 v7, v11;
	vm9 =	vlt.f32 v7, $-Inf;
	vm10 =	vgt.f32 v7, $-Inf  }
0xc3: {  	v48 =	vld [tilespmem:$0x1FC20];
	vm3 =	vmor vm4, vm15;
	vm11 =	vmneg vm8;
	vm1 =	vmor vm10, vm9  }
0xc4: {  	v9 =	vmax.f32 v9, v10;
	vm0 =	vmand vm7, vm3;
	vm1 =	vmand vm11, vm1  }
0xc5: {  	v18 =	vld.idx.msk [tilespmem:v18+s2+$0x0], $0xffff;
	v22 =	vsel vm14, $0x1, v23;
	v8 =	vsel vm0, $0x1, v23;
	v10 =	vsel vm1, $0x1, v23  }
0xc6: {  	v20 =	vld.idx.msk [tilespmem:v20+s2+$0x0], $0xffff;
	v23 =	vmin.f32 v11, v7;
	v7 =	vmax.f32 v11, v7;
	v11 =	vadd.s32 v25, v2  }
0xc7: {  	v25 =	vmin.f32 v5, v12  }
0xc8: {  	vm13 =	vgt.f32 v12, v14;
	v14 =	vmax.f32 v14, v25;
	v25 =	vadd.s32 v48, v3;
	_ =	sdelay $0x1  }
0xc9: {  	v24 =	vimm.s32 $0x0  }
0xca: {  	vm14 =	vgt.f32 v18, v6;
	vm15 =	vgt.f32 v18, v17;
	vm4 =	vgt.f32 v20, v9;
	v11 =	vld.idx.msk [tilespmem:v11+s2+$0x0], $0xffff  }
0xcb: {  	vm5 =	vgt.f32 v20, v21;
	vm12 =	vgt.f32 v12, v5;
	v13 =	vsel vm13, $0x2, v13  }
0xcc: {  	v24 =	vsel vm8, $0x1, v24;
	v13 =	vsel vm12, v15, v13;
	v5 =	vmax.f32 v5, v12;
	v25 =	vld.idx.msk [tilespmem:v25+s2+$0x0], $0xffff  }
0xcd: {  	v12 =	vmin.f32 v6, v18;
	v6 =	vmax.f32 v6, v18;
	v18 =	vmin.f32 v9, v20  }
0xce: {  	v9 =	vmax.f32 v9, v20;
	v12 =	vmax.f32 v17, v12;
	v17 =	vadd.s32 v48, v4  }
0xcf: {  	v18 =	vmax.f32 v21, v18;
	v21 =	vadd.s32 v48, v1;
	v20 =	vmin.f32 v7, v11  }
0xd0: {  	vm6 =	vgt.f32 v11, v7;
	vm7 =	vgt.f32 v11, v23;
	v20 =	vmax.f32 v23, v20  }
0xd1: {  	v23 =	vadd.s32 v48, v2;
	vm8 =	vgt.f32 v25, v14;
	v48 =	vmin.f32 v5, v25  }
0xd2: {  	v7 =	vmax.f32 v7, v11;
	v11 =	vsel vm8, $0x3, v13;
	v13 =	vmax.f32 v14, v48;
	v48 =	vld [tilespmem:$0x1FC30]  }
0xd3: {  	v17 =	vld.idx.msk [tilespmem:v17+s2+$0x0], $0xffff  }
0xd4: {  	v21 =	vld.idx.msk [tilespmem:v21+s2+$0x0], $0xffff  }
0xd5: {  	v16 =	vsel vm15, $0x2, v16  }
0xd6: {  	v16 =	vsel vm14, v19, v16;
	v19 =	vsel vm14, $0x2, v19  }
0xd7: {  	v15 =	vsel vm12, $0x2, v15;
	vm9 =	vgt.f32 v25, v5;
	v23 =	vld.idx.msk [tilespmem:v23+s2+$0x0], $0xffff;
	v14 =	vadd.s32 v48, v3  }
0xd8: {  	v5 =	vmax.f32 v5, v25;
	vm10 =	vgt.f32 v17, v12;
	vm11 =	vgt.f32 v17, v6  }
0xd9: {  	v25 =	vmin.f32 v6, v17;
	v6 =	vmax.f32 v6, v17;
	vm12 =	vgt.f32 v21, v18  }
0xda: {  	vm13 =	vgt.f32 v21, v9;
	v12 =	vmax.f32 v12, v25;
	v25 =	vmin.f32 v9, v21  }
0xdb: {  	v9 =	vmax.f32 v9, v21;
	v18 =	vmax.f32 v18, v25;
	v17 =	vadd.s32 v48, v4  }
0xdc: {  	v21 =	vadd.s32 v48, v1;
	vm14 =	vgt.f32 v23, v20;
	vm15 =	vgt.f32 v23, v7;
	v14 =	vld.idx.msk [tilespmem:v14+s2+$0x0], $0xffff  }
0xdd: {  	v25 =	vmin.f32 v7, v23;
	v7 =	vmax.f32 v7, v23;
	v23 =	vadd.s32 v48, v2;
	v48 =	vld [tilespmem:$0x1FC40];
	_ =	sdelay $0x2  }
0xde: {  	v17 =	vld.idx.msk [tilespmem:v17+s2+$0x0], $0xffff  }
0xdf: {  	v8 =	vsel vm5, $0x2, v8;
	v20 =	vmax.f32 v20, v25;
	v25 =	vmin.f32 v5, v14  }
0xe0: {  	vm5 =	vgt.f32 v14, v13;
	v13 =	vmax.f32 v13, v25;
	v25 =	vadd.s32 v48, v3  }
0xe1: {  	v8 =	vsel vm4, v22, v8;
	v10 =	vsel vm7, $0x2, v10  }
0xe2: {  	v22 =	vsel vm4, $0x2, v22;
	v10 =	vsel vm6, v24, v10;
	v24 =	vsel vm6, $0x2, v24;
	v21 =	vld.idx.msk [tilespmem:v21+s2+$0x0], $0xffff  }
0xe3: {  	vm4 =	vgt.f32 v14, v5;
	v5 =	vmax.f32 v5, v14;
	v14 =	vmin.f32 v6, v17  }
0xe4: {  	v16 =	vsel vm10, $0x3, v16;
	vm7 =	vgt.f32 v17, v12;
	v12 =	vmax.f32 v12, v14;
	v14 =	vld.idx.msk [tilespmem:v23+s2+$0x0], $0xffff  }
0xe5: {  	v11 =	vsel vm9, v15, v11;
	v15 =	vsel vm9, $0x3, v15;
	v16 =	vsel vm11, v19, v16;
	v25 =	vld.idx.msk [tilespmem:v25+s2+$0x0], $0xffff  }
0xe6: {  	v19 =	vsel vm11, $0x3, v19;
	vm6 =	vgt.f32 v17, v6;
	v6 =	vmax.f32 v6, v17  }
0xe7: {  	vm8 =	vgt.f32 v21, v9;
	v17 =	vmin.f32 v9, v21;
	v23 =	vadd.s32 v48, v4  }
0xe8: {  	vm9 =	vgt.f32 v21, v18;
	v17 =	vmax.f32 v18, v17;
	v18 =	vadd.s32 v48, v1  }
0xe9: {  	v9 =	vmax.f32 v9, v21;
	vm11 =	vgt.f32 v14, v20;
	v21 =	vmin.f32 v7, v14  }
0xea: {  	v20 =	vmax.f32 v20, v21;
	v21 =	vadd.s32 v48, v2;
	v48 =	vmin.f32 v5, v25  }
0xeb: {  	v8 =	vsel vm12, $0x3, v8;
	vm12 =	vgt.f32 v25, v13;
	v13 =	vmax.f32 v13, v48;
	v48 =	vld [tilespmem:$0x1FC50]  }
0xec: {  	v8 =	vsel vm13, v22, v8;
	v22 =	vsel vm13, $0x3, v22;
	v10 =	vsel vm14, $0x3, v10;
	v23 =	vld.idx.msk [tilespmem:v23+s2+$0x0], $0xffff  }
0xed: {  	v10 =	vsel vm15, v24, v10;
	v24 =	vsel vm15, $0x3, v24;
	v11 =	vsel vm5, $0x4, v11;
	v18 =	vld.idx.msk [tilespmem:v18+s2+$0x0], $0xffff  }
0xee: {  	v16 =	vsel vm7, $0x4, v16;
	v11 =	vsel vm4, v15, v11;
	v15 =	vsel vm4, $0x4, v15  }
0xef: {  	v16 =	vsel vm6, v19, v16;
	v19 =	vsel vm6, $0x4, v19;
	vm10 =	vgt.f32 v14, v7  }
0xf0: {  	v7 =	vmax.f32 v7, v14;
	vm13 =	vgt.f32 v25, v5;
	v21 =	vld.idx.msk [tilespmem:v21+s2+$0x0], $0xffff;
	v14 =	vadd.s32 v48, v3  }
0xf1: {  	v5 =	vmax.f32 v5, v25;
	vm14 =	vgt.f32 v23, v12;
	vm15 =	vgt.f32 v23, v6  }
0xf2: {  	v25 =	vmin.f32 v6, v23;
	v6 =	vmax.f32 v6, v23;
	vm4 =	vgt.f32 v18, v17  }
0xf3: {  	vm5 =	vgt.f32 v18, v9;
	v12 =	vmax.f32 v12, v25;
	v25 =	vmin.f32 v9, v18  }
0xf4: {  	v9 =	vmax.f32 v9, v18;
	v17 =	vmax.f32 v17, v25;
	v23 =	vadd.s32 v48, v4  }
0xf5: {  	vm6 =	vgt.f32 v21, v20;
	v18 =	vadd.s32 v48, v1;
	vm7 =	vgt.f32 v21, v7;
	v14 =	vld.idx.msk [tilespmem:v14+s2+$0x0], $0xffff  }
0xf6: {  	v25 =	vmin.f32 v7, v21;
	v7 =	vmax.f32 v7, v21;
	v21 =	vadd.s32 v48, v2;
	v48 =	vld [tilespmem:$0x1FC60];
	_ =	sdelay $0x2  }
0xf7: {  	v23 =	vld.idx.msk [tilespmem:v23+s2+$0x0], $0xffff  }
0xf8: {  	v8 =	vsel vm9, $0x4, v8;
	v20 =	vmax.f32 v20, v25;
	v25 =	vmin.f32 v5, v14  }
0xf9: {  	vm9 =	vgt.f32 v14, v13;
	v13 =	vmax.f32 v13, v25;
	v25 =	vadd.s32 v48, v3  }
0xfa: {  	v8 =	vsel vm8, v22, v8;
	v22 =	vsel vm8, $0x4, v22;
	v10 =	vsel vm11, $0x4, v10  }
0xfb: {  	v10 =	vsel vm10, v24, v10;
	v24 =	vsel vm10, $0x4, v24;
	v11 =	vsel vm12, $0x5, v11;
	v18 =	vld.idx.msk [tilespmem:v18+s2+$0x0], $0xffff  }
0xfc: {  	vm8 =	vgt.f32 v14, v5;
	v5 =	vmax.f32 v5, v14;
	v14 =	vmin.f32 v6, v23  }
0xfd: {  	v16 =	vsel vm14, $0x5, v16;
	vm11 =	vgt.f32 v23, v12;
	v12 =	vmax.f32 v12, v14;
	v14 =	vld.idx.msk [tilespmem:v21+s2+$0x0], $0xffff  }
0xfe: {  	v11 =	vsel vm13, v15, v11;
	v15 =	vsel vm13, $0x5, v15;
	v16 =	vsel vm15, v19, v16;
	v25 =	vld.idx.msk [tilespmem:v25+s2+$0x0], $0xffff  }
0xff: {  	v19 =	vsel vm15, $0x5, v19;
	vm10 =	vgt.f32 v23, v6;
	v6 =	vmax.f32 v6, v23  }
0x100: {  	vm12 =	vgt.f32 v18, v9;
	v23 =	vmin.f32 v9, v18;
	v21 =	vadd.s32 v48, v4  }
0x101: {  	vm13 =	vgt.f32 v18, v17;
	v17 =	vmax.f32 v17, v23;
	v23 =	vadd.s32 v48, v1  }
0x102: {  	v9 =	vmax.f32 v9, v18;
	vm15 =	vgt.f32 v14, v20;
	v18 =	vmin.f32 v7, v14  }
0x103: {  	v18 =	vmax.f32 v20, v18;
	v20 =	vadd.s32 v48, v2;
	v48 =	vmin.f32 v5, v25  }
0x104: {  	v8 =	vsel vm4, $0x5, v8;
	vm4 =	vgt.f32 v25, v13;
	v13 =	vmax.f32 v13, v48;
	v48 =	vld [tilespmem:$0x1FC70]  }
0x105: {  	v8 =	vsel vm5, v22, v8;
	v22 =	vsel vm5, $0x5, v22;
	v10 =	vsel vm6, $0x5, v10;
	v21 =	vld.idx.msk [tilespmem:v21+s2+$0x0], $0xffff  }
0x106: {  	v10 =	vsel vm7, v24, v10;
	v24 =	vsel vm7, $0x5, v24;
	v11 =	vsel vm9, $0x6, v11;
	v23 =	vld.idx.msk [tilespmem:v23+s2+$0x0], $0xffff  }
0x107: {  	v16 =	vsel vm11, $0x6, v16;
	v11 =	vsel vm8, v15, v11;
	v15 =	vsel vm8, $0x6, v15  }
0x108: {  	v16 =	vsel vm10, v19, v16;
	v19 =	vsel vm10, $0x6, v19;
	vm14 =	vgt.f32 v14, v7  }
0x109: {  	v7 =	vmax.f32 v7, v14;
	vm5 =	vgt.f32 v25, v5;
	v20 =	vld.idx.msk [tilespmem:v20+s2+$0x0], $0xffff;
	v14 =	vadd.s32 v48, v3  }
0x10a: {  	v5 =	vmax.f32 v5, v25;
	vm6 =	vgt.f32 v21, v12;
	vm7 =	vgt.f32 v21, v6  }
0x10b: {  	v25 =	vmin.f32 v6, v21;
	v6 =	vmax.f32 v6, v21;
	vm8 =	vgt.f32 v23, v17  }
0x10c: {  	vm9 =	vgt.f32 v23, v9;
	v12 =	vmax.f32 v12, v25;
	v25 =	vmin.f32 v9, v23  }
0x10d: {  	v9 =	vmax.f32 v9, v23;
	v17 =	vmax.f32 v17, v25;
	v21 =	vadd.s32 v48, v4  }
0x10e: {  	vm10 =	vgt.f32 v20, v18;
	v23 =	vadd.s32 v48, v1;
	vm11 =	vgt.f32 v20, v7;
	v14 =	vld.idx.msk [tilespmem:v14+s2+$0x0], $0xffff  }
0x10f: {  	v25 =	vmin.f32 v7, v20;
	v7 =	vmax.f32 v7, v20;
	v20 =	vadd.s32 v48, v2;
	v48 =	vld [tilespmem:$0x1FC80];
	_ =	sdelay $0x2  }
0x110: {  	v21 =	vld.idx.msk [tilespmem:v21+s2+$0x0], $0xffff  }
0x111: {  	v8 =	vsel vm13, $0x6, v8;
	v18 =	vmax.f32 v18, v25;
	v25 =	vmin.f32 v5, v14  }
0x112: {  	vm13 =	vgt.f32 v14, v13;
	v13 =	vmax.f32 v13, v25;
	v25 =	vadd.s32 v48, v3  }
0x113: {  	v8 =	vsel vm12, v22, v8;
	v22 =	vsel vm12, $0x6, v22;
	v10 =	vsel vm15, $0x6, v10  }
0x114: {  	v10 =	vsel vm14, v24, v10;
	v24 =	vsel vm14, $0x6, v24;
	v11 =	vsel vm4, $0x7, v11;
	v23 =	vld.idx.msk [tilespmem:v23+s2+$0x0], $0xffff  }
0x115: {  	vm12 =	vgt.f32 v14, v5;
	v5 =	vmax.f32 v5, v14;
	v14 =	vmin.f32 v6, v21  }
0x116: {  	v16 =	vsel vm6, $0x7, v16;
	vm15 =	vgt.f32 v21, v12;
	v12 =	vmax.f32 v12, v14;
	v14 =	vld.idx.msk [tilespmem:v20+s2+$0x0], $0xffff  }
0x117: {  	v11 =	vsel vm5, v15, v11;
	v15 =	vsel vm5, $0x7, v15;
	v16 =	vsel vm7, v19, v16;
	v25 =	vld.idx.msk [tilespmem:v25+s2+$0x0], $0xffff  }
0x118: {  	v19 =	vsel vm7, $0x7, v19;
	vm14 =	vgt.f32 v21, v6;
	v6 =	vmax.f32 v6, v21  }
0x119: {  	vm4 =	vgt.f32 v23, v9;
	v21 =	vmin.f32 v9, v23;
	v20 =	vadd.s32 v48, v4  }
0x11a: {  	vm5 =	vgt.f32 v23, v17;
	v17 =	vmax.f32 v17, v21;
	v21 =	vadd.s32 v48, v1  }
0x11b: {  	v9 =	vmax.f32 v9, v23;
	vm7 =	vgt.f32 v14, v18;
	v23 =	vmin.f32 v7, v14  }
0x11c: {  	v18 =	vmax.f32 v18, v23;
	v23 =	vadd.s32 v48, v2;
	v48 =	vmin.f32 v5, v25  }
0x11d: {  	v8 =	vsel vm8, $0x7, v8;
	vm8 =	vgt.f32 v25, v13;
	v13 =	vmax.f32 v13, v48;
	v48 =	vld [tilespmem:$0x1FC90]  }
0x11e: {  	v8 =	vsel vm9, v22, v8;
	v22 =	vsel vm9, $0x7, v22;
	v10 =	vsel vm10, $0x7, v10;
	v20 =	vld.idx.msk [tilespmem:v20+s2+$0x0], $0xffff  }
0x11f: {  	v10 =	vsel vm11, v24, v10;
	v24 =	vsel vm11, $0x7, v24;
	v11 =	vsel vm13, $0x8, v11;
	v21 =	vld.idx.msk [tilespmem:v21+s2+$0x0], $0xffff  }
0x120: {  	v16 =	vsel vm15, $0x8, v16;
	v11 =	vsel vm12, v15, v11;
	v15 =	vsel vm12, $0x8, v15  }
0x121: {  	v16 =	vsel vm14, v19, v16;
	v19 =	vsel vm14, $0x8, v19;
	vm6 =	vgt.f32 v14, v7  }
0x122: {  	v7 =	vmax.f32 v7, v14;
	vm9 =	vgt.f32 v25, v5;
	v23 =	vld.idx.msk [tilespmem:v23+s2+$0x0], $0xffff;
	v14 =	vadd.s32 v48, v3  }
0x123: {  	v5 =	vmax.f32 v5, v25;
	vm10 =	vgt.f32 v20, v12;
	vm11 =	vgt.f32 v20, v6  }
0x124: {  	v25 =	vmin.f32 v6, v20;
	v6 =	vmax.f32 v6, v20;
	vm12 =	vgt.f32 v21, v17  }
0x125: {  	vm13 =	vgt.f32 v21, v9;
	v12 =	vmax.f32 v12, v25;
	v25 =	vmin.f32 v9, v21  }
0x126: {  	v9 =	vmax.f32 v9, v21;
	v17 =	vmax.f32 v17, v25;
	v20 =	vadd.s32 v48, v4  }
0x127: {  	vm14 =	vgt.f32 v23, v18;
	v21 =	vadd.s32 v48, v1;
	vm15 =	vgt.f32 v23, v7;
	v14 =	vld.idx.msk [tilespmem:v14+s2+$0x0], $0xffff  }
0x128: {  	v25 =	vmin.f32 v7, v23;
	v7 =	vmax.f32 v7, v23;
	v23 =	vadd.s32 v48, v2;
	v48 =	vld [tilespmem:$0x1FCA0];
	_ =	sdelay $0x2  }
0x129: {  	v20 =	vld.idx.msk [tilespmem:v20+s2+$0x0], $0xffff  }
0x12a: {  	v8 =	vsel vm5, $0x8, v8;
	v18 =	vmax.f32 v18, v25;
	v25 =	vmin.f32 v5, v14  }
0x12b: {  	vm5 =	vgt.f32 v14, v13;
	v13 =	vmax.f32 v13, v25;
	v25 =	vadd.s32 v48, v3  }
0x12c: {  	v8 =	vsel vm4, v22, v8;
	v22 =	vsel vm4, $0x8, v22;
	v10 =	vsel vm7, $0x8, v10  }
0x12d: {  	v10 =	vsel vm6, v24, v10;
	v24 =	vsel vm6, $0x8, v24;
	v11 =	vsel vm8, $0x9, v11;
	v21 =	vld.idx.msk [tilespmem:v21+s2+$0x0], $0xffff  }
0x12e: {  	vm4 =	vgt.f32 v14, v5;
	v5 =	vmax.f32 v5, v14;
	v14 =	vmin.f32 v6, v20  }
0x12f: {  	v16 =	vsel vm10, $0x9, v16;
	vm7 =	vgt.f32 v20, v12;
	v12 =	vmax.f32 v12, v14;
	v14 =	vld.idx.msk [tilespmem:v23+s2+$0x0], $0xffff  }
0x130: {  	v11 =	vsel vm9, v15, v11;
	v15 =	vsel vm9, $0x9, v15;
	v16 =	vsel vm11, v19, v16;
	v25 =	vld.idx.msk [tilespmem:v25+s2+$0x0], $0xffff  }
0x131: {  	v19 =	vsel vm11, $0x9, v19;
	vm6 =	vgt.f32 v20, v6;
	v6 =	vmax.f32 v6, v20  }
0x132: {  	vm8 =	vgt.f32 v21, v9;
	v20 =	vmin.f32 v9, v21;
	v23 =	vadd.s32 v48, v4  }
0x133: {  	vm9 =	vgt.f32 v21, v17;
	v17 =	vmax.f32 v17, v20;
	v20 =	vadd.s32 v48, v1  }
0x134: {  	v9 =	vmax.f32 v9, v21;
	vm11 =	vgt.f32 v14, v18;
	v21 =	vmin.f32 v7, v14  }
0x135: {  	v18 =	vmax.f32 v18, v21;
	v21 =	vadd.s32 v48, v2;
	v48 =	vmin.f32 v5, v25  }
0x136: {  	v8 =	vsel vm12, $0x9, v8;
	vm12 =	vgt.f32 v25, v13;
	v13 =	vmax.f32 v13, v48;
	v48 =	vld [tilespmem:$0x1FCB0]  }
0x137: {  	v8 =	vsel vm13, v22, v8;
	v22 =	vsel vm13, $0x9, v22;
	v10 =	vsel vm14, $0x9, v10;
	v23 =	vld.idx.msk [tilespmem:v23+s2+$0x0], $0xffff  }
0x138: {  	v10 =	vsel vm15, v24, v10;
	v24 =	vsel vm15, $0x9, v24;
	v11 =	vsel vm5, $0xA, v11;
	v20 =	vld.idx.msk [tilespmem:v20+s2+$0x0], $0xffff  }
0x139: {  	v16 =	vsel vm7, $0xA, v16;
	v11 =	vsel vm4, v15, v11;
	v15 =	vsel vm4, $0xA, v15  }
0x13a: {  	v16 =	vsel vm6, v19, v16;
	v19 =	vsel vm6, $0xA, v19;
	vm10 =	vgt.f32 v14, v7  }
0x13b: {  	v7 =	vmax.f32 v7, v14;
	vm13 =	vgt.f32 v25, v5;
	v21 =	vld.idx.msk [tilespmem:v21+s2+$0x0], $0xffff;
	v14 =	vadd.s32 v48, v3  }
0x13c: {  	v5 =	vmax.f32 v5, v25;
	vm14 =	vgt.f32 v23, v12;
	vm15 =	vgt.f32 v23, v6  }
0x13d: {  	v25 =	vmin.f32 v6, v23;
	v6 =	vmax.f32 v6, v23;
	vm4 =	vgt.f32 v20, v17  }
0x13e: {  	vm5 =	vgt.f32 v20, v9;
	v12 =	vmax.f32 v12, v25;
	v25 =	vmin.f32 v9, v20  }
0x13f: {  	v9 =	vmax.f32 v9, v20;
	v17 =	vmax.f32 v17, v25;
	v23 =	vadd.s32 v48, v4  }
0x140: {  	vm6 =	vgt.f32 v21, v18;
	v20 =	vadd.s32 v48, v1;
	vm7 =	vgt.f32 v21, v7;
	v14 =	vld.idx.msk [tilespmem:v14+s2+$0x0], $0xffff  }
0x141: {  	v25 =	vmin.f32 v7, v21;
	v7 =	vmax.f32 v7, v21;
	v21 =	vadd.s32 v48, v2;
	v48 =	vld [tilespmem:$0x1FCC0];
	_ =	sdelay $0x2  }
0x142: {  	v23 =	vld.idx.msk [tilespmem:v23+s2+$0x0], $0xffff  }
0x143: {  	v8 =	vsel vm9, $0xA, v8;
	v18 =	vmax.f32 v18, v25;
	v25 =	vmin.f32 v5, v14  }
0x144: {  	vm9 =	vgt.f32 v14, v13;
	v13 =	vmax.f32 v13, v25;
	v25 =	vadd.s32 v48, v3  }
0x145: {  	v8 =	vsel vm8, v22, v8;
	v22 =	vsel vm8, $0xA, v22;
	v10 =	vsel vm11, $0xA, v10  }
0x146: {  	v10 =	vsel vm10, v24, v10;
	v24 =	vsel vm10, $0xA, v24;
	v11 =	vsel vm12, $0xB, v11;
	v20 =	vld.idx.msk [tilespmem:v20+s2+$0x0], $0xffff  }
0x147: {  	vm8 =	vgt.f32 v14, v5;
	v5 =	vmax.f32 v5, v14;
	v14 =	vmin.f32 v6, v23  }
0x148: {  	v16 =	vsel vm14, $0xB, v16;
	vm11 =	vgt.f32 v23, v12;
	v12 =	vmax.f32 v12, v14;
	v14 =	vld.idx.msk [tilespmem:v21+s2+$0x0], $0xffff  }
0x149: {  	v11 =	vsel vm13, v15, v11;
	v15 =	vsel vm13, $0xB, v15;
	v16 =	vsel vm15, v19, v16;
	v25 =	vld.idx.msk [tilespmem:v25+s2+$0x0], $0xffff  }
0x14a: {  	v19 =	vsel vm15, $0xB, v19;
	vm10 =	vgt.f32 v23, v6;
	v6 =	vmax.f32 v6, v23  }
0x14b: {  	vm12 =	vgt.f32 v20, v9;
	v23 =	vmin.f32 v9, v20;
	v21 =	vadd.s32 v48, v4  }
0x14c: {  	vm13 =	vgt.f32 v20, v17;
	v17 =	vmax.f32 v17, v23;
	v23 =	vadd.s32 v48, v1  }
0x14d: {  	v9 =	vmax.f32 v9, v20;
	vm15 =	vgt.f32 v14, v18;
	v20 =	vmin.f32 v7, v14  }
0x14e: {  	v18 =	vmax.f32 v18, v20;
	v20 =	vadd.s32 v48, v2;
	v48 =	vmin.f32 v5, v25  }
0x14f: {  	v8 =	vsel vm4, $0xB, v8;
	vm4 =	vgt.f32 v25, v13;
	v13 =	vmax.f32 v13, v48;
	v48 =	vld [tilespmem:$0x1FCD0]  }
0x150: {  	v8 =	vsel vm5, v22, v8;
	v22 =	vsel vm5, $0xB, v22;
	v10 =	vsel vm6, $0xB, v10;
	v21 =	vld.idx.msk [tilespmem:v21+s2+$0x0], $0xffff  }
0x151: {  	v10 =	vsel vm7, v24, v10;
	v24 =	vsel vm7, $0xB, v24;
	v11 =	vsel vm9, $0xC, v11;
	v23 =	vld.idx.msk [tilespmem:v23+s2+$0x0], $0xffff  }
0x152: {  	v16 =	vsel vm11, $0xC, v16;
	v11 =	vsel vm8, v15, v11;
	v15 =	vsel vm8, $0xC, v15  }
0x153: {  	v16 =	vsel vm10, v19, v16;
	v19 =	vsel vm10, $0xC, v19;
	vm14 =	vgt.f32 v14, v7  }
0x154: {  	v7 =	vmax.f32 v7, v14;
	vm5 =	vgt.f32 v25, v5;
	v20 =	vld.idx.msk [tilespmem:v20+s2+$0x0], $0xffff;
	v14 =	vadd.s32 v48, v3  }
0x155: {  	v5 =	vmax.f32 v5, v25;
	vm6 =	vgt.f32 v21, v12;
	vm7 =	vgt.f32 v21, v6  }
0x156: {  	v25 =	vmin.f32 v6, v21;
	v6 =	vmax.f32 v6, v21;
	vm8 =	vgt.f32 v23, v17  }
0x157: {  	vm9 =	vgt.f32 v23, v9;
	v12 =	vmax.f32 v12, v25;
	v25 =	vmin.f32 v9, v23  }
0x158: {  	v9 =	vmax.f32 v9, v23;
	v17 =	vmax.f32 v17, v25;
	v21 =	vadd.s32 v48, v4  }
0x159: {  	vm10 =	vgt.f32 v20, v18;
	v23 =	vadd.s32 v48, v1;
	vm11 =	vgt.f32 v20, v7;
	v14 =	vld.idx.msk [tilespmem:v14+s2+$0x0], $0xffff  }
0x15a: {  	v25 =	vmin.f32 v7, v20;
	v7 =	vmax.f32 v7, v20;
	v20 =	vadd.s32 v48, v2;
	v48 =	vld [tilespmem:$0x1FCE0];
	_ =	sdelay $0x2  }
0x15b: {  	v21 =	vld.idx.msk [tilespmem:v21+s2+$0x0], $0xffff  }
0x15c: {  	v8 =	vsel vm13, $0xC, v8;
	v18 =	vmax.f32 v18, v25;
	v25 =	vmin.f32 v5, v14  }
0x15d: {  	vm13 =	vgt.f32 v14, v13;
	v13 =	vmax.f32 v13, v25;
	v25 =	vadd.s32 v48, v3  }
0x15e: {  	v8 =	vsel vm12, v22, v8;
	v22 =	vsel vm12, $0xC, v22;
	v10 =	vsel vm15, $0xC, v10  }
0x15f: {  	v10 =	vsel vm14, v24, v10;
	v24 =	vsel vm14, $0xC, v24;
	v11 =	vsel vm4, $0xD, v11;
	v23 =	vld.idx.msk [tilespmem:v23+s2+$0x0], $0xffff  }
0x160: {  	vm12 =	vgt.f32 v14, v5;
	v5 =	vmax.f32 v5, v14;
	v14 =	vmin.f32 v6, v21  }
0x161: {  	v16 =	vsel vm6, $0xD, v16;
	vm15 =	vgt.f32 v21, v12;
	v12 =	vmax.f32 v12, v14;
	v14 =	vld.idx.msk [tilespmem:v20+s2+$0x0], $0xffff  }
0x162: {  	v11 =	vsel vm5, v15, v11;
	v15 =	vsel vm5, $0xD, v15;
	v16 =	vsel vm7, v19, v16;
	v25 =	vld.idx.msk [tilespmem:v25+s2+$0x0], $0xffff  }
0x163: {  	v19 =	vsel vm7, $0xD, v19;
	vm14 =	vgt.f32 v21, v6;
	v6 =	vmax.f32 v6, v21  }
0x164: {  	vm4 =	vgt.f32 v23, v9;
	v21 =	vmin.f32 v9, v23;
	v20 =	vadd.s32 v48, v4  }
0x165: {  	vm5 =	vgt.f32 v23, v17;
	v17 =	vmax.f32 v17, v21;
	v21 =	vadd.s32 v48, v1  }
0x166: {  	v9 =	vmax.f32 v9, v23;
	vm7 =	vgt.f32 v14, v18;
	v23 =	vmin.f32 v7, v14  }
0x167: {  	v18 =	vmax.f32 v18, v23;
	v23 =	vadd.s32 v48, v2;
	v48 =	vmin.f32 v5, v25  }
0x168: {  	v8 =	vsel vm8, $0xD, v8;
	vm8 =	vgt.f32 v25, v13;
	v13 =	vmax.f32 v13, v48;
	v48 =	vld [tilespmem:$0x1FCF0]  }
0x169: {  	v8 =	vsel vm9, v22, v8;
	v22 =	vsel vm9, $0xD, v22;
	v10 =	vsel vm10, $0xD, v10;
	v20 =	vld.idx.msk [tilespmem:v20+s2+$0x0], $0xffff  }
0x16a: {  	v10 =	vsel vm11, v24, v10;
	v24 =	vsel vm11, $0xD, v24;
	v11 =	vsel vm13, $0xE, v11;
	v21 =	vld.idx.msk [tilespmem:v21+s2+$0x0], $0xffff  }
0x16b: {  	v16 =	vsel vm15, $0xE, v16;
	v11 =	vsel vm12, v15, v11;
	v15 =	vsel vm12, $0xE, v15  }
0x16c: {  	v16 =	vsel vm14, v19, v16;
	v19 =	vsel vm14, $0xE, v19;
	vm6 =	vgt.f32 v14, v7  }
0x16d: {  	v7 =	vmax.f32 v7, v14;
	vm9 =	vgt.f32 v25, v5;
	v23 =	vld.idx.msk [tilespmem:v23+s2+$0x0], $0xffff;
	v14 =	vadd.s32 v48, v3  }
0x16e: {  	v5 =	vmax.f32 v5, v25;
	vm10 =	vgt.f32 v20, v12;
	vm11 =	vgt.f32 v20, v6  }
0x16f: {  	v25 =	vmin.f32 v6, v20;
	v6 =	vmax.f32 v6, v20;
	vm12 =	vgt.f32 v21, v17  }
0x170: {  	vm13 =	vgt.f32 v21, v9;
	v12 =	vmax.f32 v12, v25;
	v25 =	vmin.f32 v9, v21  }
0x171: {  	v9 =	vmax.f32 v9, v21;
	v17 =	vmax.f32 v17, v25;
	v20 =	vadd.s32 v48, v4  }
0x172: {  	vm14 =	vgt.f32 v23, v18;
	v21 =	vadd.s32 v48, v1;
	vm15 =	vgt.f32 v23, v7;
	v14 =	vld.idx.msk [tilespmem:v14+s2+$0x0], $0xffff  }
0x173: {  	v25 =	vmin.f32 v7, v23;
	v7 =	vmax.f32 v7, v23;
	v23 =	vadd.s32 v48, v2;
	v48 =	vld [tilespmem:$0x1FD00];
	_ =	sdelay $0x2  }
0x174: {  	v20 =	vld.idx.msk [tilespmem:v20+s2+$0x0], $0xffff  }
0x175: {  	v8 =	vsel vm5, $0xE, v8;
	v18 =	vmax.f32 v18, v25;
	v25 =	vmin.f32 v5, v14  }
0x176: {  	vm5 =	vgt.f32 v14, v13;
	v13 =	vmax.f32 v13, v25;
	v25 =	vadd.s32 v48, v3  }
0x177: {  	v8 =	vsel vm4, v22, v8;
	v22 =	vsel vm4, $0xE, v22;
	v10 =	vsel vm7, $0xE, v10  }
0x178: {  	v10 =	vsel vm6, v24, v10;
	v24 =	vsel vm6, $0xE, v24;
	v11 =	vsel vm8, $0xF, v11;
	v21 =	vld.idx.msk [tilespmem:v21+s2+$0x0], $0xffff  }
0x179: {  	vm4 =	vgt.f32 v14, v5;
	v5 =	vmax.f32 v5, v14;
	v14 =	vmin.f32 v6, v20  }
0x17a: {  	v16 =	vsel vm10, $0xF, v16;
	vm7 =	vgt.f32 v20, v12;
	v12 =	vmax.f32 v12, v14;
	v14 =	vld.idx.msk [tilespmem:v23+s2+$0x0], $0xffff  }
0x17b: {  	v11 =	vsel vm9, v15, v11;
	v15 =	vsel vm9, $0xF, v15;
	v16 =	vsel vm11, v19, v16;
	v25 =	vld.idx.msk [tilespmem:v25+s2+$0x0], $0xffff  }
0x17c: {  	v19 =	vsel vm11, $0xF, v19;
	vm6 =	vgt.f32 v20, v6;
	v6 =	vmax.f32 v6, v20  }
0x17d: {  	vm8 =	vgt.f32 v21, v9;
	v20 =	vmin.f32 v9, v21;
	v23 =	vadd.s32 v48, v4  }
0x17e: {  	vm9 =	vgt.f32 v21, v17;
	v17 =	vmax.f32 v17, v20;
	v20 =	vadd.s32 v48, v1  }
0x17f: {  	v9 =	vmax.f32 v9, v21;
	vm11 =	vgt.f32 v14, v18;
	v21 =	vmin.f32 v7, v14  }
0x180: {  	v18 =	vmax.f32 v18, v21;
	v21 =	vadd.s32 v48, v2;
	v48 =	vmin.f32 v5, v25  }
0x181: {  	v8 =	vsel vm12, $0xF, v8;
	vm12 =	vgt.f32 v25, v13;
	v13 =	vmax.f32 v13, v48;
	v48 =	vld [tilespmem:$0x1FD10]  }
0x182: {  	v8 =	vsel vm13, v22, v8;
	v22 =	vsel vm13, $0xF, v22;
	v10 =	vsel vm14, $0xF, v10;
	v23 =	vld.idx.msk [tilespmem:v23+s2+$0x0], $0xffff  }
0x183: {  	v10 =	vsel vm15, v24, v10;
	v24 =	vsel vm15, $0xF, v24;
	v11 =	vsel vm5, $0x10, v11;
	v20 =	vld.idx.msk [tilespmem:v20+s2+$0x0], $0xffff  }
0x184: {  	v16 =	vsel vm7, $0x10, v16;
	v11 =	vsel vm4, v15, v11;
	v15 =	vsel vm4, $0x10, v15  }
0x185: {  	v16 =	vsel vm6, v19, v16;
	v19 =	vsel vm6, $0x10, v19;
	vm10 =	vgt.f32 v14, v7  }
0x186: {  	v7 =	vmax.f32 v7, v14;
	vm13 =	vgt.f32 v25, v5;
	v21 =	vld.idx.msk [tilespmem:v21+s2+$0x0], $0xffff;
	v14 =	vadd.s32 v48, v3  }
0x187: {  	v5 =	vmax.f32 v5, v25;
	vm14 =	vgt.f32 v23, v12;
	vm15 =	vgt.f32 v23, v6  }
0x188: {  	v25 =	vmin.f32 v6, v23;
	v6 =	vmax.f32 v6, v23;
	vm4 =	vgt.f32 v20, v17  }
0x189: {  	vm5 =	vgt.f32 v20, v9;
	v12 =	vmax.f32 v12, v25;
	v25 =	vmin.f32 v9, v20  }
0x18a: {  	v9 =	vmax.f32 v9, v20;
	v17 =	vmax.f32 v17, v25;
	v23 =	vadd.s32 v48, v4  }
0x18b: {  	vm6 =	vgt.f32 v21, v18;
	v20 =	vadd.s32 v48, v1;
	vm7 =	vgt.f32 v21, v7;
	v14 =	vld.idx.msk [tilespmem:v14+s2+$0x0], $0xffff  }
0x18c: {  	v25 =	vmin.f32 v7, v21;
	v7 =	vmax.f32 v7, v21;
	v21 =	vadd.s32 v48, v2;
	v48 =	vld [tilespmem:$0x1FD20];
	_ =	sdelay $0x2  }
0x18d: {  	v23 =	vld.idx.msk [tilespmem:v23+s2+$0x0], $0xffff  }
0x18e: {  	v8 =	vsel vm9, $0x10, v8;
	v18 =	vmax.f32 v18, v25;
	v25 =	vmin.f32 v5, v14  }
0x18f: {  	vm9 =	vgt.f32 v14, v13;
	v13 =	vmax.f32 v13, v25;
	v25 =	vadd.s32 v48, v3  }
0x190: {  	v8 =	vsel vm8, v22, v8;
	v22 =	vsel vm8, $0x10, v22;
	v10 =	vsel vm11, $0x10, v10  }
0x191: {  	v10 =	vsel vm10, v24, v10;
	v24 =	vsel vm10, $0x10, v24;
	v11 =	vsel vm12, $0x11, v11;
	v20 =	vld.idx.msk [tilespmem:v20+s2+$0x0], $0xffff  }
0x192: {  	vm8 =	vgt.f32 v14, v5;
	v5 =	vmax.f32 v5, v14;
	v14 =	vmin.f32 v6, v23  }
0x193: {  	v16 =	vsel vm14, $0x11, v16;
	vm11 =	vgt.f32 v23, v12;
	v12 =	vmax.f32 v12, v14;
	v14 =	vld.idx.msk [tilespmem:v21+s2+$0x0], $0xffff  }
0x194: {  	v11 =	vsel vm13, v15, v11;
	v15 =	vsel vm13, $0x11, v15;
	v16 =	vsel vm15, v19, v16;
	v25 =	vld.idx.msk [tilespmem:v25+s2+$0x0], $0xffff  }
0x195: {  	v19 =	vsel vm15, $0x11, v19;
	vm10 =	vgt.f32 v23, v6;
	v6 =	vmax.f32 v6, v23  }
0x196: {  	vm12 =	vgt.f32 v20, v9;
	v23 =	vmin.f32 v9, v20;
	v21 =	vadd.s32 v48, v4  }
0x197: {  	vm13 =	vgt.f32 v20, v17;
	v17 =	vmax.f32 v17, v23;
	v23 =	vadd.s32 v48, v1  }
0x198: {  	v9 =	vmax.f32 v9, v20;
	vm15 =	vgt.f32 v14, v18;
	v20 =	vmin.f32 v7, v14  }
0x199: {  	v18 =	vmax.f32 v18, v20;
	v20 =	vadd.s32 v48, v2;
	v48 =	vmin.f32 v5, v25  }
0x19a: {  	v8 =	vsel vm4, $0x11, v8;
	vm4 =	vgt.f32 v25, v13;
	v13 =	vmax.f32 v13, v48;
	v48 =	vld [tilespmem:$0x1FD30]  }
0x19b: {  	v8 =	vsel vm5, v22, v8;
	v22 =	vsel vm5, $0x11, v22;
	v10 =	vsel vm6, $0x11, v10;
	v21 =	vld.idx.msk [tilespmem:v21+s2+$0x0], $0xffff  }
0x19c: {  	v10 =	vsel vm7, v24, v10;
	v24 =	vsel vm7, $0x11, v24;
	v11 =	vsel vm9, $0x12, v11;
	v23 =	vld.idx.msk [tilespmem:v23+s2+$0x0], $0xffff  }
0x19d: {  	v16 =	vsel vm11, $0x12, v16;
	v11 =	vsel vm8, v15, v11;
	v15 =	vsel vm8, $0x12, v15  }
0x19e: {  	v16 =	vsel vm10, v19, v16;
	v19 =	vsel vm10, $0x12, v19;
	vm14 =	vgt.f32 v14, v7  }
0x19f: {  	v7 =	vmax.f32 v7, v14;
	vm5 =	vgt.f32 v25, v5;
	v20 =	vld.idx.msk [tilespmem:v20+s2+$0x0], $0xffff;
	v14 =	vadd.s32 v48, v3  }
0x1a0: {  	v5 =	vmax.f32 v5, v25;
	vm6 =	vgt.f32 v21, v12;
	vm7 =	vgt.f32 v21, v6  }
0x1a1: {  	v25 =	vmin.f32 v6, v21;
	v6 =	vmax.f32 v6, v21;
	vm8 =	vgt.f32 v23, v17  }
0x1a2: {  	vm9 =	vgt.f32 v23, v9;
	v12 =	vmax.f32 v12, v25;
	v25 =	vmin.f32 v9, v23  }
0x1a3: {  	v9 =	vmax.f32 v9, v23;
	v17 =	vmax.f32 v17, v25;
	v21 =	vadd.s32 v48, v4  }
0x1a4: {  	vm10 =	vgt.f32 v20, v18;
	v23 =	vadd.s32 v48, v1;
	vm11 =	vgt.f32 v20, v7;
	v14 =	vld.idx.msk [tilespmem:v14+s2+$0x0], $0xffff  }
0x1a5: {  	v25 =	vmin.f32 v7, v20;
	v7 =	vmax.f32 v7, v20;
	v20 =	vadd.s32 v48, v2;
	v48 =	vld [tilespmem:$0x1FD40];
	_ =	sdelay $0x2  }
0x1a6: {  	v8 =	vsel vm13, $0x12, v8;
	v21 =	vld.idx.msk [tilespmem:v21+s2+$0x0], $0xffff  }
0x1a7: {  	v10 =	vsel vm15, $0x12, v10;
	v18 =	vmax.f32 v18, v25;
	v25 =	vmin.f32 v5, v14  }
0x1a8: {  	vm13 =	vgt.f32 v14, v13;
	v13 =	vmax.f32 v13, v25;
	v25 =	vadd.s32 v48, v3  }
0x1a9: {  	v8 =	vsel vm12, v22, v8;
	v22 =	vsel vm12, $0x12, v22;
	v10 =	vsel vm14, v24, v10  }
0x1aa: {  	v24 =	vsel vm14, $0x12, v24;
	v11 =	vsel vm4, $0x13, v11;
	v16 =	vsel vm6, $0x13, v16;
	v23 =	vld.idx.msk [tilespmem:v23+s2+$0x0], $0xffff  }
0x1ab: {  	vm12 =	vgt.f32 v14, v5;
	v5 =	vmax.f32 v5, v14;
	v14 =	vmin.f32 v6, v21  }
0x1ac: {  	v8 =	vsel vm8, $0x13, v8;
	vm15 =	vgt.f32 v21, v12;
	v12 =	vmax.f32 v12, v14;
	v14 =	vld.idx.msk [tilespmem:v20+s2+$0x0], $0xffff  }
0x1ad: {  	v11 =	vsel vm5, v15, v11;
	v15 =	vsel vm5, $0x13, v15;
	v16 =	vsel vm7, v19, v16;
	v25 =	vld.idx.msk [tilespmem:v25+s2+$0x0], $0xffff  }
0x1ae: {  	v19 =	vsel vm7, $0x13, v19;
	vm14 =	vgt.f32 v21, v6;
	v6 =	vmax.f32 v6, v21  }
0x1af: {  	vm4 =	vgt.f32 v23, v9;
	v21 =	vmin.f32 v9, v23;
	v20 =	vadd.s32 v48, v4  }
0x1b0: {  	vm5 =	vgt.f32 v23, v17;
	v17 =	vmax.f32 v17, v21;
	v21 =	vadd.s32 v48, v1  }
0x1b1: {  	v9 =	vmax.f32 v9, v23;
	vm7 =	vgt.f32 v14, v18;
	v23 =	vmin.f32 v7, v14  }
0x1b2: {  	v18 =	vmax.f32 v18, v23;
	v23 =	vadd.s32 v48, v2;
	v48 =	vmin.f32 v5, v25  }
0x1b3: {  	v10 =	vsel vm10, $0x13, v10;
	vm8 =	vgt.f32 v25, v13;
	v13 =	vmax.f32 v13, v48;
	v48 =	vld [tilespmem:$0x1FD50]  }
0x1b4: {  	v8 =	vsel vm9, v22, v8;
	v22 =	vsel vm9, $0x13, v22;
	v10 =	vsel vm11, v24, v10;
	v20 =	vld.idx.msk [tilespmem:v20+s2+$0x0], $0xffff  }
0x1b5: {  	v24 =	vsel vm11, $0x13, v24;
	v11 =	vsel vm13, $0x14, v11;
	v16 =	vsel vm15, $0x14, v16;
	v21 =	vld.idx.msk [tilespmem:v21+s2+$0x0], $0xffff  }
0x1b6: {  	v8 =	vsel vm5, $0x14, v8;
	v11 =	vsel vm12, v15, v11;
	v15 =	vsel vm12, $0x14, v15  }
0x1b7: {  	v16 =	vsel vm14, v19, v16;
	v19 =	vsel vm14, $0x14, v19;
	vm6 =	vgt.f32 v14, v7  }
0x1b8: {  	v7 =	vmax.f32 v7, v14;
	vm9 =	vgt.f32 v25, v5;
	v23 =	vld.idx.msk [tilespmem:v23+s2+$0x0], $0xffff;
	v14 =	vadd.s32 v48, v3  }
0x1b9: {  	v5 =	vmax.f32 v5, v25;
	vm10 =	vgt.f32 v20, v12;
	vm11 =	vgt.f32 v20, v6  }
0x1ba: {  	v25 =	vmin.f32 v6, v20;
	v6 =	vmax.f32 v6, v20;
	vm12 =	vgt.f32 v21, v17  }
0x1bb: {  	vm13 =	vgt.f32 v21, v9;
	v12 =	vmax.f32 v12, v25;
	v25 =	vmin.f32 v9, v21  }
0x1bc: {  	v9 =	vmax.f32 v9, v21;
	v17 =	vmax.f32 v17, v25;
	v20 =	vadd.s32 v48, v4  }
0x1bd: {  	vm14 =	vgt.f32 v23, v18;
	v21 =	vadd.s32 v48, v1;
	vm15 =	vgt.f32 v23, v7;
	v14 =	vld.idx.msk [tilespmem:v14+s2+$0x0], $0xffff  }
0x1be: {  	v25 =	vmin.f32 v7, v23;
	v7 =	vmax.f32 v7, v23;
	v23 =	vadd.s32 v48, v2;
	v48 =	vld [tilespmem:$0x1FD60]  }
0x1bf: {  	v8 =	vsel vm4, v22, v8;
	v22 =	vsel vm4, $0x14, v22;
	v10 =	vsel vm7, $0x14, v10  }
0x1c0: {  	v10 =	vsel vm6, v24, v10;
	v24 =	vsel vm6, $0x14, v24;
	v11 =	vsel vm8, $0x15, v11  }
0x1c1: {  	v16 =	vsel vm10, $0x15, v16;
	v8 =	vsel vm12, $0x15, v8;
	v11 =	vsel vm9, v15, v11;
	v20 =	vld.idx.msk [tilespmem:v20+s2+$0x0], $0xffff  }
0x1c2: {  	v15 =	vsel vm9, $0x15, v15;
	v18 =	vmax.f32 v18, v25;
	v25 =	vmin.f32 v5, v14  }
0x1c3: {  	vm5 =	vgt.f32 v14, v13;
	v13 =	vmax.f32 v13, v25;
	v25 =	vadd.s32 v48, v3  }
0x1c4: {  	v16 =	vsel vm11, v19, v16;
	v19 =	vsel vm11, $0x15, v19;
	v10 =	vsel vm14, $0x15, v10;
	v21 =	vld.idx.msk [tilespmem:v21+s2+$0x0], $0xffff  }
0x1c5: {  	v8 =	vsel vm13, v22, v8;
	v22 =	vsel vm13, $0x15, v22;
	v10 =	vsel vm15, v24, v10  }
0x1c6: {  	vm4 =	vgt.f32 v14, v5;
	v5 =	vmax.f32 v5, v14;
	v14 =	vmin.f32 v6, v20  }
0x1c7: {  	v24 =	vsel vm15, $0x15, v24;
	vm7 =	vgt.f32 v20, v12;
	v12 =	vmax.f32 v12, v14;
	v14 =	vld.idx.msk [tilespmem:v23+s2+$0x0], $0xffff  }
0x1c8: {  	vm6 =	vgt.f32 v20, v6;
	v6 =	vmax.f32 v6, v20;
	v23 =	vadd.s32 v48, v4;
	v25 =	vld.idx.msk [tilespmem:v25+s2+$0x0], $0xffff  }
0x1c9: {  	vm8 =	vgt.f32 v21, v9;
	vm9 =	vgt.f32 v21, v17;
	v20 =	vmin.f32 v9, v21  }
0x1ca: {  	v9 =	vmax.f32 v9, v21;
	v17 =	vmax.f32 v17, v20;
	v20 =	vadd.s32 v48, v1  }
0x1cb: {  	v11 =	vsel vm5, $0x16, v11;
	v16 =	vsel vm7, $0x16, v16;
	v8 =	vsel vm9, $0x16, v8  }
0x1cc: {  	v11 =	vsel vm4, v15, v11;
	vm11 =	vgt.f32 v14, v18;
	v21 =	vmin.f32 v7, v14  }
0x1cd: {  	v23 =	vld.idx.msk [tilespmem:v23+s2+$0x0], $0xffff;
	v18 =	vmax.f32 v18, v21;
	v21 =	vadd.s32 v48, v2;
	v48 =	vmin.f32 v5, v25  }
0x1ce: {  	v15 =	vsel vm4, $0x16, v15;
	vm12 =	vgt.f32 v25, v13;
	v13 =	vmax.f32 v13, v48;
	v48 =	vld [tilespmem:$0x1FD70]  }
0x1cf: {  	v16 =	vsel vm6, v19, v16;
	v19 =	vsel vm6, $0x16, v19;
	v8 =	vsel vm8, v22, v8;
	v20 =	vld.idx.msk [tilespmem:v20+s2+$0x0], $0xffff  }
0x1d0: {  	v22 =	vsel vm8, $0x16, v22;
	vm10 =	vgt.f32 v14, v7;
	v10 =	vsel vm11, $0x16, v10  }
0x1d1: {  	v7 =	vmax.f32 v7, v14;
	v10 =	vsel vm10, v24, v10;
	v24 =	vsel vm10, $0x16, v24  }
0x1d2: {  	vm13 =	vgt.f32 v25, v5;
	v5 =	vmax.f32 v5, v25;
	vm14 =	vgt.f32 v23, v12  }
0x1d3: {  	vm15 =	vgt.f32 v23, v6;
	v25 =	vmin.f32 v6, v23;
	v14 =	vadd.s32 v48, v3  }
0x1d4: {  	v6 =	vmax.f32 v6, v23;
	vm4 =	vgt.f32 v20, v17;
	v21 =	vld.idx.msk [tilespmem:v21+s2+$0x0], $0xffff;
	v23 =	vadd.s32 v48, v4  }
0x1d5: {  	vm5 =	vgt.f32 v20, v9;
	v11 =	vsel vm12, $0x17, v11;
	v16 =	vsel vm14, $0x17, v16  }
0x1d6: {  	v12 =	vmax.f32 v12, v25;
	v8 =	vsel vm4, $0x17, v8;
	v25 =	vmin.f32 v9, v20  }
0x1d7: {  	v9 =	vmax.f32 v9, v20;
	v11 =	vsel vm13, v15, v11;
	v20 =	vadd.s32 v48, v1  }
0x1d8: {  	v15 =	vsel vm13, $0x17, v15;
	v16 =	vsel vm15, v19, v16;
	v19 =	vsel vm15, $0x17, v19;
	v14 =	vld.idx.msk [tilespmem:v14+s2+$0x0], $0xffff  }
0x1d9: {  	v17 =	vmax.f32 v17, v25;
	vm6 =	vgt.f32 v21, v18;
	vm7 =	vgt.f32 v21, v7;
	v23 =	vld.idx.msk [tilespmem:v23+s2+$0x0], $0xffff  }
0x1da: {  	v25 =	vmin.f32 v7, v21;
	v7 =	vmax.f32 v7, v21;
	v21 =	vadd.s32 v48, v2;
	v48 =	vld [tilespmem:$0x1FD80]  }
0x1db: {  	v8 =	vsel vm5, v22, v8;
	v22 =	vsel vm5, $0x17, v22;
	v10 =	vsel vm6, $0x17, v10  }
0x1dc: {  	v18 =	vmax.f32 v18, v25;
	v10 =	vsel vm7, v24, v10;
	v24 =	vsel vm7, $0x17, v24;
	v20 =	vld.idx.msk [tilespmem:v20+s2+$0x0], $0xffff  }
0x1dd: {  	vm8 =	vgt.f32 v14, v5;
	vm9 =	vgt.f32 v14, v13;
	v25 =	vmin.f32 v5, v14  }
0x1de: {  	v5 =	vmax.f32 v5, v14;
	vm10 =	vgt.f32 v23, v6;
	vm11 =	vgt.f32 v23, v12  }
0x1df: {  	v14 =	vmin.f32 v6, v23;
	v13 =	vmax.f32 v13, v25;
	v25 =	vadd.s32 v48, v3  }
0x1e0: {  	v6 =	vmax.f32 v6, v23;
	v12 =	vmax.f32 v12, v14;
	v14 =	vld.idx.msk [tilespmem:v21+s2+$0x0], $0xffff;
	v21 =	vadd.s32 v48, v4  }
0x1e1: {  	vm12 =	vgt.f32 v20, v9;
	vm13 =	vgt.f32 v20, v17;
	v23 =	vmin.f32 v9, v20  }
0x1e2: {  	v9 =	vmax.f32 v9, v20;
	v17 =	vmax.f32 v17, v23;
	v23 =	vadd.s32 v48, v1  }
0x1e3: {  	v11 =	vsel vm9, $0x18, v11;
	v16 =	vsel vm11, $0x18, v16;
	v8 =	vsel vm13, $0x18, v8  }
0x1e4: {  	v11 =	vsel vm8, v15, v11;
	v15 =	vsel vm8, $0x18, v15;
	v16 =	vsel vm10, v19, v16;
	v25 =	vld.idx.msk [tilespmem:v25+s2+$0x0], $0xffff  }
0x1e5: {  	v19 =	vsel vm10, $0x18, v19;
	v8 =	vsel vm12, v22, v8;
	v20 =	vmin.f32 v7, v14;
	v21 =	vld.idx.msk [tilespmem:v21+s2+$0x0], $0xffff  }
0x1e6: {  	vm15 =	vgt.f32 v14, v18;
	v18 =	vmax.f32 v18, v20;
	v20 =	vadd.s32 v48, v2  }
0x1e7: {  	v22 =	vsel vm12, $0x18, v22;
	vm14 =	vgt.f32 v14, v7;
	v23 =	vld.idx.msk [tilespmem:v23+s2+$0x0], $0xffff;
	v10 =	vsel vm15, $0x18, v10  }
0x1e8: {  	v7 =	vmax.f32 v7, v14;
	v10 =	vsel vm14, v24, v10;
	v24 =	vsel vm14, $0x18, v24  }
0x1e9: {  	vm4 =	vgt.f32 v25, v13;
	vm5 =	vgt.f32 v25, v5;
	v48 =	vmin.f32 v5, v25  }
0x1ea: {  	v5 =	vmax.f32 v5, v25;
	vm6 =	vgt.f32 v21, v12;
	vm7 =	vgt.f32 v21, v6  }
0x1eb: {  	v25 =	vmin.f32 v6, v21;
	v6 =	vmax.f32 v6, v21;
	v21 =	vadd.s32 v49, v4;
	v20 =	vld.idx.msk [tilespmem:v20+s2+$0x0], $0xffff  }
0x1ec: {  	vm8 =	vgt.f32 v23, v17;
	v13 =	vmax.f32 v13, v48;
	v48 =	vadd.s32 v49, v3  }
0x1ed: {  	vm9 =	vgt.f32 v23, v9;
	v11 =	vsel vm4, $0x19, v11;
	v16 =	vsel vm6, $0x19, v16  }
0x1ee: {  	v12 =	vmax.f32 v12, v25;
	v8 =	vsel vm8, $0x19, v8;
	v25 =	vmin.f32 v9, v23  }
0x1ef: {  	v9 =	vmax.f32 v9, v23;
	v23 =	vadd.s32 v49, v1;
	v11 =	vsel vm5, v15, v11  }
0x1f0: {  	v17 =	vmax.f32 v17, v25;
	v21 =	vld.idx.msk [tilespmem:v21+s2+$0x0], $0xffff;
	vm10 =	vgt.f32 v20, v18;
	vm11 =	vgt.f32 v20, v7  }
0x1f1: {  	v14 =	vld.idx.msk [tilespmem:v48+s2+$0x0], $0xffff;
	v25 =	vmin.f32 v7, v20;
	v7 =	vmax.f32 v7, v20;
	v20 =	vadd.s32 v49, v2  }
0x1f2: {  	v15 =	vsel vm5, $0x19, v15;
	v16 =	vsel vm7, v19, v16;
	v19 =	vsel vm7, $0x19, v19  }
0x1f3: {  	v8 =	vsel vm9, v22, v8;
	v22 =	vsel vm9, $0x19, v22;
	v10 =	vsel vm10, $0x19, v10  }
0x1f4: {  	v23 =	vld.idx.msk [tilespmem:v23+s2+$0x0], $0xffff;
	v18 =	vmax.f32 v18, v25;
	v10 =	vsel vm11, v24, v10;
	v24 =	vsel vm11, $0x19, v24  }
0x1f5: {  	vm14 =	vgt.f32 v21, v6;
	vm15 =	vgt.f32 v21, v12;
	v48 =	vmin.f32 v6, v21  }
0x1f6: {  	v25 =	vmin.f32 v5, v14;
	v12 =	vmax.f32 v12, v48;
	v48 =	vld.idx.msk [tilespmem:v20+s2+$0x0], $0xffff;
	v20 =	vadd.s32 v50, v4  }
0x1f7: {  	vm13 =	vgt.f32 v14, v13;
	v13 =	vmax.f32 v13, v25;
	v25 =	vadd.s32 v50, v3  }
0x1f8: {  	v6 =	vmax.f32 v6, v21;
	vm12 =	vgt.f32 v14, v5;
	v5 =	vmax.f32 v5, v14  }
0x1f9: {  	v16 =	vsel vm15, $0x1A, v16;
	vm4 =	vgt.f32 v23, v9;
	vm5 =	vgt.f32 v23, v17  }
0x1fa: {  	v21 =	vmin.f32 v9, v23;
	v9 =	vmax.f32 v9, v23;
	v11 =	vsel vm13, $0x1A, v11  }
0x1fb: {  	v16 =	vsel vm14, v19, v16;
	v17 =	vmax.f32 v17, v21;
	v21 =	vadd.s32 v50, v1;
	v20 =	vld.idx.msk [tilespmem:v20+s2+$0x0], $0xffff  }
0x1fc: {  	v19 =	vsel vm14, $0x1A, v19;
	v8 =	vsel vm5, $0x1A, v8;
	v11 =	vsel vm12, v15, v11;
	v25 =	vld.idx.msk [tilespmem:v25+s2+$0x0], $0xffff  }
0x1fd: {  	v15 =	vsel vm12, $0x1A, v15;
	v8 =	vsel vm4, v22, v8;
	v23 =	vmin.f32 v7, v48  }
0x1fe: {  	vm7 =	vgt.f32 v48, v18;
	v18 =	vmax.f32 v18, v23;
	v23 =	vadd.s32 v50, v2  }
0x1ff: {  	v22 =	vsel vm4, $0x1A, v22;
	vm6 =	vgt.f32 v48, v7;
	v10 =	vsel vm7, $0x1A, v10  }
0x200: {  	v7 =	vmax.f32 v7, v48;
	v21 =	vld.idx.msk [tilespmem:v21+s2+$0x0], $0xffff;
	v10 =	vsel vm6, v24, v10;
	v24 =	vsel vm6, $0x1A, v24  }
0x201: {  	vm10 =	vgt.f32 v20, v12;
	vm11 =	vgt.f32 v20, v6;
	vm8 =	vgt.f32 v25, v13  }
0x202: {  	vm9 =	vgt.f32 v25, v5;
	v48 =	vmin.f32 v5, v25;
	v5 =	vmax.f32 v5, v25  }
0x203: {  	v25 =	vmin.f32 v6, v20;
	v23 =	vld.idx.msk [tilespmem:v23+s2+$0x0], $0xffff;
	v6 =	vmax.f32 v6, v20;
	v20 =	vadd.s32 v51, v4  }
0x204: {  	v16 =	vsel vm10, $0x1B, v16;
	v13 =	vmax.f32 v13, v48;
	v48 =	vadd.s32 v51, v3  }
0x205: {  	vm12 =	vgt.f32 v21, v17;
	vm13 =	vgt.f32 v21, v9;
	v11 =	vsel vm8, $0x1B, v11  }
0x206: {  	v16 =	vsel vm11, v19, v16;
	v12 =	vmax.f32 v12, v25;
	v8 =	vsel vm12, $0x1B, v8  }
0x207: {  	v25 =	vmin.f32 v9, v21;
	v9 =	vmax.f32 v9, v21;
	v21 =	vadd.s32 v51, v1  }
0x208: {  	v17 =	vmax.f32 v17, v25;
	vm14 =	vgt.f32 v23, v18;
	vm15 =	vgt.f32 v23, v7;
	v20 =	vld.idx.msk [tilespmem:v20+s2+$0x0], $0xffff  }
0x209: {  	v25 =	vmin.f32 v7, v23;
	v7 =	vmax.f32 v7, v23;
	v23 =	vadd.s32 v51, v2;
	v14 =	vld.idx.msk [tilespmem:v48+s2+$0x0], $0xffff  }
0x20a: {  	v19 =	vsel vm11, $0x1B, v19;
	v11 =	vsel vm9, v15, v11;
	v15 =	vsel vm9, $0x1B, v15  }
0x20b: {  	v8 =	vsel vm13, v22, v8;
	v22 =	vsel vm13, $0x1B, v22;
	v10 =	vsel vm14, $0x1B, v10  }
0x20c: {  	v18 =	vmax.f32 v18, v25;
	v21 =	vld.idx.msk [tilespmem:v21+s2+$0x0], $0xffff;
	v10 =	vsel vm15, v24, v10;
	v24 =	vsel vm15, $0x1B, v24  }
0x20d: {  	vm6 =	vgt.f32 v20, v6;
	vm7 =	vgt.f32 v20, v12;
	v48 =	vmin.f32 v6, v20  }
0x20e: {  	v25 =	vmin.f32 v5, v14;
	v12 =	vmax.f32 v12, v48;
	v48 =	vld.idx.msk [tilespmem:v23+s2+$0x0], $0xffff;
	v23 =	vadd.s32 v52, v4  }
0x20f: {  	vm5 =	vgt.f32 v14, v13;
	v13 =	vmax.f32 v13, v25;
	v25 =	vadd.s32 v52, v3  }
0x210: {  	v6 =	vmax.f32 v6, v20;
	vm4 =	vgt.f32 v14, v5;
	v5 =	vmax.f32 v5, v14  }
0x211: {  	v16 =	vsel vm7, $0x1C, v16;
	vm8 =	vgt.f32 v21, v9;
	vm9 =	vgt.f32 v21, v17  }
0x212: {  	v20 =	vmin.f32 v9, v21;
	v9 =	vmax.f32 v9, v21;
	v11 =	vsel vm5, $0x1C, v11  }
0x213: {  	v16 =	vsel vm6, v19, v16;
	v17 =	vmax.f32 v17, v20;
	v20 =	vadd.s32 v52, v1;
	v23 =	vld.idx.msk [tilespmem:v23+s2+$0x0], $0xffff  }
0x214: {  	v19 =	vsel vm6, $0x1C, v19;
	v8 =	vsel vm9, $0x1C, v8;
	v11 =	vsel vm4, v15, v11;
	v25 =	vld.idx.msk [tilespmem:v25+s2+$0x0], $0xffff  }
0x215: {  	v15 =	vsel vm4, $0x1C, v15;
	v8 =	vsel vm8, v22, v8;
	v21 =	vmin.f32 v7, v48  }
0x216: {  	vm11 =	vgt.f32 v48, v18;
	v18 =	vmax.f32 v18, v21;
	v21 =	vadd.s32 v52, v2  }
0x217: {  	v22 =	vsel vm8, $0x1C, v22;
	vm10 =	vgt.f32 v48, v7;
	v10 =	vsel vm11, $0x1C, v10  }
0x218: {  	v7 =	vmax.f32 v7, v48;
	v20 =	vld.idx.msk [tilespmem:v20+s2+$0x0], $0xffff;
	v10 =	vsel vm10, v24, v10;
	v24 =	vsel vm10, $0x1C, v24  }
0x219: {  	vm14 =	vgt.f32 v23, v12;
	vm15 =	vgt.f32 v23, v6;
	vm12 =	vgt.f32 v25, v13  }
0x21a: {  	vm13 =	vgt.f32 v25, v5;
	v48 =	vmin.f32 v5, v25;
	v5 =	vmax.f32 v5, v25  }
0x21b: {  	v25 =	vmin.f32 v6, v23;
	v21 =	vld.idx.msk [tilespmem:v21+s2+$0x0], $0xffff;
	v6 =	vmax.f32 v6, v23;
	v23 =	vadd.s32 v53, v4  }
0x21c: {  	v16 =	vsel vm14, $0x1D, v16;
	v13 =	vmax.f32 v13, v48;
	v48 =	vadd.s32 v53, v3  }
0x21d: {  	vm4 =	vgt.f32 v20, v17;
	vm5 =	vgt.f32 v20, v9;
	v11 =	vsel vm12, $0x1D, v11  }
0x21e: {  	v16 =	vsel vm15, v19, v16;
	v12 =	vmax.f32 v12, v25;
	v8 =	vsel vm4, $0x1D, v8  }
0x21f: {  	v25 =	vmin.f32 v9, v20;
	v9 =	vmax.f32 v9, v20;
	v20 =	vadd.s32 v53, v1  }
0x220: {  	v17 =	vmax.f32 v17, v25;
	vm6 =	vgt.f32 v21, v18;
	vm7 =	vgt.f32 v21, v7;
	v23 =	vld.idx.msk [tilespmem:v23+s2+$0x0], $0xffff  }
0x221: {  	v25 =	vmin.f32 v7, v21;
	v7 =	vmax.f32 v7, v21;
	v21 =	vadd.s32 v53, v2;
	v14 =	vld.idx.msk [tilespmem:v48+s2+$0x0], $0xffff  }
0x222: {  	v19 =	vsel vm15, $0x1D, v19;
	v11 =	vsel vm13, v15, v11;
	v15 =	vsel vm13, $0x1D, v15  }
0x223: {  	v8 =	vsel vm5, v22, v8;
	v22 =	vsel vm5, $0x1D, v22;
	v10 =	vsel vm6, $0x1D, v10  }
0x224: {  	v18 =	vmax.f32 v18, v25;
	v20 =	vld.idx.msk [tilespmem:v20+s2+$0x0], $0xffff;
	v10 =	vsel vm7, v24, v10;
	v24 =	vsel vm7, $0x1D, v24  }
0x225: {  	vm10 =	vgt.f32 v23, v6;
	vm11 =	vgt.f32 v23, v12;
	v48 =	vmin.f32 v6, v23  }
0x226: {  	v25 =	vmin.f32 v5, v14;
	v12 =	vmax.f32 v12, v48;
	v48 =	vld.idx.msk [tilespmem:v21+s2+$0x0], $0xffff;
	v21 =	vadd.s32 v54, v4  }
0x227: {  	vm9 =	vgt.f32 v14, v13;
	v13 =	vmax.f32 v13, v25;
	v25 =	vadd.s32 v54, v3  }
0x228: {  	v6 =	vmax.f32 v6, v23;
	vm8 =	vgt.f32 v14, v5;
	v5 =	vmax.f32 v5, v14  }
0x229: {  	v16 =	vsel vm11, $0x1E, v16;
	vm12 =	vgt.f32 v20, v9;
	vm13 =	vgt.f32 v20, v17  }
0x22a: {  	v23 =	vmin.f32 v9, v20;
	v9 =	vmax.f32 v9, v20;
	v11 =	vsel vm9, $0x1E, v11  }
0x22b: {  	v16 =	vsel vm10, v19, v16;
	v17 =	vmax.f32 v17, v23;
	v23 =	vadd.s32 v54, v1;
	v21 =	vld.idx.msk [tilespmem:v21+s2+$0x0], $0xffff  }
0x22c: {  	v19 =	vsel vm10, $0x1E, v19;
	v8 =	vsel vm13, $0x1E, v8;
	v11 =	vsel vm8, v15, v11;
	v25 =	vld.idx.msk [tilespmem:v25+s2+$0x0], $0xffff  }
0x22d: {  	v15 =	vsel vm8, $0x1E, v15;
	v8 =	vsel vm12, v22, v8;
	v20 =	vmin.f32 v7, v48  }
0x22e: {  	vm15 =	vgt.f32 v48, v18;
	v18 =	vmax.f32 v18, v20;
	v20 =	vadd.s32 v54, v2  }
0x22f: {  	v22 =	vsel vm12, $0x1E, v22;
	vm14 =	vgt.f32 v48, v7;
	v10 =	vsel vm15, $0x1E, v10  }
0x230: {  	v7 =	vmax.f32 v7, v48;
	v23 =	vld.idx.msk [tilespmem:v23+s2+$0x0], $0xffff;
	v10 =	vsel vm14, v24, v10;
	v24 =	vsel vm14, $0x1E, v24  }
0x231: {  	vm6 =	vgt.f32 v21, v12;
	vm7 =	vgt.f32 v21, v6;
	vm4 =	vgt.f32 v25, v13  }
0x232: {  	vm5 =	vgt.f32 v25, v5;
	v48 =	vmin.f32 v5, v25;
	v5 =	vmax.f32 v5, v25  }
0x233: {  	v25 =	vmin.f32 v6, v21;
	v20 =	vld.idx.msk [tilespmem:v20+s2+$0x0], $0xffff;
	v6 =	vmax.f32 v6, v21;
	v21 =	vadd.s32 v55, v4  }
0x234: {  	v16 =	vsel vm6, $0x1F, v16;
	v13 =	vmax.f32 v13, v48;
	v48 =	vadd.s32 v55, v3  }
0x235: {  	vm8 =	vgt.f32 v23, v17;
	vm9 =	vgt.f32 v23, v9;
	v11 =	vsel vm4, $0x1F, v11  }
0x236: {  	v16 =	vsel vm7, v19, v16;
	v12 =	vmax.f32 v12, v25;
	v8 =	vsel vm8, $0x1F, v8  }
0x237: {  	v25 =	vmin.f32 v9, v23;
	v9 =	vmax.f32 v9, v23;
	v23 =	vadd.s32 v55, v1  }
0x238: {  	v17 =	vmax.f32 v17, v25;
	vm10 =	vgt.f32 v20, v18;
	vm11 =	vgt.f32 v20, v7;
	v21 =	vld.idx.msk [tilespmem:v21+s2+$0x0], $0xffff  }
0x239: {  	v25 =	vmin.f32 v7, v20;
	v7 =	vmax.f32 v7, v20;
	v20 =	vadd.s32 v55, v2;
	v14 =	vld.idx.msk [tilespmem:v48+s2+$0x0], $0xffff  }
0x23a: {  	v19 =	vsel vm7, $0x1F, v19;
	v11 =	vsel vm5, v15, v11;
	v15 =	vsel vm5, $0x1F, v15  }
0x23b: {  	v8 =	vsel vm9, v22, v8;
	v22 =	vsel vm9, $0x1F, v22;
	v10 =	vsel vm10, $0x1F, v10  }
0x23c: {  	v18 =	vmax.f32 v18, v25;
	v23 =	vld.idx.msk [tilespmem:v23+s2+$0x0], $0xffff;
	v10 =	vsel vm11, v24, v10;
	v24 =	vsel vm11, $0x1F, v24  }
0x23d: {  	vm14 =	vgt.f32 v21, v6;
	vm15 =	vgt.f32 v21, v12;
	v48 =	vmin.f32 v6, v21  }
0x23e: {  	v25 =	vmin.f32 v5, v14;
	v12 =	vmax.f32 v12, v48;
	v48 =	vld.idx.msk [tilespmem:v20+s2+$0x0], $0xffff;
	v20 =	vadd.s32 v56, v4  }
0x23f: {  	vm13 =	vgt.f32 v14, v13;
	v13 =	vmax.f32 v13, v25;
	v25 =	vadd.s32 v56, v3  }
0x240: {  	v6 =	vmax.f32 v6, v21;
	vm12 =	vgt.f32 v14, v5;
	v5 =	vmax.f32 v5, v14  }
0x241: {  	v16 =	vsel vm15, $0x20, v16;
	vm4 =	vgt.f32 v23, v9;
	vm5 =	vgt.f32 v23, v17  }
0x242: {  	v21 =	vmin.f32 v9, v23;
	v9 =	vmax.f32 v9, v23;
	v11 =	vsel vm13, $0x20, v11  }
0x243: {  	v16 =	vsel vm14, v19, v16;
	v17 =	vmax.f32 v17, v21;
	v21 =	vadd.s32 v56, v1;
	v20 =	vld.idx.msk [tilespmem:v20+s2+$0x0], $0xffff  }
0x244: {  	v19 =	vsel vm14, $0x20, v19;
	v8 =	vsel vm5, $0x20, v8;
	v11 =	vsel vm12, v15, v11;
	v25 =	vld.idx.msk [tilespmem:v25+s2+$0x0], $0xffff  }
0x245: {  	v15 =	vsel vm12, $0x20, v15;
	v8 =	vsel vm4, v22, v8;
	v23 =	vmin.f32 v7, v48  }
0x246: {  	vm7 =	vgt.f32 v48, v18;
	v18 =	vmax.f32 v18, v23;
	v23 =	vadd.s32 v56, v2  }
0x247: {  	v22 =	vsel vm4, $0x20, v22;
	vm6 =	vgt.f32 v48, v7;
	v10 =	vsel vm7, $0x20, v10  }
0x248: {  	v7 =	vmax.f32 v7, v48;
	v21 =	vld.idx.msk [tilespmem:v21+s2+$0x0], $0xffff;
	v10 =	vsel vm6, v24, v10;
	v24 =	vsel vm6, $0x20, v24  }
0x249: {  	vm10 =	vgt.f32 v20, v12;
	vm11 =	vgt.f32 v20, v6;
	vm8 =	vgt.f32 v25, v13  }
0x24a: {  	vm9 =	vgt.f32 v25, v5;
	v48 =	vmin.f32 v5, v25;
	v5 =	vmax.f32 v5, v25  }
0x24b: {  	v25 =	vmin.f32 v6, v20;
	v23 =	vld.idx.msk [tilespmem:v23+s2+$0x0], $0xffff;
	v6 =	vmax.f32 v6, v20;
	v20 =	vadd.s32 v57, v4  }
0x24c: {  	v16 =	vsel vm10, $0x21, v16;
	v13 =	vmax.f32 v13, v48;
	v48 =	vadd.s32 v57, v3  }
0x24d: {  	vm12 =	vgt.f32 v21, v17;
	vm13 =	vgt.f32 v21, v9;
	v11 =	vsel vm8, $0x21, v11  }
0x24e: {  	v16 =	vsel vm11, v19, v16;
	v12 =	vmax.f32 v12, v25;
	v8 =	vsel vm12, $0x21, v8  }
0x24f: {  	v25 =	vmin.f32 v9, v21;
	v9 =	vmax.f32 v9, v21;
	v21 =	vadd.s32 v57, v1  }
0x250: {  	v17 =	vmax.f32 v17, v25;
	vm14 =	vgt.f32 v23, v18;
	vm15 =	vgt.f32 v23, v7;
	v20 =	vld.idx.msk [tilespmem:v20+s2+$0x0], $0xffff  }
0x251: {  	v25 =	vmin.f32 v7, v23;
	v7 =	vmax.f32 v7, v23;
	v23 =	vadd.s32 v57, v2;
	v14 =	vld.idx.msk [tilespmem:v48+s2+$0x0], $0xffff  }
0x252: {  	v19 =	vsel vm11, $0x21, v19;
	v11 =	vsel vm9, v15, v11;
	v15 =	vsel vm9, $0x21, v15  }
0x253: {  	v8 =	vsel vm13, v22, v8;
	v22 =	vsel vm13, $0x21, v22;
	v10 =	vsel vm14, $0x21, v10  }
0x254: {  	v18 =	vmax.f32 v18, v25;
	v21 =	vld.idx.msk [tilespmem:v21+s2+$0x0], $0xffff;
	v10 =	vsel vm15, v24, v10;
	v24 =	vsel vm15, $0x21, v24  }
0x255: {  	vm6 =	vgt.f32 v20, v6;
	vm7 =	vgt.f32 v20, v12;
	v48 =	vmin.f32 v6, v20  }
0x256: {  	v25 =	vmin.f32 v5, v14;
	v12 =	vmax.f32 v12, v48;
	v48 =	vld.idx.msk [tilespmem:v23+s2+$0x0], $0xffff;
	v23 =	vadd.s32 v58, v4  }
0x257: {  	vm5 =	vgt.f32 v14, v13;
	v13 =	vmax.f32 v13, v25;
	v25 =	vadd.s32 v58, v3  }
0x258: {  	v6 =	vmax.f32 v6, v20;
	vm4 =	vgt.f32 v14, v5;
	v5 =	vmax.f32 v5, v14  }
0x259: {  	v16 =	vsel vm7, $0x22, v16;
	vm8 =	vgt.f32 v21, v9;
	vm9 =	vgt.f32 v21, v17  }
0x25a: {  	v20 =	vmin.f32 v9, v21;
	v9 =	vmax.f32 v9, v21;
	v11 =	vsel vm5, $0x22, v11  }
0x25b: {  	v16 =	vsel vm6, v19, v16;
	v17 =	vmax.f32 v17, v20;
	v20 =	vadd.s32 v58, v1;
	v23 =	vld.idx.msk [tilespmem:v23+s2+$0x0], $0xffff  }
0x25c: {  	v19 =	vsel vm6, $0x22, v19;
	v8 =	vsel vm9, $0x22, v8;
	v11 =	vsel vm4, v15, v11;
	v25 =	vld.idx.msk [tilespmem:v25+s2+$0x0], $0xffff  }
0x25d: {  	v15 =	vsel vm4, $0x22, v15;
	v8 =	vsel vm8, v22, v8;
	v21 =	vmin.f32 v7, v48  }
0x25e: {  	vm11 =	vgt.f32 v48, v18;
	v18 =	vmax.f32 v18, v21;
	v21 =	vadd.s32 v58, v2  }
0x25f: {  	v22 =	vsel vm8, $0x22, v22;
	vm10 =	vgt.f32 v48, v7;
	v10 =	vsel vm11, $0x22, v10  }
0x260: {  	v7 =	vmax.f32 v7, v48;
	v20 =	vld.idx.msk [tilespmem:v20+s2+$0x0], $0xffff;
	v10 =	vsel vm10, v24, v10;
	v24 =	vsel vm10, $0x22, v24  }
0x261: {  	vm14 =	vgt.f32 v23, v12;
	vm15 =	vgt.f32 v23, v6;
	vm12 =	vgt.f32 v25, v13  }
0x262: {  	vm13 =	vgt.f32 v25, v5;
	v48 =	vmin.f32 v5, v25;
	v5 =	vmax.f32 v5, v25  }
0x263: {  	v25 =	vmin.f32 v6, v23;
	v21 =	vld.idx.msk [tilespmem:v21+s2+$0x0], $0xffff;
	v6 =	vmax.f32 v6, v23;
	v23 =	vadd.s32 v59, v4  }
0x264: {  	v16 =	vsel vm14, $0x23, v16;
	v13 =	vmax.f32 v13, v48;
	v48 =	vadd.s32 v59, v3  }
0x265: {  	vm4 =	vgt.f32 v20, v17;
	vm5 =	vgt.f32 v20, v9;
	v11 =	vsel vm12, $0x23, v11  }
0x266: {  	v16 =	vsel vm15, v19, v16;
	v12 =	vmax.f32 v12, v25;
	v8 =	vsel vm4, $0x23, v8  }
0x267: {  	v25 =	vmin.f32 v9, v20;
	v9 =	vmax.f32 v9, v20;
	v20 =	vadd.s32 v59, v1  }
0x268: {  	v17 =	vmax.f32 v17, v25;
	vm6 =	vgt.f32 v21, v18;
	vm7 =	vgt.f32 v21, v7;
	v23 =	vld.idx.msk [tilespmem:v23+s2+$0x0], $0xffff  }
0x269: {  	v25 =	vmin.f32 v7, v21;
	v7 =	vmax.f32 v7, v21;
	v21 =	vadd.s32 v59, v2;
	v14 =	vld.idx.msk [tilespmem:v48+s2+$0x0], $0xffff  }
0x26a: {  	v19 =	vsel vm15, $0x23, v19;
	v11 =	vsel vm13, v15, v11;
	v15 =	vsel vm13, $0x23, v15  }
0x26b: {  	v8 =	vsel vm5, v22, v8;
	v22 =	vsel vm5, $0x23, v22;
	v10 =	vsel vm6, $0x23, v10  }
0x26c: {  	v18 =	vmax.f32 v18, v25;
	v20 =	vld.idx.msk [tilespmem:v20+s2+$0x0], $0xffff;
	v10 =	vsel vm7, v24, v10;
	v24 =	vsel vm7, $0x23, v24  }
0x26d: {  	vm10 =	vgt.f32 v23, v6;
	vm11 =	vgt.f32 v23, v12;
	v48 =	vmin.f32 v6, v23  }
0x26e: {  	v25 =	vmin.f32 v5, v14;
	v12 =	vmax.f32 v12, v48;
	v48 =	vld.idx.msk [tilespmem:v21+s2+$0x0], $0xffff;
	v21 =	vadd.s32 v60, v4  }
0x26f: {  	vm9 =	vgt.f32 v14, v13;
	v13 =	vmax.f32 v13, v25;
	v25 =	vadd.s32 v60, v3  }
0x270: {  	v6 =	vmax.f32 v6, v23;
	vm8 =	vgt.f32 v14, v5;
	v5 =	vmax.f32 v5, v14  }
0x271: {  	v16 =	vsel vm11, $0x24, v16;
	vm12 =	vgt.f32 v20, v9;
	vm13 =	vgt.f32 v20, v17  }
0x272: {  	v23 =	vmin.f32 v9, v20;
	v9 =	vmax.f32 v9, v20;
	v11 =	vsel vm9, $0x24, v11  }
0x273: {  	v16 =	vsel vm10, v19, v16;
	v17 =	vmax.f32 v17, v23;
	v23 =	vadd.s32 v60, v1;
	v21 =	vld.idx.msk [tilespmem:v21+s2+$0x0], $0xffff  }
0x274: {  	v19 =	vsel vm10, $0x24, v19;
	v8 =	vsel vm13, $0x24, v8;
	v11 =	vsel vm8, v15, v11;
	v25 =	vld.idx.msk [tilespmem:v25+s2+$0x0], $0xffff  }
0x275: {  	v15 =	vsel vm8, $0x24, v15;
	v8 =	vsel vm12, v22, v8;
	v20 =	vmin.f32 v7, v48  }
0x276: {  	vm15 =	vgt.f32 v48, v18;
	v18 =	vmax.f32 v18, v20;
	v20 =	vadd.s32 v60, v2  }
0x277: {  	v22 =	vsel vm12, $0x24, v22;
	vm14 =	vgt.f32 v48, v7;
	v10 =	vsel vm15, $0x24, v10  }
0x278: {  	v7 =	vmax.f32 v7, v48;
	v23 =	vld.idx.msk [tilespmem:v23+s2+$0x0], $0xffff;
	v10 =	vsel vm14, v24, v10;
	v24 =	vsel vm14, $0x24, v24  }
0x279: {  	vm6 =	vgt.f32 v21, v12;
	vm7 =	vgt.f32 v21, v6;
	vm4 =	vgt.f32 v25, v13  }
0x27a: {  	vm5 =	vgt.f32 v25, v5;
	v48 =	vmin.f32 v5, v25;
	v5 =	vmax.f32 v5, v25  }
0x27b: {  	v25 =	vmin.f32 v6, v21;
	v20 =	vld.idx.msk [tilespmem:v20+s2+$0x0], $0xffff;
	v6 =	vmax.f32 v6, v21;
	v21 =	vadd.s32 v61, v4  }
0x27c: {  	v16 =	vsel vm6, $0x25, v16;
	v13 =	vmax.f32 v13, v48;
	v48 =	vadd.s32 v61, v3  }
0x27d: {  	vm8 =	vgt.f32 v23, v17;
	vm9 =	vgt.f32 v23, v9;
	v11 =	vsel vm4, $0x25, v11  }
0x27e: {  	v16 =	vsel vm7, v19, v16;
	v12 =	vmax.f32 v12, v25;
	v8 =	vsel vm8, $0x25, v8  }
0x27f: {  	v25 =	vmin.f32 v9, v23;
	v9 =	vmax.f32 v9, v23;
	v23 =	vadd.s32 v61, v1  }
0x280: {  	v17 =	vmax.f32 v17, v25;
	vm10 =	vgt.f32 v20, v18;
	vm11 =	vgt.f32 v20, v7;
	v21 =	vld.idx.msk [tilespmem:v21+s2+$0x0], $0xffff  }
0x281: {  	v25 =	vmin.f32 v7, v20;
	v7 =	vmax.f32 v7, v20;
	v20 =	vadd.s32 v61, v2;
	v14 =	vld.idx.msk [tilespmem:v48+s2+$0x0], $0xffff  }
0x282: {  	v19 =	vsel vm7, $0x25, v19;
	v11 =	vsel vm5, v15, v11;
	v15 =	vsel vm5, $0x25, v15  }
0x283: {  	v8 =	vsel vm9, v22, v8;
	v22 =	vsel vm9, $0x25, v22;
	v10 =	vsel vm10, $0x25, v10  }
0x284: {  	v18 =	vmax.f32 v18, v25;
	v23 =	vld.idx.msk [tilespmem:v23+s2+$0x0], $0xffff;
	v10 =	vsel vm11, v24, v10;
	v24 =	vsel vm11, $0x25, v24  }
0x285: {  	vm14 =	vgt.f32 v21, v6;
	vm15 =	vgt.f32 v21, v12;
	v48 =	vmin.f32 v6, v21  }
0x286: {  	v25 =	vmin.f32 v5, v14;
	v12 =	vmax.f32 v12, v48;
	v48 =	vld.idx.msk [tilespmem:v20+s2+$0x0], $0xffff;
	v20 =	vadd.s32 v62, v4  }
0x287: {  	vm13 =	vgt.f32 v14, v13;
	v13 =	vmax.f32 v13, v25;
	v25 =	vadd.s32 v62, v3  }
0x288: {  	v6 =	vmax.f32 v6, v21;
	vm12 =	vgt.f32 v14, v5;
	v5 =	vmax.f32 v5, v14  }
0x289: {  	v16 =	vsel vm15, $0x26, v16;
	vm4 =	vgt.f32 v23, v9;
	vm5 =	vgt.f32 v23, v17  }
0x28a: {  	v21 =	vmin.f32 v9, v23;
	v9 =	vmax.f32 v9, v23;
	v11 =	vsel vm13, $0x26, v11  }
0x28b: {  	v16 =	vsel vm14, v19, v16;
	v17 =	vmax.f32 v17, v21;
	v21 =	vadd.s32 v62, v1;
	v20 =	vld.idx.msk [tilespmem:v20+s2+$0x0], $0xffff  }
0x28c: {  	v19 =	vsel vm14, $0x26, v19;
	v8 =	vsel vm5, $0x26, v8;
	v11 =	vsel vm12, v15, v11;
	v25 =	vld.idx.msk [tilespmem:v25+s2+$0x0], $0xffff  }
0x28d: {  	v15 =	vsel vm12, $0x26, v15;
	v8 =	vsel vm4, v22, v8;
	v23 =	vmin.f32 v7, v48  }
0x28e: {  	vm7 =	vgt.f32 v48, v18;
	v18 =	vmax.f32 v18, v23;
	v23 =	vadd.s32 v62, v2  }
0x28f: {  	v22 =	vsel vm4, $0x26, v22;
	vm6 =	vgt.f32 v48, v7;
	v10 =	vsel vm7, $0x26, v10  }
0x290: {  	v7 =	vmax.f32 v7, v48;
	v21 =	vld.idx.msk [tilespmem:v21+s2+$0x0], $0xffff;
	v10 =	vsel vm6, v24, v10;
	v24 =	vsel vm6, $0x26, v24  }
0x291: {  	vm10 =	vgt.f32 v20, v12;
	vm11 =	vgt.f32 v20, v6;
	vm8 =	vgt.f32 v25, v13  }
0x292: {  	vm9 =	vgt.f32 v25, v5;
	v48 =	vmin.f32 v5, v25;
	v5 =	vmax.f32 v5, v25  }
0x293: {  	v25 =	vmin.f32 v6, v20;
	v23 =	vld.idx.msk [tilespmem:v23+s2+$0x0], $0xffff;
	v6 =	vmax.f32 v6, v20;
	v20 =	vadd.s32 v63, v4  }
0x294: {  	v16 =	vsel vm10, $0x27, v16;
	v13 =	vmax.f32 v13, v48;
	v48 =	vadd.s32 v63, v3  }
0x295: {  	vm12 =	vgt.f32 v21, v17;
	vm13 =	vgt.f32 v21, v9;
	v11 =	vsel vm8, $0x27, v11  }
0x296: {  	v16 =	vsel vm11, v19, v16;
	v12 =	vmax.f32 v12, v25;
	v8 =	vsel vm12, $0x27, v8  }
0x297: {  	v25 =	vmin.f32 v9, v21;
	v9 =	vmax.f32 v9, v21;
	v21 =	vadd.s32 v63, v1  }
0x298: {  	v17 =	vmax.f32 v17, v25;
	vm14 =	vgt.f32 v23, v18;
	vm15 =	vgt.f32 v23, v7;
	v20 =	vld.idx.msk [tilespmem:v20+s2+$0x0], $0xffff  }
0x299: {  	v25 =	vmin.f32 v7, v23;
	v7 =	vmax.f32 v7, v23;
	v23 =	vadd.s32 v63, v2;
	v14 =	vld.idx.msk [tilespmem:v48+s2+$0x0], $0xffff  }
0x29a: {  	v19 =	vsel vm11, $0x27, v19;
	v11 =	vsel vm9, v15, v11;
	v15 =	vsel vm9, $0x27, v15  }
0x29b: {  	v8 =	vsel vm13, v22, v8;
	v22 =	vsel vm13, $0x27, v22;
	v10 =	vsel vm14, $0x27, v10  }
0x29c: {  	v18 =	vmax.f32 v18, v25;
	v21 =	vld.idx.msk [tilespmem:v21+s2+$0x0], $0xffff;
	v10 =	vsel vm15, v24, v10;
	v24 =	vsel vm15, $0x27, v24  }
0x29d: {  	vm6 =	vgt.f32 v20, v6;
	vm7 =	vgt.f32 v20, v12;
	v48 =	vmin.f32 v6, v20  }
0x29e: {  	v25 =	vmin.f32 v5, v14;
	v12 =	vmax.f32 v12, v48;
	v48 =	vld.idx.msk [tilespmem:v23+s2+$0x0], $0xffff;
	v23 =	vadd.s32 v26, v4  }
0x29f: {  	vm5 =	vgt.f32 v14, v13;
	v13 =	vmax.f32 v13, v25;
	v25 =	vadd.s32 v26, v3  }
0x2a0: {  	v6 =	vmax.f32 v6, v20;
	vm4 =	vgt.f32 v14, v5;
	v5 =	vmax.f32 v5, v14  }
0x2a1: {  	v16 =	vsel vm7, $0x28, v16;
	vm8 =	vgt.f32 v21, v9;
	vm9 =	vgt.f32 v21, v17  }
0x2a2: {  	v20 =	vmin.f32 v9, v21;
	v9 =	vmax.f32 v9, v21;
	v11 =	vsel vm5, $0x28, v11  }
0x2a3: {  	v16 =	vsel vm6, v19, v16;
	v17 =	vmax.f32 v17, v20;
	v20 =	vadd.s32 v26, v1;
	v23 =	vld.idx.msk [tilespmem:v23+s2+$0x0], $0xffff  }
0x2a4: {  	v19 =	vsel vm6, $0x28, v19;
	v8 =	vsel vm9, $0x28, v8;
	v11 =	vsel vm4, v15, v11;
	v25 =	vld.idx.msk [tilespmem:v25+s2+$0x0], $0xffff  }
0x2a5: {  	v15 =	vsel vm4, $0x28, v15;
	v8 =	vsel vm8, v22, v8;
	v21 =	vmin.f32 v7, v48  }
0x2a6: {  	vm11 =	vgt.f32 v48, v18;
	v18 =	vmax.f32 v18, v21;
	v21 =	vadd.s32 v26, v2  }
0x2a7: {  	v22 =	vsel vm8, $0x28, v22;
	vm10 =	vgt.f32 v48, v7;
	v10 =	vsel vm11, $0x28, v10  }
0x2a8: {  	v7 =	vmax.f32 v7, v48;
	v20 =	vld.idx.msk [tilespmem:v20+s2+$0x0], $0xffff;
	v10 =	vsel vm10, v24, v10;
	v24 =	vsel vm10, $0x28, v24  }
0x2a9: {  	vm14 =	vgt.f32 v23, v12;
	vm15 =	vgt.f32 v23, v6;
	vm12 =	vgt.f32 v25, v13  }
0x2aa: {  	vm13 =	vgt.f32 v25, v5;
	v48 =	vmin.f32 v5, v25;
	v5 =	vmax.f32 v5, v25  }
0x2ab: {  	v25 =	vmin.f32 v6, v23;
	v21 =	vld.idx.msk [tilespmem:v21+s2+$0x0], $0xffff;
	v6 =	vmax.f32 v6, v23;
	v23 =	vadd.s32 v27, v4  }
0x2ac: {  	v16 =	vsel vm14, $0x29, v16;
	v13 =	vmax.f32 v13, v48;
	v48 =	vadd.s32 v27, v3  }
0x2ad: {  	vm4 =	vgt.f32 v20, v17;
	vm5 =	vgt.f32 v20, v9;
	v11 =	vsel vm12, $0x29, v11  }
0x2ae: {  	v16 =	vsel vm15, v19, v16;
	v12 =	vmax.f32 v12, v25;
	v8 =	vsel vm4, $0x29, v8  }
0x2af: {  	v25 =	vmin.f32 v9, v20;
	v9 =	vmax.f32 v9, v20;
	v20 =	vadd.s32 v27, v1  }
0x2b0: {  	v17 =	vmax.f32 v17, v25;
	vm6 =	vgt.f32 v21, v18;
	vm7 =	vgt.f32 v21, v7;
	v23 =	vld.idx.msk [tilespmem:v23+s2+$0x0], $0xffff  }
0x2b1: {  	v25 =	vmin.f32 v7, v21;
	v7 =	vmax.f32 v7, v21;
	v21 =	vadd.s32 v27, v2;
	v14 =	vld.idx.msk [tilespmem:v48+s2+$0x0], $0xffff  }
0x2b2: {  	v19 =	vsel vm15, $0x29, v19;
	v11 =	vsel vm13, v15, v11;
	v15 =	vsel vm13, $0x29, v15  }
0x2b3: {  	v8 =	vsel vm5, v22, v8;
	v22 =	vsel vm5, $0x29, v22;
	v10 =	vsel vm6, $0x29, v10  }
0x2b4: {  	v18 =	vmax.f32 v18, v25;
	v20 =	vld.idx.msk [tilespmem:v20+s2+$0x0], $0xffff;
	v10 =	vsel vm7, v24, v10;
	v24 =	vsel vm7, $0x29, v24  }
0x2b5: {  	vm10 =	vgt.f32 v23, v6;
	vm11 =	vgt.f32 v23, v12;
	v48 =	vmin.f32 v6, v23  }
0x2b6: {  	v25 =	vmin.f32 v5, v14;
	v12 =	vmax.f32 v12, v48;
	v48 =	vld.idx.msk [tilespmem:v21+s2+$0x0], $0xffff;
	v21 =	vadd.s32 v28, v4  }
0x2b7: {  	vm9 =	vgt.f32 v14, v13;
	v13 =	vmax.f32 v13, v25;
	v25 =	vadd.s32 v28, v3  }
0x2b8: {  	v6 =	vmax.f32 v6, v23;
	vm8 =	vgt.f32 v14, v5;
	v5 =	vmax.f32 v5, v14  }
0x2b9: {  	v16 =	vsel vm11, $0x2A, v16;
	vm12 =	vgt.f32 v20, v9;
	vm13 =	vgt.f32 v20, v17  }
0x2ba: {  	v23 =	vmin.f32 v9, v20;
	v9 =	vmax.f32 v9, v20;
	v11 =	vsel vm9, $0x2A, v11  }
0x2bb: {  	v16 =	vsel vm10, v19, v16;
	v17 =	vmax.f32 v17, v23;
	v23 =	vadd.s32 v28, v1;
	v21 =	vld.idx.msk [tilespmem:v21+s2+$0x0], $0xffff  }
0x2bc: {  	v19 =	vsel vm10, $0x2A, v19;
	v8 =	vsel vm13, $0x2A, v8;
	v11 =	vsel vm8, v15, v11;
	v25 =	vld.idx.msk [tilespmem:v25+s2+$0x0], $0xffff  }
0x2bd: {  	v15 =	vsel vm8, $0x2A, v15;
	v8 =	vsel vm12, v22, v8;
	v20 =	vmin.f32 v7, v48  }
0x2be: {  	vm15 =	vgt.f32 v48, v18;
	v18 =	vmax.f32 v18, v20;
	v20 =	vadd.s32 v28, v2  }
0x2bf: {  	v22 =	vsel vm12, $0x2A, v22;
	vm14 =	vgt.f32 v48, v7;
	v10 =	vsel vm15, $0x2A, v10  }
0x2c0: {  	v7 =	vmax.f32 v7, v48;
	v23 =	vld.idx.msk [tilespmem:v23+s2+$0x0], $0xffff;
	v10 =	vsel vm14, v24, v10;
	v24 =	vsel vm14, $0x2A, v24  }
0x2c1: {  	vm6 =	vgt.f32 v21, v12;
	vm7 =	vgt.f32 v21, v6;
	vm4 =	vgt.f32 v25, v13  }
0x2c2: {  	vm5 =	vgt.f32 v25, v5;
	v48 =	vmin.f32 v5, v25;
	v5 =	vmax.f32 v5, v25  }
0x2c3: {  	v25 =	vmin.f32 v6, v21;
	v20 =	vld.idx.msk [tilespmem:v20+s2+$0x0], $0xffff;
	v6 =	vmax.f32 v6, v21;
	v21 =	vadd.s32 v29, v4  }
0x2c4: {  	v16 =	vsel vm6, $0x2B, v16;
	v13 =	vmax.f32 v13, v48;
	v48 =	vadd.s32 v29, v3  }
0x2c5: {  	vm8 =	vgt.f32 v23, v17;
	vm9 =	vgt.f32 v23, v9;
	v11 =	vsel vm4, $0x2B, v11  }
0x2c6: {  	v16 =	vsel vm7, v19, v16;
	v12 =	vmax.f32 v12, v25;
	v8 =	vsel vm8, $0x2B, v8  }
0x2c7: {  	v25 =	vmin.f32 v9, v23;
	v9 =	vmax.f32 v9, v23;
	v23 =	vadd.s32 v29, v1  }
0x2c8: {  	v17 =	vmax.f32 v17, v25;
	vm10 =	vgt.f32 v20, v18;
	vm11 =	vgt.f32 v20, v7;
	v21 =	vld.idx.msk [tilespmem:v21+s2+$0x0], $0xffff  }
0x2c9: {  	v25 =	vmin.f32 v7, v20;
	v7 =	vmax.f32 v7, v20;
	v20 =	vadd.s32 v29, v2;
	v14 =	vld.idx.msk [tilespmem:v48+s2+$0x0], $0xffff  }
0x2ca: {  	v19 =	vsel vm7, $0x2B, v19;
	v11 =	vsel vm5, v15, v11;
	v15 =	vsel vm5, $0x2B, v15  }
0x2cb: {  	v8 =	vsel vm9, v22, v8;
	v22 =	vsel vm9, $0x2B, v22;
	v10 =	vsel vm10, $0x2B, v10  }
0x2cc: {  	v18 =	vmax.f32 v18, v25;
	v23 =	vld.idx.msk [tilespmem:v23+s2+$0x0], $0xffff;
	v10 =	vsel vm11, v24, v10;
	v24 =	vsel vm11, $0x2B, v24  }
0x2cd: {  	vm14 =	vgt.f32 v21, v6;
	vm15 =	vgt.f32 v21, v12;
	v48 =	vmin.f32 v6, v21  }
0x2ce: {  	v25 =	vmin.f32 v5, v14;
	v12 =	vmax.f32 v12, v48;
	v48 =	vld.idx.msk [tilespmem:v20+s2+$0x0], $0xffff;
	v20 =	vadd.s32 v30, v4  }
0x2cf: {  	vm13 =	vgt.f32 v14, v13;
	v13 =	vmax.f32 v13, v25;
	v25 =	vadd.s32 v30, v3  }
0x2d0: {  	v6 =	vmax.f32 v6, v21;
	vm12 =	vgt.f32 v14, v5;
	v5 =	vmax.f32 v5, v14  }
0x2d1: {  	v16 =	vsel vm15, $0x2C, v16;
	vm4 =	vgt.f32 v23, v9;
	vm5 =	vgt.f32 v23, v17  }
0x2d2: {  	v21 =	vmin.f32 v9, v23;
	v9 =	vmax.f32 v9, v23;
	v11 =	vsel vm13, $0x2C, v11  }
0x2d3: {  	v16 =	vsel vm14, v19, v16;
	v17 =	vmax.f32 v17, v21;
	v21 =	vadd.s32 v30, v1;
	v20 =	vld.idx.msk [tilespmem:v20+s2+$0x0], $0xffff  }
0x2d4: {  	v19 =	vsel vm14, $0x2C, v19;
	v8 =	vsel vm5, $0x2C, v8;
	v11 =	vsel vm12, v15, v11;
	v25 =	vld.idx.msk [tilespmem:v25+s2+$0x0], $0xffff  }
0x2d5: {  	v15 =	vsel vm12, $0x2C, v15;
	v8 =	vsel vm4, v22, v8;
	v23 =	vmin.f32 v7, v48  }
0x2d6: {  	vm7 =	vgt.f32 v48, v18;
	v18 =	vmax.f32 v18, v23;
	v23 =	vadd.s32 v30, v2  }
0x2d7: {  	v22 =	vsel vm4, $0x2C, v22;
	vm6 =	vgt.f32 v48, v7;
	v10 =	vsel vm7, $0x2C, v10  }
0x2d8: {  	v7 =	vmax.f32 v7, v48;
	v21 =	vld.idx.msk [tilespmem:v21+s2+$0x0], $0xffff;
	v10 =	vsel vm6, v24, v10;
	v24 =	vsel vm6, $0x2C, v24  }
0x2d9: {  	vm10 =	vgt.f32 v20, v12;
	vm11 =	vgt.f32 v20, v6;
	vm8 =	vgt.f32 v25, v13  }
0x2da: {  	vm9 =	vgt.f32 v25, v5;
	v48 =	vmin.f32 v5, v25;
	v5 =	vmax.f32 v5, v25  }
0x2db: {  	v25 =	vmin.f32 v6, v20;
	v23 =	vld.idx.msk [tilespmem:v23+s2+$0x0], $0xffff;
	v6 =	vmax.f32 v6, v20;
	v20 =	vadd.s32 v31, v4  }
0x2dc: {  	v16 =	vsel vm10, $0x2D, v16;
	v13 =	vmax.f32 v13, v48;
	v48 =	vadd.s32 v31, v3  }
0x2dd: {  	vm12 =	vgt.f32 v21, v17;
	vm13 =	vgt.f32 v21, v9;
	v11 =	vsel vm8, $0x2D, v11  }
0x2de: {  	v16 =	vsel vm11, v19, v16;
	v12 =	vmax.f32 v12, v25;
	v8 =	vsel vm12, $0x2D, v8  }
0x2df: {  	v25 =	vmin.f32 v9, v21;
	v9 =	vmax.f32 v9, v21;
	v21 =	vadd.s32 v31, v1  }
0x2e0: {  	v17 =	vmax.f32 v17, v25;
	vm14 =	vgt.f32 v23, v18;
	vm15 =	vgt.f32 v23, v7;
	v20 =	vld.idx.msk [tilespmem:v20+s2+$0x0], $0xffff  }
0x2e1: {  	v25 =	vmin.f32 v7, v23;
	v7 =	vmax.f32 v7, v23;
	v23 =	vadd.s32 v31, v2;
	v14 =	vld.idx.msk [tilespmem:v48+s2+$0x0], $0xffff  }
0x2e2: {  	v19 =	vsel vm11, $0x2D, v19;
	v11 =	vsel vm9, v15, v11;
	v15 =	vsel vm9, $0x2D, v15  }
0x2e3: {  	v8 =	vsel vm13, v22, v8;
	v22 =	vsel vm13, $0x2D, v22;
	v10 =	vsel vm14, $0x2D, v10  }
0x2e4: {  	v18 =	vmax.f32 v18, v25;
	v21 =	vld.idx.msk [tilespmem:v21+s2+$0x0], $0xffff;
	v10 =	vsel vm15, v24, v10;
	v24 =	vsel vm15, $0x2D, v24  }
0x2e5: {  	vm6 =	vgt.f32 v20, v6;
	vm7 =	vgt.f32 v20, v12;
	v48 =	vmin.f32 v6, v20  }
0x2e6: {  	v25 =	vmin.f32 v5, v14;
	v12 =	vmax.f32 v12, v48;
	v48 =	vld.idx.msk [tilespmem:v23+s2+$0x0], $0xffff;
	v23 =	vadd.s32 v32, v4  }
0x2e7: {  	vm5 =	vgt.f32 v14, v13;
	v13 =	vmax.f32 v13, v25;
	v25 =	vadd.s32 v32, v3  }
0x2e8: {  	v6 =	vmax.f32 v6, v20;
	vm4 =	vgt.f32 v14, v5;
	v5 =	vmax.f32 v5, v14  }
0x2e9: {  	v16 =	vsel vm7, $0x2E, v16;
	vm8 =	vgt.f32 v21, v9;
	vm9 =	vgt.f32 v21, v17  }
0x2ea: {  	v20 =	vmin.f32 v9, v21;
	v9 =	vmax.f32 v9, v21;
	v11 =	vsel vm5, $0x2E, v11  }
0x2eb: {  	v16 =	vsel vm6, v19, v16;
	v17 =	vmax.f32 v17, v20;
	v20 =	vadd.s32 v32, v1;
	v23 =	vld.idx.msk [tilespmem:v23+s2+$0x0], $0xffff  }
0x2ec: {  	v19 =	vsel vm6, $0x2E, v19;
	v8 =	vsel vm9, $0x2E, v8;
	v11 =	vsel vm4, v15, v11;
	v25 =	vld.idx.msk [tilespmem:v25+s2+$0x0], $0xffff  }
0x2ed: {  	v15 =	vsel vm4, $0x2E, v15;
	v8 =	vsel vm8, v22, v8;
	v21 =	vmin.f32 v7, v48  }
0x2ee: {  	vm11 =	vgt.f32 v48, v18;
	v18 =	vmax.f32 v18, v21;
	v21 =	vadd.s32 v32, v2  }
0x2ef: {  	v22 =	vsel vm8, $0x2E, v22;
	vm10 =	vgt.f32 v48, v7;
	v10 =	vsel vm11, $0x2E, v10  }
0x2f0: {  	v7 =	vmax.f32 v7, v48;
	v20 =	vld.idx.msk [tilespmem:v20+s2+$0x0], $0xffff;
	v10 =	vsel vm10, v24, v10;
	v24 =	vsel vm10, $0x2E, v24  }
0x2f1: {  	vm14 =	vgt.f32 v23, v12;
	vm15 =	vgt.f32 v23, v6;
	vm12 =	vgt.f32 v25, v13  }
0x2f2: {  	vm13 =	vgt.f32 v25, v5;
	v48 =	vmin.f32 v5, v25;
	v5 =	vmax.f32 v5, v25  }
0x2f3: {  	v25 =	vmin.f32 v6, v23;
	v21 =	vld.idx.msk [tilespmem:v21+s2+$0x0], $0xffff;
	v6 =	vmax.f32 v6, v23;
	v23 =	vadd.s32 v33, v4  }
0x2f4: {  	v16 =	vsel vm14, $0x2F, v16;
	v13 =	vmax.f32 v13, v48;
	v48 =	vadd.s32 v33, v3  }
0x2f5: {  	vm4 =	vgt.f32 v20, v17;
	vm5 =	vgt.f32 v20, v9;
	v11 =	vsel vm12, $0x2F, v11  }
0x2f6: {  	v16 =	vsel vm15, v19, v16;
	v12 =	vmax.f32 v12, v25;
	v8 =	vsel vm4, $0x2F, v8  }
0x2f7: {  	v25 =	vmin.f32 v9, v20;
	v9 =	vmax.f32 v9, v20;
	v20 =	vadd.s32 v33, v1  }
0x2f8: {  	v17 =	vmax.f32 v17, v25;
	vm6 =	vgt.f32 v21, v18;
	vm7 =	vgt.f32 v21, v7;
	v23 =	vld.idx.msk [tilespmem:v23+s2+$0x0], $0xffff  }
0x2f9: {  	v25 =	vmin.f32 v7, v21;
	v7 =	vmax.f32 v7, v21;
	v21 =	vadd.s32 v33, v2;
	v14 =	vld.idx.msk [tilespmem:v48+s2+$0x0], $0xffff  }
0x2fa: {  	v19 =	vsel vm15, $0x2F, v19;
	v11 =	vsel vm13, v15, v11;
	v15 =	vsel vm13, $0x2F, v15  }
0x2fb: {  	v8 =	vsel vm5, v22, v8;
	v22 =	vsel vm5, $0x2F, v22;
	v10 =	vsel vm6, $0x2F, v10  }
0x2fc: {  	v18 =	vmax.f32 v18, v25;
	v20 =	vld.idx.msk [tilespmem:v20+s2+$0x0], $0xffff;
	v10 =	vsel vm7, v24, v10;
	v24 =	vsel vm7, $0x2F, v24  }
0x2fd: {  	vm10 =	vgt.f32 v23, v6;
	vm11 =	vgt.f32 v23, v12;
	v48 =	vmin.f32 v6, v23  }
0x2fe: {  	v25 =	vmin.f32 v5, v14;
	v12 =	vmax.f32 v12, v48;
	v48 =	vld.idx.msk [tilespmem:v21+s2+$0x0], $0xffff;
	v21 =	vadd.s32 v34, v4  }
0x2ff: {  	vm9 =	vgt.f32 v14, v13;
	v13 =	vmax.f32 v13, v25;
	v25 =	vadd.s32 v34, v3  }
0x300: {  	v6 =	vmax.f32 v6, v23;
	vm8 =	vgt.f32 v14, v5;
	v5 =	vmax.f32 v5, v14  }
0x301: {  	v16 =	vsel vm11, $0x30, v16;
	vm12 =	vgt.f32 v20, v9;
	vm13 =	vgt.f32 v20, v17  }
0x302: {  	v23 =	vmin.f32 v9, v20;
	v9 =	vmax.f32 v9, v20;
	v11 =	vsel vm9, $0x30, v11  }
0x303: {  	v16 =	vsel vm10, v19, v16;
	v17 =	vmax.f32 v17, v23;
	v23 =	vadd.s32 v34, v1;
	v21 =	vld.idx.msk [tilespmem:v21+s2+$0x0], $0xffff  }
0x304: {  	v19 =	vsel vm10, $0x30, v19;
	v8 =	vsel vm13, $0x30, v8;
	v11 =	vsel vm8, v15, v11;
	v25 =	vld.idx.msk [tilespmem:v25+s2+$0x0], $0xffff  }
0x305: {  	v15 =	vsel vm8, $0x30, v15;
	v8 =	vsel vm12, v22, v8;
	v20 =	vmin.f32 v7, v48  }
0x306: {  	vm15 =	vgt.f32 v48, v18;
	v18 =	vmax.f32 v18, v20;
	v20 =	vadd.s32 v34, v2  }
0x307: {  	v22 =	vsel vm12, $0x30, v22;
	vm14 =	vgt.f32 v48, v7;
	v10 =	vsel vm15, $0x30, v10  }
0x308: {  	v7 =	vmax.f32 v7, v48;
	v23 =	vld.idx.msk [tilespmem:v23+s2+$0x0], $0xffff;
	v10 =	vsel vm14, v24, v10;
	v24 =	vsel vm14, $0x30, v24  }
0x309: {  	vm6 =	vgt.f32 v21, v12;
	vm7 =	vgt.f32 v21, v6;
	vm4 =	vgt.f32 v25, v13  }
0x30a: {  	vm5 =	vgt.f32 v25, v5;
	v48 =	vmin.f32 v5, v25;
	v5 =	vmax.f32 v5, v25  }
0x30b: {  	v25 =	vmin.f32 v6, v21;
	v20 =	vld.idx.msk [tilespmem:v20+s2+$0x0], $0xffff;
	v6 =	vmax.f32 v6, v21;
	v21 =	vadd.s32 v35, v4  }
0x30c: {  	v16 =	vsel vm6, $0x31, v16;
	v13 =	vmax.f32 v13, v48;
	v48 =	vadd.s32 v35, v3  }
0x30d: {  	vm8 =	vgt.f32 v23, v17;
	vm9 =	vgt.f32 v23, v9;
	v11 =	vsel vm4, $0x31, v11  }
0x30e: {  	v16 =	vsel vm7, v19, v16;
	v12 =	vmax.f32 v12, v25;
	v8 =	vsel vm8, $0x31, v8  }
0x30f: {  	v25 =	vmin.f32 v9, v23;
	v9 =	vmax.f32 v9, v23;
	v23 =	vadd.s32 v35, v1  }
0x310: {  	v17 =	vmax.f32 v17, v25;
	vm10 =	vgt.f32 v20, v18;
	vm11 =	vgt.f32 v20, v7;
	v21 =	vld.idx.msk [tilespmem:v21+s2+$0x0], $0xffff  }
0x311: {  	v25 =	vmin.f32 v7, v20;
	v7 =	vmax.f32 v7, v20;
	v20 =	vadd.s32 v35, v2;
	v14 =	vld.idx.msk [tilespmem:v48+s2+$0x0], $0xffff  }
0x312: {  	v19 =	vsel vm7, $0x31, v19;
	v11 =	vsel vm5, v15, v11;
	v15 =	vsel vm5, $0x31, v15  }
0x313: {  	v8 =	vsel vm9, v22, v8;
	v22 =	vsel vm9, $0x31, v22;
	v10 =	vsel vm10, $0x31, v10  }
0x314: {  	v18 =	vmax.f32 v18, v25;
	v23 =	vld.idx.msk [tilespmem:v23+s2+$0x0], $0xffff;
	v10 =	vsel vm11, v24, v10;
	v24 =	vsel vm11, $0x31, v24  }
0x315: {  	vm14 =	vgt.f32 v21, v6;
	vm15 =	vgt.f32 v21, v12;
	v48 =	vmin.f32 v6, v21  }
0x316: {  	v25 =	vmin.f32 v5, v14;
	v12 =	vmax.f32 v12, v48;
	v48 =	vld.idx.msk [tilespmem:v20+s2+$0x0], $0xffff;
	v20 =	vadd.s32 v36, v4  }
0x317: {  	vm13 =	vgt.f32 v14, v13;
	v13 =	vmax.f32 v13, v25;
	v25 =	vadd.s32 v36, v3  }
0x318: {  	v6 =	vmax.f32 v6, v21;
	vm12 =	vgt.f32 v14, v5;
	v5 =	vmax.f32 v5, v14  }
0x319: {  	v16 =	vsel vm15, $0x32, v16;
	vm4 =	vgt.f32 v23, v9;
	vm5 =	vgt.f32 v23, v17  }
0x31a: {  	v21 =	vmin.f32 v9, v23;
	v9 =	vmax.f32 v9, v23;
	v11 =	vsel vm13, $0x32, v11  }
0x31b: {  	v16 =	vsel vm14, v19, v16;
	v17 =	vmax.f32 v17, v21;
	v21 =	vadd.s32 v36, v1;
	v20 =	vld.idx.msk [tilespmem:v20+s2+$0x0], $0xffff  }
0x31c: {  	v19 =	vsel vm14, $0x32, v19;
	v8 =	vsel vm5, $0x32, v8;
	v11 =	vsel vm12, v15, v11;
	v25 =	vld.idx.msk [tilespmem:v25+s2+$0x0], $0xffff  }
0x31d: {  	v15 =	vsel vm12, $0x32, v15;
	v8 =	vsel vm4, v22, v8;
	v23 =	vmin.f32 v7, v48  }
0x31e: {  	vm7 =	vgt.f32 v48, v18;
	v18 =	vmax.f32 v18, v23;
	v23 =	vadd.s32 v36, v2  }
0x31f: {  	v22 =	vsel vm4, $0x32, v22;
	vm6 =	vgt.f32 v48, v7;
	v10 =	vsel vm7, $0x32, v10  }
0x320: {  	v7 =	vmax.f32 v7, v48;
	v21 =	vld.idx.msk [tilespmem:v21+s2+$0x0], $0xffff;
	v10 =	vsel vm6, v24, v10;
	v24 =	vsel vm6, $0x32, v24  }
0x321: {  	vm10 =	vgt.f32 v20, v12;
	vm11 =	vgt.f32 v20, v6;
	vm8 =	vgt.f32 v25, v13  }
0x322: {  	vm9 =	vgt.f32 v25, v5;
	v48 =	vmin.f32 v5, v25;
	v5 =	vmax.f32 v5, v25  }
0x323: {  	v25 =	vmin.f32 v6, v20;
	v23 =	vld.idx.msk [tilespmem:v23+s2+$0x0], $0xffff;
	v6 =	vmax.f32 v6, v20;
	v20 =	vadd.s32 v37, v4  }
0x324: {  	v16 =	vsel vm10, $0x33, v16;
	v13 =	vmax.f32 v13, v48;
	v48 =	vadd.s32 v37, v3  }
0x325: {  	vm12 =	vgt.f32 v21, v17;
	vm13 =	vgt.f32 v21, v9;
	v11 =	vsel vm8, $0x33, v11  }
0x326: {  	v16 =	vsel vm11, v19, v16;
	v12 =	vmax.f32 v12, v25;
	v8 =	vsel vm12, $0x33, v8  }
0x327: {  	v25 =	vmin.f32 v9, v21;
	v9 =	vmax.f32 v9, v21;
	v21 =	vadd.s32 v37, v1  }
0x328: {  	v17 =	vmax.f32 v17, v25;
	vm14 =	vgt.f32 v23, v18;
	vm15 =	vgt.f32 v23, v7;
	v20 =	vld.idx.msk [tilespmem:v20+s2+$0x0], $0xffff  }
0x329: {  	v25 =	vmin.f32 v7, v23;
	v7 =	vmax.f32 v7, v23;
	v23 =	vadd.s32 v37, v2;
	v14 =	vld.idx.msk [tilespmem:v48+s2+$0x0], $0xffff  }
0x32a: {  	v19 =	vsel vm11, $0x33, v19;
	v11 =	vsel vm9, v15, v11;
	v15 =	vsel vm9, $0x33, v15  }
0x32b: {  	v8 =	vsel vm13, v22, v8;
	v22 =	vsel vm13, $0x33, v22;
	v10 =	vsel vm14, $0x33, v10  }
0x32c: {  	v18 =	vmax.f32 v18, v25;
	v21 =	vld.idx.msk [tilespmem:v21+s2+$0x0], $0xffff;
	v10 =	vsel vm15, v24, v10;
	v24 =	vsel vm15, $0x33, v24  }
0x32d: {  	vm6 =	vgt.f32 v20, v6;
	vm7 =	vgt.f32 v20, v12;
	v48 =	vmin.f32 v6, v20  }
0x32e: {  	v25 =	vmin.f32 v5, v14;
	v12 =	vmax.f32 v12, v48;
	v48 =	vld.idx.msk [tilespmem:v23+s2+$0x0], $0xffff;
	v23 =	vadd.s32 v38, v4  }
0x32f: {  	vm5 =	vgt.f32 v14, v13;
	v13 =	vmax.f32 v13, v25;
	v25 =	vadd.s32 v38, v3  }
0x330: {  	v6 =	vmax.f32 v6, v20;
	vm4 =	vgt.f32 v14, v5;
	v5 =	vmax.f32 v5, v14  }
0x331: {  	v16 =	vsel vm7, $0x34, v16;
	vm8 =	vgt.f32 v21, v9;
	vm9 =	vgt.f32 v21, v17  }
0x332: {  	v20 =	vmin.f32 v9, v21;
	v9 =	vmax.f32 v9, v21;
	v11 =	vsel vm5, $0x34, v11  }
0x333: {  	v16 =	vsel vm6, v19, v16;
	v17 =	vmax.f32 v17, v20;
	v20 =	vadd.s32 v38, v1;
	v23 =	vld.idx.msk [tilespmem:v23+s2+$0x0], $0xffff  }
0x334: {  	v19 =	vsel vm6, $0x34, v19;
	v8 =	vsel vm9, $0x34, v8;
	v11 =	vsel vm4, v15, v11;
	v25 =	vld.idx.msk [tilespmem:v25+s2+$0x0], $0xffff  }
0x335: {  	v15 =	vsel vm4, $0x34, v15;
	v8 =	vsel vm8, v22, v8;
	v21 =	vmin.f32 v7, v48  }
0x336: {  	vm11 =	vgt.f32 v48, v18;
	v18 =	vmax.f32 v18, v21;
	v21 =	vadd.s32 v38, v2  }
0x337: {  	v22 =	vsel vm8, $0x34, v22;
	vm10 =	vgt.f32 v48, v7;
	v10 =	vsel vm11, $0x34, v10  }
0x338: {  	v7 =	vmax.f32 v7, v48;
	v20 =	vld.idx.msk [tilespmem:v20+s2+$0x0], $0xffff;
	v10 =	vsel vm10, v24, v10;
	v24 =	vsel vm10, $0x34, v24  }
0x339: {  	vm14 =	vgt.f32 v23, v12;
	vm15 =	vgt.f32 v23, v6;
	vm12 =	vgt.f32 v25, v13  }
0x33a: {  	vm13 =	vgt.f32 v25, v5;
	v48 =	vmin.f32 v5, v25;
	v5 =	vmax.f32 v5, v25  }
0x33b: {  	v25 =	vmin.f32 v6, v23;
	v21 =	vld.idx.msk [tilespmem:v21+s2+$0x0], $0xffff;
	v6 =	vmax.f32 v6, v23;
	v23 =	vadd.s32 v39, v4  }
0x33c: {  	v16 =	vsel vm14, $0x35, v16;
	v13 =	vmax.f32 v13, v48;
	v48 =	vadd.s32 v39, v3  }
0x33d: {  	vm4 =	vgt.f32 v20, v17;
	vm5 =	vgt.f32 v20, v9;
	v11 =	vsel vm12, $0x35, v11  }
0x33e: {  	v16 =	vsel vm15, v19, v16;
	v12 =	vmax.f32 v12, v25;
	v8 =	vsel vm4, $0x35, v8  }
0x33f: {  	v25 =	vmin.f32 v9, v20;
	v9 =	vmax.f32 v9, v20;
	v20 =	vadd.s32 v39, v1  }
0x340: {  	v17 =	vmax.f32 v17, v25;
	vm6 =	vgt.f32 v21, v18;
	vm7 =	vgt.f32 v21, v7;
	v23 =	vld.idx.msk [tilespmem:v23+s2+$0x0], $0xffff  }
0x341: {  	v25 =	vmin.f32 v7, v21;
	v7 =	vmax.f32 v7, v21;
	v21 =	vadd.s32 v39, v2;
	v14 =	vld.idx.msk [tilespmem:v48+s2+$0x0], $0xffff  }
0x342: {  	v19 =	vsel vm15, $0x35, v19;
	v11 =	vsel vm13, v15, v11;
	v15 =	vsel vm13, $0x35, v15  }
0x343: {  	v8 =	vsel vm5, v22, v8;
	v22 =	vsel vm5, $0x35, v22;
	v10 =	vsel vm6, $0x35, v10  }
0x344: {  	v18 =	vmax.f32 v18, v25;
	v20 =	vld.idx.msk [tilespmem:v20+s2+$0x0], $0xffff;
	v10 =	vsel vm7, v24, v10;
	v24 =	vsel vm7, $0x35, v24  }
0x345: {  	vm10 =	vgt.f32 v23, v6;
	vm11 =	vgt.f32 v23, v12;
	v48 =	vmin.f32 v6, v23  }
0x346: {  	v25 =	vmin.f32 v5, v14;
	v12 =	vmax.f32 v12, v48;
	v48 =	vld.idx.msk [tilespmem:v21+s2+$0x0], $0xffff;
	v21 =	vadd.s32 v40, v4  }
0x347: {  	vm9 =	vgt.f32 v14, v13;
	v13 =	vmax.f32 v13, v25;
	v25 =	vadd.s32 v40, v3  }
0x348: {  	v6 =	vmax.f32 v6, v23;
	vm8 =	vgt.f32 v14, v5;
	v5 =	vmax.f32 v5, v14  }
0x349: {  	v16 =	vsel vm11, $0x36, v16;
	vm12 =	vgt.f32 v20, v9;
	vm13 =	vgt.f32 v20, v17  }
0x34a: {  	v23 =	vmin.f32 v9, v20;
	v9 =	vmax.f32 v9, v20;
	v11 =	vsel vm9, $0x36, v11  }
0x34b: {  	v16 =	vsel vm10, v19, v16;
	v19 =	vsel vm10, $0x36, v19;
	v20 =	vmin.f32 v7, v48;
	v21 =	vld.idx.msk [tilespmem:v21+s2+$0x0], $0xffff  }
0x34c: {  	vm15 =	vgt.f32 v48, v18;
	v25 =	vld.idx.msk [tilespmem:v25+s2+$0x0], $0xffff;
	v18 =	vmax.f32 v18, v20;
	v20 =	vadd.s32 v40, v2  }
0x34d: {  	v8 =	vsel vm13, $0x36, v8;
	v17 =	vmax.f32 v17, v23;
	v23 =	vadd.s32 v40, v1  }
0x34e: {  	v11 =	vsel vm8, v15, v11;
	v15 =	vsel vm8, $0x36, v15;
	v8 =	vsel vm12, v22, v8  }
0x34f: {  	v22 =	vsel vm12, $0x36, v22;
	vm14 =	vgt.f32 v48, v7;
	v10 =	vsel vm15, $0x36, v10  }
0x350: {  	v7 =	vmax.f32 v7, v48;
	v10 =	vsel vm14, v24, v10;
	v24 =	vsel vm14, $0x36, v24  }
0x351: {  	vm6 =	vgt.f32 v21, v12;
	vm7 =	vgt.f32 v21, v6;
	v48 =	vmin.f32 v5, v25;
	v20 =	vld.idx.msk [tilespmem:v20+s2+$0x0], $0xffff  }
0x352: {  	vm4 =	vgt.f32 v25, v13;
	v13 =	vmax.f32 v13, v48;
	v48 =	vld.idx.msk [tilespmem:v23+s2+$0x0], $0xffff;
	v23 =	vadd.s32 v41, v3  }
0x353: {  	vm5 =	vgt.f32 v25, v5;
	v5 =	vmax.f32 v5, v25;
	v25 =	vmin.f32 v6, v21  }
0x354: {  	v16 =	vsel vm6, $0x37, v16;
	v6 =	vmax.f32 v6, v21;
	v11 =	vsel vm4, $0x37, v11  }
0x355: {  	v12 =	vmax.f32 v12, v25;
	v25 =	vadd.s32 v41, v4;
	v16 =	vsel vm7, v19, v16  }
0x356: {  	v19 =	vsel vm7, $0x37, v19;
	v11 =	vsel vm5, v15, v11;
	v15 =	vsel vm5, $0x37, v15  }
0x357: {  	vm10 =	vgt.f32 v20, v18;
	vm11 =	vgt.f32 v20, v7;
	v21 =	vmin.f32 v9, v48;
	v23 =	vld.idx.msk [tilespmem:v23+s2+$0x0], $0xffff  }
0x358: {  	vm8 =	vgt.f32 v48, v17;
	v17 =	vmax.f32 v17, v21;
	v21 =	vadd.s32 v41, v1  }
0x359: {  	vm9 =	vgt.f32 v48, v9;
	v9 =	vmax.f32 v9, v48;
	v48 =	vmin.f32 v7, v20  }
0x35a: {  	v25 =	vld.idx.msk [tilespmem:v25+s2+$0x0], $0xffff;
	v10 =	vsel vm10, $0x37, v10;
	v14 =	vmax.f32 v18, v48;
	v48 =	vadd.s32 v41, v2  }
0x35b: {  	v7 =	vmax.f32 v7, v20;
	v8 =	vsel vm8, $0x37, v8;
	v10 =	vsel vm11, v24, v10  }
0x35c: {  	v24 =	vsel vm11, $0x37, v24;
	v8 =	vsel vm9, v22, v8;
	v20 =	vmin.f32 v5, v23  }
0x35d: {  	vm12 =	vgt.f32 v23, v13;
	v13 =	vmax.f32 v13, v20;
	v20 =	vld.idx.msk [tilespmem:v21+s2+$0x0], $0xffff;
	v21 =	vadd.s32 v42, v3  }
0x35e: {  	v22 =	vsel vm9, $0x37, v22;
	vm13 =	vgt.f32 v23, v5;
	v5 =	vmax.f32 v5, v23  }
0x35f: {  	v23 =	vmin.f32 v6, v25;
	vm14 =	vgt.f32 v25, v12;
	vm15 =	vgt.f32 v25, v6;
	v18 =	vld.idx.msk [tilespmem:v48+s2+$0x0], $0xffff  }
0x360: {  	v6 =	vmax.f32 v6, v25;
	v11 =	vsel vm12, $0x38, v11;
	v12 =	vmax.f32 v12, v23  }
0x361: {  	v23 =	vadd.s32 v42, v4;
	v16 =	vsel vm14, $0x38, v16;
	v11 =	vsel vm13, v15, v11  }
0x362: {  	v15 =	vsel vm13, $0x38, v15;
	v16 =	vsel vm15, v19, v16;
	v25 =	vmin.f32 v9, v20;
	v21 =	vld.idx.msk [tilespmem:v21+s2+$0x0], $0xffff  }
0x363: {  	vm8 =	vgt.f32 v20, v17;
	v17 =	vmax.f32 v17, v25;
	v25 =	vadd.s32 v42, v1  }
0x364: {  	vm9 =	vgt.f32 v20, v9;
	v9 =	vmax.f32 v9, v20;
	v20 =	vmin.f32 v7, v18  }
0x365: {  	vm10 =	vgt.f32 v18, v14;
	v14 =	vmax.f32 v14, v20;
	v20 =	vadd.s32 v42, v2  }
0x366: {  	v19 =	vsel vm15, $0x38, v19;
	v23 =	vld.idx.msk [tilespmem:v23+s2+$0x0], $0xffff;
	vm11 =	vgt.f32 v18, v7;
	v7 =	vmax.f32 v7, v18  }
0x367: {  	v8 =	vsel vm8, $0x38, v8;
	v10 =	vsel vm10, $0x38, v10;
	v48 =	vmin.f32 v5, v21  }
0x368: {  	vm12 =	vgt.f32 v21, v13;
	v13 =	vmax.f32 v13, v48;
	v48 =	vld.idx.msk [tilespmem:v25+s2+$0x0], $0xffff;
	v25 =	vadd.s32 v43, v3  }
0x369: {  	v8 =	vsel vm9, v22, v8;
	v22 =	vsel vm9, $0x38, v22;
	v10 =	vsel vm11, v24, v10  }
0x36a: {  	v24 =	vsel vm11, $0x38, v24;
	vm13 =	vgt.f32 v21, v5;
	v5 =	vmax.f32 v5, v21;
	v20 =	vld.idx.msk [tilespmem:v20+s2+$0x0], $0xffff  }
0x36b: {  	v21 =	vmin.f32 v6, v23;
	vm5 =	vgt.f32 v23, v12;
	vm0 =	vgt.f32 v23, v6  }
0x36c: {  	v6 =	vmax.f32 v6, v23;
	v12 =	vmax.f32 v12, v21;
	v21 =	vadd.s32 v43, v4  }
0x36d: {  	v11 =	vsel vm12, $0x39, v11;
	v16 =	vsel vm5, $0x39, v16;
	v23 =	vmin.f32 v9, v48;
	v25 =	vld.idx.msk [tilespmem:v25+s2+$0x0], $0xffff  }
0x36e: {  	vm14 =	vgt.f32 v48, v17;
	v17 =	vmax.f32 v17, v23;
	v23 =	vadd.s32 v43, v1  }
0x36f: {  	vm6 =	vgt.f32 v48, v9;
	v9 =	vmax.f32 v9, v48;
	v48 =	vmin.f32 v7, v20  }
0x370: {  	vm7 =	vgt.f32 v20, v14;
	v14 =	vmax.f32 v14, v48;
	v48 =	vadd.s32 v43, v2  }
0x371: {  	v11 =	vsel vm13, v15, v11;
	v15 =	vsel vm13, $0x39, v15;
	v16 =	vsel vm0, v19, v16;
	v21 =	vld.idx.msk [tilespmem:v21+s2+$0x0], $0xffff  }
0x372: {  	vm15 =	vgt.f32 v20, v7;
	v7 =	vmax.f32 v7, v20;
	v20 =	vmin.f32 v5, v25  }
0x373: {  	vm8 =	vgt.f32 v25, v13;
	v13 =	vmax.f32 v13, v20;
	v20 =	vld.idx.msk [tilespmem:v23+s2+$0x0], $0xffff;
	v23 =	vadd.s32 v44, v3  }
0x374: {  	v19 =	vsel vm0, $0x39, v19;
	v8 =	vsel vm14, $0x39, v8;
	v10 =	vsel vm7, $0x39, v10  }
0x375: {  	v8 =	vsel vm6, v22, v8;
	v22 =	vsel vm6, $0x39, v22;
	vm12 =	vgt.f32 v25, v5;
	v18 =	vld.idx.msk [tilespmem:v48+s2+$0x0], $0xffff  }
0x376: {  	v5 =	vmax.f32 v5, v25;
	v25 =	vmin.f32 v6, v21;
	vm13 =	vgt.f32 v21, v12  }
0x377: {  	vm14 =	vgt.f32 v21, v6;
	v12 =	vmax.f32 v12, v25;
	v25 =	vadd.s32 v44, v4  }
0x378: {  	v6 =	vmax.f32 v6, v21;
	v11 =	vsel vm8, $0x3A, v11;
	v21 =	vmin.f32 v9, v20;
	v23 =	vld.idx.msk [tilespmem:v23+s2+$0x0], $0xffff  }
0x379: {  	vm10 =	vgt.f32 v20, v17;
	v17 =	vmax.f32 v17, v21;
	v21 =	vadd.s32 v44, v1  }
0x37a: {  	vm7 =	vgt.f32 v20, v9;
	v9 =	vmax.f32 v9, v20;
	v20 =	vmin.f32 v7, v18  }
0x37b: {  	vm8 =	vgt.f32 v18, v14;
	v14 =	vmax.f32 v14, v20;
	v20 =	vadd.s32 v44, v2  }
0x37c: {  	v10 =	vsel vm15, v24, v10;
	v24 =	vsel vm15, $0x39, v24;
	v16 =	vsel vm13, $0x3A, v16;
	v25 =	vld.idx.msk [tilespmem:v25+s2+$0x0], $0xffff  }
0x37d: {  	v11 =	vsel vm12, v15, v11;
	v15 =	vsel vm12, $0x3A, v15;
	v48 =	vmin.f32 v5, v23  }
0x37e: {  	v16 =	vsel vm14, v19, v16;
	vm9 =	vgt.f32 v23, v13;
	v13 =	vmax.f32 v13, v48;
	v48 =	vld.idx.msk [tilespmem:v21+s2+$0x0], $0xffff  }
0x37f: {  	v19 =	vsel vm14, $0x3A, v19;
	vm0 =	vgt.f32 v18, v7;
	v21 =	vadd.s32 v45, v3  }
0x380: {  	v7 =	vmax.f32 v7, v18;
	v8 =	vsel vm10, $0x3A, v8;
	v10 =	vsel vm8, $0x3A, v10;
	v20 =	vld.idx.msk [tilespmem:v20+s2+$0x0], $0xffff  }
0x381: {  	vm1 =	vgt.f32 v23, v5;
	v5 =	vmax.f32 v5, v23;
	v23 =	vmin.f32 v6, v25  }
0x382: {  	vm2 =	vgt.f32 v25, v12;
	vm4 =	vgt.f32 v25, v6;
	v6 =	vmax.f32 v6, v25  }
0x383: {  	v12 =	vmax.f32 v12, v23;
	v23 =	vadd.s32 v45, v4;
	v25 =	vmin.f32 v9, v48  }
0x384: {  	v21 =	vld.idx.msk [tilespmem:v21+s2+$0x0], $0xffff;
	vm11 =	vgt.f32 v48, v17;
	vm5 =	vgt.f32 v48, v9;
	v9 =	vmax.f32 v9, v48  }
0x385: {  	v48 =	vmin.f32 v7, v20;
	v17 =	vmax.f32 v17, v25;
	v25 =	vadd.s32 v45, v1  }
0x386: {  	vm6 =	vgt.f32 v20, v14;
	v14 =	vmax.f32 v14, v48;
	v48 =	vadd.s32 v45, v2  }
0x387: {  	v8 =	vsel vm7, v22, v8;
	v22 =	vsel vm7, $0x3A, v22;
	v10 =	vsel vm0, v24, v10  }
0x388: {  	v24 =	vsel vm0, $0x3A, v24;
	v11 =	vsel vm9, $0x3B, v11;
	v16 =	vsel vm2, $0x3B, v16;
	v23 =	vld.idx.msk [tilespmem:v23+s2+$0x0], $0xffff  }
0x389: {  	vm3 =	vgt.f32 v20, v7;
	v7 =	vmax.f32 v7, v20;
	v20 =	vmin.f32 v5, v21  }
0x38a: {  	v11 =	vsel vm1, v15, v11;
	vm13 =	vgt.f32 v21, v13;
	v13 =	vmax.f32 v13, v20;
	v20 =	vld.idx.msk [tilespmem:v25+s2+$0x0], $0xffff  }
0x38b: {  	v15 =	vsel vm1, $0x3B, v15;
	v16 =	vsel vm4, v19, v16;
	v25 =	vadd.s32 v46, v3;
	v18 =	vld.idx.msk [tilespmem:v48+s2+$0x0], $0xffff  }
0x38c: {  	v8 =	vsel vm11, $0x3B, v8;
	vm8 =	vgt.f32 v21, v5;
	v5 =	vmax.f32 v5, v21  }
0x38d: {  	v21 =	vmin.f32 v6, v23;
	vm9 =	vgt.f32 v23, v12;
	vm7 =	vgt.f32 v23, v6  }
0x38e: {  	v6 =	vmax.f32 v6, v23;
	v12 =	vmax.f32 v12, v21;
	v21 =	vadd.s32 v46, v4  }
0x38f: {  	v48 =	vimm.s32 $0x0;
	v23 =	vmin.f32 v9, v20;
	vm15 =	vgt.f32 v20, v9  }
0x390: {  	v25 =	vld.idx.msk [tilespmem:v25+s2+$0x0], $0xffff;
	vm10 =	vgt.f32 v20, v17;
	vm11 =	vgt.f32 v18, v14;
	v48 =	vsel vm15, $0xFFFFFFFF, v48  }
0x391: {  	v17 =	vmax.f32 v17, v23;
	v23 =	vadd.s32 v46, v1;
	[tilespmem:$0x1FBF0] =	vst v48;
	v48 =	vimm.s32 $0x0  }
0x392: {  	v19 =	vsel vm4, $0x3B, v19;
	v9 =	vmax.f32 v9, v20;
	v48 =	vsel vm11, $0xFFFFFFFF, v48  }
0x393: {  	v20 =	vmin.f32 v7, v18;
	vm12 =	vgt.f32 v18, v7;
	[tilespmem:$0x1FC00] =	vst v48;
	v48 =	vimm.s32 $0x0  }
0x394: {  	v21 =	vld.idx.msk [tilespmem:v21+s2+$0x0], $0xffff;
	v14 =	vmax.f32 v14, v20;
	v20 =	vadd.s32 v46, v2;
	v48 =	vsel vm12, $0xFFFFFFFF, v48  }
0x395: {  	v10 =	vsel vm6, $0x3B, v10;
	v8 =	vsel vm5, v22, v8;
	[tilespmem:$0x1FC10] =	vst v48;
	v48 =	vmin.f32 v5, v25  }
0x396: {  	vm12 =	vgt.f32 v25, v13;
	v13 =	vmax.f32 v13, v48;
	v48 =	vld.idx.msk [tilespmem:v23+s2+$0x0], $0xffff;
	v23 =	vadd.s32 v47, v3  }
0x397: {  	v22 =	vsel vm5, $0x3B, v22;
	v10 =	vsel vm3, v24, v10;
	v11 =	vsel vm13, $0x3C, v11  }
0x398: {  	v24 =	vsel vm3, $0x3B, v24;
	v16 =	vsel vm9, $0x3C, v16;
	v11 =	vsel vm8, v15, v11  }
0x399: {  	vm11 =	vgt.f32 v25, v5;
	vm15 =	vgt.f32 v21, v12;
	vm13 =	vgt.f32 v21, v6;
	v20 =	vld.idx.msk [tilespmem:v20+s2+$0x0], $0xffff  }
0x39a: {  	v5 =	vmax.f32 v5, v25;
	v25 =	vmin.f32 v6, v21;
	v6 =	vmax.f32 v6, v21  }
0x39b: {  	v12 =	vmax.f32 v12, v25;
	v25 =	vadd.s32 v47, v4;
	v21 =	vmin.f32 v9, v48;
	v23 =	vld.idx.msk [tilespmem:v23+s2+$0x0], $0xffff  }
0x39c: {  	vm6 =	vgt.f32 v48, v17;
	v17 =	vmax.f32 v17, v21;
	v21 =	vadd.s32 v47, v1  }
0x39d: {  	v15 =	vsel vm8, $0x3C, v15;
	v16 =	vsel vm7, v19, v16;
	v7 =	vmax.f32 v7, v18  }
0x39e: {  	vm5 =	vgt.f32 v48, v9;
	v9 =	vmax.f32 v9, v48;
	v48 =	vmin.f32 v7, v20  }
0x39f: {  	vm4 =	vgt.f32 v20, v14;
	v14 =	vmax.f32 v14, v48;
	v48 =	vadd.s32 v47, v2  }
0x3a0: {  	vm3 =	vgt.f32 v20, v7;
	v25 =	vld.idx.msk [tilespmem:v25+s2+$0x0], $0xffff;
	v7 =	vmax.f32 v7, v20;
	v20 =	vmin.f32 v5, v23  }
0x3a1: {  	vm1 =	vgt.f32 v23, v13;
	v13 =	vmax.f32 v13, v20;
	v20 =	vld.idx.msk [tilespmem:v21+s2+$0x0], $0xffff;
	v21 =	vadd.s32 $0x3F, v0  }
0x3a2: {  	v19 =	vsel vm7, $0x3C, v19;
	v11 =	vsel vm12, $0x3D, v11;
	v3 =	vadd.s32 v21, v3  }
0x3a3: {  	v8 =	vsel vm10, $0x3C, v8;
	v16 =	vsel vm15, $0x3D, v16;
	v11 =	vsel vm11, v15, v11  }
0x3a4: {  	vm0 =	vgt.f32 v23, v5;
	v5 =	vmax.f32 v5, v23;
	v18 =	vld.idx.msk [tilespmem:v48+s2+$0x0], $0xffff;
	v4 =	vadd.s32 v21, v4  }
0x3a5: {  	v23 =	vmin.f32 v6, v25;
	vm2 =	vgt.f32 v25, v12;
	vm14 =	vgt.f32 v25, v6  }
0x3a6: {  	v6 =	vmax.f32 v6, v25;
	v12 =	vmax.f32 v12, v23;
	v1 =	vadd.s32 v21, v1  }
0x3a7: {  	v11 =	vsel vm1, $0x3E, v11;
	v2 =	vadd.s32 v21, v2;
	v23 =	vmin.f32 v9, v20;
	v3 =	vld.idx.msk [tilespmem:v3+s2+$0x0], $0xffff  }
0x3a8: {  	vm10 =	vgt.f32 v20, v17;
	vm9 =	vgt.f32 v20, v9;
	v9 =	vmax.f32 v9, v20  }
0x3a9: {  	v20 =	vmin.f32 v7, v18;
	vm7 =	vgt.f32 v18, v14;
	vm8 =	vgt.f32 v18, v7;
	v4 =	vld.idx.msk [tilespmem:v4+s2+$0x0], $0xffff  }
0x3aa: {  	v7 =	vmax.f32 v7, v18;
	v17 =	vmax.f32 v17, v23;
	v20 =	vmax.f32 v14, v20  }
0x3ab: {  	v14 =	vsel vm11, $0x3D, v15;
	v15 =	vsel vm13, v19, v16;
	v16 =	vsel vm13, $0x3D, v19;
	v1 =	vld.idx.msk [tilespmem:v1+s2+$0x0], $0xffff  }
0x3ac: {  	v11 =	vsel vm0, v14, v11;
	v19 =	vsel vm0, $0x3E, v14;
	v48 =	vmin.f32 v5, v3  }
0x3ad: {  	vm13 =	vgt.f32 v3, v13;
	vm15 =	vgt.f32 v3, v5;
	v3 =	vmax.f32 v5, v3  }
0x3ae: {  	v2 =	vld.idx.msk [tilespmem:v2+s2+$0x0], $0xffff;
	v18 =	vmax.f32 v13, v48;
	v48 =	vmin.f32 v6, v4;
	v11 =	vsel vm13, $0x3F, v11;
	[tilespmem:s19+$0xFFFFFFE0] =	vst v3  }
0x3af: {  	v5 =	vmax.f32 v12, v48;
	v48 =	vsel vm15, v19, v11;
	[tilespmem:s18+$0xFFFFFFE0] =	vst v18;
	v11 =	vsel vm15, $0x3F, v19  }
0x3b0: {  	vm1 =	vgt.f32 v1, v17;
	[tilespmem:s16+$0xFFFFFFE0] =	vst v11  }
0x3b1: {  	v3 =	vmin.f32 v9, v1;
	v13 =	vsel vm14, $0x3E, v16;
	v19 =	vsel vm2, $0x3E, v15;
	[tilespmem:s17+$0xFFFFFFE0] =	vst v48;
	v48 =	vld [tilespmem:$0x1FBF0]  }
0x3b2: {  	vm2 =	vgt.f32 v1, v9;
	v1 =	vmax.f32 v9, v1;
	v9 =	vsel vm14, v16, v19;
	v16 =	vld [tilespmem:$0x1FC10];
	_ =	sdelay $0x1  }
0x3b3: {  	vm0 =	vgt.f32 v4, v12;
	vm11 =	vgt.f32 v4, v6;
	v15 =	vld [tilespmem:$0x1FC00]  }
0x3b4: {  	v4 =	vmax.f32 v6, v4;
	v3 =	vmax.f32 v17, v3;
	vm15 =	vgt.f32 v2, v20  }
0x3b5: {  	vm14 =	vgt.f32 v2, v7;
	v9 =	vsel vm0, $0x3F, v9;
	vm12 =	vnez.u8 v48  }
0x3b6: {  	[tilespmem:s19+$0xFFFFFFF0] =	vst v4;
	v14 =	vsel vm11, v13, v9;
	vm13 =	vnez.u8 v16;
	v6 =	vsel vm12, v22, v8  }
0x3b7: {  	[tilespmem:s18+$0xFFFFFFF0] =	vst v5;
	v8 =	vsel vm12, $0x3C, v22;
	v12 =	vsel vm6, $0x3D, v6;
	v6 =	vsel vm11, $0x3F, v13  }
0x3b8: {  	v17 =	vsel vm13, $0x3C, v24;
	vm12 =	vnez.u8 v15;
	v4 =	vsel vm5, v8, v12;
	[tilespmem:s16+$0xFFFFFFF0] =	vst v6  }
0x3b9: {  	v6 =	vsel vm12, $0x3C, v10;
	v8 =	vsel vm5, $0x3D, v8;
	v4 =	vsel vm10, $0x3E, v4;
	[tilespmem:s17+$0xFFFFFFF0] =	vst v14  }
0x3ba: {  	v5 =	vsel vm13, v24, v6;
	v18 =	vsel vm9, $0x3E, v8;
	v4 =	vsel vm9, v8, v4;
	[tilespmem:s19+$0x0] =	vst v1  }
0x3bb: {  	v1 =	vsel vm4, $0x3D, v5;
	v19 =	vsel vm2, $0x3F, v18;
	v4 =	vsel vm1, $0x3F, v4;
	[tilespmem:s18+$0x0] =	vst v3  }
0x3bc: {  	p0 =	sne.s32 s15, $0x3F0;
	v48 =	vmin.f32 v7, v2;
	v1 =	vsel vm3, v17, v1;
	v3 =	vsel vm2, v18, v4;
	[tilespmem:s16+$0x0] =	vst v19  }
.Ltmp1:
0x3bd: {  	v2 =	vmax.f32 v7, v2;
	v1 =	vsel vm7, $0x3E, v1;
	[tilespmem:s17+$0x0] =	vst v3;
	v3 =	vsel vm3, $0x3D, v17;
	(pc) =	sbr.rel @p0 .LBB2_4-.Ltmp1, $4  }
0x3be: {  	v4 =	vmax.f32 v20, v48;
	[tilespmem:s19+$0x10] =	vst v2;
	v1 =	vsel vm8, v3, v1;
	v2 =	vsel vm8, $0x3E, v3  }
0x3bf: {  	v1 =	vsel vm15, $0x3F, v1;
	[tilespmem:s18+$0x10] =	vst v4;
	v3 =	vsel vm14, $0x3F, v2  }
0x3c0: {  	s15 =	sadd.s32 $0x40, s15;
	v25 =	vld [tilespmem:$0x1FFF0];
	s19 =	sadd.s32 $0x40, s19;
	v1 =	vsel vm14, v2, v1;
	[tilespmem:s16+$0x10] =	vst v3  }
0x3c1: {  	v23 =	vimm.s32 $0x0;
	v11 =	vld [tilespmem:$0x1FFE0];
	s18 =	sadd.s32 $0x40, s18;
	s16 =	sadd.s32 $0x40, s16;
	[tilespmem:s17+$0x10] =	vst v1;
	s17 =	sadd.s32 $0x40, s17  }
0x3c2: {  	[hbm4b:s4+s2] =	stream.linear.scatter [tilespmem:s10], [sflag:$0x1], $0x400, $0x38;
	[tilespmem:$0x11400] =	vst v63  }
0x3c3: {  	_ =	swait.ge [sflag:s9], $0x400  }
0x3c4: {  	[sflag:s9] =	ssyncset.done $0x0  }
0x3c5: {  	[sflag:s9] =	ssyncadd.s32 $0xFFFFFC00  }
0x3c6: {  	[hbm4b:s5+s2] =	stream.linear.scatter [tilespmem:s11], [sflag:$0x1], $0x400, $0x38;
	[tilespmem:$0x11400] =	vst v63  }
0x3c7: {  	_ =	swait.ge [sflag:s9], $0x400  }
0x3c8: {  	[sflag:s9] =	ssyncset.done $0x0  }
0x3c9: {  	[sflag:s9] =	ssyncadd.s32 $0xFFFFFC00  }
0x3ca: {  	[hbm4b:s6+s2] =	stream.linear.scatter [tilespmem:s12], [sflag:$0x1], $0x400, $0x38;
	[tilespmem:$0x11400] =	vst v63  }
0x3cb: {  	s14 =	sadd.s32 $0x1, s14;
	_ =	swait.ge [sflag:s9], $0x400  }
0x3cc: {  	p0 =	sne.s32 s14, s8;
	[sflag:s9] =	ssyncset.done $0x0  }
.Ltmp2:
0x3cd: {  	[sflag:s9] =	ssyncadd.s32 $0xFFFFFC00;
	(pc) =	sbr.rel @p0 .LBB2_1-.Ltmp2, $4  }
0x3ce: {  	[hbm4b:s7+s2] =	stream.linear.scatter [tilespmem:s13], [sflag:$0x1], $0x400, $0x38;
	[tilespmem:$0x11400] =	vst v63  }
0x3cf: {  	_ =	swait.ge [sflag:s9], $0x400  }
0x3d0: {  	[sflag:s9] =	ssyncset.done $0x0  }
0x3d1: {  	[sflag:s9] =	ssyncadd.s32 $0xFFFFFC00  }
0x3d2: {  	_ =	sfence.sel $0x180000  }
0x3d3: {  	[bflag:$0x0] =	sbarrier.arrive $0xFFFF  }
0x3d4: {  	p0 =	sne.s32 s1, $0x0;
	_ =	strace $0x90000047  }
0x3d5: {  	s0 =	sadd.s32 @!p0 $0x100000, s0;
	[bflag:$0x2] =	sbarrier.arrive $0xFFFF  }
0x3d6: {  	[sflag:s0] =	ssyncadd.tile.s32 @!p0 $0x1;
	_ =	shalt  }
.Lfunc_end2:
_tile_overlayer_lowered:
.L_overlay_start_2:
0x3d7: {  	(tag) =	ssettag $0x2  }
0x3d8: {  	s0 =	rddreg [dreg:$0x0];
	s2 =	stileid.u32  }
0x3d9: {  	s1 =	rddreg [dreg:$0x1];
	p0 =	sne.s32 s2, $0x0  }
0x3da: {  	s3 =	rddreg [dreg:$0x2];
	[bflag:$0x3] =	sbarrier.arrive $0xFFFF;
	s2 =	simm.s32 @!p0 $0x1C01  }
0x3db: {  	[timem:s3], [sflag:s2] =	dma.local @!p0 [hbm:s0], s1  }
0x3dc: {  	s0 =	simm.s32 @!p0 $0x1  }
0x3dd: {  	_ =	swait.ge @!p0 [sflag:s0], s1  }
0x3de: {  	s1 =	ssub.s32 @!p0 $0x0, s1;
	[sflag:s0] =	ssyncset.done @!p0 $0x0  }
0x3df: {  	[sflag:s0] =	ssyncadd.s32 @!p0 s1  }
0x3e0: {  	[bflag:$0x3] =	sbarrier.arrive $0xFFFF  }
0x3e1: {  	_ =	shalt  }

</sc_bundles>
